<compile_context>
chip_gen: v7x
topology: tpu7x:2x2x1
jax: 0.10.2.dev20260603
libtpu: 0.0.44.dev20260713+nightly
codegen_flags: <defaults>
</compile_context>

<pallas_src>
import functools

import jax
import jax.numpy as jnp
from jax import lax
from jax.experimental import pallas as pl
from jax.experimental.pallas import tpu as pltpu
from jax.experimental.pallas import tpu_sc as plsc

NUM_CORES = 2
NUM_SUBCORES = 16
NW = NUM_CORES * NUM_SUBCORES
SPAD = 56
GRP = 16


def _emb_body(n_sent, s, d, idx_hbm, table_hbm, out_hbm,
              idx_v, rows_v, gsem0, gsem1, osem0, osem1):
    wid = lax.axis_index("s") * NUM_CORES + lax.axis_index("c")
    base = wid * n_sent
    n_grp = n_sent // GRP
    gsems = (gsem0, gsem1)
    osems = (osem0, osem1)

    pltpu.sync_copy(idx_hbm.at[wid], idx_v)

    def gather_descs(gg, p):
        return [
            pltpu.make_async_copy(
                table_hbm.at[idx_v.at[(gg * GRP + i) // 2]
                             .at[pl.ds(((gg * GRP + i) % 2) * 64, s)]],
                rows_v.at[p].at[i].at[pl.ds(0, s)],
                gsems[p],
            )
            for i in range(GRP)
        ]

    def wb_desc(gg, p):
        return pltpu.make_async_copy(
            rows_v.at[p],
            out_hbm.at[pl.ds(base + gg * GRP, GRP), pl.ds(0, SPAD), pl.ds(0, d)],
            osems[p],
        )

    for dsc in gather_descs(0, 0):
        dsc.start()

    @pl.loop(0, n_grp, step=2)
    def _group(g):
        for p in range(2):
            gg = g + p
            for dsc in gather_descs(gg, p):
                dsc.wait()
            wb_desc(gg, p).start()

            @pl.when(gg >= 1)
            def _wait_prev_wb():
                wb_desc(gg - 1, 1 - p).wait()

            @pl.when(gg + 1 < n_grp)
            def _fire_next():
                for dsc in gather_descs(gg + 1, 1 - p):
                    dsc.start()

    wb_desc(n_grp - 1, (n_grp - 1) % 2).wait()


def kernel(token_ids, table):
    b, s = token_ids.shape
    v, d = table.shape
    assert b % NW == 0 and s <= SPAD and 2 * d == 128
    n_sent = b // NW
    n_grp = n_sent // GRP
    assert n_sent % GRP == 0 and n_grp % 2 == 0

    idx = jnp.pad(token_ids.reshape(NW, n_sent, s).astype(jnp.int32),
                  ((0, 0), (0, 0), (0, 64 - s))).reshape(NW, n_sent // 2, 128)

    mesh = plsc.VectorSubcoreMesh(core_axis_name="c", subcore_axis_name="s")
    emb = functools.partial(
        pl.kernel,
        out_type=jax.ShapeDtypeStruct((b, SPAD, 128), jnp.float32),
        mesh=mesh,
        scratch_types=[
            pltpu.VMEM((n_sent // 2, 128), jnp.int32),
            pltpu.VMEM((2, GRP, SPAD, d), jnp.float32),
            pltpu.SemaphoreType.DMA,
            pltpu.SemaphoreType.DMA,
            pltpu.SemaphoreType.DMA,
            pltpu.SemaphoreType.DMA,
        ],
        compiler_params=pltpu.CompilerParams(use_tc_tiling_on_sc=False),
    )(functools.partial(_emb_body, n_sent, s, d))

    out = emb(idx, table)
    return out[:, :s, :d]

# --- scband reference (transcript-rebuilt; emitter-appended) ---
"""Pipeline reference for scband-word-embedding-6786048328038 (READ-ONLY COPY).

The authoritative reference and input builder live on the scoring server;
editing this copy changes nothing except your own understanding.
"""

import jax, jax.numpy as jnp
import numpy as np

VOCAB = 100000
DIM = 64
BATCH = 4096
SEQ = 50

def setup_inputs(seed: int = 0) -> dict:
    key = jax.random.key(seed)
    k_ids, k_tab = jax.random.split(key)
    token_ids = jax.random.randint(k_ids, (BATCH, SEQ), 0, VOCAB, dtype=jnp.int64 if jax.config.jax_enable_x64 else jnp.int32)
    table = jax.random.normal(k_tab, (VOCAB, DIM), dtype=jnp.float32)
    # padding_idx=0: nn.Embedding initializes the padding row to zeros
    table = table.at[0].set(0.0)
    return {"token_ids": token_ids, "table": table}

def reference(token_ids, table):
    # Faithful translation of WordEmbedding.forward's numeric core:
    # sentences are tokenized and mapped to integer ids (token_ids here),
    # then passed through nn.Embedding(len(tokens), dim, padding_idx=0),
    # which is a row gather from the embedding table.
    return jnp.take(table, token_ids, axis=0)

if __name__ == "__main__":
    import jax
    _d = setup_inputs()
    print(jax.jit(kernel)(*tuple(_d.values())))

</pallas_src>

<mosaic_0001>
#map = affine_map<(d0, d1) -> (0, 0, 0)>
#map1 = affine_map<(d0, d1) -> (0, 0)>
module attributes {stable_mosaic.version = 14 : i64} {
  func.func @_emb_body(%arg0: i32, %arg1: i32, %arg2: memref<32x64x128xi32, #tpu.memory_space<hbm>>, %arg3: memref<100000x64xf32, #tpu.memory_space<hbm>>, %arg4: memref<4096x56x128xf32, #tpu.memory_space<hbm>>, %arg5: memref<64x128xi32, #tpu.memory_space<vmem>>, %arg6: memref<2x16x56x64xf32, #tpu.memory_space<vmem>>, %arg7: memref<!tpu.dma_semaphore, #tpu.memory_space<semaphore_mem>>, %arg8: memref<!tpu.dma_semaphore, #tpu.memory_space<semaphore_mem>>, %arg9: memref<!tpu.dma_semaphore, #tpu.memory_space<semaphore_mem>>, %arg10: memref<!tpu.dma_semaphore, #tpu.memory_space<semaphore_mem>>) attributes {dimension_semantics = [#tpu.dimension_semantics<core_parallel>, #tpu.dimension_semantics<subcore_parallel>], iteration_bounds = array<i64: 2, 16>, scalar_prefetch = 0 : i64, scratch_operands = 6 : i64, tpu.core_type = #tpu.core_type<sc_vector_subcore>, window_params = [{transform_indices = #map}, {transform_indices = #map1}, {transform_indices = #map}]} {
    %mul3A = arith.constant 2 : i32
    %mul3A_0 = arith.muli %arg1, %mul3A : i32
    %add3A = arith.addi %mul3A_0, %arg0 : i32
    %mul3A_1 = arith.constant 128 : i32
    %mul3A_2 = arith.muli %add3A, %mul3A_1 : i32
    "tpu.region"() ({
      %run_scoped3A = tpu.sem_alloc : memref<!tpu.dma_semaphore, #tpu.memory_space<semaphore_mem>>
      %dma_start3A_392 = arith.constant 0 : i32
      %dma_start3A_393 = arith.constant 0 : i32
      %dma_start3A_394 = tpu.memref_slice %arg2[%add3A, %dma_start3A_392, %dma_start3A_393] : memref<32x64x128xi32, #tpu.memory_space<hbm>> -> memref<1x64x128xi32, #tpu.memory_space<hbm>>
      %dma_start3A_395 = tpu.memref_squeeze %dma_start3A_394 : memref<1x64x128xi32, #tpu.memory_space<hbm>> -> memref<64x128xi32, #tpu.memory_space<hbm>>
      %dma_start3A_396 = arith.constant 0 : i32
      %dma_start3A_397 = arith.constant 0 : i32
      %dma_start3A_398 = tpu.memref_slice %arg2[%add3A, %dma_start3A_396, %dma_start3A_397] : memref<32x64x128xi32, #tpu.memory_space<hbm>> -> memref<1x64x128xi32, #tpu.memory_space<hbm>>
      %dma_start3A_399 = tpu.memref_squeeze %dma_start3A_398 : memref<1x64x128xi32, #tpu.memory_space<hbm>> -> memref<64x128xi32, #tpu.memory_space<hbm>>
      tpu.enqueue_dma source(%dma_start3A_399 : memref<64x128xi32, #tpu.memory_space<hbm>>) target(%arg5 : memref<64x128xi32, #tpu.memory_space<vmem>>) target_semaphore(%run_scoped3A : memref<!tpu.dma_semaphore, #tpu.memory_space<semaphore_mem>>)
      %dma_wait3A_400 = arith.constant 0 : i32
      %dma_wait3A_401 = arith.constant 0 : i32
      %dma_wait3A_402 = tpu.memref_slice %arg2[%add3A, %dma_wait3A_400, %dma_wait3A_401] : memref<32x64x128xi32, #tpu.memory_space<hbm>> -> memref<1x64x128xi32, #tpu.memory_space<hbm>>
      %dma_wait3A_403 = tpu.memref_squeeze %dma_wait3A_402 : memref<1x64x128xi32, #tpu.memory_space<hbm>> -> memref<64x128xi32, #tpu.memory_space<hbm>>
      %dma_wait3A_404 = arith.constant 0 : i32
      %dma_wait3A_405 = arith.constant 0 : i32
      %dma_wait3A_406 = tpu.memref_slice %arg2[%add3A, %dma_wait3A_404, %dma_wait3A_405] : memref<32x64x128xi32, #tpu.memory_space<hbm>> -> memref<1x64x128xi32, #tpu.memory_space<hbm>>
      %dma_wait3A_407 = tpu.memref_squeeze %dma_wait3A_406 : memref<1x64x128xi32, #tpu.memory_space<hbm>> -> memref<64x128xi32, #tpu.memory_space<hbm>>
      tpu.wait_dma2 semaphore(%run_scoped3A : memref<!tpu.dma_semaphore, #tpu.memory_space<semaphore_mem>>) src(%dma_wait3A_407 : memref<64x128xi32, #tpu.memory_space<hbm>>) dst(%arg5 : memref<64x128xi32, #tpu.memory_space<vmem>>)
      tpu.yield
    }) : () -> ()
    %dma_start3A = arith.constant 0 : i32
    %dma_start3A_3 = arith.constant 0 : i32
    %dma_start3A_4 = arith.constant 0 : i32
    %dma_start3A_5 = arith.constant 0 : i32
    %dma_start3A_6 = arith.constant 0 : i32
    %dma_start3A_7 = arith.constant 0 : i32
    %dma_start3A_8 = tpu.memref_slice %arg6[%dma_start3A_3, %dma_start3A_5, %dma_start3A_6, %dma_start3A_7] : memref<2x16x56x64xf32, #tpu.memory_space<vmem>> -> memref<1x16x56x64xf32, #tpu.memory_space<vmem>>
    %dma_start3A_9 = tpu.memref_squeeze %dma_start3A_8 : memref<1x16x56x64xf32, #tpu.memory_space<vmem>> -> memref<16x56x64xf32, #tpu.memory_space<vmem>>
    %dma_start3A_10 = arith.constant 0 : i32
    %dma_start3A_11 = arith.constant 0 : i32
    %dma_start3A_12 = tpu.memref_slice %dma_start3A_9[%dma_start3A_4, %dma_start3A_10, %dma_start3A_11] : memref<16x56x64xf32, #tpu.memory_space<vmem>> -> memref<1x56x64xf32, #tpu.memory_space<vmem>>
    %dma_start3A_13 = tpu.memref_squeeze %dma_start3A_12 : memref<1x56x64xf32, #tpu.memory_space<vmem>> -> memref<56x64xf32, #tpu.memory_space<vmem>>
    %dma_start3A_14 = arith.constant 0 : i32
    %dma_start3A_15 = arith.constant 0 : i32
    %dma_start3A_16 = tpu.memref_slice %dma_start3A_13[%dma_start3A_14, %dma_start3A_15] : memref<56x64xf32, #tpu.memory_space<vmem>> -> memref<50x64xf32, #tpu.memory_space<vmem>>
    %dma_start3A_17 = arith.constant 0 : i32
    %dma_start3A_18 = tpu.memref_slice %arg5[%dma_start3A, %dma_start3A_17] : memref<64x128xi32, #tpu.memory_space<vmem>> -> memref<1x128xi32, #tpu.memory_space<vmem>>
    %dma_start3A_19 = tpu.memref_squeeze %dma_start3A_18 : memref<1x128xi32, #tpu.memory_space<vmem>> -> memref<128xi32, #tpu.memory_space<vmem>>
    %dma_start3A_20 = arith.constant 0 : i32
    %dma_start3A_21 = tpu.memref_slice %dma_start3A_19[%dma_start3A_20] : memref<128xi32, #tpu.memory_space<vmem>> -> memref<50xi32, #tpu.memory_space<vmem>>
    %dma_start3A_22 = arith.constant 0 : i32
    %dma_start3A_23 = arith.constant 0 : i32
    %dma_start3A_24 = tpu.memref_slice %arg3[%dma_start3A_22, %dma_start3A_23] : memref<100000x64xf32, #tpu.memory_space<hbm>> -> memref<100000x64xf32, #tpu.memory_space<hbm>>
    tpu.enqueue_indirect_dma source(%dma_start3A_24 : memref<100000x64xf32, #tpu.memory_space<hbm>>) target(%dma_start3A_16 : memref<50x64xf32, #tpu.memory_space<vmem>>) offsets(%dma_start3A_21 : memref<50xi32, #tpu.memory_space<vmem>>) semaphore(%arg7 : memref<!tpu.dma_semaphore, #tpu.memory_space<semaphore_mem>>)
    %dma_start3A_25 = arith.constant 0 : i32
    %dma_start3A_26 = arith.constant 0 : i32
    %dma_start3A_27 = arith.constant 1 : i32
    %dma_start3A_28 = arith.constant 0 : i32
    %dma_start3A_29 = arith.constant 0 : i32
    %dma_start3A_30 = arith.constant 0 : i32
    %dma_start3A_31 = tpu.memref_slice %arg6[%dma_start3A_26, %dma_start3A_28, %dma_start3A_29, %dma_start3A_30] : memref<2x16x56x64xf32, #tpu.memory_space<vmem>> -> memref<1x16x56x64xf32, #tpu.memory_space<vmem>>
    %dma_start3A_32 = tpu.memref_squeeze %dma_start3A_31 : memref<1x16x56x64xf32, #tpu.memory_space<vmem>> -> memref<16x56x64xf32, #tpu.memory_space<vmem>>
    %dma_start3A_33 = arith.constant 0 : i32
    %dma_start3A_34 = arith.constant 0 : i32
    %dma_start3A_35 = tpu.memref_slice %dma_start3A_32[%dma_start3A_27, %dma_start3A_33, %dma_start3A_34] : memref<16x56x64xf32, #tpu.memory_space<vmem>> -> memref<1x56x64xf32, #tpu.memory_space<vmem>>
    %dma_start3A_36 = tpu.memref_squeeze %dma_start3A_35 : memref<1x56x64xf32, #tpu.memory_space<vmem>> -> memref<56x64xf32, #tpu.memory_space<vmem>>
    %dma_start3A_37 = arith.constant 0 : i32
    %dma_start3A_38 = arith.constant 0 : i32
    %dma_start3A_39 = tpu.memref_slice %dma_start3A_36[%dma_start3A_37, %dma_start3A_38] : memref<56x64xf32, #tpu.memory_space<vmem>> -> memref<50x64xf32, #tpu.memory_space<vmem>>
    %dma_start3A_40 = arith.constant 0 : i32
    %dma_start3A_41 = tpu.memref_slice %arg5[%dma_start3A_25, %dma_start3A_40] : memref<64x128xi32, #tpu.memory_space<vmem>> -> memref<1x128xi32, #tpu.memory_space<vmem>>
    %dma_start3A_42 = tpu.memref_squeeze %dma_start3A_41 : memref<1x128xi32, #tpu.memory_space<vmem>> -> memref<128xi32, #tpu.memory_space<vmem>>
    %dma_start3A_43 = arith.constant 64 : i32
    %dma_start3A_44 = tpu.memref_slice %dma_start3A_42[%dma_start3A_43] : memref<128xi32, #tpu.memory_space<vmem>> -> memref<50xi32, #tpu.memory_space<vmem>>
    %dma_start3A_45 = arith.constant 0 : i32
    %dma_start3A_46 = arith.constant 0 : i32
    %dma_start3A_47 = tpu.memref_slice %arg3[%dma_start3A_45, %dma_start3A_46] : memref<100000x64xf32, #tpu.memory_space<hbm>> -> memref<100000x64xf32, #tpu.memory_space<hbm>>
    tpu.enqueue_indirect_dma source(%dma_start3A_47 : memref<100000x64xf32, #tpu.memory_space<hbm>>) target(%dma_start3A_39 : memref<50x64xf32, #tpu.memory_space<vmem>>) offsets(%dma_start3A_44 : memref<50xi32, #tpu.memory_space<vmem>>) semaphore(%arg7 : memref<!tpu.dma_semaphore, #tpu.memory_space<semaphore_mem>>)
    %dma_start3A_48 = arith.constant 1 : i32
    %dma_start3A_49 = arith.constant 0 : i32
    %dma_start3A_50 = arith.constant 2 : i32
    %dma_start3A_51 = arith.constant 0 : i32
    %dma_start3A_52 = arith.constant 0 : i32
    %dma_start3A_53 = arith.constant 0 : i32
    %dma_start3A_54 = tpu.memref_slice %arg6[%dma_start3A_49, %dma_start3A_51, %dma_start3A_52, %dma_start3A_53] : memref<2x16x56x64xf32, #tpu.memory_space<vmem>> -> memref<1x16x56x64xf32, #tpu.memory_space<vmem>>
    %dma_start3A_55 = tpu.memref_squeeze %dma_start3A_54 : memref<1x16x56x64xf32, #tpu.memory_space<vmem>> -> memref<16x56x64xf32, #tpu.memory_space<vmem>>
    %dma_start3A_56 = arith.constant 0 : i32
    %dma_start3A_57 = arith.constant 0 : i32
    %dma_start3A_58 = tpu.memref_slice %dma_start3A_55[%dma_start3A_50, %dma_start3A_56, %dma_start3A_57] : memref<16x56x64xf32, #tpu.memory_space<vmem>> -> memref<1x56x64xf32, #tpu.memory_space<vmem>>
    %dma_start3A_59 = tpu.memref_squeeze %dma_start3A_58 : memref<1x56x64xf32, #tpu.memory_space<vmem>> -> memref<56x64xf32, #tpu.memory_space<vmem>>
    %dma_start3A_60 = arith.constant 0 : i32
    %dma_start3A_61 = arith.constant 0 : i32
    %dma_start3A_62 = tpu.memref_slice %dma_start3A_59[%dma_start3A_60, %dma_start3A_61] : memref<56x64xf32, #tpu.memory_space<vmem>> -> memref<50x64xf32, #tpu.memory_space<vmem>>
    %dma_start3A_63 = arith.constant 0 : i32
    %dma_start3A_64 = tpu.memref_slice %arg5[%dma_start3A_48, %dma_start3A_63] : memref<64x128xi32, #tpu.memory_space<vmem>> -> memref<1x128xi32, #tpu.memory_space<vmem>>
    %dma_start3A_65 = tpu.memref_squeeze %dma_start3A_64 : memref<1x128xi32, #tpu.memory_space<vmem>> -> memref<128xi32, #tpu.memory_space<vmem>>
    %dma_start3A_66 = arith.constant 0 : i32
    %dma_start3A_67 = tpu.memref_slice %dma_start3A_65[%dma_start3A_66] : memref<128xi32, #tpu.memory_space<vmem>> -> memref<50xi32, #tpu.memory_space<vmem>>
    %dma_start3A_68 = arith.constant 0 : i32
    %dma_start3A_69 = arith.constant 0 : i32
    %dma_start3A_70 = tpu.memref_slice %arg3[%dma_start3A_68, %dma_start3A_69] : memref<100000x64xf32, #tpu.memory_space<hbm>> -> memref<100000x64xf32, #tpu.memory_space<hbm>>
    tpu.enqueue_indirect_dma source(%dma_start3A_70 : memref<100000x64xf32, #tpu.memory_space<hbm>>) target(%dma_start3A_62 : memref<50x64xf32, #tpu.memory_space<vmem>>) offsets(%dma_start3A_67 : memref<50xi32, #tpu.memory_space<vmem>>) semaphore(%arg7 : memref<!tpu.dma_semaphore, #tpu.memory_space<semaphore_mem>>)
    %dma_start3A_71 = arith.constant 1 : i32
    %dma_start3A_72 = arith.constant 0 : i32
    %dma_start3A_73 = arith.constant 3 : i32
    %dma_start3A_74 = arith.constant 0 : i32
    %dma_start3A_75 = arith.constant 0 : i32
    %dma_start3A_76 = arith.constant 0 : i32
    %dma_start3A_77 = tpu.memref_slice %arg6[%dma_start3A_72, %dma_start3A_74, %dma_start3A_75, %dma_start3A_76] : memref<2x16x56x64xf32, #tpu.memory_space<vmem>> -> memref<1x16x56x64xf32, #tpu.memory_space<vmem>>
    %dma_start3A_78 = tpu.memref_squeeze %dma_start3A_77 : memref<1x16x56x64xf32, #tpu.memory_space<vmem>> -> memref<16x56x64xf32, #tpu.memory_space<vmem>>
    %dma_start3A_79 = arith.constant 0 : i32
    %dma_start3A_80 = arith.constant 0 : i32
    %dma_start3A_81 = tpu.memref_slice %dma_start3A_78[%dma_start3A_73, %dma_start3A_79, %dma_start3A_80] : memref<16x56x64xf32, #tpu.memory_space<vmem>> -> memref<1x56x64xf32, #tpu.memory_space<vmem>>
    %dma_start3A_82 = tpu.memref_squeeze %dma_start3A_81 : memref<1x56x64xf32, #tpu.memory_space<vmem>> -> memref<56x64xf32, #tpu.memory_space<vmem>>
    %dma_start3A_83 = arith.constant 0 : i32
    %dma_start3A_84 = arith.constant 0 : i32
    %dma_start3A_85 = tpu.memref_slice %dma_start3A_82[%dma_start3A_83, %dma_start3A_84] : memref<56x64xf32, #tpu.memory_space<vmem>> -> memref<50x64xf32, #tpu.memory_space<vmem>>
    %dma_start3A_86 = arith.constant 0 : i32
    %dma_start3A_87 = tpu.memref_slice %arg5[%dma_start3A_71, %dma_start3A_86] : memref<64x128xi32, #tpu.memory_space<vmem>> -> memref<1x128xi32, #tpu.memory_space<vmem>>
    %dma_start3A_88 = tpu.memref_squeeze %dma_start3A_87 : memref<1x128xi32, #tpu.memory_space<vmem>> -> memref<128xi32, #tpu.memory_space<vmem>>
    %dma_start3A_89 = arith.constant 64 : i32
    %dma_start3A_90 = tpu.memref_slice %dma_start3A_88[%dma_start3A_89] : memref<128xi32, #tpu.memory_space<vmem>> -> memref<50xi32, #tpu.memory_space<vmem>>
    %dma_start3A_91 = arith.constant 0 : i32
    %dma_start3A_92 = arith.constant 0 : i32
    %dma_start3A_93 = tpu.memref_slice %arg3[%dma_start3A_91, %dma_start3A_92] : memref<100000x64xf32, #tpu.memory_space<hbm>> -> memref<100000x64xf32, #tpu.memory_space<hbm>>
    tpu.enqueue_indirect_dma source(%dma_start3A_93 : memref<100000x64xf32, #tpu.memory_space<hbm>>) target(%dma_start3A_85 : memref<50x64xf32, #tpu.memory_space<vmem>>) offsets(%dma_start3A_90 : memref<50xi32, #tpu.memory_space<vmem>>) semaphore(%arg7 : memref<!tpu.dma_semaphore, #tpu.memory_space<semaphore_mem>>)
    %dma_start3A_94 = arith.constant 2 : i32
    %dma_start3A_95 = arith.constant 0 : i32
    %dma_start3A_96 = arith.constant 4 : i32
    %dma_start3A_97 = arith.constant 0 : i32
    %dma_start3A_98 = arith.constant 0 : i32
    %dma_start3A_99 = arith.constant 0 : i32
    %dma_start3A_100 = tpu.memref_slice %arg6[%dma_start3A_95, %dma_start3A_97, %dma_start3A_98, %dma_start3A_99] : memref<2x16x56x64xf32, #tpu.memory_space<vmem>> -> memref<1x16x56x64xf32, #tpu.memory_space<vmem>>
    %dma_start3A_101 = tpu.memref_squeeze %dma_start3A_100 : memref<1x16x56x64xf32, #tpu.memory_space<vmem>> -> memref<16x56x64xf32, #tpu.memory_space<vmem>>
    %dma_start3A_102 = arith.constant 0 : i32
    %dma_start3A_103 = arith.constant 0 : i32
    %dma_start3A_104 = tpu.memref_slice %dma_start3A_101[%dma_start3A_96, %dma_start3A_102, %dma_start3A_103] : memref<16x56x64xf32, #tpu.memory_space<vmem>> -> memref<1x56x64xf32, #tpu.memory_space<vmem>>
    %dma_start3A_105 = tpu.memref_squeeze %dma_start3A_104 : memref<1x56x64xf32, #tpu.memory_space<vmem>> -> memref<56x64xf32, #tpu.memory_space<vmem>>
    %dma_start3A_106 = arith.constant 0 : i32
    %dma_start3A_107 = arith.constant 0 : i32
    %dma_start3A_108 = tpu.memref_slice %dma_start3A_105[%dma_start3A_106, %dma_start3A_107] : memref<56x64xf32, #tpu.memory_space<vmem>> -> memref<50x64xf32, #tpu.memory_space<vmem>>
    %dma_start3A_109 = arith.constant 0 : i32
    %dma_start3A_110 = tpu.memref_slice %arg5[%dma_start3A_94, %dma_start3A_109] : memref<64x128xi32, #tpu.memory_space<vmem>> -> memref<1x128xi32, #tpu.memory_space<vmem>>
    %dma_start3A_111 = tpu.memref_squeeze %dma_start3A_110 : memref<1x128xi32, #tpu.memory_space<vmem>> -> memref<128xi32, #tpu.memory_space<vmem>>
    %dma_start3A_112 = arith.constant 0 : i32
    %dma_start3A_113 = tpu.memref_slice %dma_start3A_111[%dma_start3A_112] : memref<128xi32, #tpu.memory_space<vmem>> -> memref<50xi32, #tpu.memory_space<vmem>>
    %dma_start3A_114 = arith.constant 0 : i32
    %dma_start3A_115 = arith.constant 0 : i32
    %dma_start3A_116 = tpu.memref_slice %arg3[%dma_start3A_114, %dma_start3A_115] : memref<100000x64xf32, #tpu.memory_space<hbm>> -> memref<100000x64xf32, #tpu.memory_space<hbm>>
    tpu.enqueue_indirect_dma source(%dma_start3A_116 : memref<100000x64xf32, #tpu.memory_space<hbm>>) target(%dma_start3A_108 : memref<50x64xf32, #tpu.memory_space<vmem>>) offsets(%dma_start3A_113 : memref<50xi32, #tpu.memory_space<vmem>>) semaphore(%arg7 : memref<!tpu.dma_semaphore, #tpu.memory_space<semaphore_mem>>)
    %dma_start3A_117 = arith.constant 2 : i32
    %dma_start3A_118 = arith.constant 0 : i32
    %dma_start3A_119 = arith.constant 5 : i32
    %dma_start3A_120 = arith.constant 0 : i32
    %dma_start3A_121 = arith.constant 0 : i32
    %dma_start3A_122 = arith.constant 0 : i32
    %dma_start3A_123 = tpu.memref_slice %arg6[%dma_start3A_118, %dma_start3A_120, %dma_start3A_121, %dma_start3A_122] : memref<2x16x56x64xf32, #tpu.memory_space<vmem>> -> memref<1x16x56x64xf32, #tpu.memory_space<vmem>>
    %dma_start3A_124 = tpu.memref_squeeze %dma_start3A_123 : memref<1x16x56x64xf32, #tpu.memory_space<vmem>> -> memref<16x56x64xf32, #tpu.memory_space<vmem>>
    %dma_start3A_125 = arith.constant 0 : i32
    %dma_start3A_126 = arith.constant 0 : i32
    %dma_start3A_127 = tpu.memref_slice %dma_start3A_124[%dma_start3A_119, %dma_start3A_125, %dma_start3A_126] : memref<16x56x64xf32, #tpu.memory_space<vmem>> -> memref<1x56x64xf32, #tpu.memory_space<vmem>>
    %dma_start3A_128 = tpu.memref_squeeze %dma_start3A_127 : memref<1x56x64xf32, #tpu.memory_space<vmem>> -> memref<56x64xf32, #tpu.memory_space<vmem>>
    %dma_start3A_129 = arith.constant 0 : i32
    %dma_start3A_130 = arith.constant 0 : i32
    %dma_start3A_131 = tpu.memref_slice %dma_start3A_128[%dma_start3A_129, %dma_start3A_130] : memref<56x64xf32, #tpu.memory_space<vmem>> -> memref<50x64xf32, #tpu.memory_space<vmem>>
    %dma_start3A_132 = arith.constant 0 : i32
    %dma_start3A_133 = tpu.memref_slice %arg5[%dma_start3A_117, %dma_start3A_132] : memref<64x128xi32, #tpu.memory_space<vmem>> -> memref<1x128xi32, #tpu.memory_space<vmem>>
    %dma_start3A_134 = tpu.memref_squeeze %dma_start3A_133 : memref<1x128xi32, #tpu.memory_space<vmem>> -> memref<128xi32, #tpu.memory_space<vmem>>
    %dma_start3A_135 = arith.constant 64 : i32
    %dma_start3A_136 = tpu.memref_slice %dma_start3A_134[%dma_start3A_135] : memref<128xi32, #tpu.memory_space<vmem>> -> memref<50xi32, #tpu.memory_space<vmem>>
    %dma_start3A_137 = arith.constant 0 : i32
    %dma_start3A_138 = arith.constant 0 : i32
    %dma_start3A_139 = tpu.memref_slice %arg3[%dma_start3A_137, %dma_start3A_138] : memref<100000x64xf32, #tpu.memory_space<hbm>> -> memref<100000x64xf32, #tpu.memory_space<hbm>>
    tpu.enqueue_indirect_dma source(%dma_start3A_139 : memref<100000x64xf32, #tpu.memory_space<hbm>>) target(%dma_start3A_131 : memref<50x64xf32, #tpu.memory_space<vmem>>) offsets(%dma_start3A_136 : memref<50xi32, #tpu.memory_space<vmem>>) semaphore(%arg7 : memref<!tpu.dma_semaphore, #tpu.memory_space<semaphore_mem>>)
    %dma_start3A_140 = arith.constant 3 : i32
    %dma_start3A_141 = arith.constant 0 : i32
    %dma_start3A_142 = arith.constant 6 : i32
    %dma_start3A_143 = arith.constant 0 : i32
    %dma_start3A_144 = arith.constant 0 : i32
    %dma_start3A_145 = arith.constant 0 : i32
    %dma_start3A_146 = tpu.memref_slice %arg6[%dma_start3A_141, %dma_start3A_143, %dma_start3A_144, %dma_start3A_145] : memref<2x16x56x64xf32, #tpu.memory_space<vmem>> -> memref<1x16x56x64xf32, #tpu.memory_space<vmem>>
    %dma_start3A_147 = tpu.memref_squeeze %dma_start3A_146 : memref<1x16x56x64xf32, #tpu.memory_space<vmem>> -> memref<16x56x64xf32, #tpu.memory_space<vmem>>
    %dma_start3A_148 = arith.constant 0 : i32
    %dma_start3A_149 = arith.constant 0 : i32
    %dma_start3A_150 = tpu.memref_slice %dma_start3A_147[%dma_start3A_142, %dma_start3A_148, %dma_start3A_149] : memref<16x56x64xf32, #tpu.memory_space<vmem>> -> memref<1x56x64xf32, #tpu.memory_space<vmem>>
    %dma_start3A_151 = tpu.memref_squeeze %dma_start3A_150 : memref<1x56x64xf32, #tpu.memory_space<vmem>> -> memref<56x64xf32, #tpu.memory_space<vmem>>
    %dma_start3A_152 = arith.constant 0 : i32
    %dma_start3A_153 = arith.constant 0 : i32
    %dma_start3A_154 = tpu.memref_slice %dma_start3A_151[%dma_start3A_152, %dma_start3A_153] : memref<56x64xf32, #tpu.memory_space<vmem>> -> memref<50x64xf32, #tpu.memory_space<vmem>>
    %dma_start3A_155 = arith.constant 0 : i32
    %dma_start3A_156 = tpu.memref_slice %arg5[%dma_start3A_140, %dma_start3A_155] : memref<64x128xi32, #tpu.memory_space<vmem>> -> memref<1x128xi32, #tpu.memory_space<vmem>>
    %dma_start3A_157 = tpu.memref_squeeze %dma_start3A_156 : memref<1x128xi32, #tpu.memory_space<vmem>> -> memref<128xi32, #tpu.memory_space<vmem>>
    %dma_start3A_158 = arith.constant 0 : i32
    %dma_start3A_159 = tpu.memref_slice %dma_start3A_157[%dma_start3A_158] : memref<128xi32, #tpu.memory_space<vmem>> -> memref<50xi32, #tpu.memory_space<vmem>>
    %dma_start3A_160 = arith.constant 0 : i32
    %dma_start3A_161 = arith.constant 0 : i32
    %dma_start3A_162 = tpu.memref_slice %arg3[%dma_start3A_160, %dma_start3A_161] : memref<100000x64xf32, #tpu.memory_space<hbm>> -> memref<100000x64xf32, #tpu.memory_space<hbm>>
    tpu.enqueue_indirect_dma source(%dma_start3A_162 : memref<100000x64xf32, #tpu.memory_space<hbm>>) target(%dma_start3A_154 : memref<50x64xf32, #tpu.memory_space<vmem>>) offsets(%dma_start3A_159 : memref<50xi32, #tpu.memory_space<vmem>>) semaphore(%arg7 : memref<!tpu.dma_semaphore, #tpu.memory_space<semaphore_mem>>)
    %dma_start3A_163 = arith.constant 3 : i32
    %dma_start3A_164 = arith.constant 0 : i32
    %dma_start3A_165 = arith.constant 7 : i32
    %dma_start3A_166 = arith.constant 0 : i32
    %dma_start3A_167 = arith.constant 0 : i32
    %dma_start3A_168 = arith.constant 0 : i32
    %dma_start3A_169 = tpu.memref_slice %arg6[%dma_start3A_164, %dma_start3A_166, %dma_start3A_167, %dma_start3A_168] : memref<2x16x56x64xf32, #tpu.memory_space<vmem>> -> memref<1x16x56x64xf32, #tpu.memory_space<vmem>>
    %dma_start3A_170 = tpu.memref_squeeze %dma_start3A_169 : memref<1x16x56x64xf32, #tpu.memory_space<vmem>> -> memref<16x56x64xf32, #tpu.memory_space<vmem>>
    %dma_start3A_171 = arith.constant 0 : i32
    %dma_start3A_172 = arith.constant 0 : i32
    %dma_start3A_173 = tpu.memref_slice %dma_start3A_170[%dma_start3A_165, %dma_start3A_171, %dma_start3A_172] : memref<16x56x64xf32, #tpu.memory_space<vmem>> -> memref<1x56x64xf32, #tpu.memory_space<vmem>>
    %dma_start3A_174 = tpu.memref_squeeze %dma_start3A_173 : memref<1x56x64xf32, #tpu.memory_space<vmem>> -> memref<56x64xf32, #tpu.memory_space<vmem>>
    %dma_start3A_175 = arith.constant 0 : i32
    %dma_start3A_176 = arith.constant 0 : i32
    %dma_start3A_177 = tpu.memref_slice %dma_start3A_174[%dma_start3A_175, %dma_start3A_176] : memref<56x64xf32, #tpu.memory_space<vmem>> -> memref<50x64xf32, #tpu.memory_space<vmem>>
    %dma_start3A_178 = arith.constant 0 : i32
    %dma_start3A_179 = tpu.memref_slice %arg5[%dma_start3A_163, %dma_start3A_178] : memref<64x128xi32, #tpu.memory_space<vmem>> -> memref<1x128xi32, #tpu.memory_space<vmem>>
    %dma_start3A_180 = tpu.memref_squeeze %dma_start3A_179 : memref<1x128xi32, #tpu.memory_space<vmem>> -> memref<128xi32, #tpu.memory_space<vmem>>
    %dma_start3A_181 = arith.constant 64 : i32
    %dma_start3A_182 = tpu.memref_slice %dma_start3A_180[%dma_start3A_181] : memref<128xi32, #tpu.memory_space<vmem>> -> memref<50xi32, #tpu.memory_space<vmem>>
    %dma_start3A_183 = arith.constant 0 : i32
    %dma_start3A_184 = arith.constant 0 : i32
    %dma_start3A_185 = tpu.memref_slice %arg3[%dma_start3A_183, %dma_start3A_184] : memref<100000x64xf32, #tpu.memory_space<hbm>> -> memref<100000x64xf32, #tpu.memory_space<hbm>>
    tpu.enqueue_indirect_dma source(%dma_start3A_185 : memref<100000x64xf32, #tpu.memory_space<hbm>>) target(%dma_start3A_177 : memref<50x64xf32, #tpu.memory_space<vmem>>) offsets(%dma_start3A_182 : memref<50xi32, #tpu.memory_space<vmem>>) semaphore(%arg7 : memref<!tpu.dma_semaphore, #tpu.memory_space<semaphore_mem>>)
    %dma_start3A_186 = arith.constant 4 : i32
    %dma_start3A_187 = arith.constant 0 : i32
    %dma_start3A_188 = arith.constant 8 : i32
    %dma_start3A_189 = arith.constant 0 : i32
    %dma_start3A_190 = arith.constant 0 : i32
    %dma_start3A_191 = arith.constant 0 : i32
    %dma_start3A_192 = tpu.memref_slice %arg6[%dma_start3A_187, %dma_start3A_189, %dma_start3A_190, %dma_start3A_191] : memref<2x16x56x64xf32, #tpu.memory_space<vmem>> -> memref<1x16x56x64xf32, #tpu.memory_space<vmem>>
    %dma_start3A_193 = tpu.memref_squeeze %dma_start3A_192 : memref<1x16x56x64xf32, #tpu.memory_space<vmem>> -> memref<16x56x64xf32, #tpu.memory_space<vmem>>
    %dma_start3A_194 = arith.constant 0 : i32
    %dma_start3A_195 = arith.constant 0 : i32
    %dma_start3A_196 = tpu.memref_slice %dma_start3A_193[%dma_start3A_188, %dma_start3A_194, %dma_start3A_195] : memref<16x56x64xf32, #tpu.memory_space<vmem>> -> memref<1x56x64xf32, #tpu.memory_space<vmem>>
    %dma_start3A_197 = tpu.memref_squeeze %dma_start3A_196 : memref<1x56x64xf32, #tpu.memory_space<vmem>> -> memref<56x64xf32, #tpu.memory_space<vmem>>
    %dma_start3A_198 = arith.constant 0 : i32
    %dma_start3A_199 = arith.constant 0 : i32
    %dma_start3A_200 = tpu.memref_slice %dma_start3A_197[%dma_start3A_198, %dma_start3A_199] : memref<56x64xf32, #tpu.memory_space<vmem>> -> memref<50x64xf32, #tpu.memory_space<vmem>>
    %dma_start3A_201 = arith.constant 0 : i32
    %dma_start3A_202 = tpu.memref_slice %arg5[%dma_start3A_186, %dma_start3A_201] : memref<64x128xi32, #tpu.memory_space<vmem>> -> memref<1x128xi32, #tpu.memory_space<vmem>>
    %dma_start3A_203 = tpu.memref_squeeze %dma_start3A_202 : memref<1x128xi32, #tpu.memory_space<vmem>> -> memref<128xi32, #tpu.memory_space<vmem>>
    %dma_start3A_204 = arith.constant 0 : i32
    %dma_start3A_205 = tpu.memref_slice %dma_start3A_203[%dma_start3A_204] : memref<128xi32, #tpu.memory_space<vmem>> -> memref<50xi32, #tpu.memory_space<vmem>>
    %dma_start3A_206 = arith.constant 0 : i32
    %dma_start3A_207 = arith.constant 0 : i32
    %dma_start3A_208 = tpu.memref_slice %arg3[%dma_start3A_206, %dma_start3A_207] : memref<100000x64xf32, #tpu.memory_space<hbm>> -> memref<100000x64xf32, #tpu.memory_space<hbm>>
    tpu.enqueue_indirect_dma source(%dma_start3A_208 : memref<100000x64xf32, #tpu.memory_space<hbm>>) target(%dma_start3A_200 : memref<50x64xf32, #tpu.memory_space<vmem>>) offsets(%dma_start3A_205 : memref<50xi32, #tpu.memory_space<vmem>>) semaphore(%arg7 : memref<!tpu.dma_semaphore, #tpu.memory_space<semaphore_mem>>)
    %dma_start3A_209 = arith.constant 4 : i32
    %dma_start3A_210 = arith.constant 0 : i32
    %dma_start3A_211 = arith.constant 9 : i32
    %dma_start3A_212 = arith.constant 0 : i32
    %dma_start3A_213 = arith.constant 0 : i32
    %dma_start3A_214 = arith.constant 0 : i32
    %dma_start3A_215 = tpu.memref_slice %arg6[%dma_start3A_210, %dma_start3A_212, %dma_start3A_213, %dma_start3A_214] : memref<2x16x56x64xf32, #tpu.memory_space<vmem>> -> memref<1x16x56x64xf32, #tpu.memory_space<vmem>>
    %dma_start3A_216 = tpu.memref_squeeze %dma_start3A_215 : memref<1x16x56x64xf32, #tpu.memory_space<vmem>> -> memref<16x56x64xf32, #tpu.memory_space<vmem>>
    %dma_start3A_217 = arith.constant 0 : i32
    %dma_start3A_218 = arith.constant 0 : i32
    %dma_start3A_219 = tpu.memref_slice %dma_start3A_216[%dma_start3A_211, %dma_start3A_217, %dma_start3A_218] : memref<16x56x64xf32, #tpu.memory_space<vmem>> -> memref<1x56x64xf32, #tpu.memory_space<vmem>>
    %dma_start3A_220 = tpu.memref_squeeze %dma_start3A_219 : memref<1x56x64xf32, #tpu.memory_space<vmem>> -> memref<56x64xf32, #tpu.memory_space<vmem>>
    %dma_start3A_221 = arith.constant 0 : i32
    %dma_start3A_222 = arith.constant 0 : i32
    %dma_start3A_223 = tpu.memref_slice %dma_start3A_220[%dma_start3A_221, %dma_start3A_222] : memref<56x64xf32, #tpu.memory_space<vmem>> -> memref<50x64xf32, #tpu.memory_space<vmem>>
    %dma_start3A_224 = arith.constant 0 : i32
    %dma_start3A_225 = tpu.memref_slice %arg5[%dma_start3A_209, %dma_start3A_224] : memref<64x128xi32, #tpu.memory_space<vmem>> -> memref<1x128xi32, #tpu.memory_space<vmem>>
    %dma_start3A_226 = tpu.memref_squeeze %dma_start3A_225 : memref<1x128xi32, #tpu.memory_space<vmem>> -> memref<128xi32, #tpu.memory_space<vmem>>
    %dma_start3A_227 = arith.constant 64 : i32
    %dma_start3A_228 = tpu.memref_slice %dma_start3A_226[%dma_start3A_227] : memref<128xi32, #tpu.memory_space<vmem>> -> memref<50xi32, #tpu.memory_space<vmem>>
    %dma_start3A_229 = arith.constant 0 : i32
    %dma_start3A_230 = arith.constant 0 : i32
    %dma_start3A_231 = tpu.memref_slice %arg3[%dma_start3A_229, %dma_start3A_230] : memref<100000x64xf32, #tpu.memory_space<hbm>> -> memref<100000x64xf32, #tpu.memory_space<hbm>>
    tpu.enqueue_indirect_dma source(%dma_start3A_231 : memref<100000x64xf32, #tpu.memory_space<hbm>>) target(%dma_start3A_223 : memref<50x64xf32, #tpu.memory_space<vmem>>) offsets(%dma_start3A_228 : memref<50xi32, #tpu.memory_space<vmem>>) semaphore(%arg7 : memref<!tpu.dma_semaphore, #tpu.memory_space<semaphore_mem>>)
    %dma_start3A_232 = arith.constant 5 : i32
    %dma_start3A_233 = arith.constant 0 : i32
    %dma_start3A_234 = arith.constant 10 : i32
    %dma_start3A_235 = arith.constant 0 : i32
    %dma_start3A_236 = arith.constant 0 : i32
    %dma_start3A_237 = arith.constant 0 : i32
    %dma_start3A_238 = tpu.memref_slice %arg6[%dma_start3A_233, %dma_start3A_235, %dma_start3A_236, %dma_start3A_237] : memref<2x16x56x64xf32, #tpu.memory_space<vmem>> -> memref<1x16x56x64xf32, #tpu.memory_space<vmem>>
    %dma_start3A_239 = tpu.memref_squeeze %dma_start3A_238 : memref<1x16x56x64xf32, #tpu.memory_space<vmem>> -> memref<16x56x64xf32, #tpu.memory_space<vmem>>
    %dma_start3A_240 = arith.constant 0 : i32
    %dma_start3A_241 = arith.constant 0 : i32
    %dma_start3A_242 = tpu.memref_slice %dma_start3A_239[%dma_start3A_234, %dma_start3A_240, %dma_start3A_241] : memref<16x56x64xf32, #tpu.memory_space<vmem>> -> memref<1x56x64xf32, #tpu.memory_space<vmem>>
    %dma_start3A_243 = tpu.memref_squeeze %dma_start3A_242 : memref<1x56x64xf32, #tpu.memory_space<vmem>> -> memref<56x64xf32, #tpu.memory_space<vmem>>
    %dma_start3A_244 = arith.constant 0 : i32
    %dma_start3A_245 = arith.constant 0 : i32
    %dma_start3A_246 = tpu.memref_slice %dma_start3A_243[%dma_start3A_244, %dma_start3A_245] : memref<56x64xf32, #tpu.memory_space<vmem>> -> memref<50x64xf32, #tpu.memory_space<vmem>>
    %dma_start3A_247 = arith.constant 0 : i32
    %dma_start3A_248 = tpu.memref_slice %arg5[%dma_start3A_232, %dma_start3A_247] : memref<64x128xi32, #tpu.memory_space<vmem>> -> memref<1x128xi32, #tpu.memory_space<vmem>>
    %dma_start3A_249 = tpu.memref_squeeze %dma_start3A_248 : memref<1x128xi32, #tpu.memory_space<vmem>> -> memref<128xi32, #tpu.memory_space<vmem>>
    %dma_start3A_250 = arith.constant 0 : i32
    %dma_start3A_251 = tpu.memref_slice %dma_start3A_249[%dma_start3A_250] : memref<128xi32, #tpu.memory_space<vmem>> -> memref<50xi32, #tpu.memory_space<vmem>>
    %dma_start3A_252 = arith.constant 0 : i32
    %dma_start3A_253 = arith.constant 0 : i32
    %dma_start3A_254 = tpu.memref_slice %arg3[%dma_start3A_252, %dma_start3A_253] : memref<100000x64xf32, #tpu.memory_space<hbm>> -> memref<100000x64xf32, #tpu.memory_space<hbm>>
    tpu.enqueue_indirect_dma source(%dma_start3A_254 : memref<100000x64xf32, #tpu.memory_space<hbm>>) target(%dma_start3A_246 : memref<50x64xf32, #tpu.memory_space<vmem>>) offsets(%dma_start3A_251 : memref<50xi32, #tpu.memory_space<vmem>>) semaphore(%arg7 : memref<!tpu.dma_semaphore, #tpu.memory_space<semaphore_mem>>)
    %dma_start3A_255 = arith.constant 5 : i32
    %dma_start3A_256 = arith.constant 0 : i32
    %dma_start3A_257 = arith.constant 11 : i32
    %dma_start3A_258 = arith.constant 0 : i32
    %dma_start3A_259 = arith.constant 0 : i32
    %dma_start3A_260 = arith.constant 0 : i32
    %dma_start3A_261 = tpu.memref_slice %arg6[%dma_start3A_256, %dma_start3A_258, %dma_start3A_259, %dma_start3A_260] : memref<2x16x56x64xf32, #tpu.memory_space<vmem>> -> memref<1x16x56x64xf32, #tpu.memory_space<vmem>>
    %dma_start3A_262 = tpu.memref_squeeze %dma_start3A_261 : memref<1x16x56x64xf32, #tpu.memory_space<vmem>> -> memref<16x56x64xf32, #tpu.memory_space<vmem>>
    %dma_start3A_263 = arith.constant 0 : i32
    %dma_start3A_264 = arith.constant 0 : i32
    %dma_start3A_265 = tpu.memref_slice %dma_start3A_262[%dma_start3A_257, %dma_start3A_263, %dma_start3A_264] : memref<16x56x64xf32, #tpu.memory_space<vmem>> -> memref<1x56x64xf32, #tpu.memory_space<vmem>>
    %dma_start3A_266 = tpu.memref_squeeze %dma_start3A_265 : memref<1x56x64xf32, #tpu.memory_space<vmem>> -> memref<56x64xf32, #tpu.memory_space<vmem>>
    %dma_start3A_267 = arith.constant 0 : i32
    %dma_start3A_268 = arith.constant 0 : i32
    %dma_start3A_269 = tpu.memref_slice %dma_start3A_266[%dma_start3A_267, %dma_start3A_268] : memref<56x64xf32, #tpu.memory_space<vmem>> -> memref<50x64xf32, #tpu.memory_space<vmem>>
    %dma_start3A_270 = arith.constant 0 : i32
    %dma_start3A_271 = tpu.memref_slice %arg5[%dma_start3A_255, %dma_start3A_270] : memref<64x128xi32, #tpu.memory_space<vmem>> -> memref<1x128xi32, #tpu.memory_space<vmem>>
    %dma_start3A_272 = tpu.memref_squeeze %dma_start3A_271 : memref<1x128xi32, #tpu.memory_space<vmem>> -> memref<128xi32, #tpu.memory_space<vmem>>
    %dma_start3A_273 = arith.constant 64 : i32
    %dma_start3A_274 = tpu.memref_slice %dma_start3A_272[%dma_start3A_273] : memref<128xi32, #tpu.memory_space<vmem>> -> memref<50xi32, #tpu.memory_space<vmem>>
    %dma_start3A_275 = arith.constant 0 : i32
    %dma_start3A_276 = arith.constant 0 : i32
    %dma_start3A_277 = tpu.memref_slice %arg3[%dma_start3A_275, %dma_start3A_276] : memref<100000x64xf32, #tpu.memory_space<hbm>> -> memref<100000x64xf32, #tpu.memory_space<hbm>>
    tpu.enqueue_indirect_dma source(%dma_start3A_277 : memref<100000x64xf32, #tpu.memory_space<hbm>>) target(%dma_start3A_269 : memref<50x64xf32, #tpu.memory_space<vmem>>) offsets(%dma_start3A_274 : memref<50xi32, #tpu.memory_space<vmem>>) semaphore(%arg7 : memref<!tpu.dma_semaphore, #tpu.memory_space<semaphore_mem>>)
    %dma_start3A_278 = arith.constant 6 : i32
    %dma_start3A_279 = arith.constant 0 : i32
    %dma_start3A_280 = arith.constant 12 : i32
    %dma_start3A_281 = arith.constant 0 : i32
    %dma_start3A_282 = arith.constant 0 : i32
    %dma_start3A_283 = arith.constant 0 : i32
    %dma_start3A_284 = tpu.memref_slice %arg6[%dma_start3A_279, %dma_start3A_281, %dma_start3A_282, %dma_start3A_283] : memref<2x16x56x64xf32, #tpu.memory_space<vmem>> -> memref<1x16x56x64xf32, #tpu.memory_space<vmem>>
    %dma_start3A_285 = tpu.memref_squeeze %dma_start3A_284 : memref<1x16x56x64xf32, #tpu.memory_space<vmem>> -> memref<16x56x64xf32, #tpu.memory_space<vmem>>
    %dma_start3A_286 = arith.constant 0 : i32
    %dma_start3A_287 = arith.constant 0 : i32
    %dma_start3A_288 = tpu.memref_slice %dma_start3A_285[%dma_start3A_280, %dma_start3A_286, %dma_start3A_287] : memref<16x56x64xf32, #tpu.memory_space<vmem>> -> memref<1x56x64xf32, #tpu.memory_space<vmem>>
    %dma_start3A_289 = tpu.memref_squeeze %dma_start3A_288 : memref<1x56x64xf32, #tpu.memory_space<vmem>> -> memref<56x64xf32, #tpu.memory_space<vmem>>
    %dma_start3A_290 = arith.constant 0 : i32
    %dma_start3A_291 = arith.constant 0 : i32
    %dma_start3A_292 = tpu.memref_slice %dma_start3A_289[%dma_start3A_290, %dma_start3A_291] : memref<56x64xf32, #tpu.memory_space<vmem>> -> memref<50x64xf32, #tpu.memory_space<vmem>>
    %dma_start3A_293 = arith.constant 0 : i32
    %dma_start3A_294 = tpu.memref_slice %arg5[%dma_start3A_278, %dma_start3A_293] : memref<64x128xi32, #tpu.memory_space<vmem>> -> memref<1x128xi32, #tpu.memory_space<vmem>>
    %dma_start3A_295 = tpu.memref_squeeze %dma_start3A_294 : memref<1x128xi32, #tpu.memory_space<vmem>> -> memref<128xi32, #tpu.memory_space<vmem>>
    %dma_start3A_296 = arith.constant 0 : i32
    %dma_start3A_297 = tpu.memref_slice %dma_start3A_295[%dma_start3A_296] : memref<128xi32, #tpu.memory_space<vmem>> -> memref<50xi32, #tpu.memory_space<vmem>>
    %dma_start3A_298 = arith.constant 0 : i32
    %dma_start3A_299 = arith.constant 0 : i32
    %dma_start3A_300 = tpu.memref_slice %arg3[%dma_start3A_298, %dma_start3A_299] : memref<100000x64xf32, #tpu.memory_space<hbm>> -> memref<100000x64xf32, #tpu.memory_space<hbm>>
    tpu.enqueue_indirect_dma source(%dma_start3A_300 : memref<100000x64xf32, #tpu.memory_space<hbm>>) target(%dma_start3A_292 : memref<50x64xf32, #tpu.memory_space<vmem>>) offsets(%dma_start3A_297 : memref<50xi32, #tpu.memory_space<vmem>>) semaphore(%arg7 : memref<!tpu.dma_semaphore, #tpu.memory_space<semaphore_mem>>)
    %dma_start3A_301 = arith.constant 6 : i32
    %dma_start3A_302 = arith.constant 0 : i32
    %dma_start3A_303 = arith.constant 13 : i32
    %dma_start3A_304 = arith.constant 0 : i32
    %dma_start3A_305 = arith.constant 0 : i32
    %dma_start3A_306 = arith.constant 0 : i32
    %dma_start3A_307 = tpu.memref_slice %arg6[%dma_start3A_302, %dma_start3A_304, %dma_start3A_305, %dma_start3A_306] : memref<2x16x56x64xf32, #tpu.memory_space<vmem>> -> memref<1x16x56x64xf32, #tpu.memory_space<vmem>>
    %dma_start3A_308 = tpu.memref_squeeze %dma_start3A_307 : memref<1x16x56x64xf32, #tpu.memory_space<vmem>> -> memref<16x56x64xf32, #tpu.memory_space<vmem>>
    %dma_start3A_309 = arith.constant 0 : i32
    %dma_start3A_310 = arith.constant 0 : i32
    %dma_start3A_311 = tpu.memref_slice %dma_start3A_308[%dma_start3A_303, %dma_start3A_309, %dma_start3A_310] : memref<16x56x64xf32, #tpu.memory_space<vmem>> -> memref<1x56x64xf32, #tpu.memory_space<vmem>>
    %dma_start3A_312 = tpu.memref_squeeze %dma_start3A_311 : memref<1x56x64xf32, #tpu.memory_space<vmem>> -> memref<56x64xf32, #tpu.memory_space<vmem>>
    %dma_start3A_313 = arith.constant 0 : i32
    %dma_start3A_314 = arith.constant 0 : i32
    %dma_start3A_315 = tpu.memref_slice %dma_start3A_312[%dma_start3A_313, %dma_start3A_314] : memref<56x64xf32, #tpu.memory_space<vmem>> -> memref<50x64xf32, #tpu.memory_space<vmem>>
    %dma_start3A_316 = arith.constant 0 : i32
    %dma_start3A_317 = tpu.memref_slice %arg5[%dma_start3A_301, %dma_start3A_316] : memref<64x128xi32, #tpu.memory_space<vmem>> -> memref<1x128xi32, #tpu.memory_space<vmem>>
    %dma_start3A_318 = tpu.memref_squeeze %dma_start3A_317 : memref<1x128xi32, #tpu.memory_space<vmem>> -> memref<128xi32, #tpu.memory_space<vmem>>
    %dma_start3A_319 = arith.constant 64 : i32
    %dma_start3A_320 = tpu.memref_slice %dma_start3A_318[%dma_start3A_319] : memref<128xi32, #tpu.memory_space<vmem>> -> memref<50xi32, #tpu.memory_space<vmem>>
    %dma_start3A_321 = arith.constant 0 : i32
    %dma_start3A_322 = arith.constant 0 : i32
    %dma_start3A_323 = tpu.memref_slice %arg3[%dma_start3A_321, %dma_start3A_322] : memref<100000x64xf32, #tpu.memory_space<hbm>> -> memref<100000x64xf32, #tpu.memory_space<hbm>>
    tpu.enqueue_indirect_dma source(%dma_start3A_323 : memref<100000x64xf32, #tpu.memory_space<hbm>>) target(%dma_start3A_315 : memref<50x64xf32, #tpu.memory_space<vmem>>) offsets(%dma_start3A_320 : memref<50xi32, #tpu.memory_space<vmem>>) semaphore(%arg7 : memref<!tpu.dma_semaphore, #tpu.memory_space<semaphore_mem>>)
    %dma_start3A_324 = arith.constant 7 : i32
    %dma_start3A_325 = arith.constant 0 : i32
    %dma_start3A_326 = arith.constant 14 : i32
    %dma_start3A_327 = arith.constant 0 : i32
    %dma_start3A_328 = arith.constant 0 : i32
    %dma_start3A_329 = arith.constant 0 : i32
    %dma_start3A_330 = tpu.memref_slice %arg6[%dma_start3A_325, %dma_start3A_327, %dma_start3A_328, %dma_start3A_329] : memref<2x16x56x64xf32, #tpu.memory_space<vmem>> -> memref<1x16x56x64xf32, #tpu.memory_space<vmem>>
    %dma_start3A_331 = tpu.memref_squeeze %dma_start3A_330 : memref<1x16x56x64xf32, #tpu.memory_space<vmem>> -> memref<16x56x64xf32, #tpu.memory_space<vmem>>
    %dma_start3A_332 = arith.constant 0 : i32
    %dma_start3A_333 = arith.constant 0 : i32
    %dma_start3A_334 = tpu.memref_slice %dma_start3A_331[%dma_start3A_326, %dma_start3A_332, %dma_start3A_333] : memref<16x56x64xf32, #tpu.memory_space<vmem>> -> memref<1x56x64xf32, #tpu.memory_space<vmem>>
    %dma_start3A_335 = tpu.memref_squeeze %dma_start3A_334 : memref<1x56x64xf32, #tpu.memory_space<vmem>> -> memref<56x64xf32, #tpu.memory_space<vmem>>
    %dma_start3A_336 = arith.constant 0 : i32
    %dma_start3A_337 = arith.constant 0 : i32
    %dma_start3A_338 = tpu.memref_slice %dma_start3A_335[%dma_start3A_336, %dma_start3A_337] : memref<56x64xf32, #tpu.memory_space<vmem>> -> memref<50x64xf32, #tpu.memory_space<vmem>>
    %dma_start3A_339 = arith.constant 0 : i32
    %dma_start3A_340 = tpu.memref_slice %arg5[%dma_start3A_324, %dma_start3A_339] : memref<64x128xi32, #tpu.memory_space<vmem>> -> memref<1x128xi32, #tpu.memory_space<vmem>>
    %dma_start3A_341 = tpu.memref_squeeze %dma_start3A_340 : memref<1x128xi32, #tpu.memory_space<vmem>> -> memref<128xi32, #tpu.memory_space<vmem>>
    %dma_start3A_342 = arith.constant 0 : i32
    %dma_start3A_343 = tpu.memref_slice %dma_start3A_341[%dma_start3A_342] : memref<128xi32, #tpu.memory_space<vmem>> -> memref<50xi32, #tpu.memory_space<vmem>>
    %dma_start3A_344 = arith.constant 0 : i32
    %dma_start3A_345 = arith.constant 0 : i32
    %dma_start3A_346 = tpu.memref_slice %arg3[%dma_start3A_344, %dma_start3A_345] : memref<100000x64xf32, #tpu.memory_space<hbm>> -> memref<100000x64xf32, #tpu.memory_space<hbm>>
    tpu.enqueue_indirect_dma source(%dma_start3A_346 : memref<100000x64xf32, #tpu.memory_space<hbm>>) target(%dma_start3A_338 : memref<50x64xf32, #tpu.memory_space<vmem>>) offsets(%dma_start3A_343 : memref<50xi32, #tpu.memory_space<vmem>>) semaphore(%arg7 : memref<!tpu.dma_semaphore, #tpu.memory_space<semaphore_mem>>)
    %dma_start3A_347 = arith.constant 7 : i32
    %dma_start3A_348 = arith.constant 0 : i32
    %dma_start3A_349 = arith.constant 15 : i32
    %dma_start3A_350 = arith.constant 0 : i32
    %dma_start3A_351 = arith.constant 0 : i32
    %dma_start3A_352 = arith.constant 0 : i32
    %dma_start3A_353 = tpu.memref_slice %arg6[%dma_start3A_348, %dma_start3A_350, %dma_start3A_351, %dma_start3A_352] : memref<2x16x56x64xf32, #tpu.memory_space<vmem>> -> memref<1x16x56x64xf32, #tpu.memory_space<vmem>>
    %dma_start3A_354 = tpu.memref_squeeze %dma_start3A_353 : memref<1x16x56x64xf32, #tpu.memory_space<vmem>> -> memref<16x56x64xf32, #tpu.memory_space<vmem>>
    %dma_start3A_355 = arith.constant 0 : i32
    %dma_start3A_356 = arith.constant 0 : i32
    %dma_start3A_357 = tpu.memref_slice %dma_start3A_354[%dma_start3A_349, %dma_start3A_355, %dma_start3A_356] : memref<16x56x64xf32, #tpu.memory_space<vmem>> -> memref<1x56x64xf32, #tpu.memory_space<vmem>>
    %dma_start3A_358 = tpu.memref_squeeze %dma_start3A_357 : memref<1x56x64xf32, #tpu.memory_space<vmem>> -> memref<56x64xf32, #tpu.memory_space<vmem>>
    %dma_start3A_359 = arith.constant 0 : i32
    %dma_start3A_360 = arith.constant 0 : i32
    %dma_start3A_361 = tpu.memref_slice %dma_start3A_358[%dma_start3A_359, %dma_start3A_360] : memref<56x64xf32, #tpu.memory_space<vmem>> -> memref<50x64xf32, #tpu.memory_space<vmem>>
    %dma_start3A_362 = arith.constant 0 : i32
    %dma_start3A_363 = tpu.memref_slice %arg5[%dma_start3A_347, %dma_start3A_362] : memref<64x128xi32, #tpu.memory_space<vmem>> -> memref<1x128xi32, #tpu.memory_space<vmem>>
    %dma_start3A_364 = tpu.memref_squeeze %dma_start3A_363 : memref<1x128xi32, #tpu.memory_space<vmem>> -> memref<128xi32, #tpu.memory_space<vmem>>
    %dma_start3A_365 = arith.constant 64 : i32
    %dma_start3A_366 = tpu.memref_slice %dma_start3A_364[%dma_start3A_365] : memref<128xi32, #tpu.memory_space<vmem>> -> memref<50xi32, #tpu.memory_space<vmem>>
    %dma_start3A_367 = arith.constant 0 : i32
    %dma_start3A_368 = arith.constant 0 : i32
    %dma_start3A_369 = tpu.memref_slice %arg3[%dma_start3A_367, %dma_start3A_368] : memref<100000x64xf32, #tpu.memory_space<hbm>> -> memref<100000x64xf32, #tpu.memory_space<hbm>>
    tpu.enqueue_indirect_dma source(%dma_start3A_369 : memref<100000x64xf32, #tpu.memory_space<hbm>>) target(%dma_start3A_361 : memref<50x64xf32, #tpu.memory_space<vmem>>) offsets(%dma_start3A_366 : memref<50xi32, #tpu.memory_space<vmem>>) semaphore(%arg7 : memref<!tpu.dma_semaphore, #tpu.memory_space<semaphore_mem>>)
    %scan3A = arith.constant 0 : i32
    %scan3A_370 = arith.constant 4 : i32
    %scan3A_371 = arith.addi %scan3A, %scan3A_370 : i32
    %scan3A_372 = arith.constant 1 : i32
    scf.for %scan3A_392 = %scan3A to %scan3A_371 step %scan3A_372  : i32 {
      %mul3A_393 = arith.constant 2 : i32
      %mul3A_394 = arith.muli %scan3A_392, %mul3A_393 : i32
      %add3A_395 = arith.constant 0 : i32
      %add3A_396 = arith.addi %add3A_395, %mul3A_394 : i32
      %add3A_397 = arith.constant 0 : i32
      %add3A_398 = arith.addi %add3A_396, %add3A_397 : i32
      %mul3A_399 = arith.constant 16 : i32
      %mul3A_400 = arith.muli %add3A_398, %mul3A_399 : i32
      %add3A_401 = arith.constant 0 : i32
      %add3A_402 = arith.addi %mul3A_400, %add3A_401 : i32
      %jit3A = arith.constant 2 : i32
      %div3A = arith.divsi %add3A_402, %jit3A : i32
      %sign3A = arith.constant 0 : i32
      %sign3A_403 = arith.cmpi sgt, %add3A_402, %sign3A : i32
      %sign3A_404 = arith.extui %sign3A_403 : i1 to i32
      %sign3A_405 = arith.constant 0 : i32
      %sign3A_406 = arith.cmpi slt, %add3A_402, %sign3A_405 : i32
      %sign3A_407 = arith.extui %sign3A_406 : i1 to i32
      %sign3A_408 = arith.subi %sign3A_404, %sign3A_407 : i32
      %sign3A_409 = arith.constant 0 : i32
      %sign3A_410 = arith.cmpi sgt, %jit3A, %sign3A_409 : i32
      %sign3A_411 = arith.extui %sign3A_410 : i1 to i32
      %sign3A_412 = arith.constant 0 : i32
      %sign3A_413 = arith.cmpi slt, %jit3A, %sign3A_412 : i32
      %sign3A_414 = arith.extui %sign3A_413 : i1 to i32
      %sign3A_415 = arith.subi %sign3A_411, %sign3A_414 : i32
      %ne3A = arith.cmpi ne, %sign3A_408, %sign3A_415 : i32
      %rem3A = arith.remsi %add3A_402, %jit3A : i32
      %ne3A_416 = arith.constant 0 : i32
      %ne3A_417 = arith.cmpi ne, %rem3A, %ne3A_416 : i32
      %and3A = arith.andi %ne3A, %ne3A_417 : i1
      %sub3A = arith.constant 1 : i32
      %sub3A_418 = arith.subi %div3A, %sub3A : i32
      %select_n3A = arith.select %and3A, %sub3A_418, %div3A : i32
      %mul3A_419 = arith.constant 16 : i32
      %mul3A_420 = arith.muli %add3A_398, %mul3A_419 : i32
      %add3A_421 = arith.constant 0 : i32
      %add3A_422 = arith.addi %mul3A_420, %add3A_421 : i32
      %jit3A_423 = arith.constant 2 : i32
      %eq3A = arith.constant 0 : i32
      %eq3A_424 = arith.cmpi eq, %jit3A_423, %eq3A : i32
      %jit3A_425 = arith.constant 1 : i32
      %select_n3A_426 = arith.select %eq3A_424, %jit3A_425, %jit3A_423 : i32
      %rem3A_427 = arith.remsi %add3A_422, %select_n3A_426 : i32
      %ne3A_428 = arith.constant 0 : i32
      %ne3A_429 = arith.cmpi ne, %rem3A_427, %ne3A_428 : i32
      %lt3A = arith.constant 0 : i32
      %lt3A_430 = arith.cmpi slt, %rem3A_427, %lt3A : i32
      %lt3A_431 = arith.constant 0 : i32
      %lt3A_432 = arith.cmpi slt, %select_n3A_426, %lt3A_431 : i32
      %ne3A_433 = arith.xori %lt3A_430, %lt3A_432 : i1
      %and3A_434 = arith.andi %ne3A_433, %ne3A_429 : i1
      %add3A_435 = arith.addi %rem3A_427, %select_n3A_426 : i32
      %select_n3A_436 = arith.select %and3A_434, %add3A_435, %rem3A_427 : i32
      %mul3A_437 = arith.constant 64 : i32
      %mul3A_438 = arith.muli %select_n3A_436, %mul3A_437 : i32
      %mul3A_439 = arith.constant 16 : i32
      %mul3A_440 = arith.muli %add3A_398, %mul3A_439 : i32
      %add3A_441 = arith.constant 1 : i32
      %add3A_442 = arith.addi %mul3A_440, %add3A_441 : i32
      %jit3A_443 = arith.constant 2 : i32
      %div3A_444 = arith.divsi %add3A_442, %jit3A_443 : i32
      %sign3A_445 = arith.constant 0 : i32
      %sign3A_446 = arith.cmpi sgt, %add3A_442, %sign3A_445 : i32
      %sign3A_447 = arith.extui %sign3A_446 : i1 to i32
      %sign3A_448 = arith.constant 0 : i32
      %sign3A_449 = arith.cmpi slt, %add3A_442, %sign3A_448 : i32
      %sign3A_450 = arith.extui %sign3A_449 : i1 to i32
      %sign3A_451 = arith.subi %sign3A_447, %sign3A_450 : i32
      %sign3A_452 = arith.constant 0 : i32
      %sign3A_453 = arith.cmpi sgt, %jit3A_443, %sign3A_452 : i32
      %sign3A_454 = arith.extui %sign3A_453 : i1 to i32
      %sign3A_455 = arith.constant 0 : i32
      %sign3A_456 = arith.cmpi slt, %jit3A_443, %sign3A_455 : i32
      %sign3A_457 = arith.extui %sign3A_456 : i1 to i32
      %sign3A_458 = arith.subi %sign3A_454, %sign3A_457 : i32
      %ne3A_459 = arith.cmpi ne, %sign3A_451, %sign3A_458 : i32
      %rem3A_460 = arith.remsi %add3A_442, %jit3A_443 : i32
      %ne3A_461 = arith.constant 0 : i32
      %ne3A_462 = arith.cmpi ne, %rem3A_460, %ne3A_461 : i32
      %and3A_463 = arith.andi %ne3A_459, %ne3A_462 : i1
      %sub3A_464 = arith.constant 1 : i32
      %sub3A_465 = arith.subi %div3A_444, %sub3A_464 : i32
      %select_n3A_466 = arith.select %and3A_463, %sub3A_465, %div3A_444 : i32
      %mul3A_467 = arith.constant 16 : i32
      %mul3A_468 = arith.muli %add3A_398, %mul3A_467 : i32
      %add3A_469 = arith.constant 1 : i32
      %add3A_470 = arith.addi %mul3A_468, %add3A_469 : i32
      %jit3A_471 = arith.constant 2 : i32
      %eq3A_472 = arith.constant 0 : i32
      %eq3A_473 = arith.cmpi eq, %jit3A_471, %eq3A_472 : i32
      %jit3A_474 = arith.constant 1 : i32
      %select_n3A_475 = arith.select %eq3A_473, %jit3A_474, %jit3A_471 : i32
      %rem3A_476 = arith.remsi %add3A_470, %select_n3A_475 : i32
      %ne3A_477 = arith.constant 0 : i32
      %ne3A_478 = arith.cmpi ne, %rem3A_476, %ne3A_477 : i32
      %lt3A_479 = arith.constant 0 : i32
      %lt3A_480 = arith.cmpi slt, %rem3A_476, %lt3A_479 : i32
      %lt3A_481 = arith.constant 0 : i32
      %lt3A_482 = arith.cmpi slt, %select_n3A_475, %lt3A_481 : i32
      %ne3A_483 = arith.xori %lt3A_480, %lt3A_482 : i1
      %and3A_484 = arith.andi %ne3A_483, %ne3A_478 : i1
      %add3A_485 = arith.addi %rem3A_476, %select_n3A_475 : i32
      %select_n3A_486 = arith.select %and3A_484, %add3A_485, %rem3A_476 : i32
      %mul3A_487 = arith.constant 64 : i32
      %mul3A_488 = arith.muli %select_n3A_486, %mul3A_487 : i32
      %mul3A_489 = arith.constant 16 : i32
      %mul3A_490 = arith.muli %add3A_398, %mul3A_489 : i32
      %add3A_491 = arith.constant 2 : i32
      %add3A_492 = arith.addi %mul3A_490, %add3A_491 : i32
      %jit3A_493 = arith.constant 2 : i32
      %div3A_494 = arith.divsi %add3A_492, %jit3A_493 : i32
      %sign3A_495 = arith.constant 0 : i32
      %sign3A_496 = arith.cmpi sgt, %add3A_492, %sign3A_495 : i32
      %sign3A_497 = arith.extui %sign3A_496 : i1 to i32
      %sign3A_498 = arith.constant 0 : i32
      %sign3A_499 = arith.cmpi slt, %add3A_492, %sign3A_498 : i32
      %sign3A_500 = arith.extui %sign3A_499 : i1 to i32
      %sign3A_501 = arith.subi %sign3A_497, %sign3A_500 : i32
      %sign3A_502 = arith.constant 0 : i32
      %sign3A_503 = arith.cmpi sgt, %jit3A_493, %sign3A_502 : i32
      %sign3A_504 = arith.extui %sign3A_503 : i1 to i32
      %sign3A_505 = arith.constant 0 : i32
      %sign3A_506 = arith.cmpi slt, %jit3A_493, %sign3A_505 : i32
      %sign3A_507 = arith.extui %sign3A_506 : i1 to i32
      %sign3A_508 = arith.subi %sign3A_504, %sign3A_507 : i32
      %ne3A_509 = arith.cmpi ne, %sign3A_501, %sign3A_508 : i32
      %rem3A_510 = arith.remsi %add3A_492, %jit3A_493 : i32
      %ne3A_511 = arith.constant 0 : i32
      %ne3A_512 = arith.cmpi ne, %rem3A_510, %ne3A_511 : i32
      %and3A_513 = arith.andi %ne3A_509, %ne3A_512 : i1
      %sub3A_514 = arith.constant 1 : i32
      %sub3A_515 = arith.subi %div3A_494, %sub3A_514 : i32
      %select_n3A_516 = arith.select %and3A_513, %sub3A_515, %div3A_494 : i32
      %mul3A_517 = arith.constant 16 : i32
      %mul3A_518 = arith.muli %add3A_398, %mul3A_517 : i32
      %add3A_519 = arith.constant 2 : i32
      %add3A_520 = arith.addi %mul3A_518, %add3A_519 : i32
      %jit3A_521 = arith.constant 2 : i32
      %eq3A_522 = arith.constant 0 : i32
      %eq3A_523 = arith.cmpi eq, %jit3A_521, %eq3A_522 : i32
      %jit3A_524 = arith.constant 1 : i32
      %select_n3A_525 = arith.select %eq3A_523, %jit3A_524, %jit3A_521 : i32
      %rem3A_526 = arith.remsi %add3A_520, %select_n3A_525 : i32
      %ne3A_527 = arith.constant 0 : i32
      %ne3A_528 = arith.cmpi ne, %rem3A_526, %ne3A_527 : i32
      %lt3A_529 = arith.constant 0 : i32
      %lt3A_530 = arith.cmpi slt, %rem3A_526, %lt3A_529 : i32
      %lt3A_531 = arith.constant 0 : i32
      %lt3A_532 = arith.cmpi slt, %select_n3A_525, %lt3A_531 : i32
      %ne3A_533 = arith.xori %lt3A_530, %lt3A_532 : i1
      %and3A_534 = arith.andi %ne3A_533, %ne3A_528 : i1
      %add3A_535 = arith.addi %rem3A_526, %select_n3A_525 : i32
      %select_n3A_536 = arith.select %and3A_534, %add3A_535, %rem3A_526 : i32
      %mul3A_537 = arith.constant 64 : i32
      %mul3A_538 = arith.muli %select_n3A_536, %mul3A_537 : i32
      %mul3A_539 = arith.constant 16 : i32
      %mul3A_540 = arith.muli %add3A_398, %mul3A_539 : i32
      %add3A_541 = arith.constant 3 : i32
      %add3A_542 = arith.addi %mul3A_540, %add3A_541 : i32
      %jit3A_543 = arith.constant 2 : i32
      %div3A_544 = arith.divsi %add3A_542, %jit3A_543 : i32
      %sign3A_545 = arith.constant 0 : i32
      %sign3A_546 = arith.cmpi sgt, %add3A_542, %sign3A_545 : i32
      %sign3A_547 = arith.extui %sign3A_546 : i1 to i32
      %sign3A_548 = arith.constant 0 : i32
      %sign3A_549 = arith.cmpi slt, %add3A_542, %sign3A_548 : i32
      %sign3A_550 = arith.extui %sign3A_549 : i1 to i32
      %sign3A_551 = arith.subi %sign3A_547, %sign3A_550 : i32
      %sign3A_552 = arith.constant 0 : i32
      %sign3A_553 = arith.cmpi sgt, %jit3A_543, %sign3A_552 : i32
      %sign3A_554 = arith.extui %sign3A_553 : i1 to i32
      %sign3A_555 = arith.constant 0 : i32
      %sign3A_556 = arith.cmpi slt, %jit3A_543, %sign3A_555 : i32
      %sign3A_557 = arith.extui %sign3A_556 : i1 to i32
      %sign3A_558 = arith.subi %sign3A_554, %sign3A_557 : i32
      %ne3A_559 = arith.cmpi ne, %sign3A_551, %sign3A_558 : i32
      %rem3A_560 = arith.remsi %add3A_542, %jit3A_543 : i32
      %ne3A_561 = arith.constant 0 : i32
      %ne3A_562 = arith.cmpi ne, %rem3A_560, %ne3A_561 : i32
      %and3A_563 = arith.andi %ne3A_559, %ne3A_562 : i1
      %sub3A_564 = arith.constant 1 : i32
      %sub3A_565 = arith.subi %div3A_544, %sub3A_564 : i32
      %select_n3A_566 = arith.select %and3A_563, %sub3A_565, %div3A_544 : i32
      %mul3A_567 = arith.constant 16 : i32
      %mul3A_568 = arith.muli %add3A_398, %mul3A_567 : i32
      %add3A_569 = arith.constant 3 : i32
      %add3A_570 = arith.addi %mul3A_568, %add3A_569 : i32
      %jit3A_571 = arith.constant 2 : i32
      %eq3A_572 = arith.constant 0 : i32
      %eq3A_573 = arith.cmpi eq, %jit3A_571, %eq3A_572 : i32
      %jit3A_574 = arith.constant 1 : i32
      %select_n3A_575 = arith.select %eq3A_573, %jit3A_574, %jit3A_571 : i32
      %rem3A_576 = arith.remsi %add3A_570, %select_n3A_575 : i32
      %ne3A_577 = arith.constant 0 : i32
      %ne3A_578 = arith.cmpi ne, %rem3A_576, %ne3A_577 : i32
      %lt3A_579 = arith.constant 0 : i32
      %lt3A_580 = arith.cmpi slt, %rem3A_576, %lt3A_579 : i32
      %lt3A_581 = arith.constant 0 : i32
      %lt3A_582 = arith.cmpi slt, %select_n3A_575, %lt3A_581 : i32
      %ne3A_583 = arith.xori %lt3A_580, %lt3A_582 : i1
      %and3A_584 = arith.andi %ne3A_583, %ne3A_578 : i1
      %add3A_585 = arith.addi %rem3A_576, %select_n3A_575 : i32
      %select_n3A_586 = arith.select %and3A_584, %add3A_585, %rem3A_576 : i32
      %mul3A_587 = arith.constant 64 : i32
      %mul3A_588 = arith.muli %select_n3A_586, %mul3A_587 : i32
      %mul3A_589 = arith.constant 16 : i32
      %mul3A_590 = arith.muli %add3A_398, %mul3A_589 : i32
      %add3A_591 = arith.constant 4 : i32
      %add3A_592 = arith.addi %mul3A_590, %add3A_591 : i32
      %jit3A_593 = arith.constant 2 : i32
      %div3A_594 = arith.divsi %add3A_592, %jit3A_593 : i32
      %sign3A_595 = arith.constant 0 : i32
      %sign3A_596 = arith.cmpi sgt, %add3A_592, %sign3A_595 : i32
      %sign3A_597 = arith.extui %sign3A_596 : i1 to i32
      %sign3A_598 = arith.constant 0 : i32
      %sign3A_599 = arith.cmpi slt, %add3A_592, %sign3A_598 : i32
      %sign3A_600 = arith.extui %sign3A_599 : i1 to i32
      %sign3A_601 = arith.subi %sign3A_597, %sign3A_600 : i32
      %sign3A_602 = arith.constant 0 : i32
      %sign3A_603 = arith.cmpi sgt, %jit3A_593, %sign3A_602 : i32
      %sign3A_604 = arith.extui %sign3A_603 : i1 to i32
      %sign3A_605 = arith.constant 0 : i32
      %sign3A_606 = arith.cmpi slt, %jit3A_593, %sign3A_605 : i32
      %sign3A_607 = arith.extui %sign3A_606 : i1 to i32
      %sign3A_608 = arith.subi %sign3A_604, %sign3A_607 : i32
      %ne3A_609 = arith.cmpi ne, %sign3A_601, %sign3A_608 : i32
      %rem3A_610 = arith.remsi %add3A_592, %jit3A_593 : i32
      %ne3A_611 = arith.constant 0 : i32
      %ne3A_612 = arith.cmpi ne, %rem3A_610, %ne3A_611 : i32
      %and3A_613 = arith.andi %ne3A_609, %ne3A_612 : i1
      %sub3A_614 = arith.constant 1 : i32
      %sub3A_615 = arith.subi %div3A_594, %sub3A_614 : i32
      %select_n3A_616 = arith.select %and3A_613, %sub3A_615, %div3A_594 : i32
      %mul3A_617 = arith.constant 16 : i32
      %mul3A_618 = arith.muli %add3A_398, %mul3A_617 : i32
      %add3A_619 = arith.constant 4 : i32
      %add3A_620 = arith.addi %mul3A_618, %add3A_619 : i32
      %jit3A_621 = arith.constant 2 : i32
      %eq3A_622 = arith.constant 0 : i32
      %eq3A_623 = arith.cmpi eq, %jit3A_621, %eq3A_622 : i32
      %jit3A_624 = arith.constant 1 : i32
      %select_n3A_625 = arith.select %eq3A_623, %jit3A_624, %jit3A_621 : i32
      %rem3A_626 = arith.remsi %add3A_620, %select_n3A_625 : i32
      %ne3A_627 = arith.constant 0 : i32
      %ne3A_628 = arith.cmpi ne, %rem3A_626, %ne3A_627 : i32
      %lt3A_629 = arith.constant 0 : i32
      %lt3A_630 = arith.cmpi slt, %rem3A_626, %lt3A_629 : i32
      %lt3A_631 = arith.constant 0 : i32
      %lt3A_632 = arith.cmpi slt, %select_n3A_625, %lt3A_631 : i32
      %ne3A_633 = arith.xori %lt3A_630, %lt3A_632 : i1
      %and3A_634 = arith.andi %ne3A_633, %ne3A_628 : i1
      %add3A_635 = arith.addi %rem3A_626, %select_n3A_625 : i32
      %select_n3A_636 = arith.select %and3A_634, %add3A_635, %rem3A_626 : i32
      %mul3A_637 = arith.constant 64 : i32
      %mul3A_638 = arith.muli %select_n3A_636, %mul3A_637 : i32
      %mul3A_639 = arith.constant 16 : i32
      %mul3A_640 = arith.muli %add3A_398, %mul3A_639 : i32
      %add3A_641 = arith.constant 5 : i32
      %add3A_642 = arith.addi %mul3A_640, %add3A_641 : i32
      %jit3A_643 = arith.constant 2 : i32
      %div3A_644 = arith.divsi %add3A_642, %jit3A_643 : i32
      %sign3A_645 = arith.constant 0 : i32
      %sign3A_646 = arith.cmpi sgt, %add3A_642, %sign3A_645 : i32
      %sign3A_647 = arith.extui %sign3A_646 : i1 to i32
      %sign3A_648 = arith.constant 0 : i32
      %sign3A_649 = arith.cmpi slt, %add3A_642, %sign3A_648 : i32
      %sign3A_650 = arith.extui %sign3A_649 : i1 to i32
      %sign3A_651 = arith.subi %sign3A_647, %sign3A_650 : i32
      %sign3A_652 = arith.constant 0 : i32
      %sign3A_653 = arith.cmpi sgt, %jit3A_643, %sign3A_652 : i32
      %sign3A_654 = arith.extui %sign3A_653 : i1 to i32
      %sign3A_655 = arith.constant 0 : i32
      %sign3A_656 = arith.cmpi slt, %jit3A_643, %sign3A_655 : i32
      %sign3A_657 = arith.extui %sign3A_656 : i1 to i32
      %sign3A_658 = arith.subi %sign3A_654, %sign3A_657 : i32
      %ne3A_659 = arith.cmpi ne, %sign3A_651, %sign3A_658 : i32
      %rem3A_660 = arith.remsi %add3A_642, %jit3A_643 : i32
      %ne3A_661 = arith.constant 0 : i32
      %ne3A_662 = arith.cmpi ne, %rem3A_660, %ne3A_661 : i32
      %and3A_663 = arith.andi %ne3A_659, %ne3A_662 : i1
      %sub3A_664 = arith.constant 1 : i32
      %sub3A_665 = arith.subi %div3A_644, %sub3A_664 : i32
      %select_n3A_666 = arith.select %and3A_663, %sub3A_665, %div3A_644 : i32
      %mul3A_667 = arith.constant 16 : i32
      %mul3A_668 = arith.muli %add3A_398, %mul3A_667 : i32
      %add3A_669 = arith.constant 5 : i32
      %add3A_670 = arith.addi %mul3A_668, %add3A_669 : i32
      %jit3A_671 = arith.constant 2 : i32
      %eq3A_672 = arith.constant 0 : i32
      %eq3A_673 = arith.cmpi eq, %jit3A_671, %eq3A_672 : i32
      %jit3A_674 = arith.constant 1 : i32
      %select_n3A_675 = arith.select %eq3A_673, %jit3A_674, %jit3A_671 : i32
      %rem3A_676 = arith.remsi %add3A_670, %select_n3A_675 : i32
      %ne3A_677 = arith.constant 0 : i32
      %ne3A_678 = arith.cmpi ne, %rem3A_676, %ne3A_677 : i32
      %lt3A_679 = arith.constant 0 : i32
      %lt3A_680 = arith.cmpi slt, %rem3A_676, %lt3A_679 : i32
      %lt3A_681 = arith.constant 0 : i32
      %lt3A_682 = arith.cmpi slt, %select_n3A_675, %lt3A_681 : i32
      %ne3A_683 = arith.xori %lt3A_680, %lt3A_682 : i1
      %and3A_684 = arith.andi %ne3A_683, %ne3A_678 : i1
      %add3A_685 = arith.addi %rem3A_676, %select_n3A_675 : i32
      %select_n3A_686 = arith.select %and3A_684, %add3A_685, %rem3A_676 : i32
      %mul3A_687 = arith.constant 64 : i32
      %mul3A_688 = arith.muli %select_n3A_686, %mul3A_687 : i32
      %mul3A_689 = arith.constant 16 : i32
      %mul3A_690 = arith.muli %add3A_398, %mul3A_689 : i32
      %add3A_691 = arith.constant 6 : i32
      %add3A_692 = arith.addi %mul3A_690, %add3A_691 : i32
      %jit3A_693 = arith.constant 2 : i32
      %div3A_694 = arith.divsi %add3A_692, %jit3A_693 : i32
      %sign3A_695 = arith.constant 0 : i32
      %sign3A_696 = arith.cmpi sgt, %add3A_692, %sign3A_695 : i32
      %sign3A_697 = arith.extui %sign3A_696 : i1 to i32
      %sign3A_698 = arith.constant 0 : i32
      %sign3A_699 = arith.cmpi slt, %add3A_692, %sign3A_698 : i32
      %sign3A_700 = arith.extui %sign3A_699 : i1 to i32
      %sign3A_701 = arith.subi %sign3A_697, %sign3A_700 : i32
      %sign3A_702 = arith.constant 0 : i32
      %sign3A_703 = arith.cmpi sgt, %jit3A_693, %sign3A_702 : i32
      %sign3A_704 = arith.extui %sign3A_703 : i1 to i32
      %sign3A_705 = arith.constant 0 : i32
      %sign3A_706 = arith.cmpi slt, %jit3A_693, %sign3A_705 : i32
      %sign3A_707 = arith.extui %sign3A_706 : i1 to i32
      %sign3A_708 = arith.subi %sign3A_704, %sign3A_707 : i32
      %ne3A_709 = arith.cmpi ne, %sign3A_701, %sign3A_708 : i32
      %rem3A_710 = arith.remsi %add3A_692, %jit3A_693 : i32
      %ne3A_711 = arith.constant 0 : i32
      %ne3A_712 = arith.cmpi ne, %rem3A_710, %ne3A_711 : i32
      %and3A_713 = arith.andi %ne3A_709, %ne3A_712 : i1
      %sub3A_714 = arith.constant 1 : i32
      %sub3A_715 = arith.subi %div3A_694, %sub3A_714 : i32
      %select_n3A_716 = arith.select %and3A_713, %sub3A_715, %div3A_694 : i32
      %mul3A_717 = arith.constant 16 : i32
      %mul3A_718 = arith.muli %add3A_398, %mul3A_717 : i32
      %add3A_719 = arith.constant 6 : i32
      %add3A_720 = arith.addi %mul3A_718, %add3A_719 : i32
      %jit3A_721 = arith.constant 2 : i32
      %eq3A_722 = arith.constant 0 : i32
      %eq3A_723 = arith.cmpi eq, %jit3A_721, %eq3A_722 : i32
      %jit3A_724 = arith.constant 1 : i32
      %select_n3A_725 = arith.select %eq3A_723, %jit3A_724, %jit3A_721 : i32
      %rem3A_726 = arith.remsi %add3A_720, %select_n3A_725 : i32
      %ne3A_727 = arith.constant 0 : i32
      %ne3A_728 = arith.cmpi ne, %rem3A_726, %ne3A_727 : i32
      %lt3A_729 = arith.constant 0 : i32
      %lt3A_730 = arith.cmpi slt, %rem3A_726, %lt3A_729 : i32
      %lt3A_731 = arith.constant 0 : i32
      %lt3A_732 = arith.cmpi slt, %select_n3A_725, %lt3A_731 : i32
      %ne3A_733 = arith.xori %lt3A_730, %lt3A_732 : i1
      %and3A_734 = arith.andi %ne3A_733, %ne3A_728 : i1
      %add3A_735 = arith.addi %rem3A_726, %select_n3A_725 : i32
      %select_n3A_736 = arith.select %and3A_734, %add3A_735, %rem3A_726 : i32
      %mul3A_737 = arith.constant 64 : i32
      %mul3A_738 = arith.muli %select_n3A_736, %mul3A_737 : i32
      %mul3A_739 = arith.constant 16 : i32
      %mul3A_740 = arith.muli %add3A_398, %mul3A_739 : i32
      %add3A_741 = arith.constant 7 : i32
      %add3A_742 = arith.addi %mul3A_740, %add3A_741 : i32
      %jit3A_743 = arith.constant 2 : i32
      %div3A_744 = arith.divsi %add3A_742, %jit3A_743 : i32
      %sign3A_745 = arith.constant 0 : i32
      %sign3A_746 = arith.cmpi sgt, %add3A_742, %sign3A_745 : i32
      %sign3A_747 = arith.extui %sign3A_746 : i1 to i32
      %sign3A_748 = arith.constant 0 : i32
      %sign3A_749 = arith.cmpi slt, %add3A_742, %sign3A_748 : i32
      %sign3A_750 = arith.extui %sign3A_749 : i1 to i32
      %sign3A_751 = arith.subi %sign3A_747, %sign3A_750 : i32
      %sign3A_752 = arith.constant 0 : i32
      %sign3A_753 = arith.cmpi sgt, %jit3A_743, %sign3A_752 : i32
      %sign3A_754 = arith.extui %sign3A_753 : i1 to i32
      %sign3A_755 = arith.constant 0 : i32
      %sign3A_756 = arith.cmpi slt, %jit3A_743, %sign3A_755 : i32
      %sign3A_757 = arith.extui %sign3A_756 : i1 to i32
      %sign3A_758 = arith.subi %sign3A_754, %sign3A_757 : i32
      %ne3A_759 = arith.cmpi ne, %sign3A_751, %sign3A_758 : i32
      %rem3A_760 = arith.remsi %add3A_742, %jit3A_743 : i32
      %ne3A_761 = arith.constant 0 : i32
      %ne3A_762 = arith.cmpi ne, %rem3A_760, %ne3A_761 : i32
      %and3A_763 = arith.andi %ne3A_759, %ne3A_762 : i1
      %sub3A_764 = arith.constant 1 : i32
      %sub3A_765 = arith.subi %div3A_744, %sub3A_764 : i32
      %select_n3A_766 = arith.select %and3A_763, %sub3A_765, %div3A_744 : i32
      %mul3A_767 = arith.constant 16 : i32
      %mul3A_768 = arith.muli %add3A_398, %mul3A_767 : i32
      %add3A_769 = arith.constant 7 : i32
      %add3A_770 = arith.addi %mul3A_768, %add3A_769 : i32
      %jit3A_771 = arith.constant 2 : i32
      %eq3A_772 = arith.constant 0 : i32
      %eq3A_773 = arith.cmpi eq, %jit3A_771, %eq3A_772 : i32
      %jit3A_774 = arith.constant 1 : i32
      %select_n3A_775 = arith.select %eq3A_773, %jit3A_774, %jit3A_771 : i32
      %rem3A_776 = arith.remsi %add3A_770, %select_n3A_775 : i32
      %ne3A_777 = arith.constant 0 : i32
      %ne3A_778 = arith.cmpi ne, %rem3A_776, %ne3A_777 : i32
      %lt3A_779 = arith.constant 0 : i32
      %lt3A_780 = arith.cmpi slt, %rem3A_776, %lt3A_779 : i32
      %lt3A_781 = arith.constant 0 : i32
      %lt3A_782 = arith.cmpi slt, %select_n3A_775, %lt3A_781 : i32
      %ne3A_783 = arith.xori %lt3A_780, %lt3A_782 : i1
      %and3A_784 = arith.andi %ne3A_783, %ne3A_778 : i1
      %add3A_785 = arith.addi %rem3A_776, %select_n3A_775 : i32
      %select_n3A_786 = arith.select %and3A_784, %add3A_785, %rem3A_776 : i32
      %mul3A_787 = arith.constant 64 : i32
      %mul3A_788 = arith.muli %select_n3A_786, %mul3A_787 : i32
      %mul3A_789 = arith.constant 16 : i32
      %mul3A_790 = arith.muli %add3A_398, %mul3A_789 : i32
      %add3A_791 = arith.constant 8 : i32
      %add3A_792 = arith.addi %mul3A_790, %add3A_791 : i32
      %jit3A_793 = arith.constant 2 : i32
      %div3A_794 = arith.divsi %add3A_792, %jit3A_793 : i32
      %sign3A_795 = arith.constant 0 : i32
      %sign3A_796 = arith.cmpi sgt, %add3A_792, %sign3A_795 : i32
      %sign3A_797 = arith.extui %sign3A_796 : i1 to i32
      %sign3A_798 = arith.constant 0 : i32
      %sign3A_799 = arith.cmpi slt, %add3A_792, %sign3A_798 : i32
      %sign3A_800 = arith.extui %sign3A_799 : i1 to i32
      %sign3A_801 = arith.subi %sign3A_797, %sign3A_800 : i32
      %sign3A_802 = arith.constant 0 : i32
      %sign3A_803 = arith.cmpi sgt, %jit3A_793, %sign3A_802 : i32
      %sign3A_804 = arith.extui %sign3A_803 : i1 to i32
      %sign3A_805 = arith.constant 0 : i32
      %sign3A_806 = arith.cmpi slt, %jit3A_793, %sign3A_805 : i32
      %sign3A_807 = arith.extui %sign3A_806 : i1 to i32
      %sign3A_808 = arith.subi %sign3A_804, %sign3A_807 : i32
      %ne3A_809 = arith.cmpi ne, %sign3A_801, %sign3A_808 : i32
      %rem3A_810 = arith.remsi %add3A_792, %jit3A_793 : i32
      %ne3A_811 = arith.constant 0 : i32
      %ne3A_812 = arith.cmpi ne, %rem3A_810, %ne3A_811 : i32
      %and3A_813 = arith.andi %ne3A_809, %ne3A_812 : i1
      %sub3A_814 = arith.constant 1 : i32
      %sub3A_815 = arith.subi %div3A_794, %sub3A_814 : i32
      %select_n3A_816 = arith.select %and3A_813, %sub3A_815, %div3A_794 : i32
      %mul3A_817 = arith.constant 16 : i32
      %mul3A_818 = arith.muli %add3A_398, %mul3A_817 : i32
      %add3A_819 = arith.constant 8 : i32
      %add3A_820 = arith.addi %mul3A_818, %add3A_819 : i32
      %jit3A_821 = arith.constant 2 : i32
      %eq3A_822 = arith.constant 0 : i32
      %eq3A_823 = arith.cmpi eq, %jit3A_821, %eq3A_822 : i32
      %jit3A_824 = arith.constant 1 : i32
      %select_n3A_825 = arith.select %eq3A_823, %jit3A_824, %jit3A_821 : i32
      %rem3A_826 = arith.remsi %add3A_820, %select_n3A_825 : i32
      %ne3A_827 = arith.constant 0 : i32
      %ne3A_828 = arith.cmpi ne, %rem3A_826, %ne3A_827 : i32
      %lt3A_829 = arith.constant 0 : i32
      %lt3A_830 = arith.cmpi slt, %rem3A_826, %lt3A_829 : i32
      %lt3A_831 = arith.constant 0 : i32
      %lt3A_832 = arith.cmpi slt, %select_n3A_825, %lt3A_831 : i32
      %ne3A_833 = arith.xori %lt3A_830, %lt3A_832 : i1
      %and3A_834 = arith.andi %ne3A_833, %ne3A_828 : i1
      %add3A_835 = arith.addi %rem3A_826, %select_n3A_825 : i32
      %select_n3A_836 = arith.select %and3A_834, %add3A_835, %rem3A_826 : i32
      %mul3A_837 = arith.constant 64 : i32
      %mul3A_838 = arith.muli %select_n3A_836, %mul3A_837 : i32
      %mul3A_839 = arith.constant 16 : i32
      %mul3A_840 = arith.muli %add3A_398, %mul3A_839 : i32
      %add3A_841 = arith.constant 9 : i32
      %add3A_842 = arith.addi %mul3A_840, %add3A_841 : i32
      %jit3A_843 = arith.constant 2 : i32
      %div3A_844 = arith.divsi %add3A_842, %jit3A_843 : i32
      %sign3A_845 = arith.constant 0 : i32
      %sign3A_846 = arith.cmpi sgt, %add3A_842, %sign3A_845 : i32
      %sign3A_847 = arith.extui %sign3A_846 : i1 to i32
      %sign3A_848 = arith.constant 0 : i32
      %sign3A_849 = arith.cmpi slt, %add3A_842, %sign3A_848 : i32
      %sign3A_850 = arith.extui %sign3A_849 : i1 to i32
      %sign3A_851 = arith.subi %sign3A_847, %sign3A_850 : i32
      %sign3A_852 = arith.constant 0 : i32
      %sign3A_853 = arith.cmpi sgt, %jit3A_843, %sign3A_852 : i32
      %sign3A_854 = arith.extui %sign3A_853 : i1 to i32
      %sign3A_855 = arith.constant 0 : i32
      %sign3A_856 = arith.cmpi slt, %jit3A_843, %sign3A_855 : i32
      %sign3A_857 = arith.extui %sign3A_856 : i1 to i32
      %sign3A_858 = arith.subi %sign3A_854, %sign3A_857 : i32
      %ne3A_859 = arith.cmpi ne, %sign3A_851, %sign3A_858 : i32
      %rem3A_860 = arith.remsi %add3A_842, %jit3A_843 : i32
      %ne3A_861 = arith.constant 0 : i32
      %ne3A_862 = arith.cmpi ne, %rem3A_860, %ne3A_861 : i32
      %and3A_863 = arith.andi %ne3A_859, %ne3A_862 : i1
      %sub3A_864 = arith.constant 1 : i32
      %sub3A_865 = arith.subi %div3A_844, %sub3A_864 : i32
      %select_n3A_866 = arith.select %and3A_863, %sub3A_865, %div3A_844 : i32
      %mul3A_867 = arith.constant 16 : i32
      %mul3A_868 = arith.muli %add3A_398, %mul3A_867 : i32
      %add3A_869 = arith.constant 9 : i32
      %add3A_870 = arith.addi %mul3A_868, %add3A_869 : i32
      %jit3A_871 = arith.constant 2 : i32
      %eq3A_872 = arith.constant 0 : i32
      %eq3A_873 = arith.cmpi eq, %jit3A_871, %eq3A_872 : i32
      %jit3A_874 = arith.constant 1 : i32
      %select_n3A_875 = arith.select %eq3A_873, %jit3A_874, %jit3A_871 : i32
      %rem3A_876 = arith.remsi %add3A_870, %select_n3A_875 : i32
      %ne3A_877 = arith.constant 0 : i32
      %ne3A_878 = arith.cmpi ne, %rem3A_876, %ne3A_877 : i32
      %lt3A_879 = arith.constant 0 : i32
      %lt3A_880 = arith.cmpi slt, %rem3A_876, %lt3A_879 : i32
      %lt3A_881 = arith.constant 0 : i32
      %lt3A_882 = arith.cmpi slt, %select_n3A_875, %lt3A_881 : i32
      %ne3A_883 = arith.xori %lt3A_880, %lt3A_882 : i1
      %and3A_884 = arith.andi %ne3A_883, %ne3A_878 : i1
      %add3A_885 = arith.addi %rem3A_876, %select_n3A_875 : i32
      %select_n3A_886 = arith.select %and3A_884, %add3A_885, %rem3A_876 : i32
      %mul3A_887 = arith.constant 64 : i32
      %mul3A_888 = arith.muli %select_n3A_886, %mul3A_887 : i32
      %mul3A_889 = arith.constant 16 : i32
      %mul3A_890 = arith.muli %add3A_398, %mul3A_889 : i32
      %add3A_891 = arith.constant 10 : i32
      %add3A_892 = arith.addi %mul3A_890, %add3A_891 : i32
      %jit3A_893 = arith.constant 2 : i32
      %div3A_894 = arith.divsi %add3A_892, %jit3A_893 : i32
      %sign3A_895 = arith.constant 0 : i32
      %sign3A_896 = arith.cmpi sgt, %add3A_892, %sign3A_895 : i32
      %sign3A_897 = arith.extui %sign3A_896 : i1 to i32
      %sign3A_898 = arith.constant 0 : i32
      %sign3A_899 = arith.cmpi slt, %add3A_892, %sign3A_898 : i32
      %sign3A_900 = arith.extui %sign3A_899 : i1 to i32
      %sign3A_901 = arith.subi %sign3A_897, %sign3A_900 : i32
      %sign3A_902 = arith.constant 0 : i32
      %sign3A_903 = arith.cmpi sgt, %jit3A_893, %sign3A_902 : i32
      %sign3A_904 = arith.extui %sign3A_903 : i1 to i32
      %sign3A_905 = arith.constant 0 : i32
      %sign3A_906 = arith.cmpi slt, %jit3A_893, %sign3A_905 : i32
      %sign3A_907 = arith.extui %sign3A_906 : i1 to i32
      %sign3A_908 = arith.subi %sign3A_904, %sign3A_907 : i32
      %ne3A_909 = arith.cmpi ne, %sign3A_901, %sign3A_908 : i32
      %rem3A_910 = arith.remsi %add3A_892, %jit3A_893 : i32
      %ne3A_911 = arith.constant 0 : i32
      %ne3A_912 = arith.cmpi ne, %rem3A_910, %ne3A_911 : i32
      %and3A_913 = arith.andi %ne3A_909, %ne3A_912 : i1
      %sub3A_914 = arith.constant 1 : i32
      %sub3A_915 = arith.subi %div3A_894, %sub3A_914 : i32
      %select_n3A_916 = arith.select %and3A_913, %sub3A_915, %div3A_894 : i32
      %mul3A_917 = arith.constant 16 : i32
      %mul3A_918 = arith.muli %add3A_398, %mul3A_917 : i32
      %add3A_919 = arith.constant 10 : i32
      %add3A_920 = arith.addi %mul3A_918, %add3A_919 : i32
      %jit3A_921 = arith.constant 2 : i32
      %eq3A_922 = arith.constant 0 : i32
      %eq3A_923 = arith.cmpi eq, %jit3A_921, %eq3A_922 : i32
      %jit3A_924 = arith.constant 1 : i32
      %select_n3A_925 = arith.select %eq3A_923, %jit3A_924, %jit3A_921 : i32
      %rem3A_926 = arith.remsi %add3A_920, %select_n3A_925 : i32
      %ne3A_927 = arith.constant 0 : i32
      %ne3A_928 = arith.cmpi ne, %rem3A_926, %ne3A_927 : i32
      %lt3A_929 = arith.constant 0 : i32
      %lt3A_930 = arith.cmpi slt, %rem3A_926, %lt3A_929 : i32
      %lt3A_931 = arith.constant 0 : i32
      %lt3A_932 = arith.cmpi slt, %select_n3A_925, %lt3A_931 : i32
      %ne3A_933 = arith.xori %lt3A_930, %lt3A_932 : i1
      %and3A_934 = arith.andi %ne3A_933, %ne3A_928 : i1
      %add3A_935 = arith.addi %rem3A_926, %select_n3A_925 : i32
      %select_n3A_936 = arith.select %and3A_934, %add3A_935, %rem3A_926 : i32
      %mul3A_937 = arith.constant 64 : i32
      %mul3A_938 = arith.muli %select_n3A_936, %mul3A_937 : i32
      %mul3A_939 = arith.constant 16 : i32
      %mul3A_940 = arith.muli %add3A_398, %mul3A_939 : i32
      %add3A_941 = arith.constant 11 : i32
      %add3A_942 = arith.addi %mul3A_940, %add3A_941 : i32
      %jit3A_943 = arith.constant 2 : i32
      %div3A_944 = arith.divsi %add3A_942, %jit3A_943 : i32
      %sign3A_945 = arith.constant 0 : i32
      %sign3A_946 = arith.cmpi sgt, %add3A_942, %sign3A_945 : i32
      %sign3A_947 = arith.extui %sign3A_946 : i1 to i32
      %sign3A_948 = arith.constant 0 : i32
      %sign3A_949 = arith.cmpi slt, %add3A_942, %sign3A_948 : i32
      %sign3A_950 = arith.extui %sign3A_949 : i1 to i32
      %sign3A_951 = arith.subi %sign3A_947, %sign3A_950 : i32
      %sign3A_952 = arith.constant 0 : i32
      %sign3A_953 = arith.cmpi sgt, %jit3A_943, %sign3A_952 : i32
      %sign3A_954 = arith.extui %sign3A_953 : i1 to i32
      %sign3A_955 = arith.constant 0 : i32
      %sign3A_956 = arith.cmpi slt, %jit3A_943, %sign3A_955 : i32
      %sign3A_957 = arith.extui %sign3A_956 : i1 to i32
      %sign3A_958 = arith.subi %sign3A_954, %sign3A_957 : i32
      %ne3A_959 = arith.cmpi ne, %sign3A_951, %sign3A_958 : i32
      %rem3A_960 = arith.remsi %add3A_942, %jit3A_943 : i32
      %ne3A_961 = arith.constant 0 : i32
      %ne3A_962 = arith.cmpi ne, %rem3A_960, %ne3A_961 : i32
      %and3A_963 = arith.andi %ne3A_959, %ne3A_962 : i1
      %sub3A_964 = arith.constant 1 : i32
      %sub3A_965 = arith.subi %div3A_944, %sub3A_964 : i32
      %select_n3A_966 = arith.select %and3A_963, %sub3A_965, %div3A_944 : i32
      %mul3A_967 = arith.constant 16 : i32
      %mul3A_968 = arith.muli %add3A_398, %mul3A_967 : i32
      %add3A_969 = arith.constant 11 : i32
      %add3A_970 = arith.addi %mul3A_968, %add3A_969 : i32
      %jit3A_971 = arith.constant 2 : i32
      %eq3A_972 = arith.constant 0 : i32
      %eq3A_973 = arith.cmpi eq, %jit3A_971, %eq3A_972 : i32
      %jit3A_974 = arith.constant 1 : i32
      %select_n3A_975 = arith.select %eq3A_973, %jit3A_974, %jit3A_971 : i32
      %rem3A_976 = arith.remsi %add3A_970, %select_n3A_975 : i32
      %ne3A_977 = arith.constant 0 : i32
      %ne3A_978 = arith.cmpi ne, %rem3A_976, %ne3A_977 : i32
      %lt3A_979 = arith.constant 0 : i32
      %lt3A_980 = arith.cmpi slt, %rem3A_976, %lt3A_979 : i32
      %lt3A_981 = arith.constant 0 : i32
      %lt3A_982 = arith.cmpi slt, %select_n3A_975, %lt3A_981 : i32
      %ne3A_983 = arith.xori %lt3A_980, %lt3A_982 : i1
      %and3A_984 = arith.andi %ne3A_983, %ne3A_978 : i1
      %add3A_985 = arith.addi %rem3A_976, %select_n3A_975 : i32
      %select_n3A_986 = arith.select %and3A_984, %add3A_985, %rem3A_976 : i32
      %mul3A_987 = arith.constant 64 : i32
      %mul3A_988 = arith.muli %select_n3A_986, %mul3A_987 : i32
      %mul3A_989 = arith.constant 16 : i32
      %mul3A_990 = arith.muli %add3A_398, %mul3A_989 : i32
      %add3A_991 = arith.constant 12 : i32
      %add3A_992 = arith.addi %mul3A_990, %add3A_991 : i32
      %jit3A_993 = arith.constant 2 : i32
      %div3A_994 = arith.divsi %add3A_992, %jit3A_993 : i32
      %sign3A_995 = arith.constant 0 : i32
      %sign3A_996 = arith.cmpi sgt, %add3A_992, %sign3A_995 : i32
      %sign3A_997 = arith.extui %sign3A_996 : i1 to i32
      %sign3A_998 = arith.constant 0 : i32
      %sign3A_999 = arith.cmpi slt, %add3A_992, %sign3A_998 : i32
      %sign3A_1000 = arith.extui %sign3A_999 : i1 to i32
      %sign3A_1001 = arith.subi %sign3A_997, %sign3A_1000 : i32
      %sign3A_1002 = arith.constant 0 : i32
      %sign3A_1003 = arith.cmpi sgt, %jit3A_993, %sign3A_1002 : i32
      %sign3A_1004 = arith.extui %sign3A_1003 : i1 to i32
      %sign3A_1005 = arith.constant 0 : i32
      %sign3A_1006 = arith.cmpi slt, %jit3A_993, %sign3A_1005 : i32
      %sign3A_1007 = arith.extui %sign3A_1006 : i1 to i32
      %sign3A_1008 = arith.subi %sign3A_1004, %sign3A_1007 : i32
      %ne3A_1009 = arith.cmpi ne, %sign3A_1001, %sign3A_1008 : i32
      %rem3A_1010 = arith.remsi %add3A_992, %jit3A_993 : i32
      %ne3A_1011 = arith.constant 0 : i32
      %ne3A_1012 = arith.cmpi ne, %rem3A_1010, %ne3A_1011 : i32
      %and3A_1013 = arith.andi %ne3A_1009, %ne3A_1012 : i1
      %sub3A_1014 = arith.constant 1 : i32
      %sub3A_1015 = arith.subi %div3A_994, %sub3A_1014 : i32
      %select_n3A_1016 = arith.select %and3A_1013, %sub3A_1015, %div3A_994 : i32
      %mul3A_1017 = arith.constant 16 : i32
      %mul3A_1018 = arith.muli %add3A_398, %mul3A_1017 : i32
      %add3A_1019 = arith.constant 12 : i32
      %add3A_1020 = arith.addi %mul3A_1018, %add3A_1019 : i32
      %jit3A_1021 = arith.constant 2 : i32
      %eq3A_1022 = arith.constant 0 : i32
      %eq3A_1023 = arith.cmpi eq, %jit3A_1021, %eq3A_1022 : i32
      %jit3A_1024 = arith.constant 1 : i32
      %select_n3A_1025 = arith.select %eq3A_1023, %jit3A_1024, %jit3A_1021 : i32
      %rem3A_1026 = arith.remsi %add3A_1020, %select_n3A_1025 : i32
      %ne3A_1027 = arith.constant 0 : i32
      %ne3A_1028 = arith.cmpi ne, %rem3A_1026, %ne3A_1027 : i32
      %lt3A_1029 = arith.constant 0 : i32
      %lt3A_1030 = arith.cmpi slt, %rem3A_1026, %lt3A_1029 : i32
      %lt3A_1031 = arith.constant 0 : i32
      %lt3A_1032 = arith.cmpi slt, %select_n3A_1025, %lt3A_1031 : i32
      %ne3A_1033 = arith.xori %lt3A_1030, %lt3A_1032 : i1
      %and3A_1034 = arith.andi %ne3A_1033, %ne3A_1028 : i1
      %add3A_1035 = arith.addi %rem3A_1026, %select_n3A_1025 : i32
      %select_n3A_1036 = arith.select %and3A_1034, %add3A_1035, %rem3A_1026 : i32
      %mul3A_1037 = arith.constant 64 : i32
      %mul3A_1038 = arith.muli %select_n3A_1036, %mul3A_1037 : i32
      %mul3A_1039 = arith.constant 16 : i32
      %mul3A_1040 = arith.muli %add3A_398, %mul3A_1039 : i32
      %add3A_1041 = arith.constant 13 : i32
      %add3A_1042 = arith.addi %mul3A_1040, %add3A_1041 : i32
      %jit3A_1043 = arith.constant 2 : i32
      %div3A_1044 = arith.divsi %add3A_1042, %jit3A_1043 : i32
      %sign3A_1045 = arith.constant 0 : i32
      %sign3A_1046 = arith.cmpi sgt, %add3A_1042, %sign3A_1045 : i32
      %sign3A_1047 = arith.extui %sign3A_1046 : i1 to i32
      %sign3A_1048 = arith.constant 0 : i32
      %sign3A_1049 = arith.cmpi slt, %add3A_1042, %sign3A_1048 : i32
      %sign3A_1050 = arith.extui %sign3A_1049 : i1 to i32
      %sign3A_1051 = arith.subi %sign3A_1047, %sign3A_1050 : i32
      %sign3A_1052 = arith.constant 0 : i32
      %sign3A_1053 = arith.cmpi sgt, %jit3A_1043, %sign3A_1052 : i32
      %sign3A_1054 = arith.extui %sign3A_1053 : i1 to i32
      %sign3A_1055 = arith.constant 0 : i32
      %sign3A_1056 = arith.cmpi slt, %jit3A_1043, %sign3A_1055 : i32
      %sign3A_1057 = arith.extui %sign3A_1056 : i1 to i32
      %sign3A_1058 = arith.subi %sign3A_1054, %sign3A_1057 : i32
      %ne3A_1059 = arith.cmpi ne, %sign3A_1051, %sign3A_1058 : i32
      %rem3A_1060 = arith.remsi %add3A_1042, %jit3A_1043 : i32
      %ne3A_1061 = arith.constant 0 : i32
      %ne3A_1062 = arith.cmpi ne, %rem3A_1060, %ne3A_1061 : i32
      %and3A_1063 = arith.andi %ne3A_1059, %ne3A_1062 : i1
      %sub3A_1064 = arith.constant 1 : i32
      %sub3A_1065 = arith.subi %div3A_1044, %sub3A_1064 : i32
      %select_n3A_1066 = arith.select %and3A_1063, %sub3A_1065, %div3A_1044 : i32
      %mul3A_1067 = arith.constant 16 : i32
      %mul3A_1068 = arith.muli %add3A_398, %mul3A_1067 : i32
      %add3A_1069 = arith.constant 13 : i32
      %add3A_1070 = arith.addi %mul3A_1068, %add3A_1069 : i32
      %jit3A_1071 = arith.constant 2 : i32
      %eq3A_1072 = arith.constant 0 : i32
      %eq3A_1073 = arith.cmpi eq, %jit3A_1071, %eq3A_1072 : i32
      %jit3A_1074 = arith.constant 1 : i32
      %select_n3A_1075 = arith.select %eq3A_1073, %jit3A_1074, %jit3A_1071 : i32
      %rem3A_1076 = arith.remsi %add3A_1070, %select_n3A_1075 : i32
      %ne3A_1077 = arith.constant 0 : i32
      %ne3A_1078 = arith.cmpi ne, %rem3A_1076, %ne3A_1077 : i32
      %lt3A_1079 = arith.constant 0 : i32
      %lt3A_1080 = arith.cmpi slt, %rem3A_1076, %lt3A_1079 : i32
      %lt3A_1081 = arith.constant 0 : i32
      %lt3A_1082 = arith.cmpi slt, %select_n3A_1075, %lt3A_1081 : i32
      %ne3A_1083 = arith.xori %lt3A_1080, %lt3A_1082 : i1
      %and3A_1084 = arith.andi %ne3A_1083, %ne3A_1078 : i1
      %add3A_1085 = arith.addi %rem3A_1076, %select_n3A_1075 : i32
      %select_n3A_1086 = arith.select %and3A_1084, %add3A_1085, %rem3A_1076 : i32
      %mul3A_1087 = arith.constant 64 : i32
      %mul3A_1088 = arith.muli %select_n3A_1086, %mul3A_1087 : i32
      %mul3A_1089 = arith.constant 16 : i32
      %mul3A_1090 = arith.muli %add3A_398, %mul3A_1089 : i32
      %add3A_1091 = arith.constant 14 : i32
      %add3A_1092 = arith.addi %mul3A_1090, %add3A_1091 : i32
      %jit3A_1093 = arith.constant 2 : i32
      %div3A_1094 = arith.divsi %add3A_1092, %jit3A_1093 : i32
      %sign3A_1095 = arith.constant 0 : i32
      %sign3A_1096 = arith.cmpi sgt, %add3A_1092, %sign3A_1095 : i32
      %sign3A_1097 = arith.extui %sign3A_1096 : i1 to i32
      %sign3A_1098 = arith.constant 0 : i32
      %sign3A_1099 = arith.cmpi slt, %add3A_1092, %sign3A_1098 : i32
      %sign3A_1100 = arith.extui %sign3A_1099 : i1 to i32
      %sign3A_1101 = arith.subi %sign3A_1097, %sign3A_1100 : i32
      %sign3A_1102 = arith.constant 0 : i32
      %sign3A_1103 = arith.cmpi sgt, %jit3A_1093, %sign3A_1102 : i32
      %sign3A_1104 = arith.extui %sign3A_1103 : i1 to i32
      %sign3A_1105 = arith.constant 0 : i32
      %sign3A_1106 = arith.cmpi slt, %jit3A_1093, %sign3A_1105 : i32
      %sign3A_1107 = arith.extui %sign3A_1106 : i1 to i32
      %sign3A_1108 = arith.subi %sign3A_1104, %sign3A_1107 : i32
      %ne3A_1109 = arith.cmpi ne, %sign3A_1101, %sign3A_1108 : i32
      %rem3A_1110 = arith.remsi %add3A_1092, %jit3A_1093 : i32
      %ne3A_1111 = arith.constant 0 : i32
      %ne3A_1112 = arith.cmpi ne, %rem3A_1110, %ne3A_1111 : i32
      %and3A_1113 = arith.andi %ne3A_1109, %ne3A_1112 : i1
      %sub3A_1114 = arith.constant 1 : i32
      %sub3A_1115 = arith.subi %div3A_1094, %sub3A_1114 : i32
      %select_n3A_1116 = arith.select %and3A_1113, %sub3A_1115, %div3A_1094 : i32
      %mul3A_1117 = arith.constant 16 : i32
      %mul3A_1118 = arith.muli %add3A_398, %mul3A_1117 : i32
      %add3A_1119 = arith.constant 14 : i32
      %add3A_1120 = arith.addi %mul3A_1118, %add3A_1119 : i32
      %jit3A_1121 = arith.constant 2 : i32
      %eq3A_1122 = arith.constant 0 : i32
      %eq3A_1123 = arith.cmpi eq, %jit3A_1121, %eq3A_1122 : i32
      %jit3A_1124 = arith.constant 1 : i32
      %select_n3A_1125 = arith.select %eq3A_1123, %jit3A_1124, %jit3A_1121 : i32
      %rem3A_1126 = arith.remsi %add3A_1120, %select_n3A_1125 : i32
      %ne3A_1127 = arith.constant 0 : i32
      %ne3A_1128 = arith.cmpi ne, %rem3A_1126, %ne3A_1127 : i32
      %lt3A_1129 = arith.constant 0 : i32
      %lt3A_1130 = arith.cmpi slt, %rem3A_1126, %lt3A_1129 : i32
      %lt3A_1131 = arith.constant 0 : i32
      %lt3A_1132 = arith.cmpi slt, %select_n3A_1125, %lt3A_1131 : i32
      %ne3A_1133 = arith.xori %lt3A_1130, %lt3A_1132 : i1
      %and3A_1134 = arith.andi %ne3A_1133, %ne3A_1128 : i1
      %add3A_1135 = arith.addi %rem3A_1126, %select_n3A_1125 : i32
      %select_n3A_1136 = arith.select %and3A_1134, %add3A_1135, %rem3A_1126 : i32
      %mul3A_1137 = arith.constant 64 : i32
      %mul3A_1138 = arith.muli %select_n3A_1136, %mul3A_1137 : i32
      %mul3A_1139 = arith.constant 16 : i32
      %mul3A_1140 = arith.muli %add3A_398, %mul3A_1139 : i32
      %add3A_1141 = arith.constant 15 : i32
      %add3A_1142 = arith.addi %mul3A_1140, %add3A_1141 : i32
      %jit3A_1143 = arith.constant 2 : i32
      %div3A_1144 = arith.divsi %add3A_1142, %jit3A_1143 : i32
      %sign3A_1145 = arith.constant 0 : i32
      %sign3A_1146 = arith.cmpi sgt, %add3A_1142, %sign3A_1145 : i32
      %sign3A_1147 = arith.extui %sign3A_1146 : i1 to i32
      %sign3A_1148 = arith.constant 0 : i32
      %sign3A_1149 = arith.cmpi slt, %add3A_1142, %sign3A_1148 : i32
      %sign3A_1150 = arith.extui %sign3A_1149 : i1 to i32
      %sign3A_1151 = arith.subi %sign3A_1147, %sign3A_1150 : i32
      %sign3A_1152 = arith.constant 0 : i32
      %sign3A_1153 = arith.cmpi sgt, %jit3A_1143, %sign3A_1152 : i32
      %sign3A_1154 = arith.extui %sign3A_1153 : i1 to i32
      %sign3A_1155 = arith.constant 0 : i32
      %sign3A_1156 = arith.cmpi slt, %jit3A_1143, %sign3A_1155 : i32
      %sign3A_1157 = arith.extui %sign3A_1156 : i1 to i32
      %sign3A_1158 = arith.subi %sign3A_1154, %sign3A_1157 : i32
      %ne3A_1159 = arith.cmpi ne, %sign3A_1151, %sign3A_1158 : i32
      %rem3A_1160 = arith.remsi %add3A_1142, %jit3A_1143 : i32
      %ne3A_1161 = arith.constant 0 : i32
      %ne3A_1162 = arith.cmpi ne, %rem3A_1160, %ne3A_1161 : i32
      %and3A_1163 = arith.andi %ne3A_1159, %ne3A_1162 : i1
      %sub3A_1164 = arith.constant 1 : i32
      %sub3A_1165 = arith.subi %div3A_1144, %sub3A_1164 : i32
      %select_n3A_1166 = arith.select %and3A_1163, %sub3A_1165, %div3A_1144 : i32
      %mul3A_1167 = arith.constant 16 : i32
      %mul3A_1168 = arith.muli %add3A_398, %mul3A_1167 : i32
      %add3A_1169 = arith.constant 15 : i32
      %add3A_1170 = arith.addi %mul3A_1168, %add3A_1169 : i32
      %jit3A_1171 = arith.constant 2 : i32
      %eq3A_1172 = arith.constant 0 : i32
      %eq3A_1173 = arith.cmpi eq, %jit3A_1171, %eq3A_1172 : i32
      %jit3A_1174 = arith.constant 1 : i32
      %select_n3A_1175 = arith.select %eq3A_1173, %jit3A_1174, %jit3A_1171 : i32
      %rem3A_1176 = arith.remsi %add3A_1170, %select_n3A_1175 : i32
      %ne3A_1177 = arith.constant 0 : i32
      %ne3A_1178 = arith.cmpi ne, %rem3A_1176, %ne3A_1177 : i32
      %lt3A_1179 = arith.constant 0 : i32
      %lt3A_1180 = arith.cmpi slt, %rem3A_1176, %lt3A_1179 : i32
      %lt3A_1181 = arith.constant 0 : i32
      %lt3A_1182 = arith.cmpi slt, %select_n3A_1175, %lt3A_1181 : i32
      %ne3A_1183 = arith.xori %lt3A_1180, %lt3A_1182 : i1
      %and3A_1184 = arith.andi %ne3A_1183, %ne3A_1178 : i1
      %add3A_1185 = arith.addi %rem3A_1176, %select_n3A_1175 : i32
      %select_n3A_1186 = arith.select %and3A_1184, %add3A_1185, %rem3A_1176 : i32
      %mul3A_1187 = arith.constant 64 : i32
      %mul3A_1188 = arith.muli %select_n3A_1186, %mul3A_1187 : i32
      %dma_wait3A_1189 = arith.constant 0 : i32
      %dma_wait3A_1190 = arith.constant 0 : i32
      %dma_wait3A_1191 = arith.constant 0 : i32
      %dma_wait3A_1192 = arith.constant 0 : i32
      %dma_wait3A_1193 = arith.constant 0 : i32
      %dma_wait3A_1194 = tpu.memref_slice %arg6[%dma_wait3A_1189, %dma_wait3A_1191, %dma_wait3A_1192, %dma_wait3A_1193] : memref<2x16x56x64xf32, #tpu.memory_space<vmem>> -> memref<1x16x56x64xf32, #tpu.memory_space<vmem>>
      %dma_wait3A_1195 = tpu.memref_squeeze %dma_wait3A_1194 : memref<1x16x56x64xf32, #tpu.memory_space<vmem>> -> memref<16x56x64xf32, #tpu.memory_space<vmem>>
      %dma_wait3A_1196 = arith.constant 0 : i32
      %dma_wait3A_1197 = arith.constant 0 : i32
      %dma_wait3A_1198 = tpu.memref_slice %dma_wait3A_1195[%dma_wait3A_1190, %dma_wait3A_1196, %dma_wait3A_1197] : memref<16x56x64xf32, #tpu.memory_space<vmem>> -> memref<1x56x64xf32, #tpu.memory_space<vmem>>
      %dma_wait3A_1199 = tpu.memref_squeeze %dma_wait3A_1198 : memref<1x56x64xf32, #tpu.memory_space<vmem>> -> memref<56x64xf32, #tpu.memory_space<vmem>>
      %dma_wait3A_1200 = arith.constant 0 : i32
      %dma_wait3A_1201 = arith.constant 0 : i32
      %dma_wait3A_1202 = tpu.memref_slice %dma_wait3A_1199[%dma_wait3A_1200, %dma_wait3A_1201] : memref<56x64xf32, #tpu.memory_space<vmem>> -> memref<50x64xf32, #tpu.memory_space<vmem>>
      %dma_wait3A_1203 = arith.constant 0 : i32
      %dma_wait3A_1204 = tpu.memref_slice %arg5[%select_n3A, %dma_wait3A_1203] : memref<64x128xi32, #tpu.memory_space<vmem>> -> memref<1x128xi32, #tpu.memory_space<vmem>>
      %dma_wait3A_1205 = tpu.memref_squeeze %dma_wait3A_1204 : memref<1x128xi32, #tpu.memory_space<vmem>> -> memref<128xi32, #tpu.memory_space<vmem>>
      %dma_wait3A_1206 = tpu.memref_slice %dma_wait3A_1205[%mul3A_438] : memref<128xi32, #tpu.memory_space<vmem>> -> memref<50xi32, #tpu.memory_space<vmem>>
      %dma_wait3A_1207 = arith.constant 0 : i32
      %dma_wait3A_1208 = arith.constant 0 : i32
      %dma_wait3A_1209 = tpu.memref_slice %arg3[%dma_wait3A_1207, %dma_wait3A_1208] : memref<100000x64xf32, #tpu.memory_space<hbm>> -> memref<100000x64xf32, #tpu.memory_space<hbm>>
      tpu.wait_indirect_dma semaphore(%arg7 : memref<!tpu.dma_semaphore, #tpu.memory_space<semaphore_mem>>) src(%dma_wait3A_1209 : memref<100000x64xf32, #tpu.memory_space<hbm>>) dst(%dma_wait3A_1202 : memref<50x64xf32, #tpu.memory_space<vmem>>)
      %dma_wait3A_1210 = arith.constant 0 : i32
      %dma_wait3A_1211 = arith.constant 1 : i32
      %dma_wait3A_1212 = arith.constant 0 : i32
      %dma_wait3A_1213 = arith.constant 0 : i32
      %dma_wait3A_1214 = arith.constant 0 : i32
      %dma_wait3A_1215 = tpu.memref_slice %arg6[%dma_wait3A_1210, %dma_wait3A_1212, %dma_wait3A_1213, %dma_wait3A_1214] : memref<2x16x56x64xf32, #tpu.memory_space<vmem>> -> memref<1x16x56x64xf32, #tpu.memory_space<vmem>>
      %dma_wait3A_1216 = tpu.memref_squeeze %dma_wait3A_1215 : memref<1x16x56x64xf32, #tpu.memory_space<vmem>> -> memref<16x56x64xf32, #tpu.memory_space<vmem>>
      %dma_wait3A_1217 = arith.constant 0 : i32
      %dma_wait3A_1218 = arith.constant 0 : i32
      %dma_wait3A_1219 = tpu.memref_slice %dma_wait3A_1216[%dma_wait3A_1211, %dma_wait3A_1217, %dma_wait3A_1218] : memref<16x56x64xf32, #tpu.memory_space<vmem>> -> memref<1x56x64xf32, #tpu.memory_space<vmem>>
      %dma_wait3A_1220 = tpu.memref_squeeze %dma_wait3A_1219 : memref<1x56x64xf32, #tpu.memory_space<vmem>> -> memref<56x64xf32, #tpu.memory_space<vmem>>
      %dma_wait3A_1221 = arith.constant 0 : i32
      %dma_wait3A_1222 = arith.constant 0 : i32
      %dma_wait3A_1223 = tpu.memref_slice %dma_wait3A_1220[%dma_wait3A_1221, %dma_wait3A_1222] : memref<56x64xf32, #tpu.memory_space<vmem>> -> memref<50x64xf32, #tpu.memory_space<vmem>>
      %dma_wait3A_1224 = arith.constant 0 : i32
      %dma_wait3A_1225 = tpu.memref_slice %arg5[%select_n3A_466, %dma_wait3A_1224] : memref<64x128xi32, #tpu.memory_space<vmem>> -> memref<1x128xi32, #tpu.memory_space<vmem>>
      %dma_wait3A_1226 = tpu.memref_squeeze %dma_wait3A_1225 : memref<1x128xi32, #tpu.memory_space<vmem>> -> memref<128xi32, #tpu.memory_space<vmem>>
      %dma_wait3A_1227 = tpu.memref_slice %dma_wait3A_1226[%mul3A_488] : memref<128xi32, #tpu.memory_space<vmem>> -> memref<50xi32, #tpu.memory_space<vmem>>
      %dma_wait3A_1228 = arith.constant 0 : i32
      %dma_wait3A_1229 = arith.constant 0 : i32
      %dma_wait3A_1230 = tpu.memref_slice %arg3[%dma_wait3A_1228, %dma_wait3A_1229] : memref<100000x64xf32, #tpu.memory_space<hbm>> -> memref<100000x64xf32, #tpu.memory_space<hbm>>
      tpu.wait_indirect_dma semaphore(%arg7 : memref<!tpu.dma_semaphore, #tpu.memory_space<semaphore_mem>>) src(%dma_wait3A_1230 : memref<100000x64xf32, #tpu.memory_space<hbm>>) dst(%dma_wait3A_1223 : memref<50x64xf32, #tpu.memory_space<vmem>>)
      %dma_wait3A_1231 = arith.constant 0 : i32
      %dma_wait3A_1232 = arith.constant 2 : i32
      %dma_wait3A_1233 = arith.constant 0 : i32
      %dma_wait3A_1234 = arith.constant 0 : i32
      %dma_wait3A_1235 = arith.constant 0 : i32
      %dma_wait3A_1236 = tpu.memref_slice %arg6[%dma_wait3A_1231, %dma_wait3A_1233, %dma_wait3A_1234, %dma_wait3A_1235] : memref<2x16x56x64xf32, #tpu.memory_space<vmem>> -> memref<1x16x56x64xf32, #tpu.memory_space<vmem>>
      %dma_wait3A_1237 = tpu.memref_squeeze %dma_wait3A_1236 : memref<1x16x56x64xf32, #tpu.memory_space<vmem>> -> memref<16x56x64xf32, #tpu.memory_space<vmem>>
      %dma_wait3A_1238 = arith.constant 0 : i32
      %dma_wait3A_1239 = arith.constant 0 : i32
      %dma_wait3A_1240 = tpu.memref_slice %dma_wait3A_1237[%dma_wait3A_1232, %dma_wait3A_1238, %dma_wait3A_1239] : memref<16x56x64xf32, #tpu.memory_space<vmem>> -> memref<1x56x64xf32, #tpu.memory_space<vmem>>
      %dma_wait3A_1241 = tpu.memref_squeeze %dma_wait3A_1240 : memref<1x56x64xf32, #tpu.memory_space<vmem>> -> memref<56x64xf32, #tpu.memory_space<vmem>>
      %dma_wait3A_1242 = arith.constant 0 : i32
      %dma_wait3A_1243 = arith.constant 0 : i32
      %dma_wait3A_1244 = tpu.memref_slice %dma_wait3A_1241[%dma_wait3A_1242, %dma_wait3A_1243] : memref<56x64xf32, #tpu.memory_space<vmem>> -> memref<50x64xf32, #tpu.memory_space<vmem>>
      %dma_wait3A_1245 = arith.constant 0 : i32
      %dma_wait3A_1246 = tpu.memref_slice %arg5[%select_n3A_516, %dma_wait3A_1245] : memref<64x128xi32, #tpu.memory_space<vmem>> -> memref<1x128xi32, #tpu.memory_space<vmem>>
      %dma_wait3A_1247 = tpu.memref_squeeze %dma_wait3A_1246 : memref<1x128xi32, #tpu.memory_space<vmem>> -> memref<128xi32, #tpu.memory_space<vmem>>
      %dma_wait3A_1248 = tpu.memref_slice %dma_wait3A_1247[%mul3A_538] : memref<128xi32, #tpu.memory_space<vmem>> -> memref<50xi32, #tpu.memory_space<vmem>>
      %dma_wait3A_1249 = arith.constant 0 : i32
      %dma_wait3A_1250 = arith.constant 0 : i32
      %dma_wait3A_1251 = tpu.memref_slice %arg3[%dma_wait3A_1249, %dma_wait3A_1250] : memref<100000x64xf32, #tpu.memory_space<hbm>> -> memref<100000x64xf32, #tpu.memory_space<hbm>>
      tpu.wait_indirect_dma semaphore(%arg7 : memref<!tpu.dma_semaphore, #tpu.memory_space<semaphore_mem>>) src(%dma_wait3A_1251 : memref<100000x64xf32, #tpu.memory_space<hbm>>) dst(%dma_wait3A_1244 : memref<50x64xf32, #tpu.memory_space<vmem>>)
      %dma_wait3A_1252 = arith.constant 0 : i32
      %dma_wait3A_1253 = arith.constant 3 : i32
      %dma_wait3A_1254 = arith.constant 0 : i32
      %dma_wait3A_1255 = arith.constant 0 : i32
      %dma_wait3A_1256 = arith.constant 0 : i32
      %dma_wait3A_1257 = tpu.memref_slice %arg6[%dma_wait3A_1252, %dma_wait3A_1254, %dma_wait3A_1255, %dma_wait3A_1256] : memref<2x16x56x64xf32, #tpu.memory_space<vmem>> -> memref<1x16x56x64xf32, #tpu.memory_space<vmem>>
      %dma_wait3A_1258 = tpu.memref_squeeze %dma_wait3A_1257 : memref<1x16x56x64xf32, #tpu.memory_space<vmem>> -> memref<16x56x64xf32, #tpu.memory_space<vmem>>
      %dma_wait3A_1259 = arith.constant 0 : i32
      %dma_wait3A_1260 = arith.constant 0 : i32
      %dma_wait3A_1261 = tpu.memref_slice %dma_wait3A_1258[%dma_wait3A_1253, %dma_wait3A_1259, %dma_wait3A_1260] : memref<16x56x64xf32, #tpu.memory_space<vmem>> -> memref<1x56x64xf32, #tpu.memory_space<vmem>>
      %dma_wait3A_1262 = tpu.memref_squeeze %dma_wait3A_1261 : memref<1x56x64xf32, #tpu.memory_space<vmem>> -> memref<56x64xf32, #tpu.memory_space<vmem>>
      %dma_wait3A_1263 = arith.constant 0 : i32
      %dma_wait3A_1264 = arith.constant 0 : i32
      %dma_wait3A_1265 = tpu.memref_slice %dma_wait3A_1262[%dma_wait3A_1263, %dma_wait3A_1264] : memref<56x64xf32, #tpu.memory_space<vmem>> -> memref<50x64xf32, #tpu.memory_space<vmem>>
      %dma_wait3A_1266 = arith.constant 0 : i32
      %dma_wait3A_1267 = tpu.memref_slice %arg5[%select_n3A_566, %dma_wait3A_1266] : memref<64x128xi32, #tpu.memory_space<vmem>> -> memref<1x128xi32, #tpu.memory_space<vmem>>
      %dma_wait3A_1268 = tpu.memref_squeeze %dma_wait3A_1267 : memref<1x128xi32, #tpu.memory_space<vmem>> -> memref<128xi32, #tpu.memory_space<vmem>>
      %dma_wait3A_1269 = tpu.memref_slice %dma_wait3A_1268[%mul3A_588] : memref<128xi32, #tpu.memory_space<vmem>> -> memref<50xi32, #tpu.memory_space<vmem>>
      %dma_wait3A_1270 = arith.constant 0 : i32
      %dma_wait3A_1271 = arith.constant 0 : i32
      %dma_wait3A_1272 = tpu.memref_slice %arg3[%dma_wait3A_1270, %dma_wait3A_1271] : memref<100000x64xf32, #tpu.memory_space<hbm>> -> memref<100000x64xf32, #tpu.memory_space<hbm>>
      tpu.wait_indirect_dma semaphore(%arg7 : memref<!tpu.dma_semaphore, #tpu.memory_space<semaphore_mem>>) src(%dma_wait3A_1272 : memref<100000x64xf32, #tpu.memory_space<hbm>>) dst(%dma_wait3A_1265 : memref<50x64xf32, #tpu.memory_space<vmem>>)
      %dma_wait3A_1273 = arith.constant 0 : i32
      %dma_wait3A_1274 = arith.constant 4 : i32
      %dma_wait3A_1275 = arith.constant 0 : i32
      %dma_wait3A_1276 = arith.constant 0 : i32
      %dma_wait3A_1277 = arith.constant 0 : i32
      %dma_wait3A_1278 = tpu.memref_slice %arg6[%dma_wait3A_1273, %dma_wait3A_1275, %dma_wait3A_1276, %dma_wait3A_1277] : memref<2x16x56x64xf32, #tpu.memory_space<vmem>> -> memref<1x16x56x64xf32, #tpu.memory_space<vmem>>
      %dma_wait3A_1279 = tpu.memref_squeeze %dma_wait3A_1278 : memref<1x16x56x64xf32, #tpu.memory_space<vmem>> -> memref<16x56x64xf32, #tpu.memory_space<vmem>>
      %dma_wait3A_1280 = arith.constant 0 : i32
      %dma_wait3A_1281 = arith.constant 0 : i32
      %dma_wait3A_1282 = tpu.memref_slice %dma_wait3A_1279[%dma_wait3A_1274, %dma_wait3A_1280, %dma_wait3A_1281] : memref<16x56x64xf32, #tpu.memory_space<vmem>> -> memref<1x56x64xf32, #tpu.memory_space<vmem>>
      %dma_wait3A_1283 = tpu.memref_squeeze %dma_wait3A_1282 : memref<1x56x64xf32, #tpu.memory_space<vmem>> -> memref<56x64xf32, #tpu.memory_space<vmem>>
      %dma_wait3A_1284 = arith.constant 0 : i32
      %dma_wait3A_1285 = arith.constant 0 : i32
      %dma_wait3A_1286 = tpu.memref_slice %dma_wait3A_1283[%dma_wait3A_1284, %dma_wait3A_1285] : memref<56x64xf32, #tpu.memory_space<vmem>> -> memref<50x64xf32, #tpu.memory_space<vmem>>
      %dma_wait3A_1287 = arith.constant 0 : i32
      %dma_wait3A_1288 = tpu.memref_slice %arg5[%select_n3A_616, %dma_wait3A_1287] : memref<64x128xi32, #tpu.memory_space<vmem>> -> memref<1x128xi32, #tpu.memory_space<vmem>>
      %dma_wait3A_1289 = tpu.memref_squeeze %dma_wait3A_1288 : memref<1x128xi32, #tpu.memory_space<vmem>> -> memref<128xi32, #tpu.memory_space<vmem>>
      %dma_wait3A_1290 = tpu.memref_slice %dma_wait3A_1289[%mul3A_638] : memref<128xi32, #tpu.memory_space<vmem>> -> memref<50xi32, #tpu.memory_space<vmem>>
      %dma_wait3A_1291 = arith.constant 0 : i32
      %dma_wait3A_1292 = arith.constant 0 : i32
      %dma_wait3A_1293 = tpu.memref_slice %arg3[%dma_wait3A_1291, %dma_wait3A_1292] : memref<100000x64xf32, #tpu.memory_space<hbm>> -> memref<100000x64xf32, #tpu.memory_space<hbm>>
      tpu.wait_indirect_dma semaphore(%arg7 : memref<!tpu.dma_semaphore, #tpu.memory_space<semaphore_mem>>) src(%dma_wait3A_1293 : memref<100000x64xf32, #tpu.memory_space<hbm>>) dst(%dma_wait3A_1286 : memref<50x64xf32, #tpu.memory_space<vmem>>)
      %dma_wait3A_1294 = arith.constant 0 : i32
      %dma_wait3A_1295 = arith.constant 5 : i32
      %dma_wait3A_1296 = arith.constant 0 : i32
      %dma_wait3A_1297 = arith.constant 0 : i32
      %dma_wait3A_1298 = arith.constant 0 : i32
      %dma_wait3A_1299 = tpu.memref_slice %arg6[%dma_wait3A_1294, %dma_wait3A_1296, %dma_wait3A_1297, %dma_wait3A_1298] : memref<2x16x56x64xf32, #tpu.memory_space<vmem>> -> memref<1x16x56x64xf32, #tpu.memory_space<vmem>>
      %dma_wait3A_1300 = tpu.memref_squeeze %dma_wait3A_1299 : memref<1x16x56x64xf32, #tpu.memory_space<vmem>> -> memref<16x56x64xf32, #tpu.memory_space<vmem>>
      %dma_wait3A_1301 = arith.constant 0 : i32
      %dma_wait3A_1302 = arith.constant 0 : i32
      %dma_wait3A_1303 = tpu.memref_slice %dma_wait3A_1300[%dma_wait3A_1295, %dma_wait3A_1301, %dma_wait3A_1302] : memref<16x56x64xf32, #tpu.memory_space<vmem>> -> memref<1x56x64xf32, #tpu.memory_space<vmem>>
      %dma_wait3A_1304 = tpu.memref_squeeze %dma_wait3A_1303 : memref<1x56x64xf32, #tpu.memory_space<vmem>> -> memref<56x64xf32, #tpu.memory_space<vmem>>
      %dma_wait3A_1305 = arith.constant 0 : i32
      %dma_wait3A_1306 = arith.constant 0 : i32
      %dma_wait3A_1307 = tpu.memref_slice %dma_wait3A_1304[%dma_wait3A_1305, %dma_wait3A_1306] : memref<56x64xf32, #tpu.memory_space<vmem>> -> memref<50x64xf32, #tpu.memory_space<vmem>>
      %dma_wait3A_1308 = arith.constant 0 : i32
      %dma_wait3A_1309 = tpu.memref_slice %arg5[%select_n3A_666, %dma_wait3A_1308] : memref<64x128xi32, #tpu.memory_space<vmem>> -> memref<1x128xi32, #tpu.memory_space<vmem>>
      %dma_wait3A_1310 = tpu.memref_squeeze %dma_wait3A_1309 : memref<1x128xi32, #tpu.memory_space<vmem>> -> memref<128xi32, #tpu.memory_space<vmem>>
      %dma_wait3A_1311 = tpu.memref_slice %dma_wait3A_1310[%mul3A_688] : memref<128xi32, #tpu.memory_space<vmem>> -> memref<50xi32, #tpu.memory_space<vmem>>
      %dma_wait3A_1312 = arith.constant 0 : i32
      %dma_wait3A_1313 = arith.constant 0 : i32
      %dma_wait3A_1314 = tpu.memref_slice %arg3[%dma_wait3A_1312, %dma_wait3A_1313] : memref<100000x64xf32, #tpu.memory_space<hbm>> -> memref<100000x64xf32, #tpu.memory_space<hbm>>
      tpu.wait_indirect_dma semaphore(%arg7 : memref<!tpu.dma_semaphore, #tpu.memory_space<semaphore_mem>>) src(%dma_wait3A_1314 : memref<100000x64xf32, #tpu.memory_space<hbm>>) dst(%dma_wait3A_1307 : memref<50x64xf32, #tpu.memory_space<vmem>>)
      %dma_wait3A_1315 = arith.constant 0 : i32
      %dma_wait3A_1316 = arith.constant 6 : i32
      %dma_wait3A_1317 = arith.constant 0 : i32
      %dma_wait3A_1318 = arith.constant 0 : i32
      %dma_wait3A_1319 = arith.constant 0 : i32
      %dma_wait3A_1320 = tpu.memref_slice %arg6[%dma_wait3A_1315, %dma_wait3A_1317, %dma_wait3A_1318, %dma_wait3A_1319] : memref<2x16x56x64xf32, #tpu.memory_space<vmem>> -> memref<1x16x56x64xf32, #tpu.memory_space<vmem>>
      %dma_wait3A_1321 = tpu.memref_squeeze %dma_wait3A_1320 : memref<1x16x56x64xf32, #tpu.memory_space<vmem>> -> memref<16x56x64xf32, #tpu.memory_space<vmem>>
      %dma_wait3A_1322 = arith.constant 0 : i32
      %dma_wait3A_1323 = arith.constant 0 : i32
      %dma_wait3A_1324 = tpu.memref_slice %dma_wait3A_1321[%dma_wait3A_1316, %dma_wait3A_1322, %dma_wait3A_1323] : memref<16x56x64xf32, #tpu.memory_space<vmem>> -> memref<1x56x64xf32, #tpu.memory_space<vmem>>
      %dma_wait3A_1325 = tpu.memref_squeeze %dma_wait3A_1324 : memref<1x56x64xf32, #tpu.memory_space<vmem>> -> memref<56x64xf32, #tpu.memory_space<vmem>>
      %dma_wait3A_1326 = arith.constant 0 : i32
      %dma_wait3A_1327 = arith.constant 0 : i32
      %dma_wait3A_1328 = tpu.memref_slice %dma_wait3A_1325[%dma_wait3A_1326, %dma_wait3A_1327] : memref<56x64xf32, #tpu.memory_space<vmem>> -> memref<50x64xf32, #tpu.memory_space<vmem>>
      %dma_wait3A_1329 = arith.constant 0 : i32
      %dma_wait3A_1330 = tpu.memref_slice %arg5[%select_n3A_716, %dma_wait3A_1329] : memref<64x128xi32, #tpu.memory_space<vmem>> -> memref<1x128xi32, #tpu.memory_space<vmem>>
      %dma_wait3A_1331 = tpu.memref_squeeze %dma_wait3A_1330 : memref<1x128xi32, #tpu.memory_space<vmem>> -> memref<128xi32, #tpu.memory_space<vmem>>
      %dma_wait3A_1332 = tpu.memref_slice %dma_wait3A_1331[%mul3A_738] : memref<128xi32, #tpu.memory_space<vmem>> -> memref<50xi32, #tpu.memory_space<vmem>>
      %dma_wait3A_1333 = arith.constant 0 : i32
      %dma_wait3A_1334 = arith.constant 0 : i32
      %dma_wait3A_1335 = tpu.memref_slice %arg3[%dma_wait3A_1333, %dma_wait3A_1334] : memref<100000x64xf32, #tpu.memory_space<hbm>> -> memref<100000x64xf32, #tpu.memory_space<hbm>>
      tpu.wait_indirect_dma semaphore(%arg7 : memref<!tpu.dma_semaphore, #tpu.memory_space<semaphore_mem>>) src(%dma_wait3A_1335 : memref<100000x64xf32, #tpu.memory_space<hbm>>) dst(%dma_wait3A_1328 : memref<50x64xf32, #tpu.memory_space<vmem>>)
      %dma_wait3A_1336 = arith.constant 0 : i32
      %dma_wait3A_1337 = arith.constant 7 : i32
      %dma_wait3A_1338 = arith.constant 0 : i32
      %dma_wait3A_1339 = arith.constant 0 : i32
      %dma_wait3A_1340 = arith.constant 0 : i32
      %dma_wait3A_1341 = tpu.memref_slice %arg6[%dma_wait3A_1336, %dma_wait3A_1338, %dma_wait3A_1339, %dma_wait3A_1340] : memref<2x16x56x64xf32, #tpu.memory_space<vmem>> -> memref<1x16x56x64xf32, #tpu.memory_space<vmem>>
      %dma_wait3A_1342 = tpu.memref_squeeze %dma_wait3A_1341 : memref<1x16x56x64xf32, #tpu.memory_space<vmem>> -> memref<16x56x64xf32, #tpu.memory_space<vmem>>
      %dma_wait3A_1343 = arith.constant 0 : i32
      %dma_wait3A_1344 = arith.constant 0 : i32
      %dma_wait3A_1345 = tpu.memref_slice %dma_wait3A_1342[%dma_wait3A_1337, %dma_wait3A_1343, %dma_wait3A_1344] : memref<16x56x64xf32, #tpu.memory_space<vmem>> -> memref<1x56x64xf32, #tpu.memory_space<vmem>>
      %dma_wait3A_1346 = tpu.memref_squeeze %dma_wait3A_1345 : memref<1x56x64xf32, #tpu.memory_space<vmem>> -> memref<56x64xf32, #tpu.memory_space<vmem>>
      %dma_wait3A_1347 = arith.constant 0 : i32
      %dma_wait3A_1348 = arith.constant 0 : i32
      %dma_wait3A_1349 = tpu.memref_slice %dma_wait3A_1346[%dma_wait3A_1347, %dma_wait3A_1348] : memref<56x64xf32, #tpu.memory_space<vmem>> -> memref<50x64xf32, #tpu.memory_space<vmem>>
      %dma_wait3A_1350 = arith.constant 0 : i32
      %dma_wait3A_1351 = tpu.memref_slice %arg5[%select_n3A_766, %dma_wait3A_1350] : memref<64x128xi32, #tpu.memory_space<vmem>> -> memref<1x128xi32, #tpu.memory_space<vmem>>
      %dma_wait3A_1352 = tpu.memref_squeeze %dma_wait3A_1351 : memref<1x128xi32, #tpu.memory_space<vmem>> -> memref<128xi32, #tpu.memory_space<vmem>>
      %dma_wait3A_1353 = tpu.memref_slice %dma_wait3A_1352[%mul3A_788] : memref<128xi32, #tpu.memory_space<vmem>> -> memref<50xi32, #tpu.memory_space<vmem>>
      %dma_wait3A_1354 = arith.constant 0 : i32
      %dma_wait3A_1355 = arith.constant 0 : i32
      %dma_wait3A_1356 = tpu.memref_slice %arg3[%dma_wait3A_1354, %dma_wait3A_1355] : memref<100000x64xf32, #tpu.memory_space<hbm>> -> memref<100000x64xf32, #tpu.memory_space<hbm>>
      tpu.wait_indirect_dma semaphore(%arg7 : memref<!tpu.dma_semaphore, #tpu.memory_space<semaphore_mem>>) src(%dma_wait3A_1356 : memref<100000x64xf32, #tpu.memory_space<hbm>>) dst(%dma_wait3A_1349 : memref<50x64xf32, #tpu.memory_space<vmem>>)
      %dma_wait3A_1357 = arith.constant 0 : i32
      %dma_wait3A_1358 = arith.constant 8 : i32
      %dma_wait3A_1359 = arith.constant 0 : i32
      %dma_wait3A_1360 = arith.constant 0 : i32
      %dma_wait3A_1361 = arith.constant 0 : i32
      %dma_wait3A_1362 = tpu.memref_slice %arg6[%dma_wait3A_1357, %dma_wait3A_1359, %dma_wait3A_1360, %dma_wait3A_1361] : memref<2x16x56x64xf32, #tpu.memory_space<vmem>> -> memref<1x16x56x64xf32, #tpu.memory_space<vmem>>
      %dma_wait3A_1363 = tpu.memref_squeeze %dma_wait3A_1362 : memref<1x16x56x64xf32, #tpu.memory_space<vmem>> -> memref<16x56x64xf32, #tpu.memory_space<vmem>>
      %dma_wait3A_1364 = arith.constant 0 : i32
      %dma_wait3A_1365 = arith.constant 0 : i32
      %dma_wait3A_1366 = tpu.memref_slice %dma_wait3A_1363[%dma_wait3A_1358, %dma_wait3A_1364, %dma_wait3A_1365] : memref<16x56x64xf32, #tpu.memory_space<vmem>> -> memref<1x56x64xf32, #tpu.memory_space<vmem>>
      %dma_wait3A_1367 = tpu.memref_squeeze %dma_wait3A_1366 : memref<1x56x64xf32, #tpu.memory_space<vmem>> -> memref<56x64xf32, #tpu.memory_space<vmem>>
      %dma_wait3A_1368 = arith.constant 0 : i32
      %dma_wait3A_1369 = arith.constant 0 : i32
      %dma_wait3A_1370 = tpu.memref_slice %dma_wait3A_1367[%dma_wait3A_1368, %dma_wait3A_1369] : memref<56x64xf32, #tpu.memory_space<vmem>> -> memref<50x64xf32, #tpu.memory_space<vmem>>
      %dma_wait3A_1371 = arith.constant 0 : i32
      %dma_wait3A_1372 = tpu.memref_slice %arg5[%select_n3A_816, %dma_wait3A_1371] : memref<64x128xi32, #tpu.memory_space<vmem>> -> memref<1x128xi32, #tpu.memory_space<vmem>>
      %dma_wait3A_1373 = tpu.memref_squeeze %dma_wait3A_1372 : memref<1x128xi32, #tpu.memory_space<vmem>> -> memref<128xi32, #tpu.memory_space<vmem>>
      %dma_wait3A_1374 = tpu.memref_slice %dma_wait3A_1373[%mul3A_838] : memref<128xi32, #tpu.memory_space<vmem>> -> memref<50xi32, #tpu.memory_space<vmem>>
      %dma_wait3A_1375 = arith.constant 0 : i32
      %dma_wait3A_1376 = arith.constant 0 : i32
      %dma_wait3A_1377 = tpu.memref_slice %arg3[%dma_wait3A_1375, %dma_wait3A_1376] : memref<100000x64xf32, #tpu.memory_space<hbm>> -> memref<100000x64xf32, #tpu.memory_space<hbm>>
      tpu.wait_indirect_dma semaphore(%arg7 : memref<!tpu.dma_semaphore, #tpu.memory_space<semaphore_mem>>) src(%dma_wait3A_1377 : memref<100000x64xf32, #tpu.memory_space<hbm>>) dst(%dma_wait3A_1370 : memref<50x64xf32, #tpu.memory_space<vmem>>)
      %dma_wait3A_1378 = arith.constant 0 : i32
      %dma_wait3A_1379 = arith.constant 9 : i32
      %dma_wait3A_1380 = arith.constant 0 : i32
      %dma_wait3A_1381 = arith.constant 0 : i32
      %dma_wait3A_1382 = arith.constant 0 : i32
      %dma_wait3A_1383 = tpu.memref_slice %arg6[%dma_wait3A_1378, %dma_wait3A_1380, %dma_wait3A_1381, %dma_wait3A_1382] : memref<2x16x56x64xf32, #tpu.memory_space<vmem>> -> memref<1x16x56x64xf32, #tpu.memory_space<vmem>>
      %dma_wait3A_1384 = tpu.memref_squeeze %dma_wait3A_1383 : memref<1x16x56x64xf32, #tpu.memory_space<vmem>> -> memref<16x56x64xf32, #tpu.memory_space<vmem>>
      %dma_wait3A_1385 = arith.constant 0 : i32
      %dma_wait3A_1386 = arith.constant 0 : i32
      %dma_wait3A_1387 = tpu.memref_slice %dma_wait3A_1384[%dma_wait3A_1379, %dma_wait3A_1385, %dma_wait3A_1386] : memref<16x56x64xf32, #tpu.memory_space<vmem>> -> memref<1x56x64xf32, #tpu.memory_space<vmem>>
      %dma_wait3A_1388 = tpu.memref_squeeze %dma_wait3A_1387 : memref<1x56x64xf32, #tpu.memory_space<vmem>> -> memref<56x64xf32, #tpu.memory_space<vmem>>
      %dma_wait3A_1389 = arith.constant 0 : i32
      %dma_wait3A_1390 = arith.constant 0 : i32
      %dma_wait3A_1391 = tpu.memref_slice %dma_wait3A_1388[%dma_wait3A_1389, %dma_wait3A_1390] : memref<56x64xf32, #tpu.memory_space<vmem>> -> memref<50x64xf32, #tpu.memory_space<vmem>>
      %dma_wait3A_1392 = arith.constant 0 : i32
      %dma_wait3A_1393 = tpu.memref_slice %arg5[%select_n3A_866, %dma_wait3A_1392] : memref<64x128xi32, #tpu.memory_space<vmem>> -> memref<1x128xi32, #tpu.memory_space<vmem>>
      %dma_wait3A_1394 = tpu.memref_squeeze %dma_wait3A_1393 : memref<1x128xi32, #tpu.memory_space<vmem>> -> memref<128xi32, #tpu.memory_space<vmem>>
      %dma_wait3A_1395 = tpu.memref_slice %dma_wait3A_1394[%mul3A_888] : memref<128xi32, #tpu.memory_space<vmem>> -> memref<50xi32, #tpu.memory_space<vmem>>
      %dma_wait3A_1396 = arith.constant 0 : i32
      %dma_wait3A_1397 = arith.constant 0 : i32
      %dma_wait3A_1398 = tpu.memref_slice %arg3[%dma_wait3A_1396, %dma_wait3A_1397] : memref<100000x64xf32, #tpu.memory_space<hbm>> -> memref<100000x64xf32, #tpu.memory_space<hbm>>
      tpu.wait_indirect_dma semaphore(%arg7 : memref<!tpu.dma_semaphore, #tpu.memory_space<semaphore_mem>>) src(%dma_wait3A_1398 : memref<100000x64xf32, #tpu.memory_space<hbm>>) dst(%dma_wait3A_1391 : memref<50x64xf32, #tpu.memory_space<vmem>>)
      %dma_wait3A_1399 = arith.constant 0 : i32
      %dma_wait3A_1400 = arith.constant 10 : i32
      %dma_wait3A_1401 = arith.constant 0 : i32
      %dma_wait3A_1402 = arith.constant 0 : i32
      %dma_wait3A_1403 = arith.constant 0 : i32
      %dma_wait3A_1404 = tpu.memref_slice %arg6[%dma_wait3A_1399, %dma_wait3A_1401, %dma_wait3A_1402, %dma_wait3A_1403] : memref<2x16x56x64xf32, #tpu.memory_space<vmem>> -> memref<1x16x56x64xf32, #tpu.memory_space<vmem>>
      %dma_wait3A_1405 = tpu.memref_squeeze %dma_wait3A_1404 : memref<1x16x56x64xf32, #tpu.memory_space<vmem>> -> memref<16x56x64xf32, #tpu.memory_space<vmem>>
      %dma_wait3A_1406 = arith.constant 0 : i32
      %dma_wait3A_1407 = arith.constant 0 : i32
      %dma_wait3A_1408 = tpu.memref_slice %dma_wait3A_1405[%dma_wait3A_1400, %dma_wait3A_1406, %dma_wait3A_1407] : memref<16x56x64xf32, #tpu.memory_space<vmem>> -> memref<1x56x64xf32, #tpu.memory_space<vmem>>
      %dma_wait3A_1409 = tpu.memref_squeeze %dma_wait3A_1408 : memref<1x56x64xf32, #tpu.memory_space<vmem>> -> memref<56x64xf32, #tpu.memory_space<vmem>>
      %dma_wait3A_1410 = arith.constant 0 : i32
      %dma_wait3A_1411 = arith.constant 0 : i32
      %dma_wait3A_1412 = tpu.memref_slice %dma_wait3A_1409[%dma_wait3A_1410, %dma_wait3A_1411] : memref<56x64xf32, #tpu.memory_space<vmem>> -> memref<50x64xf32, #tpu.memory_space<vmem>>
      %dma_wait3A_1413 = arith.constant 0 : i32
      %dma_wait3A_1414 = tpu.memref_slice %arg5[%select_n3A_916, %dma_wait3A_1413] : memref<64x128xi32, #tpu.memory_space<vmem>> -> memref<1x128xi32, #tpu.memory_space<vmem>>
      %dma_wait3A_1415 = tpu.memref_squeeze %dma_wait3A_1414 : memref<1x128xi32, #tpu.memory_space<vmem>> -> memref<128xi32, #tpu.memory_space<vmem>>
      %dma_wait3A_1416 = tpu.memref_slice %dma_wait3A_1415[%mul3A_938] : memref<128xi32, #tpu.memory_space<vmem>> -> memref<50xi32, #tpu.memory_space<vmem>>
      %dma_wait3A_1417 = arith.constant 0 : i32
      %dma_wait3A_1418 = arith.constant 0 : i32
      %dma_wait3A_1419 = tpu.memref_slice %arg3[%dma_wait3A_1417, %dma_wait3A_1418] : memref<100000x64xf32, #tpu.memory_space<hbm>> -> memref<100000x64xf32, #tpu.memory_space<hbm>>
      tpu.wait_indirect_dma semaphore(%arg7 : memref<!tpu.dma_semaphore, #tpu.memory_space<semaphore_mem>>) src(%dma_wait3A_1419 : memref<100000x64xf32, #tpu.memory_space<hbm>>) dst(%dma_wait3A_1412 : memref<50x64xf32, #tpu.memory_space<vmem>>)
      %dma_wait3A_1420 = arith.constant 0 : i32
      %dma_wait3A_1421 = arith.constant 11 : i32
      %dma_wait3A_1422 = arith.constant 0 : i32
      %dma_wait3A_1423 = arith.constant 0 : i32
      %dma_wait3A_1424 = arith.constant 0 : i32
      %dma_wait3A_1425 = tpu.memref_slice %arg6[%dma_wait3A_1420, %dma_wait3A_1422, %dma_wait3A_1423, %dma_wait3A_1424] : memref<2x16x56x64xf32, #tpu.memory_space<vmem>> -> memref<1x16x56x64xf32, #tpu.memory_space<vmem>>
      %dma_wait3A_1426 = tpu.memref_squeeze %dma_wait3A_1425 : memref<1x16x56x64xf32, #tpu.memory_space<vmem>> -> memref<16x56x64xf32, #tpu.memory_space<vmem>>
      %dma_wait3A_1427 = arith.constant 0 : i32
      %dma_wait3A_1428 = arith.constant 0 : i32
      %dma_wait3A_1429 = tpu.memref_slice %dma_wait3A_1426[%dma_wait3A_1421, %dma_wait3A_1427, %dma_wait3A_1428] : memref<16x56x64xf32, #tpu.memory_space<vmem>> -> memref<1x56x64xf32, #tpu.memory_space<vmem>>
      %dma_wait3A_1430 = tpu.memref_squeeze %dma_wait3A_1429 : memref<1x56x64xf32, #tpu.memory_space<vmem>> -> memref<56x64xf32, #tpu.memory_space<vmem>>
      %dma_wait3A_1431 = arith.constant 0 : i32
      %dma_wait3A_1432 = arith.constant 0 : i32
      %dma_wait3A_1433 = tpu.memref_slice %dma_wait3A_1430[%dma_wait3A_1431, %dma_wait3A_1432] : memref<56x64xf32, #tpu.memory_space<vmem>> -> memref<50x64xf32, #tpu.memory_space<vmem>>
      %dma_wait3A_1434 = arith.constant 0 : i32
      %dma_wait3A_1435 = tpu.memref_slice %arg5[%select_n3A_966, %dma_wait3A_1434] : memref<64x128xi32, #tpu.memory_space<vmem>> -> memref<1x128xi32, #tpu.memory_space<vmem>>
      %dma_wait3A_1436 = tpu.memref_squeeze %dma_wait3A_1435 : memref<1x128xi32, #tpu.memory_space<vmem>> -> memref<128xi32, #tpu.memory_space<vmem>>
      %dma_wait3A_1437 = tpu.memref_slice %dma_wait3A_1436[%mul3A_988] : memref<128xi32, #tpu.memory_space<vmem>> -> memref<50xi32, #tpu.memory_space<vmem>>
      %dma_wait3A_1438 = arith.constant 0 : i32
      %dma_wait3A_1439 = arith.constant 0 : i32
      %dma_wait3A_1440 = tpu.memref_slice %arg3[%dma_wait3A_1438, %dma_wait3A_1439] : memref<100000x64xf32, #tpu.memory_space<hbm>> -> memref<100000x64xf32, #tpu.memory_space<hbm>>
      tpu.wait_indirect_dma semaphore(%arg7 : memref<!tpu.dma_semaphore, #tpu.memory_space<semaphore_mem>>) src(%dma_wait3A_1440 : memref<100000x64xf32, #tpu.memory_space<hbm>>) dst(%dma_wait3A_1433 : memref<50x64xf32, #tpu.memory_space<vmem>>)
      %dma_wait3A_1441 = arith.constant 0 : i32
      %dma_wait3A_1442 = arith.constant 12 : i32
      %dma_wait3A_1443 = arith.constant 0 : i32
      %dma_wait3A_1444 = arith.constant 0 : i32
      %dma_wait3A_1445 = arith.constant 0 : i32
      %dma_wait3A_1446 = tpu.memref_slice %arg6[%dma_wait3A_1441, %dma_wait3A_1443, %dma_wait3A_1444, %dma_wait3A_1445] : memref<2x16x56x64xf32, #tpu.memory_space<vmem>> -> memref<1x16x56x64xf32, #tpu.memory_space<vmem>>
      %dma_wait3A_1447 = tpu.memref_squeeze %dma_wait3A_1446 : memref<1x16x56x64xf32, #tpu.memory_space<vmem>> -> memref<16x56x64xf32, #tpu.memory_space<vmem>>
      %dma_wait3A_1448 = arith.constant 0 : i32
      %dma_wait3A_1449 = arith.constant 0 : i32
      %dma_wait3A_1450 = tpu.memref_slice %dma_wait3A_1447[%dma_wait3A_1442, %dma_wait3A_1448, %dma_wait3A_1449] : memref<16x56x64xf32, #tpu.memory_space<vmem>> -> memref<1x56x64xf32, #tpu.memory_space<vmem>>
      %dma_wait3A_1451 = tpu.memref_squeeze %dma_wait3A_1450 : memref<1x56x64xf32, #tpu.memory_space<vmem>> -> memref<56x64xf32, #tpu.memory_space<vmem>>
      %dma_wait3A_1452 = arith.constant 0 : i32
      %dma_wait3A_1453 = arith.constant 0 : i32
      %dma_wait3A_1454 = tpu.memref_slice %dma_wait3A_1451[%dma_wait3A_1452, %dma_wait3A_1453] : memref<56x64xf32, #tpu.memory_space<vmem>> -> memref<50x64xf32, #tpu.memory_space<vmem>>
      %dma_wait3A_1455 = arith.constant 0 : i32
      %dma_wait3A_1456 = tpu.memref_slice %arg5[%select_n3A_1016, %dma_wait3A_1455] : memref<64x128xi32, #tpu.memory_space<vmem>> -> memref<1x128xi32, #tpu.memory_space<vmem>>
      %dma_wait3A_1457 = tpu.memref_squeeze %dma_wait3A_1456 : memref<1x128xi32, #tpu.memory_space<vmem>> -> memref<128xi32, #tpu.memory_space<vmem>>
      %dma_wait3A_1458 = tpu.memref_slice %dma_wait3A_1457[%mul3A_1038] : memref<128xi32, #tpu.memory_space<vmem>> -> memref<50xi32, #tpu.memory_space<vmem>>
      %dma_wait3A_1459 = arith.constant 0 : i32
      %dma_wait3A_1460 = arith.constant 0 : i32
      %dma_wait3A_1461 = tpu.memref_slice %arg3[%dma_wait3A_1459, %dma_wait3A_1460] : memref<100000x64xf32, #tpu.memory_space<hbm>> -> memref<100000x64xf32, #tpu.memory_space<hbm>>
      tpu.wait_indirect_dma semaphore(%arg7 : memref<!tpu.dma_semaphore, #tpu.memory_space<semaphore_mem>>) src(%dma_wait3A_1461 : memref<100000x64xf32, #tpu.memory_space<hbm>>) dst(%dma_wait3A_1454 : memref<50x64xf32, #tpu.memory_space<vmem>>)
      %dma_wait3A_1462 = arith.constant 0 : i32
      %dma_wait3A_1463 = arith.constant 13 : i32
      %dma_wait3A_1464 = arith.constant 0 : i32
      %dma_wait3A_1465 = arith.constant 0 : i32
      %dma_wait3A_1466 = arith.constant 0 : i32
      %dma_wait3A_1467 = tpu.memref_slice %arg6[%dma_wait3A_1462, %dma_wait3A_1464, %dma_wait3A_1465, %dma_wait3A_1466] : memref<2x16x56x64xf32, #tpu.memory_space<vmem>> -> memref<1x16x56x64xf32, #tpu.memory_space<vmem>>
      %dma_wait3A_1468 = tpu.memref_squeeze %dma_wait3A_1467 : memref<1x16x56x64xf32, #tpu.memory_space<vmem>> -> memref<16x56x64xf32, #tpu.memory_space<vmem>>
      %dma_wait3A_1469 = arith.constant 0 : i32
      %dma_wait3A_1470 = arith.constant 0 : i32
      %dma_wait3A_1471 = tpu.memref_slice %dma_wait3A_1468[%dma_wait3A_1463, %dma_wait3A_1469, %dma_wait3A_1470] : memref<16x56x64xf32, #tpu.memory_space<vmem>> -> memref<1x56x64xf32, #tpu.memory_space<vmem>>
      %dma_wait3A_1472 = tpu.memref_squeeze %dma_wait3A_1471 : memref<1x56x64xf32, #tpu.memory_space<vmem>> -> memref<56x64xf32, #tpu.memory_space<vmem>>
      %dma_wait3A_1473 = arith.constant 0 : i32
      %dma_wait3A_1474 = arith.constant 0 : i32
      %dma_wait3A_1475 = tpu.memref_slice %dma_wait3A_1472[%dma_wait3A_1473, %dma_wait3A_1474] : memref<56x64xf32, #tpu.memory_space<vmem>> -> memref<50x64xf32, #tpu.memory_space<vmem>>
      %dma_wait3A_1476 = arith.constant 0 : i32
      %dma_wait3A_1477 = tpu.memref_slice %arg5[%select_n3A_1066, %dma_wait3A_1476] : memref<64x128xi32, #tpu.memory_space<vmem>> -> memref<1x128xi32, #tpu.memory_space<vmem>>
      %dma_wait3A_1478 = tpu.memref_squeeze %dma_wait3A_1477 : memref<1x128xi32, #tpu.memory_space<vmem>> -> memref<128xi32, #tpu.memory_space<vmem>>
      %dma_wait3A_1479 = tpu.memref_slice %dma_wait3A_1478[%mul3A_1088] : memref<128xi32, #tpu.memory_space<vmem>> -> memref<50xi32, #tpu.memory_space<vmem>>
      %dma_wait3A_1480 = arith.constant 0 : i32
      %dma_wait3A_1481 = arith.constant 0 : i32
      %dma_wait3A_1482 = tpu.memref_slice %arg3[%dma_wait3A_1480, %dma_wait3A_1481] : memref<100000x64xf32, #tpu.memory_space<hbm>> -> memref<100000x64xf32, #tpu.memory_space<hbm>>
      tpu.wait_indirect_dma semaphore(%arg7 : memref<!tpu.dma_semaphore, #tpu.memory_space<semaphore_mem>>) src(%dma_wait3A_1482 : memref<100000x64xf32, #tpu.memory_space<hbm>>) dst(%dma_wait3A_1475 : memref<50x64xf32, #tpu.memory_space<vmem>>)
      %dma_wait3A_1483 = arith.constant 0 : i32
      %dma_wait3A_1484 = arith.constant 14 : i32
      %dma_wait3A_1485 = arith.constant 0 : i32
      %dma_wait3A_1486 = arith.constant 0 : i32
      %dma_wait3A_1487 = arith.constant 0 : i32
      %dma_wait3A_1488 = tpu.memref_slice %arg6[%dma_wait3A_1483, %dma_wait3A_1485, %dma_wait3A_1486, %dma_wait3A_1487] : memref<2x16x56x64xf32, #tpu.memory_space<vmem>> -> memref<1x16x56x64xf32, #tpu.memory_space<vmem>>
      %dma_wait3A_1489 = tpu.memref_squeeze %dma_wait3A_1488 : memref<1x16x56x64xf32, #tpu.memory_space<vmem>> -> memref<16x56x64xf32, #tpu.memory_space<vmem>>
      %dma_wait3A_1490 = arith.constant 0 : i32
      %dma_wait3A_1491 = arith.constant 0 : i32
      %dma_wait3A_1492 = tpu.memref_slice %dma_wait3A_1489[%dma_wait3A_1484, %dma_wait3A_1490, %dma_wait3A_1491] : memref<16x56x64xf32, #tpu.memory_space<vmem>> -> memref<1x56x64xf32, #tpu.memory_space<vmem>>
      %dma_wait3A_1493 = tpu.memref_squeeze %dma_wait3A_1492 : memref<1x56x64xf32, #tpu.memory_space<vmem>> -> memref<56x64xf32, #tpu.memory_space<vmem>>
      %dma_wait3A_1494 = arith.constant 0 : i32
      %dma_wait3A_1495 = arith.constant 0 : i32
      %dma_wait3A_1496 = tpu.memref_slice %dma_wait3A_1493[%dma_wait3A_1494, %dma_wait3A_1495] : memref<56x64xf32, #tpu.memory_space<vmem>> -> memref<50x64xf32, #tpu.memory_space<vmem>>
      %dma_wait3A_1497 = arith.constant 0 : i32
      %dma_wait3A_1498 = tpu.memref_slice %arg5[%select_n3A_1116, %dma_wait3A_1497] : memref<64x128xi32, #tpu.memory_space<vmem>> -> memref<1x128xi32, #tpu.memory_space<vmem>>
      %dma_wait3A_1499 = tpu.memref_squeeze %dma_wait3A_1498 : memref<1x128xi32, #tpu.memory_space<vmem>> -> memref<128xi32, #tpu.memory_space<vmem>>
      %dma_wait3A_1500 = tpu.memref_slice %dma_wait3A_1499[%mul3A_1138] : memref<128xi32, #tpu.memory_space<vmem>> -> memref<50xi32, #tpu.memory_space<vmem>>
      %dma_wait3A_1501 = arith.constant 0 : i32
      %dma_wait3A_1502 = arith.constant 0 : i32
      %dma_wait3A_1503 = tpu.memref_slice %arg3[%dma_wait3A_1501, %dma_wait3A_1502] : memref<100000x64xf32, #tpu.memory_space<hbm>> -> memref<100000x64xf32, #tpu.memory_space<hbm>>
      tpu.wait_indirect_dma semaphore(%arg7 : memref<!tpu.dma_semaphore, #tpu.memory_space<semaphore_mem>>) src(%dma_wait3A_1503 : memref<100000x64xf32, #tpu.memory_space<hbm>>) dst(%dma_wait3A_1496 : memref<50x64xf32, #tpu.memory_space<vmem>>)
      %dma_wait3A_1504 = arith.constant 0 : i32
      %dma_wait3A_1505 = arith.constant 15 : i32
      %dma_wait3A_1506 = arith.constant 0 : i32
      %dma_wait3A_1507 = arith.constant 0 : i32
      %dma_wait3A_1508 = arith.constant 0 : i32
      %dma_wait3A_1509 = tpu.memref_slice %arg6[%dma_wait3A_1504, %dma_wait3A_1506, %dma_wait3A_1507, %dma_wait3A_1508] : memref<2x16x56x64xf32, #tpu.memory_space<vmem>> -> memref<1x16x56x64xf32, #tpu.memory_space<vmem>>
      %dma_wait3A_1510 = tpu.memref_squeeze %dma_wait3A_1509 : memref<1x16x56x64xf32, #tpu.memory_space<vmem>> -> memref<16x56x64xf32, #tpu.memory_space<vmem>>
      %dma_wait3A_1511 = arith.constant 0 : i32
      %dma_wait3A_1512 = arith.constant 0 : i32
      %dma_wait3A_1513 = tpu.memref_slice %dma_wait3A_1510[%dma_wait3A_1505, %dma_wait3A_1511, %dma_wait3A_1512] : memref<16x56x64xf32, #tpu.memory_space<vmem>> -> memref<1x56x64xf32, #tpu.memory_space<vmem>>
      %dma_wait3A_1514 = tpu.memref_squeeze %dma_wait3A_1513 : memref<1x56x64xf32, #tpu.memory_space<vmem>> -> memref<56x64xf32, #tpu.memory_space<vmem>>
      %dma_wait3A_1515 = arith.constant 0 : i32
      %dma_wait3A_1516 = arith.constant 0 : i32
      %dma_wait3A_1517 = tpu.memref_slice %dma_wait3A_1514[%dma_wait3A_1515, %dma_wait3A_1516] : memref<56x64xf32, #tpu.memory_space<vmem>> -> memref<50x64xf32, #tpu.memory_space<vmem>>
      %dma_wait3A_1518 = arith.constant 0 : i32
      %dma_wait3A_1519 = tpu.memref_slice %arg5[%select_n3A_1166, %dma_wait3A_1518] : memref<64x128xi32, #tpu.memory_space<vmem>> -> memref<1x128xi32, #tpu.memory_space<vmem>>
      %dma_wait3A_1520 = tpu.memref_squeeze %dma_wait3A_1519 : memref<1x128xi32, #tpu.memory_space<vmem>> -> memref<128xi32, #tpu.memory_space<vmem>>
      %dma_wait3A_1521 = tpu.memref_slice %dma_wait3A_1520[%mul3A_1188] : memref<128xi32, #tpu.memory_space<vmem>> -> memref<50xi32, #tpu.memory_space<vmem>>
      %dma_wait3A_1522 = arith.constant 0 : i32
      %dma_wait3A_1523 = arith.constant 0 : i32
      %dma_wait3A_1524 = tpu.memref_slice %arg3[%dma_wait3A_1522, %dma_wait3A_1523] : memref<100000x64xf32, #tpu.memory_space<hbm>> -> memref<100000x64xf32, #tpu.memory_space<hbm>>
      tpu.wait_indirect_dma semaphore(%arg7 : memref<!tpu.dma_semaphore, #tpu.memory_space<semaphore_mem>>) src(%dma_wait3A_1524 : memref<100000x64xf32, #tpu.memory_space<hbm>>) dst(%dma_wait3A_1517 : memref<50x64xf32, #tpu.memory_space<vmem>>)
      %mul3A_1525 = arith.constant 16 : i32
      %mul3A_1526 = arith.muli %add3A_398, %mul3A_1525 : i32
      %add3A_1527 = arith.addi %mul3A_2, %mul3A_1526 : i32
      %dma_start3A_1528 = arith.constant 0 : i32
      %dma_start3A_1529 = arith.constant 0 : i32
      %dma_start3A_1530 = arith.constant 0 : i32
      %dma_start3A_1531 = arith.constant 0 : i32
      %dma_start3A_1532 = tpu.memref_slice %arg6[%dma_start3A_1528, %dma_start3A_1529, %dma_start3A_1530, %dma_start3A_1531] : memref<2x16x56x64xf32, #tpu.memory_space<vmem>> -> memref<1x16x56x64xf32, #tpu.memory_space<vmem>>
      %dma_start3A_1533 = tpu.memref_squeeze %dma_start3A_1532 : memref<1x16x56x64xf32, #tpu.memory_space<vmem>> -> memref<16x56x64xf32, #tpu.memory_space<vmem>>
      %dma_start3A_1534 = arith.constant 0 : i32
      %dma_start3A_1535 = arith.constant 0 : i32
      %dma_start3A_1536 = tpu.memref_slice %arg4[%add3A_1527, %dma_start3A_1534, %dma_start3A_1535] : memref<4096x56x128xf32, #tpu.memory_space<hbm>> -> memref<16x56x64xf32, #tpu.memory_space<hbm>>
      %dma_start3A_1537 = arith.constant 0 : i32
      %dma_start3A_1538 = arith.constant 0 : i32
      %dma_start3A_1539 = tpu.memref_slice %arg4[%add3A_1527, %dma_start3A_1537, %dma_start3A_1538] : memref<4096x56x128xf32, #tpu.memory_space<hbm>> -> memref<16x56x64xf32, #tpu.memory_space<hbm>>
      %dma_start3A_1540 = arith.constant 0 : i32
      %dma_start3A_1541 = arith.constant 0 : i32
      %dma_start3A_1542 = arith.constant 0 : i32
      %dma_start3A_1543 = tpu.memref_slice %arg6[%dma_start3A_1528, %dma_start3A_1540, %dma_start3A_1541, %dma_start3A_1542] : memref<2x16x56x64xf32, #tpu.memory_space<vmem>> -> memref<1x16x56x64xf32, #tpu.memory_space<vmem>>
      %dma_start3A_1544 = tpu.memref_squeeze %dma_start3A_1543 : memref<1x16x56x64xf32, #tpu.memory_space<vmem>> -> memref<16x56x64xf32, #tpu.memory_space<vmem>>
      tpu.enqueue_dma source(%dma_start3A_1544 : memref<16x56x64xf32, #tpu.memory_space<vmem>>) target(%dma_start3A_1539 : memref<16x56x64xf32, #tpu.memory_space<hbm>>) target_semaphore(%arg9 : memref<!tpu.dma_semaphore, #tpu.memory_space<semaphore_mem>>)
      %ge3A = arith.constant 1 : i32
      %ge3A_1545 = arith.cmpi sge, %add3A_398, %ge3A : i32
      %convert_element_type3A = arith.extui %ge3A_1545 : i1 to i32
      %cond3A = arith.constant 0 : i32
      %cond3A_1546 = arith.cmpi ne, %convert_element_type3A, %cond3A : i32
      scf.if %cond3A_1546 {
        %sub3A_2724 = arith.constant 1 : i32
        %sub3A_2725 = arith.subi %add3A_398, %sub3A_2724 : i32
        %mul3A_2726 = arith.constant 16 : i32
        %mul3A_2727 = arith.muli %sub3A_2725, %mul3A_2726 : i32
        %add3A_2728 = arith.addi %mul3A_2, %mul3A_2727 : i32
        %dma_wait3A_2729 = arith.constant 1 : i32
        %dma_wait3A_2730 = arith.constant 0 : i32
        %dma_wait3A_2731 = arith.constant 0 : i32
        %dma_wait3A_2732 = arith.constant 0 : i32
        %dma_wait3A_2733 = tpu.memref_slice %arg6[%dma_wait3A_2729, %dma_wait3A_2730, %dma_wait3A_2731, %dma_wait3A_2732] : memref<2x16x56x64xf32, #tpu.memory_space<vmem>> -> memref<1x16x56x64xf32, #tpu.memory_space<vmem>>
        %dma_wait3A_2734 = tpu.memref_squeeze %dma_wait3A_2733 : memref<1x16x56x64xf32, #tpu.memory_space<vmem>> -> memref<16x56x64xf32, #tpu.memory_space<vmem>>
        %dma_wait3A_2735 = arith.constant 0 : i32
        %dma_wait3A_2736 = arith.constant 0 : i32
        %dma_wait3A_2737 = tpu.memref_slice %arg4[%add3A_2728, %dma_wait3A_2735, %dma_wait3A_2736] : memref<4096x56x128xf32, #tpu.memory_space<hbm>> -> memref<16x56x64xf32, #tpu.memory_space<hbm>>
        %dma_wait3A_2738 = arith.constant 0 : i32
        %dma_wait3A_2739 = arith.constant 0 : i32
        %dma_wait3A_2740 = tpu.memref_slice %arg4[%add3A_2728, %dma_wait3A_2738, %dma_wait3A_2739] : memref<4096x56x128xf32, #tpu.memory_space<hbm>> -> memref<16x56x64xf32, #tpu.memory_space<hbm>>
        %dma_wait3A_2741 = arith.constant 0 : i32
        %dma_wait3A_2742 = arith.constant 0 : i32
        %dma_wait3A_2743 = arith.constant 0 : i32
        %dma_wait3A_2744 = tpu.memref_slice %arg6[%dma_wait3A_2729, %dma_wait3A_2741, %dma_wait3A_2742, %dma_wait3A_2743] : memref<2x16x56x64xf32, #tpu.memory_space<vmem>> -> memref<1x16x56x64xf32, #tpu.memory_space<vmem>>
        %dma_wait3A_2745 = tpu.memref_squeeze %dma_wait3A_2744 : memref<1x16x56x64xf32, #tpu.memory_space<vmem>> -> memref<16x56x64xf32, #tpu.memory_space<vmem>>
        tpu.wait_dma2 semaphore(%arg10 : memref<!tpu.dma_semaphore, #tpu.memory_space<semaphore_mem>>) src(%dma_wait3A_2745 : memref<16x56x64xf32, #tpu.memory_space<vmem>>) dst(%dma_wait3A_2740 : memref<16x56x64xf32, #tpu.memory_space<hbm>>)
      } else {
      }
      %add3A_1547 = arith.constant 1 : i32
      %add3A_1548 = arith.addi %add3A_398, %add3A_1547 : i32
      %lt3A_1549 = arith.constant 8 : i32
      %lt3A_1550 = arith.cmpi slt, %add3A_1548, %lt3A_1549 : i32
      %convert_element_type3A_1551 = arith.extui %lt3A_1550 : i1 to i32
      %cond3A_1552 = arith.constant 0 : i32
      %cond3A_1553 = arith.cmpi ne, %convert_element_type3A_1551, %cond3A_1552 : i32
      scf.if %cond3A_1553 {
        %add3A_2724 = arith.constant 1 : i32
        %add3A_2725 = arith.addi %add3A_398, %add3A_2724 : i32
        %mul3A_2726 = arith.constant 16 : i32
        %mul3A_2727 = arith.muli %add3A_2725, %mul3A_2726 : i32
        %add3A_2728 = arith.constant 0 : i32
        %add3A_2729 = arith.addi %mul3A_2727, %add3A_2728 : i32
        %jit3A_2730 = arith.constant 2 : i32
        %div3A_2731 = arith.divsi %add3A_2729, %jit3A_2730 : i32
        %sign3A_2732 = arith.constant 0 : i32
        %sign3A_2733 = arith.cmpi sgt, %add3A_2729, %sign3A_2732 : i32
        %sign3A_2734 = arith.extui %sign3A_2733 : i1 to i32
        %sign3A_2735 = arith.constant 0 : i32
        %sign3A_2736 = arith.cmpi slt, %add3A_2729, %sign3A_2735 : i32
        %sign3A_2737 = arith.extui %sign3A_2736 : i1 to i32
        %sign3A_2738 = arith.subi %sign3A_2734, %sign3A_2737 : i32
        %sign3A_2739 = arith.constant 0 : i32
        %sign3A_2740 = arith.cmpi sgt, %jit3A_2730, %sign3A_2739 : i32
        %sign3A_2741 = arith.extui %sign3A_2740 : i1 to i32
        %sign3A_2742 = arith.constant 0 : i32
        %sign3A_2743 = arith.cmpi slt, %jit3A_2730, %sign3A_2742 : i32
        %sign3A_2744 = arith.extui %sign3A_2743 : i1 to i32
        %sign3A_2745 = arith.subi %sign3A_2741, %sign3A_2744 : i32
        %ne3A_2746 = arith.cmpi ne, %sign3A_2738, %sign3A_2745 : i32
        %rem3A_2747 = arith.remsi %add3A_2729, %jit3A_2730 : i32
        %ne3A_2748 = arith.constant 0 : i32
        %ne3A_2749 = arith.cmpi ne, %rem3A_2747, %ne3A_2748 : i32
        %and3A_2750 = arith.andi %ne3A_2746, %ne3A_2749 : i1
        %sub3A_2751 = arith.constant 1 : i32
        %sub3A_2752 = arith.subi %div3A_2731, %sub3A_2751 : i32
        %select_n3A_2753 = arith.select %and3A_2750, %sub3A_2752, %div3A_2731 : i32
        %mul3A_2754 = arith.constant 16 : i32
        %mul3A_2755 = arith.muli %add3A_2725, %mul3A_2754 : i32
        %add3A_2756 = arith.constant 0 : i32
        %add3A_2757 = arith.addi %mul3A_2755, %add3A_2756 : i32
        %jit3A_2758 = arith.constant 2 : i32
        %eq3A_2759 = arith.constant 0 : i32
        %eq3A_2760 = arith.cmpi eq, %jit3A_2758, %eq3A_2759 : i32
        %jit3A_2761 = arith.constant 1 : i32
        %select_n3A_2762 = arith.select %eq3A_2760, %jit3A_2761, %jit3A_2758 : i32
        %rem3A_2763 = arith.remsi %add3A_2757, %select_n3A_2762 : i32
        %ne3A_2764 = arith.constant 0 : i32
        %ne3A_2765 = arith.cmpi ne, %rem3A_2763, %ne3A_2764 : i32
        %lt3A_2766 = arith.constant 0 : i32
        %lt3A_2767 = arith.cmpi slt, %rem3A_2763, %lt3A_2766 : i32
        %lt3A_2768 = arith.constant 0 : i32
        %lt3A_2769 = arith.cmpi slt, %select_n3A_2762, %lt3A_2768 : i32
        %ne3A_2770 = arith.xori %lt3A_2767, %lt3A_2769 : i1
        %and3A_2771 = arith.andi %ne3A_2770, %ne3A_2765 : i1
        %add3A_2772 = arith.addi %rem3A_2763, %select_n3A_2762 : i32
        %select_n3A_2773 = arith.select %and3A_2771, %add3A_2772, %rem3A_2763 : i32
        %mul3A_2774 = arith.constant 64 : i32
        %mul3A_2775 = arith.muli %select_n3A_2773, %mul3A_2774 : i32
        %mul3A_2776 = arith.constant 16 : i32
        %mul3A_2777 = arith.muli %add3A_2725, %mul3A_2776 : i32
        %add3A_2778 = arith.constant 1 : i32
        %add3A_2779 = arith.addi %mul3A_2777, %add3A_2778 : i32
        %jit3A_2780 = arith.constant 2 : i32
        %div3A_2781 = arith.divsi %add3A_2779, %jit3A_2780 : i32
        %sign3A_2782 = arith.constant 0 : i32
        %sign3A_2783 = arith.cmpi sgt, %add3A_2779, %sign3A_2782 : i32
        %sign3A_2784 = arith.extui %sign3A_2783 : i1 to i32
        %sign3A_2785 = arith.constant 0 : i32
        %sign3A_2786 = arith.cmpi slt, %add3A_2779, %sign3A_2785 : i32
        %sign3A_2787 = arith.extui %sign3A_2786 : i1 to i32
        %sign3A_2788 = arith.subi %sign3A_2784, %sign3A_2787 : i32
        %sign3A_2789 = arith.constant 0 : i32
        %sign3A_2790 = arith.cmpi sgt, %jit3A_2780, %sign3A_2789 : i32
        %sign3A_2791 = arith.extui %sign3A_2790 : i1 to i32
        %sign3A_2792 = arith.constant 0 : i32
        %sign3A_2793 = arith.cmpi slt, %jit3A_2780, %sign3A_2792 : i32
        %sign3A_2794 = arith.extui %sign3A_2793 : i1 to i32
        %sign3A_2795 = arith.subi %sign3A_2791, %sign3A_2794 : i32
        %ne3A_2796 = arith.cmpi ne, %sign3A_2788, %sign3A_2795 : i32
        %rem3A_2797 = arith.remsi %add3A_2779, %jit3A_2780 : i32
        %ne3A_2798 = arith.constant 0 : i32
        %ne3A_2799 = arith.cmpi ne, %rem3A_2797, %ne3A_2798 : i32
        %and3A_2800 = arith.andi %ne3A_2796, %ne3A_2799 : i1
        %sub3A_2801 = arith.constant 1 : i32
        %sub3A_2802 = arith.subi %div3A_2781, %sub3A_2801 : i32
        %select_n3A_2803 = arith.select %and3A_2800, %sub3A_2802, %div3A_2781 : i32
        %mul3A_2804 = arith.constant 16 : i32
        %mul3A_2805 = arith.muli %add3A_2725, %mul3A_2804 : i32
        %add3A_2806 = arith.constant 1 : i32
        %add3A_2807 = arith.addi %mul3A_2805, %add3A_2806 : i32
        %jit3A_2808 = arith.constant 2 : i32
        %eq3A_2809 = arith.constant 0 : i32
        %eq3A_2810 = arith.cmpi eq, %jit3A_2808, %eq3A_2809 : i32
        %jit3A_2811 = arith.constant 1 : i32
        %select_n3A_2812 = arith.select %eq3A_2810, %jit3A_2811, %jit3A_2808 : i32
        %rem3A_2813 = arith.remsi %add3A_2807, %select_n3A_2812 : i32
        %ne3A_2814 = arith.constant 0 : i32
        %ne3A_2815 = arith.cmpi ne, %rem3A_2813, %ne3A_2814 : i32
        %lt3A_2816 = arith.constant 0 : i32
        %lt3A_2817 = arith.cmpi slt, %rem3A_2813, %lt3A_2816 : i32
        %lt3A_2818 = arith.constant 0 : i32
        %lt3A_2819 = arith.cmpi slt, %select_n3A_2812, %lt3A_2818 : i32
        %ne3A_2820 = arith.xori %lt3A_2817, %lt3A_2819 : i1
        %and3A_2821 = arith.andi %ne3A_2820, %ne3A_2815 : i1
        %add3A_2822 = arith.addi %rem3A_2813, %select_n3A_2812 : i32
        %select_n3A_2823 = arith.select %and3A_2821, %add3A_2822, %rem3A_2813 : i32
        %mul3A_2824 = arith.constant 64 : i32
        %mul3A_2825 = arith.muli %select_n3A_2823, %mul3A_2824 : i32
        %mul3A_2826 = arith.constant 16 : i32
        %mul3A_2827 = arith.muli %add3A_2725, %mul3A_2826 : i32
        %add3A_2828 = arith.constant 2 : i32
        %add3A_2829 = arith.addi %mul3A_2827, %add3A_2828 : i32
        %jit3A_2830 = arith.constant 2 : i32
        %div3A_2831 = arith.divsi %add3A_2829, %jit3A_2830 : i32
        %sign3A_2832 = arith.constant 0 : i32
        %sign3A_2833 = arith.cmpi sgt, %add3A_2829, %sign3A_2832 : i32
        %sign3A_2834 = arith.extui %sign3A_2833 : i1 to i32
        %sign3A_2835 = arith.constant 0 : i32
        %sign3A_2836 = arith.cmpi slt, %add3A_2829, %sign3A_2835 : i32
        %sign3A_2837 = arith.extui %sign3A_2836 : i1 to i32
        %sign3A_2838 = arith.subi %sign3A_2834, %sign3A_2837 : i32
        %sign3A_2839 = arith.constant 0 : i32
        %sign3A_2840 = arith.cmpi sgt, %jit3A_2830, %sign3A_2839 : i32
        %sign3A_2841 = arith.extui %sign3A_2840 : i1 to i32
        %sign3A_2842 = arith.constant 0 : i32
        %sign3A_2843 = arith.cmpi slt, %jit3A_2830, %sign3A_2842 : i32
        %sign3A_2844 = arith.extui %sign3A_2843 : i1 to i32
        %sign3A_2845 = arith.subi %sign3A_2841, %sign3A_2844 : i32
        %ne3A_2846 = arith.cmpi ne, %sign3A_2838, %sign3A_2845 : i32
        %rem3A_2847 = arith.remsi %add3A_2829, %jit3A_2830 : i32
        %ne3A_2848 = arith.constant 0 : i32
        %ne3A_2849 = arith.cmpi ne, %rem3A_2847, %ne3A_2848 : i32
        %and3A_2850 = arith.andi %ne3A_2846, %ne3A_2849 : i1
        %sub3A_2851 = arith.constant 1 : i32
        %sub3A_2852 = arith.subi %div3A_2831, %sub3A_2851 : i32
        %select_n3A_2853 = arith.select %and3A_2850, %sub3A_2852, %div3A_2831 : i32
        %mul3A_2854 = arith.constant 16 : i32
        %mul3A_2855 = arith.muli %add3A_2725, %mul3A_2854 : i32
        %add3A_2856 = arith.constant 2 : i32
        %add3A_2857 = arith.addi %mul3A_2855, %add3A_2856 : i32
        %jit3A_2858 = arith.constant 2 : i32
        %eq3A_2859 = arith.constant 0 : i32
        %eq3A_2860 = arith.cmpi eq, %jit3A_2858, %eq3A_2859 : i32
        %jit3A_2861 = arith.constant 1 : i32
        %select_n3A_2862 = arith.select %eq3A_2860, %jit3A_2861, %jit3A_2858 : i32
        %rem3A_2863 = arith.remsi %add3A_2857, %select_n3A_2862 : i32
        %ne3A_2864 = arith.constant 0 : i32
        %ne3A_2865 = arith.cmpi ne, %rem3A_2863, %ne3A_2864 : i32
        %lt3A_2866 = arith.constant 0 : i32
        %lt3A_2867 = arith.cmpi slt, %rem3A_2863, %lt3A_2866 : i32
        %lt3A_2868 = arith.constant 0 : i32
        %lt3A_2869 = arith.cmpi slt, %select_n3A_2862, %lt3A_2868 : i32
        %ne3A_2870 = arith.xori %lt3A_2867, %lt3A_2869 : i1
        %and3A_2871 = arith.andi %ne3A_2870, %ne3A_2865 : i1
        %add3A_2872 = arith.addi %rem3A_2863, %select_n3A_2862 : i32
        %select_n3A_2873 = arith.select %and3A_2871, %add3A_2872, %rem3A_2863 : i32
        %mul3A_2874 = arith.constant 64 : i32
        %mul3A_2875 = arith.muli %select_n3A_2873, %mul3A_2874 : i32
        %mul3A_2876 = arith.constant 16 : i32
        %mul3A_2877 = arith.muli %add3A_2725, %mul3A_2876 : i32
        %add3A_2878 = arith.constant 3 : i32
        %add3A_2879 = arith.addi %mul3A_2877, %add3A_2878 : i32
        %jit3A_2880 = arith.constant 2 : i32
        %div3A_2881 = arith.divsi %add3A_2879, %jit3A_2880 : i32
        %sign3A_2882 = arith.constant 0 : i32
        %sign3A_2883 = arith.cmpi sgt, %add3A_2879, %sign3A_2882 : i32
        %sign3A_2884 = arith.extui %sign3A_2883 : i1 to i32
        %sign3A_2885 = arith.constant 0 : i32
        %sign3A_2886 = arith.cmpi slt, %add3A_2879, %sign3A_2885 : i32
        %sign3A_2887 = arith.extui %sign3A_2886 : i1 to i32
        %sign3A_2888 = arith.subi %sign3A_2884, %sign3A_2887 : i32
        %sign3A_2889 = arith.constant 0 : i32
        %sign3A_2890 = arith.cmpi sgt, %jit3A_2880, %sign3A_2889 : i32
        %sign3A_2891 = arith.extui %sign3A_2890 : i1 to i32
        %sign3A_2892 = arith.constant 0 : i32
        %sign3A_2893 = arith.cmpi slt, %jit3A_2880, %sign3A_2892 : i32
        %sign3A_2894 = arith.extui %sign3A_2893 : i1 to i32
        %sign3A_2895 = arith.subi %sign3A_2891, %sign3A_2894 : i32
        %ne3A_2896 = arith.cmpi ne, %sign3A_2888, %sign3A_2895 : i32
        %rem3A_2897 = arith.remsi %add3A_2879, %jit3A_2880 : i32
        %ne3A_2898 = arith.constant 0 : i32
        %ne3A_2899 = arith.cmpi ne, %rem3A_2897, %ne3A_2898 : i32
        %and3A_2900 = arith.andi %ne3A_2896, %ne3A_2899 : i1
        %sub3A_2901 = arith.constant 1 : i32
        %sub3A_2902 = arith.subi %div3A_2881, %sub3A_2901 : i32
        %select_n3A_2903 = arith.select %and3A_2900, %sub3A_2902, %div3A_2881 : i32
        %mul3A_2904 = arith.constant 16 : i32
        %mul3A_2905 = arith.muli %add3A_2725, %mul3A_2904 : i32
        %add3A_2906 = arith.constant 3 : i32
        %add3A_2907 = arith.addi %mul3A_2905, %add3A_2906 : i32
        %jit3A_2908 = arith.constant 2 : i32
        %eq3A_2909 = arith.constant 0 : i32
        %eq3A_2910 = arith.cmpi eq, %jit3A_2908, %eq3A_2909 : i32
        %jit3A_2911 = arith.constant 1 : i32
        %select_n3A_2912 = arith.select %eq3A_2910, %jit3A_2911, %jit3A_2908 : i32
        %rem3A_2913 = arith.remsi %add3A_2907, %select_n3A_2912 : i32
        %ne3A_2914 = arith.constant 0 : i32
        %ne3A_2915 = arith.cmpi ne, %rem3A_2913, %ne3A_2914 : i32
        %lt3A_2916 = arith.constant 0 : i32
        %lt3A_2917 = arith.cmpi slt, %rem3A_2913, %lt3A_2916 : i32
        %lt3A_2918 = arith.constant 0 : i32
        %lt3A_2919 = arith.cmpi slt, %select_n3A_2912, %lt3A_2918 : i32
        %ne3A_2920 = arith.xori %lt3A_2917, %lt3A_2919 : i1
        %and3A_2921 = arith.andi %ne3A_2920, %ne3A_2915 : i1
        %add3A_2922 = arith.addi %rem3A_2913, %select_n3A_2912 : i32
        %select_n3A_2923 = arith.select %and3A_2921, %add3A_2922, %rem3A_2913 : i32
        %mul3A_2924 = arith.constant 64 : i32
        %mul3A_2925 = arith.muli %select_n3A_2923, %mul3A_2924 : i32
        %mul3A_2926 = arith.constant 16 : i32
        %mul3A_2927 = arith.muli %add3A_2725, %mul3A_2926 : i32
        %add3A_2928 = arith.constant 4 : i32
        %add3A_2929 = arith.addi %mul3A_2927, %add3A_2928 : i32
        %jit3A_2930 = arith.constant 2 : i32
        %div3A_2931 = arith.divsi %add3A_2929, %jit3A_2930 : i32
        %sign3A_2932 = arith.constant 0 : i32
        %sign3A_2933 = arith.cmpi sgt, %add3A_2929, %sign3A_2932 : i32
        %sign3A_2934 = arith.extui %sign3A_2933 : i1 to i32
        %sign3A_2935 = arith.constant 0 : i32
        %sign3A_2936 = arith.cmpi slt, %add3A_2929, %sign3A_2935 : i32
        %sign3A_2937 = arith.extui %sign3A_2936 : i1 to i32
        %sign3A_2938 = arith.subi %sign3A_2934, %sign3A_2937 : i32
        %sign3A_2939 = arith.constant 0 : i32
        %sign3A_2940 = arith.cmpi sgt, %jit3A_2930, %sign3A_2939 : i32
        %sign3A_2941 = arith.extui %sign3A_2940 : i1 to i32
        %sign3A_2942 = arith.constant 0 : i32
        %sign3A_2943 = arith.cmpi slt, %jit3A_2930, %sign3A_2942 : i32
        %sign3A_2944 = arith.extui %sign3A_2943 : i1 to i32
        %sign3A_2945 = arith.subi %sign3A_2941, %sign3A_2944 : i32
        %ne3A_2946 = arith.cmpi ne, %sign3A_2938, %sign3A_2945 : i32
        %rem3A_2947 = arith.remsi %add3A_2929, %jit3A_2930 : i32
        %ne3A_2948 = arith.constant 0 : i32
        %ne3A_2949 = arith.cmpi ne, %rem3A_2947, %ne3A_2948 : i32
        %and3A_2950 = arith.andi %ne3A_2946, %ne3A_2949 : i1
        %sub3A_2951 = arith.constant 1 : i32
        %sub3A_2952 = arith.subi %div3A_2931, %sub3A_2951 : i32
        %select_n3A_2953 = arith.select %and3A_2950, %sub3A_2952, %div3A_2931 : i32
        %mul3A_2954 = arith.constant 16 : i32
        %mul3A_2955 = arith.muli %add3A_2725, %mul3A_2954 : i32
        %add3A_2956 = arith.constant 4 : i32
        %add3A_2957 = arith.addi %mul3A_2955, %add3A_2956 : i32
        %jit3A_2958 = arith.constant 2 : i32
        %eq3A_2959 = arith.constant 0 : i32
        %eq3A_2960 = arith.cmpi eq, %jit3A_2958, %eq3A_2959 : i32
        %jit3A_2961 = arith.constant 1 : i32
        %select_n3A_2962 = arith.select %eq3A_2960, %jit3A_2961, %jit3A_2958 : i32
        %rem3A_2963 = arith.remsi %add3A_2957, %select_n3A_2962 : i32
        %ne3A_2964 = arith.constant 0 : i32
        %ne3A_2965 = arith.cmpi ne, %rem3A_2963, %ne3A_2964 : i32
        %lt3A_2966 = arith.constant 0 : i32
        %lt3A_2967 = arith.cmpi slt, %rem3A_2963, %lt3A_2966 : i32
        %lt3A_2968 = arith.constant 0 : i32
        %lt3A_2969 = arith.cmpi slt, %select_n3A_2962, %lt3A_2968 : i32
        %ne3A_2970 = arith.xori %lt3A_2967, %lt3A_2969 : i1
        %and3A_2971 = arith.andi %ne3A_2970, %ne3A_2965 : i1
        %add3A_2972 = arith.addi %rem3A_2963, %select_n3A_2962 : i32
        %select_n3A_2973 = arith.select %and3A_2971, %add3A_2972, %rem3A_2963 : i32
        %mul3A_2974 = arith.constant 64 : i32
        %mul3A_2975 = arith.muli %select_n3A_2973, %mul3A_2974 : i32
        %mul3A_2976 = arith.constant 16 : i32
        %mul3A_2977 = arith.muli %add3A_2725, %mul3A_2976 : i32
        %add3A_2978 = arith.constant 5 : i32
        %add3A_2979 = arith.addi %mul3A_2977, %add3A_2978 : i32
        %jit3A_2980 = arith.constant 2 : i32
        %div3A_2981 = arith.divsi %add3A_2979, %jit3A_2980 : i32
        %sign3A_2982 = arith.constant 0 : i32
        %sign3A_2983 = arith.cmpi sgt, %add3A_2979, %sign3A_2982 : i32
        %sign3A_2984 = arith.extui %sign3A_2983 : i1 to i32
        %sign3A_2985 = arith.constant 0 : i32
        %sign3A_2986 = arith.cmpi slt, %add3A_2979, %sign3A_2985 : i32
        %sign3A_2987 = arith.extui %sign3A_2986 : i1 to i32
        %sign3A_2988 = arith.subi %sign3A_2984, %sign3A_2987 : i32
        %sign3A_2989 = arith.constant 0 : i32
        %sign3A_2990 = arith.cmpi sgt, %jit3A_2980, %sign3A_2989 : i32
        %sign3A_2991 = arith.extui %sign3A_2990 : i1 to i32
        %sign3A_2992 = arith.constant 0 : i32
        %sign3A_2993 = arith.cmpi slt, %jit3A_2980, %sign3A_2992 : i32
        %sign3A_2994 = arith.extui %sign3A_2993 : i1 to i32
        %sign3A_2995 = arith.subi %sign3A_2991, %sign3A_2994 : i32
        %ne3A_2996 = arith.cmpi ne, %sign3A_2988, %sign3A_2995 : i32
        %rem3A_2997 = arith.remsi %add3A_2979, %jit3A_2980 : i32
        %ne3A_2998 = arith.constant 0 : i32
        %ne3A_2999 = arith.cmpi ne, %rem3A_2997, %ne3A_2998 : i32
        %and3A_3000 = arith.andi %ne3A_2996, %ne3A_2999 : i1
        %sub3A_3001 = arith.constant 1 : i32
        %sub3A_3002 = arith.subi %div3A_2981, %sub3A_3001 : i32
        %select_n3A_3003 = arith.select %and3A_3000, %sub3A_3002, %div3A_2981 : i32
        %mul3A_3004 = arith.constant 16 : i32
        %mul3A_3005 = arith.muli %add3A_2725, %mul3A_3004 : i32
        %add3A_3006 = arith.constant 5 : i32
        %add3A_3007 = arith.addi %mul3A_3005, %add3A_3006 : i32
        %jit3A_3008 = arith.constant 2 : i32
        %eq3A_3009 = arith.constant 0 : i32
        %eq3A_3010 = arith.cmpi eq, %jit3A_3008, %eq3A_3009 : i32
        %jit3A_3011 = arith.constant 1 : i32
        %select_n3A_3012 = arith.select %eq3A_3010, %jit3A_3011, %jit3A_3008 : i32
        %rem3A_3013 = arith.remsi %add3A_3007, %select_n3A_3012 : i32
        %ne3A_3014 = arith.constant 0 : i32
        %ne3A_3015 = arith.cmpi ne, %rem3A_3013, %ne3A_3014 : i32
        %lt3A_3016 = arith.constant 0 : i32
        %lt3A_3017 = arith.cmpi slt, %rem3A_3013, %lt3A_3016 : i32
        %lt3A_3018 = arith.constant 0 : i32
        %lt3A_3019 = arith.cmpi slt, %select_n3A_3012, %lt3A_3018 : i32
        %ne3A_3020 = arith.xori %lt3A_3017, %lt3A_3019 : i1
        %and3A_3021 = arith.andi %ne3A_3020, %ne3A_3015 : i1
        %add3A_3022 = arith.addi %rem3A_3013, %select_n3A_3012 : i32
        %select_n3A_3023 = arith.select %and3A_3021, %add3A_3022, %rem3A_3013 : i32
        %mul3A_3024 = arith.constant 64 : i32
        %mul3A_3025 = arith.muli %select_n3A_3023, %mul3A_3024 : i32
        %mul3A_3026 = arith.constant 16 : i32
        %mul3A_3027 = arith.muli %add3A_2725, %mul3A_3026 : i32
        %add3A_3028 = arith.constant 6 : i32
        %add3A_3029 = arith.addi %mul3A_3027, %add3A_3028 : i32
        %jit3A_3030 = arith.constant 2 : i32
        %div3A_3031 = arith.divsi %add3A_3029, %jit3A_3030 : i32
        %sign3A_3032 = arith.constant 0 : i32
        %sign3A_3033 = arith.cmpi sgt, %add3A_3029, %sign3A_3032 : i32
        %sign3A_3034 = arith.extui %sign3A_3033 : i1 to i32
        %sign3A_3035 = arith.constant 0 : i32
        %sign3A_3036 = arith.cmpi slt, %add3A_3029, %sign3A_3035 : i32
        %sign3A_3037 = arith.extui %sign3A_3036 : i1 to i32
        %sign3A_3038 = arith.subi %sign3A_3034, %sign3A_3037 : i32
        %sign3A_3039 = arith.constant 0 : i32
        %sign3A_3040 = arith.cmpi sgt, %jit3A_3030, %sign3A_3039 : i32
        %sign3A_3041 = arith.extui %sign3A_3040 : i1 to i32
        %sign3A_3042 = arith.constant 0 : i32
        %sign3A_3043 = arith.cmpi slt, %jit3A_3030, %sign3A_3042 : i32
        %sign3A_3044 = arith.extui %sign3A_3043 : i1 to i32
        %sign3A_3045 = arith.subi %sign3A_3041, %sign3A_3044 : i32
        %ne3A_3046 = arith.cmpi ne, %sign3A_3038, %sign3A_3045 : i32
        %rem3A_3047 = arith.remsi %add3A_3029, %jit3A_3030 : i32
        %ne3A_3048 = arith.constant 0 : i32
        %ne3A_3049 = arith.cmpi ne, %rem3A_3047, %ne3A_3048 : i32
        %and3A_3050 = arith.andi %ne3A_3046, %ne3A_3049 : i1
        %sub3A_3051 = arith.constant 1 : i32
        %sub3A_3052 = arith.subi %div3A_3031, %sub3A_3051 : i32
        %select_n3A_3053 = arith.select %and3A_3050, %sub3A_3052, %div3A_3031 : i32
        %mul3A_3054 = arith.constant 16 : i32
        %mul3A_3055 = arith.muli %add3A_2725, %mul3A_3054 : i32
        %add3A_3056 = arith.constant 6 : i32
        %add3A_3057 = arith.addi %mul3A_3055, %add3A_3056 : i32
        %jit3A_3058 = arith.constant 2 : i32
        %eq3A_3059 = arith.constant 0 : i32
        %eq3A_3060 = arith.cmpi eq, %jit3A_3058, %eq3A_3059 : i32
        %jit3A_3061 = arith.constant 1 : i32
        %select_n3A_3062 = arith.select %eq3A_3060, %jit3A_3061, %jit3A_3058 : i32
        %rem3A_3063 = arith.remsi %add3A_3057, %select_n3A_3062 : i32
        %ne3A_3064 = arith.constant 0 : i32
        %ne3A_3065 = arith.cmpi ne, %rem3A_3063, %ne3A_3064 : i32
        %lt3A_3066 = arith.constant 0 : i32
        %lt3A_3067 = arith.cmpi slt, %rem3A_3063, %lt3A_3066 : i32
        %lt3A_3068 = arith.constant 0 : i32
        %lt3A_3069 = arith.cmpi slt, %select_n3A_3062, %lt3A_3068 : i32
        %ne3A_3070 = arith.xori %lt3A_3067, %lt3A_3069 : i1
        %and3A_3071 = arith.andi %ne3A_3070, %ne3A_3065 : i1
        %add3A_3072 = arith.addi %rem3A_3063, %select_n3A_3062 : i32
        %select_n3A_3073 = arith.select %and3A_3071, %add3A_3072, %rem3A_3063 : i32
        %mul3A_3074 = arith.constant 64 : i32
        %mul3A_3075 = arith.muli %select_n3A_3073, %mul3A_3074 : i32
        %mul3A_3076 = arith.constant 16 : i32
        %mul3A_3077 = arith.muli %add3A_2725, %mul3A_3076 : i32
        %add3A_3078 = arith.constant 7 : i32
        %add3A_3079 = arith.addi %mul3A_3077, %add3A_3078 : i32
        %jit3A_3080 = arith.constant 2 : i32
        %div3A_3081 = arith.divsi %add3A_3079, %jit3A_3080 : i32
        %sign3A_3082 = arith.constant 0 : i32
        %sign3A_3083 = arith.cmpi sgt, %add3A_3079, %sign3A_3082 : i32
        %sign3A_3084 = arith.extui %sign3A_3083 : i1 to i32
        %sign3A_3085 = arith.constant 0 : i32
        %sign3A_3086 = arith.cmpi slt, %add3A_3079, %sign3A_3085 : i32
        %sign3A_3087 = arith.extui %sign3A_3086 : i1 to i32
        %sign3A_3088 = arith.subi %sign3A_3084, %sign3A_3087 : i32
        %sign3A_3089 = arith.constant 0 : i32
        %sign3A_3090 = arith.cmpi sgt, %jit3A_3080, %sign3A_3089 : i32
        %sign3A_3091 = arith.extui %sign3A_3090 : i1 to i32
        %sign3A_3092 = arith.constant 0 : i32
        %sign3A_3093 = arith.cmpi slt, %jit3A_3080, %sign3A_3092 : i32
        %sign3A_3094 = arith.extui %sign3A_3093 : i1 to i32
        %sign3A_3095 = arith.subi %sign3A_3091, %sign3A_3094 : i32
        %ne3A_3096 = arith.cmpi ne, %sign3A_3088, %sign3A_3095 : i32
        %rem3A_3097 = arith.remsi %add3A_3079, %jit3A_3080 : i32
        %ne3A_3098 = arith.constant 0 : i32
        %ne3A_3099 = arith.cmpi ne, %rem3A_3097, %ne3A_3098 : i32
        %and3A_3100 = arith.andi %ne3A_3096, %ne3A_3099 : i1
        %sub3A_3101 = arith.constant 1 : i32
        %sub3A_3102 = arith.subi %div3A_3081, %sub3A_3101 : i32
        %select_n3A_3103 = arith.select %and3A_3100, %sub3A_3102, %div3A_3081 : i32
        %mul3A_3104 = arith.constant 16 : i32
        %mul3A_3105 = arith.muli %add3A_2725, %mul3A_3104 : i32
        %add3A_3106 = arith.constant 7 : i32
        %add3A_3107 = arith.addi %mul3A_3105, %add3A_3106 : i32
        %jit3A_3108 = arith.constant 2 : i32
        %eq3A_3109 = arith.constant 0 : i32
        %eq3A_3110 = arith.cmpi eq, %jit3A_3108, %eq3A_3109 : i32
        %jit3A_3111 = arith.constant 1 : i32
        %select_n3A_3112 = arith.select %eq3A_3110, %jit3A_3111, %jit3A_3108 : i32
        %rem3A_3113 = arith.remsi %add3A_3107, %select_n3A_3112 : i32
        %ne3A_3114 = arith.constant 0 : i32
        %ne3A_3115 = arith.cmpi ne, %rem3A_3113, %ne3A_3114 : i32
        %lt3A_3116 = arith.constant 0 : i32
        %lt3A_3117 = arith.cmpi slt, %rem3A_3113, %lt3A_3116 : i32
        %lt3A_3118 = arith.constant 0 : i32
        %lt3A_3119 = arith.cmpi slt, %select_n3A_3112, %lt3A_3118 : i32
        %ne3A_3120 = arith.xori %lt3A_3117, %lt3A_3119 : i1
        %and3A_3121 = arith.andi %ne3A_3120, %ne3A_3115 : i1
        %add3A_3122 = arith.addi %rem3A_3113, %select_n3A_3112 : i32
        %select_n3A_3123 = arith.select %and3A_3121, %add3A_3122, %rem3A_3113 : i32
        %mul3A_3124 = arith.constant 64 : i32
        %mul3A_3125 = arith.muli %select_n3A_3123, %mul3A_3124 : i32
        %mul3A_3126 = arith.constant 16 : i32
        %mul3A_3127 = arith.muli %add3A_2725, %mul3A_3126 : i32
        %add3A_3128 = arith.constant 8 : i32
        %add3A_3129 = arith.addi %mul3A_3127, %add3A_3128 : i32
        %jit3A_3130 = arith.constant 2 : i32
        %div3A_3131 = arith.divsi %add3A_3129, %jit3A_3130 : i32
        %sign3A_3132 = arith.constant 0 : i32
        %sign3A_3133 = arith.cmpi sgt, %add3A_3129, %sign3A_3132 : i32
        %sign3A_3134 = arith.extui %sign3A_3133 : i1 to i32
        %sign3A_3135 = arith.constant 0 : i32
        %sign3A_3136 = arith.cmpi slt, %add3A_3129, %sign3A_3135 : i32
        %sign3A_3137 = arith.extui %sign3A_3136 : i1 to i32
        %sign3A_3138 = arith.subi %sign3A_3134, %sign3A_3137 : i32
        %sign3A_3139 = arith.constant 0 : i32
        %sign3A_3140 = arith.cmpi sgt, %jit3A_3130, %sign3A_3139 : i32
        %sign3A_3141 = arith.extui %sign3A_3140 : i1 to i32
        %sign3A_3142 = arith.constant 0 : i32
        %sign3A_3143 = arith.cmpi slt, %jit3A_3130, %sign3A_3142 : i32
        %sign3A_3144 = arith.extui %sign3A_3143 : i1 to i32
        %sign3A_3145 = arith.subi %sign3A_3141, %sign3A_3144 : i32
        %ne3A_3146 = arith.cmpi ne, %sign3A_3138, %sign3A_3145 : i32
        %rem3A_3147 = arith.remsi %add3A_3129, %jit3A_3130 : i32
        %ne3A_3148 = arith.constant 0 : i32
        %ne3A_3149 = arith.cmpi ne, %rem3A_3147, %ne3A_3148 : i32
        %and3A_3150 = arith.andi %ne3A_3146, %ne3A_3149 : i1
        %sub3A_3151 = arith.constant 1 : i32
        %sub3A_3152 = arith.subi %div3A_3131, %sub3A_3151 : i32
        %select_n3A_3153 = arith.select %and3A_3150, %sub3A_3152, %div3A_3131 : i32
        %mul3A_3154 = arith.constant 16 : i32
        %mul3A_3155 = arith.muli %add3A_2725, %mul3A_3154 : i32
        %add3A_3156 = arith.constant 8 : i32
        %add3A_3157 = arith.addi %mul3A_3155, %add3A_3156 : i32
        %jit3A_3158 = arith.constant 2 : i32
        %eq3A_3159 = arith.constant 0 : i32
        %eq3A_3160 = arith.cmpi eq, %jit3A_3158, %eq3A_3159 : i32
        %jit3A_3161 = arith.constant 1 : i32
        %select_n3A_3162 = arith.select %eq3A_3160, %jit3A_3161, %jit3A_3158 : i32
        %rem3A_3163 = arith.remsi %add3A_3157, %select_n3A_3162 : i32
        %ne3A_3164 = arith.constant 0 : i32
        %ne3A_3165 = arith.cmpi ne, %rem3A_3163, %ne3A_3164 : i32
        %lt3A_3166 = arith.constant 0 : i32
        %lt3A_3167 = arith.cmpi slt, %rem3A_3163, %lt3A_3166 : i32
        %lt3A_3168 = arith.constant 0 : i32
        %lt3A_3169 = arith.cmpi slt, %select_n3A_3162, %lt3A_3168 : i32
        %ne3A_3170 = arith.xori %lt3A_3167, %lt3A_3169 : i1
        %and3A_3171 = arith.andi %ne3A_3170, %ne3A_3165 : i1
        %add3A_3172 = arith.addi %rem3A_3163, %select_n3A_3162 : i32
        %select_n3A_3173 = arith.select %and3A_3171, %add3A_3172, %rem3A_3163 : i32
        %mul3A_3174 = arith.constant 64 : i32
        %mul3A_3175 = arith.muli %select_n3A_3173, %mul3A_3174 : i32
        %mul3A_3176 = arith.constant 16 : i32
        %mul3A_3177 = arith.muli %add3A_2725, %mul3A_3176 : i32
        %add3A_3178 = arith.constant 9 : i32
        %add3A_3179 = arith.addi %mul3A_3177, %add3A_3178 : i32
        %jit3A_3180 = arith.constant 2 : i32
        %div3A_3181 = arith.divsi %add3A_3179, %jit3A_3180 : i32
        %sign3A_3182 = arith.constant 0 : i32
        %sign3A_3183 = arith.cmpi sgt, %add3A_3179, %sign3A_3182 : i32
        %sign3A_3184 = arith.extui %sign3A_3183 : i1 to i32
        %sign3A_3185 = arith.constant 0 : i32
        %sign3A_3186 = arith.cmpi slt, %add3A_3179, %sign3A_3185 : i32
        %sign3A_3187 = arith.extui %sign3A_3186 : i1 to i32
        %sign3A_3188 = arith.subi %sign3A_3184, %sign3A_3187 : i32
        %sign3A_3189 = arith.constant 0 : i32
        %sign3A_3190 = arith.cmpi sgt, %jit3A_3180, %sign3A_3189 : i32
        %sign3A_3191 = arith.extui %sign3A_3190 : i1 to i32
        %sign3A_3192 = arith.constant 0 : i32
        %sign3A_3193 = arith.cmpi slt, %jit3A_3180, %sign3A_3192 : i32
        %sign3A_3194 = arith.extui %sign3A_3193 : i1 to i32
        %sign3A_3195 = arith.subi %sign3A_3191, %sign3A_3194 : i32
        %ne3A_3196 = arith.cmpi ne, %sign3A_3188, %sign3A_3195 : i32
        %rem3A_3197 = arith.remsi %add3A_3179, %jit3A_3180 : i32
        %ne3A_3198 = arith.constant 0 : i32
        %ne3A_3199 = arith.cmpi ne, %rem3A_3197, %ne3A_3198 : i32
        %and3A_3200 = arith.andi %ne3A_3196, %ne3A_3199 : i1
        %sub3A_3201 = arith.constant 1 : i32
        %sub3A_3202 = arith.subi %div3A_3181, %sub3A_3201 : i32
        %select_n3A_3203 = arith.select %and3A_3200, %sub3A_3202, %div3A_3181 : i32
        %mul3A_3204 = arith.constant 16 : i32
        %mul3A_3205 = arith.muli %add3A_2725, %mul3A_3204 : i32
        %add3A_3206 = arith.constant 9 : i32
        %add3A_3207 = arith.addi %mul3A_3205, %add3A_3206 : i32
        %jit3A_3208 = arith.constant 2 : i32
        %eq3A_3209 = arith.constant 0 : i32
        %eq3A_3210 = arith.cmpi eq, %jit3A_3208, %eq3A_3209 : i32
        %jit3A_3211 = arith.constant 1 : i32
        %select_n3A_3212 = arith.select %eq3A_3210, %jit3A_3211, %jit3A_3208 : i32
        %rem3A_3213 = arith.remsi %add3A_3207, %select_n3A_3212 : i32
        %ne3A_3214 = arith.constant 0 : i32
        %ne3A_3215 = arith.cmpi ne, %rem3A_3213, %ne3A_3214 : i32
        %lt3A_3216 = arith.constant 0 : i32
        %lt3A_3217 = arith.cmpi slt, %rem3A_3213, %lt3A_3216 : i32
        %lt3A_3218 = arith.constant 0 : i32
        %lt3A_3219 = arith.cmpi slt, %select_n3A_3212, %lt3A_3218 : i32
        %ne3A_3220 = arith.xori %lt3A_3217, %lt3A_3219 : i1
        %and3A_3221 = arith.andi %ne3A_3220, %ne3A_3215 : i1
        %add3A_3222 = arith.addi %rem3A_3213, %select_n3A_3212 : i32
        %select_n3A_3223 = arith.select %and3A_3221, %add3A_3222, %rem3A_3213 : i32
        %mul3A_3224 = arith.constant 64 : i32
        %mul3A_3225 = arith.muli %select_n3A_3223, %mul3A_3224 : i32
        %mul3A_3226 = arith.constant 16 : i32
        %mul3A_3227 = arith.muli %add3A_2725, %mul3A_3226 : i32
        %add3A_3228 = arith.constant 10 : i32
        %add3A_3229 = arith.addi %mul3A_3227, %add3A_3228 : i32
        %jit3A_3230 = arith.constant 2 : i32
        %div3A_3231 = arith.divsi %add3A_3229, %jit3A_3230 : i32
        %sign3A_3232 = arith.constant 0 : i32
        %sign3A_3233 = arith.cmpi sgt, %add3A_3229, %sign3A_3232 : i32
        %sign3A_3234 = arith.extui %sign3A_3233 : i1 to i32
        %sign3A_3235 = arith.constant 0 : i32
        %sign3A_3236 = arith.cmpi slt, %add3A_3229, %sign3A_3235 : i32
        %sign3A_3237 = arith.extui %sign3A_3236 : i1 to i32
        %sign3A_3238 = arith.subi %sign3A_3234, %sign3A_3237 : i32
        %sign3A_3239 = arith.constant 0 : i32
        %sign3A_3240 = arith.cmpi sgt, %jit3A_3230, %sign3A_3239 : i32
        %sign3A_3241 = arith.extui %sign3A_3240 : i1 to i32
        %sign3A_3242 = arith.constant 0 : i32
        %sign3A_3243 = arith.cmpi slt, %jit3A_3230, %sign3A_3242 : i32
        %sign3A_3244 = arith.extui %sign3A_3243 : i1 to i32
        %sign3A_3245 = arith.subi %sign3A_3241, %sign3A_3244 : i32
        %ne3A_3246 = arith.cmpi ne, %sign3A_3238, %sign3A_3245 : i32
        %rem3A_3247 = arith.remsi %add3A_3229, %jit3A_3230 : i32
        %ne3A_3248 = arith.constant 0 : i32
        %ne3A_3249 = arith.cmpi ne, %rem3A_3247, %ne3A_3248 : i32
        %and3A_3250 = arith.andi %ne3A_3246, %ne3A_3249 : i1
        %sub3A_3251 = arith.constant 1 : i32
        %sub3A_3252 = arith.subi %div3A_3231, %sub3A_3251 : i32
        %select_n3A_3253 = arith.select %and3A_3250, %sub3A_3252, %div3A_3231 : i32
        %mul3A_3254 = arith.constant 16 : i32
        %mul3A_3255 = arith.muli %add3A_2725, %mul3A_3254 : i32
        %add3A_3256 = arith.constant 10 : i32
        %add3A_3257 = arith.addi %mul3A_3255, %add3A_3256 : i32
        %jit3A_3258 = arith.constant 2 : i32
        %eq3A_3259 = arith.constant 0 : i32
        %eq3A_3260 = arith.cmpi eq, %jit3A_3258, %eq3A_3259 : i32
        %jit3A_3261 = arith.constant 1 : i32
        %select_n3A_3262 = arith.select %eq3A_3260, %jit3A_3261, %jit3A_3258 : i32
        %rem3A_3263 = arith.remsi %add3A_3257, %select_n3A_3262 : i32
        %ne3A_3264 = arith.constant 0 : i32
        %ne3A_3265 = arith.cmpi ne, %rem3A_3263, %ne3A_3264 : i32
        %lt3A_3266 = arith.constant 0 : i32
        %lt3A_3267 = arith.cmpi slt, %rem3A_3263, %lt3A_3266 : i32
        %lt3A_3268 = arith.constant 0 : i32
        %lt3A_3269 = arith.cmpi slt, %select_n3A_3262, %lt3A_3268 : i32
        %ne3A_3270 = arith.xori %lt3A_3267, %lt3A_3269 : i1
        %and3A_3271 = arith.andi %ne3A_3270, %ne3A_3265 : i1
        %add3A_3272 = arith.addi %rem3A_3263, %select_n3A_3262 : i32
        %select_n3A_3273 = arith.select %and3A_3271, %add3A_3272, %rem3A_3263 : i32
        %mul3A_3274 = arith.constant 64 : i32
        %mul3A_3275 = arith.muli %select_n3A_3273, %mul3A_3274 : i32
        %mul3A_3276 = arith.constant 16 : i32
        %mul3A_3277 = arith.muli %add3A_2725, %mul3A_3276 : i32
        %add3A_3278 = arith.constant 11 : i32
        %add3A_3279 = arith.addi %mul3A_3277, %add3A_3278 : i32
        %jit3A_3280 = arith.constant 2 : i32
        %div3A_3281 = arith.divsi %add3A_3279, %jit3A_3280 : i32
        %sign3A_3282 = arith.constant 0 : i32
        %sign3A_3283 = arith.cmpi sgt, %add3A_3279, %sign3A_3282 : i32
        %sign3A_3284 = arith.extui %sign3A_3283 : i1 to i32
        %sign3A_3285 = arith.constant 0 : i32
        %sign3A_3286 = arith.cmpi slt, %add3A_3279, %sign3A_3285 : i32
        %sign3A_3287 = arith.extui %sign3A_3286 : i1 to i32
        %sign3A_3288 = arith.subi %sign3A_3284, %sign3A_3287 : i32
        %sign3A_3289 = arith.constant 0 : i32
        %sign3A_3290 = arith.cmpi sgt, %jit3A_3280, %sign3A_3289 : i32
        %sign3A_3291 = arith.extui %sign3A_3290 : i1 to i32
        %sign3A_3292 = arith.constant 0 : i32
        %sign3A_3293 = arith.cmpi slt, %jit3A_3280, %sign3A_3292 : i32
        %sign3A_3294 = arith.extui %sign3A_3293 : i1 to i32
        %sign3A_3295 = arith.subi %sign3A_3291, %sign3A_3294 : i32
        %ne3A_3296 = arith.cmpi ne, %sign3A_3288, %sign3A_3295 : i32
        %rem3A_3297 = arith.remsi %add3A_3279, %jit3A_3280 : i32
        %ne3A_3298 = arith.constant 0 : i32
        %ne3A_3299 = arith.cmpi ne, %rem3A_3297, %ne3A_3298 : i32
        %and3A_3300 = arith.andi %ne3A_3296, %ne3A_3299 : i1
        %sub3A_3301 = arith.constant 1 : i32
        %sub3A_3302 = arith.subi %div3A_3281, %sub3A_3301 : i32
        %select_n3A_3303 = arith.select %and3A_3300, %sub3A_3302, %div3A_3281 : i32
        %mul3A_3304 = arith.constant 16 : i32
        %mul3A_3305 = arith.muli %add3A_2725, %mul3A_3304 : i32
        %add3A_3306 = arith.constant 11 : i32
        %add3A_3307 = arith.addi %mul3A_3305, %add3A_3306 : i32
        %jit3A_3308 = arith.constant 2 : i32
        %eq3A_3309 = arith.constant 0 : i32
        %eq3A_3310 = arith.cmpi eq, %jit3A_3308, %eq3A_3309 : i32
        %jit3A_3311 = arith.constant 1 : i32
        %select_n3A_3312 = arith.select %eq3A_3310, %jit3A_3311, %jit3A_3308 : i32
        %rem3A_3313 = arith.remsi %add3A_3307, %select_n3A_3312 : i32
        %ne3A_3314 = arith.constant 0 : i32
        %ne3A_3315 = arith.cmpi ne, %rem3A_3313, %ne3A_3314 : i32
        %lt3A_3316 = arith.constant 0 : i32
        %lt3A_3317 = arith.cmpi slt, %rem3A_3313, %lt3A_3316 : i32
        %lt3A_3318 = arith.constant 0 : i32
        %lt3A_3319 = arith.cmpi slt, %select_n3A_3312, %lt3A_3318 : i32
        %ne3A_3320 = arith.xori %lt3A_3317, %lt3A_3319 : i1
        %and3A_3321 = arith.andi %ne3A_3320, %ne3A_3315 : i1
        %add3A_3322 = arith.addi %rem3A_3313, %select_n3A_3312 : i32
        %select_n3A_3323 = arith.select %and3A_3321, %add3A_3322, %rem3A_3313 : i32
        %mul3A_3324 = arith.constant 64 : i32
        %mul3A_3325 = arith.muli %select_n3A_3323, %mul3A_3324 : i32
        %mul3A_3326 = arith.constant 16 : i32
        %mul3A_3327 = arith.muli %add3A_2725, %mul3A_3326 : i32
        %add3A_3328 = arith.constant 12 : i32
        %add3A_3329 = arith.addi %mul3A_3327, %add3A_3328 : i32
        %jit3A_3330 = arith.constant 2 : i32
        %div3A_3331 = arith.divsi %add3A_3329, %jit3A_3330 : i32
        %sign3A_3332 = arith.constant 0 : i32
        %sign3A_3333 = arith.cmpi sgt, %add3A_3329, %sign3A_3332 : i32
        %sign3A_3334 = arith.extui %sign3A_3333 : i1 to i32
        %sign3A_3335 = arith.constant 0 : i32
        %sign3A_3336 = arith.cmpi slt, %add3A_3329, %sign3A_3335 : i32
        %sign3A_3337 = arith.extui %sign3A_3336 : i1 to i32
        %sign3A_3338 = arith.subi %sign3A_3334, %sign3A_3337 : i32
        %sign3A_3339 = arith.constant 0 : i32
        %sign3A_3340 = arith.cmpi sgt, %jit3A_3330, %sign3A_3339 : i32
        %sign3A_3341 = arith.extui %sign3A_3340 : i1 to i32
        %sign3A_3342 = arith.constant 0 : i32
        %sign3A_3343 = arith.cmpi slt, %jit3A_3330, %sign3A_3342 : i32
        %sign3A_3344 = arith.extui %sign3A_3343 : i1 to i32
        %sign3A_3345 = arith.subi %sign3A_3341, %sign3A_3344 : i32
        %ne3A_3346 = arith.cmpi ne, %sign3A_3338, %sign3A_3345 : i32
        %rem3A_3347 = arith.remsi %add3A_3329, %jit3A_3330 : i32
        %ne3A_3348 = arith.constant 0 : i32
        %ne3A_3349 = arith.cmpi ne, %rem3A_3347, %ne3A_3348 : i32
        %and3A_3350 = arith.andi %ne3A_3346, %ne3A_3349 : i1
        %sub3A_3351 = arith.constant 1 : i32
        %sub3A_3352 = arith.subi %div3A_3331, %sub3A_3351 : i32
        %select_n3A_3353 = arith.select %and3A_3350, %sub3A_3352, %div3A_3331 : i32
        %mul3A_3354 = arith.constant 16 : i32
        %mul3A_3355 = arith.muli %add3A_2725, %mul3A_3354 : i32
        %add3A_3356 = arith.constant 12 : i32
        %add3A_3357 = arith.addi %mul3A_3355, %add3A_3356 : i32
        %jit3A_3358 = arith.constant 2 : i32
        %eq3A_3359 = arith.constant 0 : i32
        %eq3A_3360 = arith.cmpi eq, %jit3A_3358, %eq3A_3359 : i32
        %jit3A_3361 = arith.constant 1 : i32
        %select_n3A_3362 = arith.select %eq3A_3360, %jit3A_3361, %jit3A_3358 : i32
        %rem3A_3363 = arith.remsi %add3A_3357, %select_n3A_3362 : i32
        %ne3A_3364 = arith.constant 0 : i32
        %ne3A_3365 = arith.cmpi ne, %rem3A_3363, %ne3A_3364 : i32
        %lt3A_3366 = arith.constant 0 : i32
        %lt3A_3367 = arith.cmpi slt, %rem3A_3363, %lt3A_3366 : i32
        %lt3A_3368 = arith.constant 0 : i32
        %lt3A_3369 = arith.cmpi slt, %select_n3A_3362, %lt3A_3368 : i32
        %ne3A_3370 = arith.xori %lt3A_3367, %lt3A_3369 : i1
        %and3A_3371 = arith.andi %ne3A_3370, %ne3A_3365 : i1
        %add3A_3372 = arith.addi %rem3A_3363, %select_n3A_3362 : i32
        %select_n3A_3373 = arith.select %and3A_3371, %add3A_3372, %rem3A_3363 : i32
        %mul3A_3374 = arith.constant 64 : i32
        %mul3A_3375 = arith.muli %select_n3A_3373, %mul3A_3374 : i32
        %mul3A_3376 = arith.constant 16 : i32
        %mul3A_3377 = arith.muli %add3A_2725, %mul3A_3376 : i32
        %add3A_3378 = arith.constant 13 : i32
        %add3A_3379 = arith.addi %mul3A_3377, %add3A_3378 : i32
        %jit3A_3380 = arith.constant 2 : i32
        %div3A_3381 = arith.divsi %add3A_3379, %jit3A_3380 : i32
        %sign3A_3382 = arith.constant 0 : i32
        %sign3A_3383 = arith.cmpi sgt, %add3A_3379, %sign3A_3382 : i32
        %sign3A_3384 = arith.extui %sign3A_3383 : i1 to i32
        %sign3A_3385 = arith.constant 0 : i32
        %sign3A_3386 = arith.cmpi slt, %add3A_3379, %sign3A_3385 : i32
        %sign3A_3387 = arith.extui %sign3A_3386 : i1 to i32
        %sign3A_3388 = arith.subi %sign3A_3384, %sign3A_3387 : i32
        %sign3A_3389 = arith.constant 0 : i32
        %sign3A_3390 = arith.cmpi sgt, %jit3A_3380, %sign3A_3389 : i32
        %sign3A_3391 = arith.extui %sign3A_3390 : i1 to i32
        %sign3A_3392 = arith.constant 0 : i32
        %sign3A_3393 = arith.cmpi slt, %jit3A_3380, %sign3A_3392 : i32
        %sign3A_3394 = arith.extui %sign3A_3393 : i1 to i32
        %sign3A_3395 = arith.subi %sign3A_3391, %sign3A_3394 : i32
        %ne3A_3396 = arith.cmpi ne, %sign3A_3388, %sign3A_3395 : i32
        %rem3A_3397 = arith.remsi %add3A_3379, %jit3A_3380 : i32
        %ne3A_3398 = arith.constant 0 : i32
        %ne3A_3399 = arith.cmpi ne, %rem3A_3397, %ne3A_3398 : i32
        %and3A_3400 = arith.andi %ne3A_3396, %ne3A_3399 : i1
        %sub3A_3401 = arith.constant 1 : i32
        %sub3A_3402 = arith.subi %div3A_3381, %sub3A_3401 : i32
        %select_n3A_3403 = arith.select %and3A_3400, %sub3A_3402, %div3A_3381 : i32
        %mul3A_3404 = arith.constant 16 : i32
        %mul3A_3405 = arith.muli %add3A_2725, %mul3A_3404 : i32
        %add3A_3406 = arith.constant 13 : i32
        %add3A_3407 = arith.addi %mul3A_3405, %add3A_3406 : i32
        %jit3A_3408 = arith.constant 2 : i32
        %eq3A_3409 = arith.constant 0 : i32
        %eq3A_3410 = arith.cmpi eq, %jit3A_3408, %eq3A_3409 : i32
        %jit3A_3411 = arith.constant 1 : i32
        %select_n3A_3412 = arith.select %eq3A_3410, %jit3A_3411, %jit3A_3408 : i32
        %rem3A_3413 = arith.remsi %add3A_3407, %select_n3A_3412 : i32
        %ne3A_3414 = arith.constant 0 : i32
        %ne3A_3415 = arith.cmpi ne, %rem3A_3413, %ne3A_3414 : i32
        %lt3A_3416 = arith.constant 0 : i32
        %lt3A_3417 = arith.cmpi slt, %rem3A_3413, %lt3A_3416 : i32
        %lt3A_3418 = arith.constant 0 : i32
        %lt3A_3419 = arith.cmpi slt, %select_n3A_3412, %lt3A_3418 : i32
        %ne3A_3420 = arith.xori %lt3A_3417, %lt3A_3419 : i1
        %and3A_3421 = arith.andi %ne3A_3420, %ne3A_3415 : i1
        %add3A_3422 = arith.addi %rem3A_3413, %select_n3A_3412 : i32
        %select_n3A_3423 = arith.select %and3A_3421, %add3A_3422, %rem3A_3413 : i32
        %mul3A_3424 = arith.constant 64 : i32
        %mul3A_3425 = arith.muli %select_n3A_3423, %mul3A_3424 : i32
        %mul3A_3426 = arith.constant 16 : i32
        %mul3A_3427 = arith.muli %add3A_2725, %mul3A_3426 : i32
        %add3A_3428 = arith.constant 14 : i32
        %add3A_3429 = arith.addi %mul3A_3427, %add3A_3428 : i32
        %jit3A_3430 = arith.constant 2 : i32
        %div3A_3431 = arith.divsi %add3A_3429, %jit3A_3430 : i32
        %sign3A_3432 = arith.constant 0 : i32
        %sign3A_3433 = arith.cmpi sgt, %add3A_3429, %sign3A_3432 : i32
        %sign3A_3434 = arith.extui %sign3A_3433 : i1 to i32
        %sign3A_3435 = arith.constant 0 : i32
        %sign3A_3436 = arith.cmpi slt, %add3A_3429, %sign3A_3435 : i32
        %sign3A_3437 = arith.extui %sign3A_3436 : i1 to i32
        %sign3A_3438 = arith.subi %sign3A_3434, %sign3A_3437 : i32
        %sign3A_3439 = arith.constant 0 : i32
        %sign3A_3440 = arith.cmpi sgt, %jit3A_3430, %sign3A_3439 : i32
        %sign3A_3441 = arith.extui %sign3A_3440 : i1 to i32
        %sign3A_3442 = arith.constant 0 : i32
        %sign3A_3443 = arith.cmpi slt, %jit3A_3430, %sign3A_3442 : i32
        %sign3A_3444 = arith.extui %sign3A_3443 : i1 to i32
        %sign3A_3445 = arith.subi %sign3A_3441, %sign3A_3444 : i32
        %ne3A_3446 = arith.cmpi ne, %sign3A_3438, %sign3A_3445 : i32
        %rem3A_3447 = arith.remsi %add3A_3429, %jit3A_3430 : i32
        %ne3A_3448 = arith.constant 0 : i32
        %ne3A_3449 = arith.cmpi ne, %rem3A_3447, %ne3A_3448 : i32
        %and3A_3450 = arith.andi %ne3A_3446, %ne3A_3449 : i1
        %sub3A_3451 = arith.constant 1 : i32
        %sub3A_3452 = arith.subi %div3A_3431, %sub3A_3451 : i32
        %select_n3A_3453 = arith.select %and3A_3450, %sub3A_3452, %div3A_3431 : i32
        %mul3A_3454 = arith.constant 16 : i32
        %mul3A_3455 = arith.muli %add3A_2725, %mul3A_3454 : i32
        %add3A_3456 = arith.constant 14 : i32
        %add3A_3457 = arith.addi %mul3A_3455, %add3A_3456 : i32
        %jit3A_3458 = arith.constant 2 : i32
        %eq3A_3459 = arith.constant 0 : i32
        %eq3A_3460 = arith.cmpi eq, %jit3A_3458, %eq3A_3459 : i32
        %jit3A_3461 = arith.constant 1 : i32
        %select_n3A_3462 = arith.select %eq3A_3460, %jit3A_3461, %jit3A_3458 : i32
        %rem3A_3463 = arith.remsi %add3A_3457, %select_n3A_3462 : i32
        %ne3A_3464 = arith.constant 0 : i32
        %ne3A_3465 = arith.cmpi ne, %rem3A_3463, %ne3A_3464 : i32
        %lt3A_3466 = arith.constant 0 : i32
        %lt3A_3467 = arith.cmpi slt, %rem3A_3463, %lt3A_3466 : i32
        %lt3A_3468 = arith.constant 0 : i32
        %lt3A_3469 = arith.cmpi slt, %select_n3A_3462, %lt3A_3468 : i32
        %ne3A_3470 = arith.xori %lt3A_3467, %lt3A_3469 : i1
        %and3A_3471 = arith.andi %ne3A_3470, %ne3A_3465 : i1
        %add3A_3472 = arith.addi %rem3A_3463, %select_n3A_3462 : i32
        %select_n3A_3473 = arith.select %and3A_3471, %add3A_3472, %rem3A_3463 : i32
        %mul3A_3474 = arith.constant 64 : i32
        %mul3A_3475 = arith.muli %select_n3A_3473, %mul3A_3474 : i32
        %mul3A_3476 = arith.constant 16 : i32
        %mul3A_3477 = arith.muli %add3A_2725, %mul3A_3476 : i32
        %add3A_3478 = arith.constant 15 : i32
        %add3A_3479 = arith.addi %mul3A_3477, %add3A_3478 : i32
        %jit3A_3480 = arith.constant 2 : i32
        %div3A_3481 = arith.divsi %add3A_3479, %jit3A_3480 : i32
        %sign3A_3482 = arith.constant 0 : i32
        %sign3A_3483 = arith.cmpi sgt, %add3A_3479, %sign3A_3482 : i32
        %sign3A_3484 = arith.extui %sign3A_3483 : i1 to i32
        %sign3A_3485 = arith.constant 0 : i32
        %sign3A_3486 = arith.cmpi slt, %add3A_3479, %sign3A_3485 : i32
        %sign3A_3487 = arith.extui %sign3A_3486 : i1 to i32
        %sign3A_3488 = arith.subi %sign3A_3484, %sign3A_3487 : i32
        %sign3A_3489 = arith.constant 0 : i32
        %sign3A_3490 = arith.cmpi sgt, %jit3A_3480, %sign3A_3489 : i32
        %sign3A_3491 = arith.extui %sign3A_3490 : i1 to i32
        %sign3A_3492 = arith.constant 0 : i32
        %sign3A_3493 = arith.cmpi slt, %jit3A_3480, %sign3A_3492 : i32
        %sign3A_3494 = arith.extui %sign3A_3493 : i1 to i32
        %sign3A_3495 = arith.subi %sign3A_3491, %sign3A_3494 : i32
        %ne3A_3496 = arith.cmpi ne, %sign3A_3488, %sign3A_3495 : i32
        %rem3A_3497 = arith.remsi %add3A_3479, %jit3A_3480 : i32
        %ne3A_3498 = arith.constant 0 : i32
        %ne3A_3499 = arith.cmpi ne, %rem3A_3497, %ne3A_3498 : i32
        %and3A_3500 = arith.andi %ne3A_3496, %ne3A_3499 : i1
        %sub3A_3501 = arith.constant 1 : i32
        %sub3A_3502 = arith.subi %div3A_3481, %sub3A_3501 : i32
        %select_n3A_3503 = arith.select %and3A_3500, %sub3A_3502, %div3A_3481 : i32
        %mul3A_3504 = arith.constant 16 : i32
        %mul3A_3505 = arith.muli %add3A_2725, %mul3A_3504 : i32
        %add3A_3506 = arith.constant 15 : i32
        %add3A_3507 = arith.addi %mul3A_3505, %add3A_3506 : i32
        %jit3A_3508 = arith.constant 2 : i32
        %eq3A_3509 = arith.constant 0 : i32
        %eq3A_3510 = arith.cmpi eq, %jit3A_3508, %eq3A_3509 : i32
        %jit3A_3511 = arith.constant 1 : i32
        %select_n3A_3512 = arith.select %eq3A_3510, %jit3A_3511, %jit3A_3508 : i32
        %rem3A_3513 = arith.remsi %add3A_3507, %select_n3A_3512 : i32
        %ne3A_3514 = arith.constant 0 : i32
        %ne3A_3515 = arith.cmpi ne, %rem3A_3513, %ne3A_3514 : i32
        %lt3A_3516 = arith.constant 0 : i32
        %lt3A_3517 = arith.cmpi slt, %rem3A_3513, %lt3A_3516 : i32
        %lt3A_3518 = arith.constant 0 : i32
        %lt3A_3519 = arith.cmpi slt, %select_n3A_3512, %lt3A_3518 : i32
        %ne3A_3520 = arith.xori %lt3A_3517, %lt3A_3519 : i1
        %and3A_3521 = arith.andi %ne3A_3520, %ne3A_3515 : i1
        %add3A_3522 = arith.addi %rem3A_3513, %select_n3A_3512 : i32
        %select_n3A_3523 = arith.select %and3A_3521, %add3A_3522, %rem3A_3513 : i32
        %mul3A_3524 = arith.constant 64 : i32
        %mul3A_3525 = arith.muli %select_n3A_3523, %mul3A_3524 : i32
        %dma_start3A_3526 = arith.constant 1 : i32
        %dma_start3A_3527 = arith.constant 0 : i32
        %dma_start3A_3528 = arith.constant 0 : i32
        %dma_start3A_3529 = arith.constant 0 : i32
        %dma_start3A_3530 = arith.constant 0 : i32
        %dma_start3A_3531 = tpu.memref_slice %arg6[%dma_start3A_3526, %dma_start3A_3528, %dma_start3A_3529, %dma_start3A_3530] : memref<2x16x56x64xf32, #tpu.memory_space<vmem>> -> memref<1x16x56x64xf32, #tpu.memory_space<vmem>>
        %dma_start3A_3532 = tpu.memref_squeeze %dma_start3A_3531 : memref<1x16x56x64xf32, #tpu.memory_space<vmem>> -> memref<16x56x64xf32, #tpu.memory_space<vmem>>
        %dma_start3A_3533 = arith.constant 0 : i32
        %dma_start3A_3534 = arith.constant 0 : i32
        %dma_start3A_3535 = tpu.memref_slice %dma_start3A_3532[%dma_start3A_3527, %dma_start3A_3533, %dma_start3A_3534] : memref<16x56x64xf32, #tpu.memory_space<vmem>> -> memref<1x56x64xf32, #tpu.memory_space<vmem>>
        %dma_start3A_3536 = tpu.memref_squeeze %dma_start3A_3535 : memref<1x56x64xf32, #tpu.memory_space<vmem>> -> memref<56x64xf32, #tpu.memory_space<vmem>>
        %dma_start3A_3537 = arith.constant 0 : i32
        %dma_start3A_3538 = arith.constant 0 : i32
        %dma_start3A_3539 = tpu.memref_slice %dma_start3A_3536[%dma_start3A_3537, %dma_start3A_3538] : memref<56x64xf32, #tpu.memory_space<vmem>> -> memref<50x64xf32, #tpu.memory_space<vmem>>
        %dma_start3A_3540 = arith.constant 0 : i32
        %dma_start3A_3541 = tpu.memref_slice %arg5[%select_n3A_2753, %dma_start3A_3540] : memref<64x128xi32, #tpu.memory_space<vmem>> -> memref<1x128xi32, #tpu.memory_space<vmem>>
        %dma_start3A_3542 = tpu.memref_squeeze %dma_start3A_3541 : memref<1x128xi32, #tpu.memory_space<vmem>> -> memref<128xi32, #tpu.memory_space<vmem>>
        %dma_start3A_3543 = tpu.memref_slice %dma_start3A_3542[%mul3A_2775] : memref<128xi32, #tpu.memory_space<vmem>> -> memref<50xi32, #tpu.memory_space<vmem>>
        %dma_start3A_3544 = arith.constant 0 : i32
        %dma_start3A_3545 = arith.constant 0 : i32
        %dma_start3A_3546 = tpu.memref_slice %arg3[%dma_start3A_3544, %dma_start3A_3545] : memref<100000x64xf32, #tpu.memory_space<hbm>> -> memref<100000x64xf32, #tpu.memory_space<hbm>>
        tpu.enqueue_indirect_dma source(%dma_start3A_3546 : memref<100000x64xf32, #tpu.memory_space<hbm>>) target(%dma_start3A_3539 : memref<50x64xf32, #tpu.memory_space<vmem>>) offsets(%dma_start3A_3543 : memref<50xi32, #tpu.memory_space<vmem>>) semaphore(%arg8 : memref<!tpu.dma_semaphore, #tpu.memory_space<semaphore_mem>>)
        %dma_start3A_3547 = arith.constant 1 : i32
        %dma_start3A_3548 = arith.constant 1 : i32
        %dma_start3A_3549 = arith.constant 0 : i32
        %dma_start3A_3550 = arith.constant 0 : i32
        %dma_start3A_3551 = arith.constant 0 : i32
        %dma_start3A_3552 = tpu.memref_slice %arg6[%dma_start3A_3547, %dma_start3A_3549, %dma_start3A_3550, %dma_start3A_3551] : memref<2x16x56x64xf32, #tpu.memory_space<vmem>> -> memref<1x16x56x64xf32, #tpu.memory_space<vmem>>
        %dma_start3A_3553 = tpu.memref_squeeze %dma_start3A_3552 : memref<1x16x56x64xf32, #tpu.memory_space<vmem>> -> memref<16x56x64xf32, #tpu.memory_space<vmem>>
        %dma_start3A_3554 = arith.constant 0 : i32
        %dma_start3A_3555 = arith.constant 0 : i32
        %dma_start3A_3556 = tpu.memref_slice %dma_start3A_3553[%dma_start3A_3548, %dma_start3A_3554, %dma_start3A_3555] : memref<16x56x64xf32, #tpu.memory_space<vmem>> -> memref<1x56x64xf32, #tpu.memory_space<vmem>>
        %dma_start3A_3557 = tpu.memref_squeeze %dma_start3A_3556 : memref<1x56x64xf32, #tpu.memory_space<vmem>> -> memref<56x64xf32, #tpu.memory_space<vmem>>
        %dma_start3A_3558 = arith.constant 0 : i32
        %dma_start3A_3559 = arith.constant 0 : i32
        %dma_start3A_3560 = tpu.memref_slice %dma_start3A_3557[%dma_start3A_3558, %dma_start3A_3559] : memref<56x64xf32, #tpu.memory_space<vmem>> -> memref<50x64xf32, #tpu.memory_space<vmem>>
        %dma_start3A_3561 = arith.constant 0 : i32
        %dma_start3A_3562 = tpu.memref_slice %arg5[%select_n3A_2803, %dma_start3A_3561] : memref<64x128xi32, #tpu.memory_space<vmem>> -> memref<1x128xi32, #tpu.memory_space<vmem>>
        %dma_start3A_3563 = tpu.memref_squeeze %dma_start3A_3562 : memref<1x128xi32, #tpu.memory_space<vmem>> -> memref<128xi32, #tpu.memory_space<vmem>>
        %dma_start3A_3564 = tpu.memref_slice %dma_start3A_3563[%mul3A_2825] : memref<128xi32, #tpu.memory_space<vmem>> -> memref<50xi32, #tpu.memory_space<vmem>>
        %dma_start3A_3565 = arith.constant 0 : i32
        %dma_start3A_3566 = arith.constant 0 : i32
        %dma_start3A_3567 = tpu.memref_slice %arg3[%dma_start3A_3565, %dma_start3A_3566] : memref<100000x64xf32, #tpu.memory_space<hbm>> -> memref<100000x64xf32, #tpu.memory_space<hbm>>
        tpu.enqueue_indirect_dma source(%dma_start3A_3567 : memref<100000x64xf32, #tpu.memory_space<hbm>>) target(%dma_start3A_3560 : memref<50x64xf32, #tpu.memory_space<vmem>>) offsets(%dma_start3A_3564 : memref<50xi32, #tpu.memory_space<vmem>>) semaphore(%arg8 : memref<!tpu.dma_semaphore, #tpu.memory_space<semaphore_mem>>)
        %dma_start3A_3568 = arith.constant 1 : i32
        %dma_start3A_3569 = arith.constant 2 : i32
        %dma_start3A_3570 = arith.constant 0 : i32
        %dma_start3A_3571 = arith.constant 0 : i32
        %dma_start3A_3572 = arith.constant 0 : i32
        %dma_start3A_3573 = tpu.memref_slice %arg6[%dma_start3A_3568, %dma_start3A_3570, %dma_start3A_3571, %dma_start3A_3572] : memref<2x16x56x64xf32, #tpu.memory_space<vmem>> -> memref<1x16x56x64xf32, #tpu.memory_space<vmem>>
        %dma_start3A_3574 = tpu.memref_squeeze %dma_start3A_3573 : memref<1x16x56x64xf32, #tpu.memory_space<vmem>> -> memref<16x56x64xf32, #tpu.memory_space<vmem>>
        %dma_start3A_3575 = arith.constant 0 : i32
        %dma_start3A_3576 = arith.constant 0 : i32
        %dma_start3A_3577 = tpu.memref_slice %dma_start3A_3574[%dma_start3A_3569, %dma_start3A_3575, %dma_start3A_3576] : memref<16x56x64xf32, #tpu.memory_space<vmem>> -> memref<1x56x64xf32, #tpu.memory_space<vmem>>
        %dma_start3A_3578 = tpu.memref_squeeze %dma_start3A_3577 : memref<1x56x64xf32, #tpu.memory_space<vmem>> -> memref<56x64xf32, #tpu.memory_space<vmem>>
        %dma_start3A_3579 = arith.constant 0 : i32
        %dma_start3A_3580 = arith.constant 0 : i32
        %dma_start3A_3581 = tpu.memref_slice %dma_start3A_3578[%dma_start3A_3579, %dma_start3A_3580] : memref<56x64xf32, #tpu.memory_space<vmem>> -> memref<50x64xf32, #tpu.memory_space<vmem>>
        %dma_start3A_3582 = arith.constant 0 : i32
        %dma_start3A_3583 = tpu.memref_slice %arg5[%select_n3A_2853, %dma_start3A_3582] : memref<64x128xi32, #tpu.memory_space<vmem>> -> memref<1x128xi32, #tpu.memory_space<vmem>>
        %dma_start3A_3584 = tpu.memref_squeeze %dma_start3A_3583 : memref<1x128xi32, #tpu.memory_space<vmem>> -> memref<128xi32, #tpu.memory_space<vmem>>
        %dma_start3A_3585 = tpu.memref_slice %dma_start3A_3584[%mul3A_2875] : memref<128xi32, #tpu.memory_space<vmem>> -> memref<50xi32, #tpu.memory_space<vmem>>
        %dma_start3A_3586 = arith.constant 0 : i32
        %dma_start3A_3587 = arith.constant 0 : i32
        %dma_start3A_3588 = tpu.memref_slice %arg3[%dma_start3A_3586, %dma_start3A_3587] : memref<100000x64xf32, #tpu.memory_space<hbm>> -> memref<100000x64xf32, #tpu.memory_space<hbm>>
        tpu.enqueue_indirect_dma source(%dma_start3A_3588 : memref<100000x64xf32, #tpu.memory_space<hbm>>) target(%dma_start3A_3581 : memref<50x64xf32, #tpu.memory_space<vmem>>) offsets(%dma_start3A_3585 : memref<50xi32, #tpu.memory_space<vmem>>) semaphore(%arg8 : memref<!tpu.dma_semaphore, #tpu.memory_space<semaphore_mem>>)
        %dma_start3A_3589 = arith.constant 1 : i32
        %dma_start3A_3590 = arith.constant 3 : i32
        %dma_start3A_3591 = arith.constant 0 : i32
        %dma_start3A_3592 = arith.constant 0 : i32
        %dma_start3A_3593 = arith.constant 0 : i32
        %dma_start3A_3594 = tpu.memref_slice %arg6[%dma_start3A_3589, %dma_start3A_3591, %dma_start3A_3592, %dma_start3A_3593] : memref<2x16x56x64xf32, #tpu.memory_space<vmem>> -> memref<1x16x56x64xf32, #tpu.memory_space<vmem>>
        %dma_start3A_3595 = tpu.memref_squeeze %dma_start3A_3594 : memref<1x16x56x64xf32, #tpu.memory_space<vmem>> -> memref<16x56x64xf32, #tpu.memory_space<vmem>>
        %dma_start3A_3596 = arith.constant 0 : i32
        %dma_start3A_3597 = arith.constant 0 : i32
        %dma_start3A_3598 = tpu.memref_slice %dma_start3A_3595[%dma_start3A_3590, %dma_start3A_3596, %dma_start3A_3597] : memref<16x56x64xf32, #tpu.memory_space<vmem>> -> memref<1x56x64xf32, #tpu.memory_space<vmem>>
        %dma_start3A_3599 = tpu.memref_squeeze %dma_start3A_3598 : memref<1x56x64xf32, #tpu.memory_space<vmem>> -> memref<56x64xf32, #tpu.memory_space<vmem>>
        %dma_start3A_3600 = arith.constant 0 : i32
        %dma_start3A_3601 = arith.constant 0 : i32
        %dma_start3A_3602 = tpu.memref_slice %dma_start3A_3599[%dma_start3A_3600, %dma_start3A_3601] : memref<56x64xf32, #tpu.memory_space<vmem>> -> memref<50x64xf32, #tpu.memory_space<vmem>>
        %dma_start3A_3603 = arith.constant 0 : i32
        %dma_start3A_3604 = tpu.memref_slice %arg5[%select_n3A_2903, %dma_start3A_3603] : memref<64x128xi32, #tpu.memory_space<vmem>> -> memref<1x128xi32, #tpu.memory_space<vmem>>
        %dma_start3A_3605 = tpu.memref_squeeze %dma_start3A_3604 : memref<1x128xi32, #tpu.memory_space<vmem>> -> memref<128xi32, #tpu.memory_space<vmem>>
        %dma_start3A_3606 = tpu.memref_slice %dma_start3A_3605[%mul3A_2925] : memref<128xi32, #tpu.memory_space<vmem>> -> memref<50xi32, #tpu.memory_space<vmem>>
        %dma_start3A_3607 = arith.constant 0 : i32
        %dma_start3A_3608 = arith.constant 0 : i32
        %dma_start3A_3609 = tpu.memref_slice %arg3[%dma_start3A_3607, %dma_start3A_3608] : memref<100000x64xf32, #tpu.memory_space<hbm>> -> memref<100000x64xf32, #tpu.memory_space<hbm>>
        tpu.enqueue_indirect_dma source(%dma_start3A_3609 : memref<100000x64xf32, #tpu.memory_space<hbm>>) target(%dma_start3A_3602 : memref<50x64xf32, #tpu.memory_space<vmem>>) offsets(%dma_start3A_3606 : memref<50xi32, #tpu.memory_space<vmem>>) semaphore(%arg8 : memref<!tpu.dma_semaphore, #tpu.memory_space<semaphore_mem>>)
        %dma_start3A_3610 = arith.constant 1 : i32
        %dma_start3A_3611 = arith.constant 4 : i32
        %dma_start3A_3612 = arith.constant 0 : i32
        %dma_start3A_3613 = arith.constant 0 : i32
        %dma_start3A_3614 = arith.constant 0 : i32
        %dma_start3A_3615 = tpu.memref_slice %arg6[%dma_start3A_3610, %dma_start3A_3612, %dma_start3A_3613, %dma_start3A_3614] : memref<2x16x56x64xf32, #tpu.memory_space<vmem>> -> memref<1x16x56x64xf32, #tpu.memory_space<vmem>>
        %dma_start3A_3616 = tpu.memref_squeeze %dma_start3A_3615 : memref<1x16x56x64xf32, #tpu.memory_space<vmem>> -> memref<16x56x64xf32, #tpu.memory_space<vmem>>
        %dma_start3A_3617 = arith.constant 0 : i32
        %dma_start3A_3618 = arith.constant 0 : i32
        %dma_start3A_3619 = tpu.memref_slice %dma_start3A_3616[%dma_start3A_3611, %dma_start3A_3617, %dma_start3A_3618] : memref<16x56x64xf32, #tpu.memory_space<vmem>> -> memref<1x56x64xf32, #tpu.memory_space<vmem>>
        %dma_start3A_3620 = tpu.memref_squeeze %dma_start3A_3619 : memref<1x56x64xf32, #tpu.memory_space<vmem>> -> memref<56x64xf32, #tpu.memory_space<vmem>>
        %dma_start3A_3621 = arith.constant 0 : i32
        %dma_start3A_3622 = arith.constant 0 : i32
        %dma_start3A_3623 = tpu.memref_slice %dma_start3A_3620[%dma_start3A_3621, %dma_start3A_3622] : memref<56x64xf32, #tpu.memory_space<vmem>> -> memref<50x64xf32, #tpu.memory_space<vmem>>
        %dma_start3A_3624 = arith.constant 0 : i32
        %dma_start3A_3625 = tpu.memref_slice %arg5[%select_n3A_2953, %dma_start3A_3624] : memref<64x128xi32, #tpu.memory_space<vmem>> -> memref<1x128xi32, #tpu.memory_space<vmem>>
        %dma_start3A_3626 = tpu.memref_squeeze %dma_start3A_3625 : memref<1x128xi32, #tpu.memory_space<vmem>> -> memref<128xi32, #tpu.memory_space<vmem>>
        %dma_start3A_3627 = tpu.memref_slice %dma_start3A_3626[%mul3A_2975] : memref<128xi32, #tpu.memory_space<vmem>> -> memref<50xi32, #tpu.memory_space<vmem>>
        %dma_start3A_3628 = arith.constant 0 : i32
        %dma_start3A_3629 = arith.constant 0 : i32
        %dma_start3A_3630 = tpu.memref_slice %arg3[%dma_start3A_3628, %dma_start3A_3629] : memref<100000x64xf32, #tpu.memory_space<hbm>> -> memref<100000x64xf32, #tpu.memory_space<hbm>>
        tpu.enqueue_indirect_dma source(%dma_start3A_3630 : memref<100000x64xf32, #tpu.memory_space<hbm>>) target(%dma_start3A_3623 : memref<50x64xf32, #tpu.memory_space<vmem>>) offsets(%dma_start3A_3627 : memref<50xi32, #tpu.memory_space<vmem>>) semaphore(%arg8 : memref<!tpu.dma_semaphore, #tpu.memory_space<semaphore_mem>>)
        %dma_start3A_3631 = arith.constant 1 : i32
        %dma_start3A_3632 = arith.constant 5 : i32
        %dma_start3A_3633 = arith.constant 0 : i32
        %dma_start3A_3634 = arith.constant 0 : i32
        %dma_start3A_3635 = arith.constant 0 : i32
        %dma_start3A_3636 = tpu.memref_slice %arg6[%dma_start3A_3631, %dma_start3A_3633, %dma_start3A_3634, %dma_start3A_3635] : memref<2x16x56x64xf32, #tpu.memory_space<vmem>> -> memref<1x16x56x64xf32, #tpu.memory_space<vmem>>
        %dma_start3A_3637 = tpu.memref_squeeze %dma_start3A_3636 : memref<1x16x56x64xf32, #tpu.memory_space<vmem>> -> memref<16x56x64xf32, #tpu.memory_space<vmem>>
        %dma_start3A_3638 = arith.constant 0 : i32
        %dma_start3A_3639 = arith.constant 0 : i32
        %dma_start3A_3640 = tpu.memref_slice %dma_start3A_3637[%dma_start3A_3632, %dma_start3A_3638, %dma_start3A_3639] : memref<16x56x64xf32, #tpu.memory_space<vmem>> -> memref<1x56x64xf32, #tpu.memory_space<vmem>>
        %dma_start3A_3641 = tpu.memref_squeeze %dma_start3A_3640 : memref<1x56x64xf32, #tpu.memory_space<vmem>> -> memref<56x64xf32, #tpu.memory_space<vmem>>
        %dma_start3A_3642 = arith.constant 0 : i32
        %dma_start3A_3643 = arith.constant 0 : i32
        %dma_start3A_3644 = tpu.memref_slice %dma_start3A_3641[%dma_start3A_3642, %dma_start3A_3643] : memref<56x64xf32, #tpu.memory_space<vmem>> -> memref<50x64xf32, #tpu.memory_space<vmem>>
        %dma_start3A_3645 = arith.constant 0 : i32
        %dma_start3A_3646 = tpu.memref_slice %arg5[%select_n3A_3003, %dma_start3A_3645] : memref<64x128xi32, #tpu.memory_space<vmem>> -> memref<1x128xi32, #tpu.memory_space<vmem>>
        %dma_start3A_3647 = tpu.memref_squeeze %dma_start3A_3646 : memref<1x128xi32, #tpu.memory_space<vmem>> -> memref<128xi32, #tpu.memory_space<vmem>>
        %dma_start3A_3648 = tpu.memref_slice %dma_start3A_3647[%mul3A_3025] : memref<128xi32, #tpu.memory_space<vmem>> -> memref<50xi32, #tpu.memory_space<vmem>>
        %dma_start3A_3649 = arith.constant 0 : i32
        %dma_start3A_3650 = arith.constant 0 : i32
        %dma_start3A_3651 = tpu.memref_slice %arg3[%dma_start3A_3649, %dma_start3A_3650] : memref<100000x64xf32, #tpu.memory_space<hbm>> -> memref<100000x64xf32, #tpu.memory_space<hbm>>
        tpu.enqueue_indirect_dma source(%dma_start3A_3651 : memref<100000x64xf32, #tpu.memory_space<hbm>>) target(%dma_start3A_3644 : memref<50x64xf32, #tpu.memory_space<vmem>>) offsets(%dma_start3A_3648 : memref<50xi32, #tpu.memory_space<vmem>>) semaphore(%arg8 : memref<!tpu.dma_semaphore, #tpu.memory_space<semaphore_mem>>)
        %dma_start3A_3652 = arith.constant 1 : i32
        %dma_start3A_3653 = arith.constant 6 : i32
        %dma_start3A_3654 = arith.constant 0 : i32
        %dma_start3A_3655 = arith.constant 0 : i32
        %dma_start3A_3656 = arith.constant 0 : i32
        %dma_start3A_3657 = tpu.memref_slice %arg6[%dma_start3A_3652, %dma_start3A_3654, %dma_start3A_3655, %dma_start3A_3656] : memref<2x16x56x64xf32, #tpu.memory_space<vmem>> -> memref<1x16x56x64xf32, #tpu.memory_space<vmem>>
        %dma_start3A_3658 = tpu.memref_squeeze %dma_start3A_3657 : memref<1x16x56x64xf32, #tpu.memory_space<vmem>> -> memref<16x56x64xf32, #tpu.memory_space<vmem>>
        %dma_start3A_3659 = arith.constant 0 : i32
        %dma_start3A_3660 = arith.constant 0 : i32
        %dma_start3A_3661 = tpu.memref_slice %dma_start3A_3658[%dma_start3A_3653, %dma_start3A_3659, %dma_start3A_3660] : memref<16x56x64xf32, #tpu.memory_space<vmem>> -> memref<1x56x64xf32, #tpu.memory_space<vmem>>
        %dma_start3A_3662 = tpu.memref_squeeze %dma_start3A_3661 : memref<1x56x64xf32, #tpu.memory_space<vmem>> -> memref<56x64xf32, #tpu.memory_space<vmem>>
        %dma_start3A_3663 = arith.constant 0 : i32
        %dma_start3A_3664 = arith.constant 0 : i32
        %dma_start3A_3665 = tpu.memref_slice %dma_start3A_3662[%dma_start3A_3663, %dma_start3A_3664] : memref<56x64xf32, #tpu.memory_space<vmem>> -> memref<50x64xf32, #tpu.memory_space<vmem>>
        %dma_start3A_3666 = arith.constant 0 : i32
        %dma_start3A_3667 = tpu.memref_slice %arg5[%select_n3A_3053, %dma_start3A_3666] : memref<64x128xi32, #tpu.memory_space<vmem>> -> memref<1x128xi32, #tpu.memory_space<vmem>>
        %dma_start3A_3668 = tpu.memref_squeeze %dma_start3A_3667 : memref<1x128xi32, #tpu.memory_space<vmem>> -> memref<128xi32, #tpu.memory_space<vmem>>
        %dma_start3A_3669 = tpu.memref_slice %dma_start3A_3668[%mul3A_3075] : memref<128xi32, #tpu.memory_space<vmem>> -> memref<50xi32, #tpu.memory_space<vmem>>
        %dma_start3A_3670 = arith.constant 0 : i32
        %dma_start3A_3671 = arith.constant 0 : i32
        %dma_start3A_3672 = tpu.memref_slice %arg3[%dma_start3A_3670, %dma_start3A_3671] : memref<100000x64xf32, #tpu.memory_space<hbm>> -> memref<100000x64xf32, #tpu.memory_space<hbm>>
        tpu.enqueue_indirect_dma source(%dma_start3A_3672 : memref<100000x64xf32, #tpu.memory_space<hbm>>) target(%dma_start3A_3665 : memref<50x64xf32, #tpu.memory_space<vmem>>) offsets(%dma_start3A_3669 : memref<50xi32, #tpu.memory_space<vmem>>) semaphore(%arg8 : memref<!tpu.dma_semaphore, #tpu.memory_space<semaphore_mem>>)
        %dma_start3A_3673 = arith.constant 1 : i32
        %dma_start3A_3674 = arith.constant 7 : i32
        %dma_start3A_3675 = arith.constant 0 : i32
        %dma_start3A_3676 = arith.constant 0 : i32
        %dma_start3A_3677 = arith.constant 0 : i32
        %dma_start3A_3678 = tpu.memref_slice %arg6[%dma_start3A_3673, %dma_start3A_3675, %dma_start3A_3676, %dma_start3A_3677] : memref<2x16x56x64xf32, #tpu.memory_space<vmem>> -> memref<1x16x56x64xf32, #tpu.memory_space<vmem>>
        %dma_start3A_3679 = tpu.memref_squeeze %dma_start3A_3678 : memref<1x16x56x64xf32, #tpu.memory_space<vmem>> -> memref<16x56x64xf32, #tpu.memory_space<vmem>>
        %dma_start3A_3680 = arith.constant 0 : i32
        %dma_start3A_3681 = arith.constant 0 : i32
        %dma_start3A_3682 = tpu.memref_slice %dma_start3A_3679[%dma_start3A_3674, %dma_start3A_3680, %dma_start3A_3681] : memref<16x56x64xf32, #tpu.memory_space<vmem>> -> memref<1x56x64xf32, #tpu.memory_space<vmem>>
        %dma_start3A_3683 = tpu.memref_squeeze %dma_start3A_3682 : memref<1x56x64xf32, #tpu.memory_space<vmem>> -> memref<56x64xf32, #tpu.memory_space<vmem>>
        %dma_start3A_3684 = arith.constant 0 : i32
        %dma_start3A_3685 = arith.constant 0 : i32
        %dma_start3A_3686 = tpu.memref_slice %dma_start3A_3683[%dma_start3A_3684, %dma_start3A_3685] : memref<56x64xf32, #tpu.memory_space<vmem>> -> memref<50x64xf32, #tpu.memory_space<vmem>>
        %dma_start3A_3687 = arith.constant 0 : i32
        %dma_start3A_3688 = tpu.memref_slice %arg5[%select_n3A_3103, %dma_start3A_3687] : memref<64x128xi32, #tpu.memory_space<vmem>> -> memref<1x128xi32, #tpu.memory_space<vmem>>
        %dma_start3A_3689 = tpu.memref_squeeze %dma_start3A_3688 : memref<1x128xi32, #tpu.memory_space<vmem>> -> memref<128xi32, #tpu.memory_space<vmem>>
        %dma_start3A_3690 = tpu.memref_slice %dma_start3A_3689[%mul3A_3125] : memref<128xi32, #tpu.memory_space<vmem>> -> memref<50xi32, #tpu.memory_space<vmem>>
        %dma_start3A_3691 = arith.constant 0 : i32
        %dma_start3A_3692 = arith.constant 0 : i32
        %dma_start3A_3693 = tpu.memref_slice %arg3[%dma_start3A_3691, %dma_start3A_3692] : memref<100000x64xf32, #tpu.memory_space<hbm>> -> memref<100000x64xf32, #tpu.memory_space<hbm>>
        tpu.enqueue_indirect_dma source(%dma_start3A_3693 : memref<100000x64xf32, #tpu.memory_space<hbm>>) target(%dma_start3A_3686 : memref<50x64xf32, #tpu.memory_space<vmem>>) offsets(%dma_start3A_3690 : memref<50xi32, #tpu.memory_space<vmem>>) semaphore(%arg8 : memref<!tpu.dma_semaphore, #tpu.memory_space<semaphore_mem>>)
        %dma_start3A_3694 = arith.constant 1 : i32
        %dma_start3A_3695 = arith.constant 8 : i32
        %dma_start3A_3696 = arith.constant 0 : i32
        %dma_start3A_3697 = arith.constant 0 : i32
        %dma_start3A_3698 = arith.constant 0 : i32
        %dma_start3A_3699 = tpu.memref_slice %arg6[%dma_start3A_3694, %dma_start3A_3696, %dma_start3A_3697, %dma_start3A_3698] : memref<2x16x56x64xf32, #tpu.memory_space<vmem>> -> memref<1x16x56x64xf32, #tpu.memory_space<vmem>>
        %dma_start3A_3700 = tpu.memref_squeeze %dma_start3A_3699 : memref<1x16x56x64xf32, #tpu.memory_space<vmem>> -> memref<16x56x64xf32, #tpu.memory_space<vmem>>
        %dma_start3A_3701 = arith.constant 0 : i32
        %dma_start3A_3702 = arith.constant 0 : i32
        %dma_start3A_3703 = tpu.memref_slice %dma_start3A_3700[%dma_start3A_3695, %dma_start3A_3701, %dma_start3A_3702] : memref<16x56x64xf32, #tpu.memory_space<vmem>> -> memref<1x56x64xf32, #tpu.memory_space<vmem>>
        %dma_start3A_3704 = tpu.memref_squeeze %dma_start3A_3703 : memref<1x56x64xf32, #tpu.memory_space<vmem>> -> memref<56x64xf32, #tpu.memory_space<vmem>>
        %dma_start3A_3705 = arith.constant 0 : i32
        %dma_start3A_3706 = arith.constant 0 : i32
        %dma_start3A_3707 = tpu.memref_slice %dma_start3A_3704[%dma_start3A_3705, %dma_start3A_3706] : memref<56x64xf32, #tpu.memory_space<vmem>> -> memref<50x64xf32, #tpu.memory_space<vmem>>
        %dma_start3A_3708 = arith.constant 0 : i32
        %dma_start3A_3709 = tpu.memref_slice %arg5[%select_n3A_3153, %dma_start3A_3708] : memref<64x128xi32, #tpu.memory_space<vmem>> -> memref<1x128xi32, #tpu.memory_space<vmem>>
        %dma_start3A_3710 = tpu.memref_squeeze %dma_start3A_3709 : memref<1x128xi32, #tpu.memory_space<vmem>> -> memref<128xi32, #tpu.memory_space<vmem>>
        %dma_start3A_3711 = tpu.memref_slice %dma_start3A_3710[%mul3A_3175] : memref<128xi32, #tpu.memory_space<vmem>> -> memref<50xi32, #tpu.memory_space<vmem>>
        %dma_start3A_3712 = arith.constant 0 : i32
        %dma_start3A_3713 = arith.constant 0 : i32
        %dma_start3A_3714 = tpu.memref_slice %arg3[%dma_start3A_3712, %dma_start3A_3713] : memref<100000x64xf32, #tpu.memory_space<hbm>> -> memref<100000x64xf32, #tpu.memory_space<hbm>>
        tpu.enqueue_indirect_dma source(%dma_start3A_3714 : memref<100000x64xf32, #tpu.memory_space<hbm>>) target(%dma_start3A_3707 : memref<50x64xf32, #tpu.memory_space<vmem>>) offsets(%dma_start3A_3711 : memref<50xi32, #tpu.memory_space<vmem>>) semaphore(%arg8 : memref<!tpu.dma_semaphore, #tpu.memory_space<semaphore_mem>>)
        %dma_start3A_3715 = arith.constant 1 : i32
        %dma_start3A_3716 = arith.constant 9 : i32
        %dma_start3A_3717 = arith.constant 0 : i32
        %dma_start3A_3718 = arith.constant 0 : i32
        %dma_start3A_3719 = arith.constant 0 : i32
        %dma_start3A_3720 = tpu.memref_slice %arg6[%dma_start3A_3715, %dma_start3A_3717, %dma_start3A_3718, %dma_start3A_3719] : memref<2x16x56x64xf32, #tpu.memory_space<vmem>> -> memref<1x16x56x64xf32, #tpu.memory_space<vmem>>
        %dma_start3A_3721 = tpu.memref_squeeze %dma_start3A_3720 : memref<1x16x56x64xf32, #tpu.memory_space<vmem>> -> memref<16x56x64xf32, #tpu.memory_space<vmem>>
        %dma_start3A_3722 = arith.constant 0 : i32
        %dma_start3A_3723 = arith.constant 0 : i32
        %dma_start3A_3724 = tpu.memref_slice %dma_start3A_3721[%dma_start3A_3716, %dma_start3A_3722, %dma_start3A_3723] : memref<16x56x64xf32, #tpu.memory_space<vmem>> -> memref<1x56x64xf32, #tpu.memory_space<vmem>>
        %dma_start3A_3725 = tpu.memref_squeeze %dma_start3A_3724 : memref<1x56x64xf32, #tpu.memory_space<vmem>> -> memref<56x64xf32, #tpu.memory_space<vmem>>
        %dma_start3A_3726 = arith.constant 0 : i32
        %dma_start3A_3727 = arith.constant 0 : i32
        %dma_start3A_3728 = tpu.memref_slice %dma_start3A_3725[%dma_start3A_3726, %dma_start3A_3727] : memref<56x64xf32, #tpu.memory_space<vmem>> -> memref<50x64xf32, #tpu.memory_space<vmem>>
        %dma_start3A_3729 = arith.constant 0 : i32
        %dma_start3A_3730 = tpu.memref_slice %arg5[%select_n3A_3203, %dma_start3A_3729] : memref<64x128xi32, #tpu.memory_space<vmem>> -> memref<1x128xi32, #tpu.memory_space<vmem>>
        %dma_start3A_3731 = tpu.memref_squeeze %dma_start3A_3730 : memref<1x128xi32, #tpu.memory_space<vmem>> -> memref<128xi32, #tpu.memory_space<vmem>>
        %dma_start3A_3732 = tpu.memref_slice %dma_start3A_3731[%mul3A_3225] : memref<128xi32, #tpu.memory_space<vmem>> -> memref<50xi32, #tpu.memory_space<vmem>>
        %dma_start3A_3733 = arith.constant 0 : i32
        %dma_start3A_3734 = arith.constant 0 : i32
        %dma_start3A_3735 = tpu.memref_slice %arg3[%dma_start3A_3733, %dma_start3A_3734] : memref<100000x64xf32, #tpu.memory_space<hbm>> -> memref<100000x64xf32, #tpu.memory_space<hbm>>
        tpu.enqueue_indirect_dma source(%dma_start3A_3735 : memref<100000x64xf32, #tpu.memory_space<hbm>>) target(%dma_start3A_3728 : memref<50x64xf32, #tpu.memory_space<vmem>>) offsets(%dma_start3A_3732 : memref<50xi32, #tpu.memory_space<vmem>>) semaphore(%arg8 : memref<!tpu.dma_semaphore, #tpu.memory_space<semaphore_mem>>)
        %dma_start3A_3736 = arith.constant 1 : i32
        %dma_start3A_3737 = arith.constant 10 : i32
        %dma_start3A_3738 = arith.constant 0 : i32
        %dma_start3A_3739 = arith.constant 0 : i32
        %dma_start3A_3740 = arith.constant 0 : i32
        %dma_start3A_3741 = tpu.memref_slice %arg6[%dma_start3A_3736, %dma_start3A_3738, %dma_start3A_3739, %dma_start3A_3740] : memref<2x16x56x64xf32, #tpu.memory_space<vmem>> -> memref<1x16x56x64xf32, #tpu.memory_space<vmem>>
        %dma_start3A_3742 = tpu.memref_squeeze %dma_start3A_3741 : memref<1x16x56x64xf32, #tpu.memory_space<vmem>> -> memref<16x56x64xf32, #tpu.memory_space<vmem>>
        %dma_start3A_3743 = arith.constant 0 : i32
        %dma_start3A_3744 = arith.constant 0 : i32
        %dma_start3A_3745 = tpu.memref_slice %dma_start3A_3742[%dma_start3A_3737, %dma_start3A_3743, %dma_start3A_3744] : memref<16x56x64xf32, #tpu.memory_space<vmem>> -> memref<1x56x64xf32, #tpu.memory_space<vmem>>
        %dma_start3A_3746 = tpu.memref_squeeze %dma_start3A_3745 : memref<1x56x64xf32, #tpu.memory_space<vmem>> -> memref<56x64xf32, #tpu.memory_space<vmem>>
        %dma_start3A_3747 = arith.constant 0 : i32
        %dma_start3A_3748 = arith.constant 0 : i32
        %dma_start3A_3749 = tpu.memref_slice %dma_start3A_3746[%dma_start3A_3747, %dma_start3A_3748] : memref<56x64xf32, #tpu.memory_space<vmem>> -> memref<50x64xf32, #tpu.memory_space<vmem>>
        %dma_start3A_3750 = arith.constant 0 : i32
        %dma_start3A_3751 = tpu.memref_slice %arg5[%select_n3A_3253, %dma_start3A_3750] : memref<64x128xi32, #tpu.memory_space<vmem>> -> memref<1x128xi32, #tpu.memory_space<vmem>>
        %dma_start3A_3752 = tpu.memref_squeeze %dma_start3A_3751 : memref<1x128xi32, #tpu.memory_space<vmem>> -> memref<128xi32, #tpu.memory_space<vmem>>
        %dma_start3A_3753 = tpu.memref_slice %dma_start3A_3752[%mul3A_3275] : memref<128xi32, #tpu.memory_space<vmem>> -> memref<50xi32, #tpu.memory_space<vmem>>
        %dma_start3A_3754 = arith.constant 0 : i32
        %dma_start3A_3755 = arith.constant 0 : i32
        %dma_start3A_3756 = tpu.memref_slice %arg3[%dma_start3A_3754, %dma_start3A_3755] : memref<100000x64xf32, #tpu.memory_space<hbm>> -> memref<100000x64xf32, #tpu.memory_space<hbm>>
        tpu.enqueue_indirect_dma source(%dma_start3A_3756 : memref<100000x64xf32, #tpu.memory_space<hbm>>) target(%dma_start3A_3749 : memref<50x64xf32, #tpu.memory_space<vmem>>) offsets(%dma_start3A_3753 : memref<50xi32, #tpu.memory_space<vmem>>) semaphore(%arg8 : memref<!tpu.dma_semaphore, #tpu.memory_space<semaphore_mem>>)
        %dma_start3A_3757 = arith.constant 1 : i32
        %dma_start3A_3758 = arith.constant 11 : i32
        %dma_start3A_3759 = arith.constant 0 : i32
        %dma_start3A_3760 = arith.constant 0 : i32
        %dma_start3A_3761 = arith.constant 0 : i32
        %dma_start3A_3762 = tpu.memref_slice %arg6[%dma_start3A_3757, %dma_start3A_3759, %dma_start3A_3760, %dma_start3A_3761] : memref<2x16x56x64xf32, #tpu.memory_space<vmem>> -> memref<1x16x56x64xf32, #tpu.memory_space<vmem>>
        %dma_start3A_3763 = tpu.memref_squeeze %dma_start3A_3762 : memref<1x16x56x64xf32, #tpu.memory_space<vmem>> -> memref<16x56x64xf32, #tpu.memory_space<vmem>>
        %dma_start3A_3764 = arith.constant 0 : i32
        %dma_start3A_3765 = arith.constant 0 : i32
        %dma_start3A_3766 = tpu.memref_slice %dma_start3A_3763[%dma_start3A_3758, %dma_start3A_3764, %dma_start3A_3765] : memref<16x56x64xf32, #tpu.memory_space<vmem>> -> memref<1x56x64xf32, #tpu.memory_space<vmem>>
        %dma_start3A_3767 = tpu.memref_squeeze %dma_start3A_3766 : memref<1x56x64xf32, #tpu.memory_space<vmem>> -> memref<56x64xf32, #tpu.memory_space<vmem>>
        %dma_start3A_3768 = arith.constant 0 : i32
        %dma_start3A_3769 = arith.constant 0 : i32
        %dma_start3A_3770 = tpu.memref_slice %dma_start3A_3767[%dma_start3A_3768, %dma_start3A_3769] : memref<56x64xf32, #tpu.memory_space<vmem>> -> memref<50x64xf32, #tpu.memory_space<vmem>>
        %dma_start3A_3771 = arith.constant 0 : i32
        %dma_start3A_3772 = tpu.memref_slice %arg5[%select_n3A_3303, %dma_start3A_3771] : memref<64x128xi32, #tpu.memory_space<vmem>> -> memref<1x128xi32, #tpu.memory_space<vmem>>
        %dma_start3A_3773 = tpu.memref_squeeze %dma_start3A_3772 : memref<1x128xi32, #tpu.memory_space<vmem>> -> memref<128xi32, #tpu.memory_space<vmem>>
        %dma_start3A_3774 = tpu.memref_slice %dma_start3A_3773[%mul3A_3325] : memref<128xi32, #tpu.memory_space<vmem>> -> memref<50xi32, #tpu.memory_space<vmem>>
        %dma_start3A_3775 = arith.constant 0 : i32
        %dma_start3A_3776 = arith.constant 0 : i32
        %dma_start3A_3777 = tpu.memref_slice %arg3[%dma_start3A_3775, %dma_start3A_3776] : memref<100000x64xf32, #tpu.memory_space<hbm>> -> memref<100000x64xf32, #tpu.memory_space<hbm>>
        tpu.enqueue_indirect_dma source(%dma_start3A_3777 : memref<100000x64xf32, #tpu.memory_space<hbm>>) target(%dma_start3A_3770 : memref<50x64xf32, #tpu.memory_space<vmem>>) offsets(%dma_start3A_3774 : memref<50xi32, #tpu.memory_space<vmem>>) semaphore(%arg8 : memref<!tpu.dma_semaphore, #tpu.memory_space<semaphore_mem>>)
        %dma_start3A_3778 = arith.constant 1 : i32
        %dma_start3A_3779 = arith.constant 12 : i32
        %dma_start3A_3780 = arith.constant 0 : i32
        %dma_start3A_3781 = arith.constant 0 : i32
        %dma_start3A_3782 = arith.constant 0 : i32
        %dma_start3A_3783 = tpu.memref_slice %arg6[%dma_start3A_3778, %dma_start3A_3780, %dma_start3A_3781, %dma_start3A_3782] : memref<2x16x56x64xf32, #tpu.memory_space<vmem>> -> memref<1x16x56x64xf32, #tpu.memory_space<vmem>>
        %dma_start3A_3784 = tpu.memref_squeeze %dma_start3A_3783 : memref<1x16x56x64xf32, #tpu.memory_space<vmem>> -> memref<16x56x64xf32, #tpu.memory_space<vmem>>
        %dma_start3A_3785 = arith.constant 0 : i32
        %dma_start3A_3786 = arith.constant 0 : i32
        %dma_start3A_3787 = tpu.memref_slice %dma_start3A_3784[%dma_start3A_3779, %dma_start3A_3785, %dma_start3A_3786] : memref<16x56x64xf32, #tpu.memory_space<vmem>> -> memref<1x56x64xf32, #tpu.memory_space<vmem>>
        %dma_start3A_3788 = tpu.memref_squeeze %dma_start3A_3787 : memref<1x56x64xf32, #tpu.memory_space<vmem>> -> memref<56x64xf32, #tpu.memory_space<vmem>>
        %dma_start3A_3789 = arith.constant 0 : i32
        %dma_start3A_3790 = arith.constant 0 : i32
        %dma_start3A_3791 = tpu.memref_slice %dma_start3A_3788[%dma_start3A_3789, %dma_start3A_3790] : memref<56x64xf32, #tpu.memory_space<vmem>> -> memref<50x64xf32, #tpu.memory_space<vmem>>
        %dma_start3A_3792 = arith.constant 0 : i32
        %dma_start3A_3793 = tpu.memref_slice %arg5[%select_n3A_3353, %dma_start3A_3792] : memref<64x128xi32, #tpu.memory_space<vmem>> -> memref<1x128xi32, #tpu.memory_space<vmem>>
        %dma_start3A_3794 = tpu.memref_squeeze %dma_start3A_3793 : memref<1x128xi32, #tpu.memory_space<vmem>> -> memref<128xi32, #tpu.memory_space<vmem>>
        %dma_start3A_3795 = tpu.memref_slice %dma_start3A_3794[%mul3A_3375] : memref<128xi32, #tpu.memory_space<vmem>> -> memref<50xi32, #tpu.memory_space<vmem>>
        %dma_start3A_3796 = arith.constant 0 : i32
        %dma_start3A_3797 = arith.constant 0 : i32
        %dma_start3A_3798 = tpu.memref_slice %arg3[%dma_start3A_3796, %dma_start3A_3797] : memref<100000x64xf32, #tpu.memory_space<hbm>> -> memref<100000x64xf32, #tpu.memory_space<hbm>>
        tpu.enqueue_indirect_dma source(%dma_start3A_3798 : memref<100000x64xf32, #tpu.memory_space<hbm>>) target(%dma_start3A_3791 : memref<50x64xf32, #tpu.memory_space<vmem>>) offsets(%dma_start3A_3795 : memref<50xi32, #tpu.memory_space<vmem>>) semaphore(%arg8 : memref<!tpu.dma_semaphore, #tpu.memory_space<semaphore_mem>>)
        %dma_start3A_3799 = arith.constant 1 : i32
        %dma_start3A_3800 = arith.constant 13 : i32
        %dma_start3A_3801 = arith.constant 0 : i32
        %dma_start3A_3802 = arith.constant 0 : i32
        %dma_start3A_3803 = arith.constant 0 : i32
        %dma_start3A_3804 = tpu.memref_slice %arg6[%dma_start3A_3799, %dma_start3A_3801, %dma_start3A_3802, %dma_start3A_3803] : memref<2x16x56x64xf32, #tpu.memory_space<vmem>> -> memref<1x16x56x64xf32, #tpu.memory_space<vmem>>
        %dma_start3A_3805 = tpu.memref_squeeze %dma_start3A_3804 : memref<1x16x56x64xf32, #tpu.memory_space<vmem>> -> memref<16x56x64xf32, #tpu.memory_space<vmem>>
        %dma_start3A_3806 = arith.constant 0 : i32
        %dma_start3A_3807 = arith.constant 0 : i32
        %dma_start3A_3808 = tpu.memref_slice %dma_start3A_3805[%dma_start3A_3800, %dma_start3A_3806, %dma_start3A_3807] : memref<16x56x64xf32, #tpu.memory_space<vmem>> -> memref<1x56x64xf32, #tpu.memory_space<vmem>>
        %dma_start3A_3809 = tpu.memref_squeeze %dma_start3A_3808 : memref<1x56x64xf32, #tpu.memory_space<vmem>> -> memref<56x64xf32, #tpu.memory_space<vmem>>
        %dma_start3A_3810 = arith.constant 0 : i32
        %dma_start3A_3811 = arith.constant 0 : i32
        %dma_start3A_3812 = tpu.memref_slice %dma_start3A_3809[%dma_start3A_3810, %dma_start3A_3811] : memref<56x64xf32, #tpu.memory_space<vmem>> -> memref<50x64xf32, #tpu.memory_space<vmem>>
        %dma_start3A_3813 = arith.constant 0 : i32
        %dma_start3A_3814 = tpu.memref_slice %arg5[%select_n3A_3403, %dma_start3A_3813] : memref<64x128xi32, #tpu.memory_space<vmem>> -> memref<1x128xi32, #tpu.memory_space<vmem>>
        %dma_start3A_3815 = tpu.memref_squeeze %dma_start3A_3814 : memref<1x128xi32, #tpu.memory_space<vmem>> -> memref<128xi32, #tpu.memory_space<vmem>>
        %dma_start3A_3816 = tpu.memref_slice %dma_start3A_3815[%mul3A_3425] : memref<128xi32, #tpu.memory_space<vmem>> -> memref<50xi32, #tpu.memory_space<vmem>>
        %dma_start3A_3817 = arith.constant 0 : i32
        %dma_start3A_3818 = arith.constant 0 : i32
        %dma_start3A_3819 = tpu.memref_slice %arg3[%dma_start3A_3817, %dma_start3A_3818] : memref<100000x64xf32, #tpu.memory_space<hbm>> -> memref<100000x64xf32, #tpu.memory_space<hbm>>
        tpu.enqueue_indirect_dma source(%dma_start3A_3819 : memref<100000x64xf32, #tpu.memory_space<hbm>>) target(%dma_start3A_3812 : memref<50x64xf32, #tpu.memory_space<vmem>>) offsets(%dma_start3A_3816 : memref<50xi32, #tpu.memory_space<vmem>>) semaphore(%arg8 : memref<!tpu.dma_semaphore, #tpu.memory_space<semaphore_mem>>)
        %dma_start3A_3820 = arith.constant 1 : i32
        %dma_start3A_3821 = arith.constant 14 : i32
        %dma_start3A_3822 = arith.constant 0 : i32
        %dma_start3A_3823 = arith.constant 0 : i32
        %dma_start3A_3824 = arith.constant 0 : i32
        %dma_start3A_3825 = tpu.memref_slice %arg6[%dma_start3A_3820, %dma_start3A_3822, %dma_start3A_3823, %dma_start3A_3824] : memref<2x16x56x64xf32, #tpu.memory_space<vmem>> -> memref<1x16x56x64xf32, #tpu.memory_space<vmem>>
        %dma_start3A_3826 = tpu.memref_squeeze %dma_start3A_3825 : memref<1x16x56x64xf32, #tpu.memory_space<vmem>> -> memref<16x56x64xf32, #tpu.memory_space<vmem>>
        %dma_start3A_3827 = arith.constant 0 : i32
        %dma_start3A_3828 = arith.constant 0 : i32
        %dma_start3A_3829 = tpu.memref_slice %dma_start3A_3826[%dma_start3A_3821, %dma_start3A_3827, %dma_start3A_3828] : memref<16x56x64xf32, #tpu.memory_space<vmem>> -> memref<1x56x64xf32, #tpu.memory_space<vmem>>
        %dma_start3A_3830 = tpu.memref_squeeze %dma_start3A_3829 : memref<1x56x64xf32, #tpu.memory_space<vmem>> -> memref<56x64xf32, #tpu.memory_space<vmem>>
        %dma_start3A_3831 = arith.constant 0 : i32
        %dma_start3A_3832 = arith.constant 0 : i32
        %dma_start3A_3833 = tpu.memref_slice %dma_start3A_3830[%dma_start3A_3831, %dma_start3A_3832] : memref<56x64xf32, #tpu.memory_space<vmem>> -> memref<50x64xf32, #tpu.memory_space<vmem>>
        %dma_start3A_3834 = arith.constant 0 : i32
        %dma_start3A_3835 = tpu.memref_slice %arg5[%select_n3A_3453, %dma_start3A_3834] : memref<64x128xi32, #tpu.memory_space<vmem>> -> memref<1x128xi32, #tpu.memory_space<vmem>>
        %dma_start3A_3836 = tpu.memref_squeeze %dma_start3A_3835 : memref<1x128xi32, #tpu.memory_space<vmem>> -> memref<128xi32, #tpu.memory_space<vmem>>
        %dma_start3A_3837 = tpu.memref_slice %dma_start3A_3836[%mul3A_3475] : memref<128xi32, #tpu.memory_space<vmem>> -> memref<50xi32, #tpu.memory_space<vmem>>
        %dma_start3A_3838 = arith.constant 0 : i32
        %dma_start3A_3839 = arith.constant 0 : i32
        %dma_start3A_3840 = tpu.memref_slice %arg3[%dma_start3A_3838, %dma_start3A_3839] : memref<100000x64xf32, #tpu.memory_space<hbm>> -> memref<100000x64xf32, #tpu.memory_space<hbm>>
        tpu.enqueue_indirect_dma source(%dma_start3A_3840 : memref<100000x64xf32, #tpu.memory_space<hbm>>) target(%dma_start3A_3833 : memref<50x64xf32, #tpu.memory_space<vmem>>) offsets(%dma_start3A_3837 : memref<50xi32, #tpu.memory_space<vmem>>) semaphore(%arg8 : memref<!tpu.dma_semaphore, #tpu.memory_space<semaphore_mem>>)
        %dma_start3A_3841 = arith.constant 1 : i32
        %dma_start3A_3842 = arith.constant 15 : i32
        %dma_start3A_3843 = arith.constant 0 : i32
        %dma_start3A_3844 = arith.constant 0 : i32
        %dma_start3A_3845 = arith.constant 0 : i32
        %dma_start3A_3846 = tpu.memref_slice %arg6[%dma_start3A_3841, %dma_start3A_3843, %dma_start3A_3844, %dma_start3A_3845] : memref<2x16x56x64xf32, #tpu.memory_space<vmem>> -> memref<1x16x56x64xf32, #tpu.memory_space<vmem>>
        %dma_start3A_3847 = tpu.memref_squeeze %dma_start3A_3846 : memref<1x16x56x64xf32, #tpu.memory_space<vmem>> -> memref<16x56x64xf32, #tpu.memory_space<vmem>>
        %dma_start3A_3848 = arith.constant 0 : i32
        %dma_start3A_3849 = arith.constant 0 : i32
        %dma_start3A_3850 = tpu.memref_slice %dma_start3A_3847[%dma_start3A_3842, %dma_start3A_3848, %dma_start3A_3849] : memref<16x56x64xf32, #tpu.memory_space<vmem>> -> memref<1x56x64xf32, #tpu.memory_space<vmem>>
        %dma_start3A_3851 = tpu.memref_squeeze %dma_start3A_3850 : memref<1x56x64xf32, #tpu.memory_space<vmem>> -> memref<56x64xf32, #tpu.memory_space<vmem>>
        %dma_start3A_3852 = arith.constant 0 : i32
        %dma_start3A_3853 = arith.constant 0 : i32
        %dma_start3A_3854 = tpu.memref_slice %dma_start3A_3851[%dma_start3A_3852, %dma_start3A_3853] : memref<56x64xf32, #tpu.memory_space<vmem>> -> memref<50x64xf32, #tpu.memory_space<vmem>>
        %dma_start3A_3855 = arith.constant 0 : i32
        %dma_start3A_3856 = tpu.memref_slice %arg5[%select_n3A_3503, %dma_start3A_3855] : memref<64x128xi32, #tpu.memory_space<vmem>> -> memref<1x128xi32, #tpu.memory_space<vmem>>
        %dma_start3A_3857 = tpu.memref_squeeze %dma_start3A_3856 : memref<1x128xi32, #tpu.memory_space<vmem>> -> memref<128xi32, #tpu.memory_space<vmem>>
        %dma_start3A_3858 = tpu.memref_slice %dma_start3A_3857[%mul3A_3525] : memref<128xi32, #tpu.memory_space<vmem>> -> memref<50xi32, #tpu.memory_space<vmem>>
        %dma_start3A_3859 = arith.constant 0 : i32
        %dma_start3A_3860 = arith.constant 0 : i32
        %dma_start3A_3861 = tpu.memref_slice %arg3[%dma_start3A_3859, %dma_start3A_3860] : memref<100000x64xf32, #tpu.memory_space<hbm>> -> memref<100000x64xf32, #tpu.memory_space<hbm>>
        tpu.enqueue_indirect_dma source(%dma_start3A_3861 : memref<100000x64xf32, #tpu.memory_space<hbm>>) target(%dma_start3A_3854 : memref<50x64xf32, #tpu.memory_space<vmem>>) offsets(%dma_start3A_3858 : memref<50xi32, #tpu.memory_space<vmem>>) semaphore(%arg8 : memref<!tpu.dma_semaphore, #tpu.memory_space<semaphore_mem>>)
      } else {
      }
      %add3A_1554 = arith.constant 1 : i32
      %add3A_1555 = arith.addi %add3A_396, %add3A_1554 : i32
      %mul3A_1556 = arith.constant 16 : i32
      %mul3A_1557 = arith.muli %add3A_1555, %mul3A_1556 : i32
      %add3A_1558 = arith.constant 0 : i32
      %add3A_1559 = arith.addi %mul3A_1557, %add3A_1558 : i32
      %jit3A_1560 = arith.constant 2 : i32
      %div3A_1561 = arith.divsi %add3A_1559, %jit3A_1560 : i32
      %sign3A_1562 = arith.constant 0 : i32
      %sign3A_1563 = arith.cmpi sgt, %add3A_1559, %sign3A_1562 : i32
      %sign3A_1564 = arith.extui %sign3A_1563 : i1 to i32
      %sign3A_1565 = arith.constant 0 : i32
      %sign3A_1566 = arith.cmpi slt, %add3A_1559, %sign3A_1565 : i32
      %sign3A_1567 = arith.extui %sign3A_1566 : i1 to i32
      %sign3A_1568 = arith.subi %sign3A_1564, %sign3A_1567 : i32
      %sign3A_1569 = arith.constant 0 : i32
      %sign3A_1570 = arith.cmpi sgt, %jit3A_1560, %sign3A_1569 : i32
      %sign3A_1571 = arith.extui %sign3A_1570 : i1 to i32
      %sign3A_1572 = arith.constant 0 : i32
      %sign3A_1573 = arith.cmpi slt, %jit3A_1560, %sign3A_1572 : i32
      %sign3A_1574 = arith.extui %sign3A_1573 : i1 to i32
      %sign3A_1575 = arith.subi %sign3A_1571, %sign3A_1574 : i32
      %ne3A_1576 = arith.cmpi ne, %sign3A_1568, %sign3A_1575 : i32
      %rem3A_1577 = arith.remsi %add3A_1559, %jit3A_1560 : i32
      %ne3A_1578 = arith.constant 0 : i32
      %ne3A_1579 = arith.cmpi ne, %rem3A_1577, %ne3A_1578 : i32
      %and3A_1580 = arith.andi %ne3A_1576, %ne3A_1579 : i1
      %sub3A_1581 = arith.constant 1 : i32
      %sub3A_1582 = arith.subi %div3A_1561, %sub3A_1581 : i32
      %select_n3A_1583 = arith.select %and3A_1580, %sub3A_1582, %div3A_1561 : i32
      %mul3A_1584 = arith.constant 16 : i32
      %mul3A_1585 = arith.muli %add3A_1555, %mul3A_1584 : i32
      %add3A_1586 = arith.constant 0 : i32
      %add3A_1587 = arith.addi %mul3A_1585, %add3A_1586 : i32
      %jit3A_1588 = arith.constant 2 : i32
      %eq3A_1589 = arith.constant 0 : i32
      %eq3A_1590 = arith.cmpi eq, %jit3A_1588, %eq3A_1589 : i32
      %jit3A_1591 = arith.constant 1 : i32
      %select_n3A_1592 = arith.select %eq3A_1590, %jit3A_1591, %jit3A_1588 : i32
      %rem3A_1593 = arith.remsi %add3A_1587, %select_n3A_1592 : i32
      %ne3A_1594 = arith.constant 0 : i32
      %ne3A_1595 = arith.cmpi ne, %rem3A_1593, %ne3A_1594 : i32
      %lt3A_1596 = arith.constant 0 : i32
      %lt3A_1597 = arith.cmpi slt, %rem3A_1593, %lt3A_1596 : i32
      %lt3A_1598 = arith.constant 0 : i32
      %lt3A_1599 = arith.cmpi slt, %select_n3A_1592, %lt3A_1598 : i32
      %ne3A_1600 = arith.xori %lt3A_1597, %lt3A_1599 : i1
      %and3A_1601 = arith.andi %ne3A_1600, %ne3A_1595 : i1
      %add3A_1602 = arith.addi %rem3A_1593, %select_n3A_1592 : i32
      %select_n3A_1603 = arith.select %and3A_1601, %add3A_1602, %rem3A_1593 : i32
      %mul3A_1604 = arith.constant 64 : i32
      %mul3A_1605 = arith.muli %select_n3A_1603, %mul3A_1604 : i32
      %mul3A_1606 = arith.constant 16 : i32
      %mul3A_1607 = arith.muli %add3A_1555, %mul3A_1606 : i32
      %add3A_1608 = arith.constant 1 : i32
      %add3A_1609 = arith.addi %mul3A_1607, %add3A_1608 : i32
      %jit3A_1610 = arith.constant 2 : i32
      %div3A_1611 = arith.divsi %add3A_1609, %jit3A_1610 : i32
      %sign3A_1612 = arith.constant 0 : i32
      %sign3A_1613 = arith.cmpi sgt, %add3A_1609, %sign3A_1612 : i32
      %sign3A_1614 = arith.extui %sign3A_1613 : i1 to i32
      %sign3A_1615 = arith.constant 0 : i32
      %sign3A_1616 = arith.cmpi slt, %add3A_1609, %sign3A_1615 : i32
      %sign3A_1617 = arith.extui %sign3A_1616 : i1 to i32
      %sign3A_1618 = arith.subi %sign3A_1614, %sign3A_1617 : i32
      %sign3A_1619 = arith.constant 0 : i32
      %sign3A_1620 = arith.cmpi sgt, %jit3A_1610, %sign3A_1619 : i32
      %sign3A_1621 = arith.extui %sign3A_1620 : i1 to i32
      %sign3A_1622 = arith.constant 0 : i32
      %sign3A_1623 = arith.cmpi slt, %jit3A_1610, %sign3A_1622 : i32
      %sign3A_1624 = arith.extui %sign3A_1623 : i1 to i32
      %sign3A_1625 = arith.subi %sign3A_1621, %sign3A_1624 : i32
      %ne3A_1626 = arith.cmpi ne, %sign3A_1618, %sign3A_1625 : i32
      %rem3A_1627 = arith.remsi %add3A_1609, %jit3A_1610 : i32
      %ne3A_1628 = arith.constant 0 : i32
      %ne3A_1629 = arith.cmpi ne, %rem3A_1627, %ne3A_1628 : i32
      %and3A_1630 = arith.andi %ne3A_1626, %ne3A_1629 : i1
      %sub3A_1631 = arith.constant 1 : i32
      %sub3A_1632 = arith.subi %div3A_1611, %sub3A_1631 : i32
      %select_n3A_1633 = arith.select %and3A_1630, %sub3A_1632, %div3A_1611 : i32
      %mul3A_1634 = arith.constant 16 : i32
      %mul3A_1635 = arith.muli %add3A_1555, %mul3A_1634 : i32
      %add3A_1636 = arith.constant 1 : i32
      %add3A_1637 = arith.addi %mul3A_1635, %add3A_1636 : i32
      %jit3A_1638 = arith.constant 2 : i32
      %eq3A_1639 = arith.constant 0 : i32
      %eq3A_1640 = arith.cmpi eq, %jit3A_1638, %eq3A_1639 : i32
      %jit3A_1641 = arith.constant 1 : i32
      %select_n3A_1642 = arith.select %eq3A_1640, %jit3A_1641, %jit3A_1638 : i32
      %rem3A_1643 = arith.remsi %add3A_1637, %select_n3A_1642 : i32
      %ne3A_1644 = arith.constant 0 : i32
      %ne3A_1645 = arith.cmpi ne, %rem3A_1643, %ne3A_1644 : i32
      %lt3A_1646 = arith.constant 0 : i32
      %lt3A_1647 = arith.cmpi slt, %rem3A_1643, %lt3A_1646 : i32
      %lt3A_1648 = arith.constant 0 : i32
      %lt3A_1649 = arith.cmpi slt, %select_n3A_1642, %lt3A_1648 : i32
      %ne3A_1650 = arith.xori %lt3A_1647, %lt3A_1649 : i1
      %and3A_1651 = arith.andi %ne3A_1650, %ne3A_1645 : i1
      %add3A_1652 = arith.addi %rem3A_1643, %select_n3A_1642 : i32
      %select_n3A_1653 = arith.select %and3A_1651, %add3A_1652, %rem3A_1643 : i32
      %mul3A_1654 = arith.constant 64 : i32
      %mul3A_1655 = arith.muli %select_n3A_1653, %mul3A_1654 : i32
      %mul3A_1656 = arith.constant 16 : i32
      %mul3A_1657 = arith.muli %add3A_1555, %mul3A_1656 : i32
      %add3A_1658 = arith.constant 2 : i32
      %add3A_1659 = arith.addi %mul3A_1657, %add3A_1658 : i32
      %jit3A_1660 = arith.constant 2 : i32
      %div3A_1661 = arith.divsi %add3A_1659, %jit3A_1660 : i32
      %sign3A_1662 = arith.constant 0 : i32
      %sign3A_1663 = arith.cmpi sgt, %add3A_1659, %sign3A_1662 : i32
      %sign3A_1664 = arith.extui %sign3A_1663 : i1 to i32
      %sign3A_1665 = arith.constant 0 : i32
      %sign3A_1666 = arith.cmpi slt, %add3A_1659, %sign3A_1665 : i32
      %sign3A_1667 = arith.extui %sign3A_1666 : i1 to i32
      %sign3A_1668 = arith.subi %sign3A_1664, %sign3A_1667 : i32
      %sign3A_1669 = arith.constant 0 : i32
      %sign3A_1670 = arith.cmpi sgt, %jit3A_1660, %sign3A_1669 : i32
      %sign3A_1671 = arith.extui %sign3A_1670 : i1 to i32
      %sign3A_1672 = arith.constant 0 : i32
      %sign3A_1673 = arith.cmpi slt, %jit3A_1660, %sign3A_1672 : i32
      %sign3A_1674 = arith.extui %sign3A_1673 : i1 to i32
      %sign3A_1675 = arith.subi %sign3A_1671, %sign3A_1674 : i32
      %ne3A_1676 = arith.cmpi ne, %sign3A_1668, %sign3A_1675 : i32
      %rem3A_1677 = arith.remsi %add3A_1659, %jit3A_1660 : i32
      %ne3A_1678 = arith.constant 0 : i32
      %ne3A_1679 = arith.cmpi ne, %rem3A_1677, %ne3A_1678 : i32
      %and3A_1680 = arith.andi %ne3A_1676, %ne3A_1679 : i1
      %sub3A_1681 = arith.constant 1 : i32
      %sub3A_1682 = arith.subi %div3A_1661, %sub3A_1681 : i32
      %select_n3A_1683 = arith.select %and3A_1680, %sub3A_1682, %div3A_1661 : i32
      %mul3A_1684 = arith.constant 16 : i32
      %mul3A_1685 = arith.muli %add3A_1555, %mul3A_1684 : i32
      %add3A_1686 = arith.constant 2 : i32
      %add3A_1687 = arith.addi %mul3A_1685, %add3A_1686 : i32
      %jit3A_1688 = arith.constant 2 : i32
      %eq3A_1689 = arith.constant 0 : i32
      %eq3A_1690 = arith.cmpi eq, %jit3A_1688, %eq3A_1689 : i32
      %jit3A_1691 = arith.constant 1 : i32
      %select_n3A_1692 = arith.select %eq3A_1690, %jit3A_1691, %jit3A_1688 : i32
      %rem3A_1693 = arith.remsi %add3A_1687, %select_n3A_1692 : i32
      %ne3A_1694 = arith.constant 0 : i32
      %ne3A_1695 = arith.cmpi ne, %rem3A_1693, %ne3A_1694 : i32
      %lt3A_1696 = arith.constant 0 : i32
      %lt3A_1697 = arith.cmpi slt, %rem3A_1693, %lt3A_1696 : i32
      %lt3A_1698 = arith.constant 0 : i32
      %lt3A_1699 = arith.cmpi slt, %select_n3A_1692, %lt3A_1698 : i32
      %ne3A_1700 = arith.xori %lt3A_1697, %lt3A_1699 : i1
      %and3A_1701 = arith.andi %ne3A_1700, %ne3A_1695 : i1
      %add3A_1702 = arith.addi %rem3A_1693, %select_n3A_1692 : i32
      %select_n3A_1703 = arith.select %and3A_1701, %add3A_1702, %rem3A_1693 : i32
      %mul3A_1704 = arith.constant 64 : i32
      %mul3A_1705 = arith.muli %select_n3A_1703, %mul3A_1704 : i32
      %mul3A_1706 = arith.constant 16 : i32
      %mul3A_1707 = arith.muli %add3A_1555, %mul3A_1706 : i32
      %add3A_1708 = arith.constant 3 : i32
      %add3A_1709 = arith.addi %mul3A_1707, %add3A_1708 : i32
      %jit3A_1710 = arith.constant 2 : i32
      %div3A_1711 = arith.divsi %add3A_1709, %jit3A_1710 : i32
      %sign3A_1712 = arith.constant 0 : i32
      %sign3A_1713 = arith.cmpi sgt, %add3A_1709, %sign3A_1712 : i32
      %sign3A_1714 = arith.extui %sign3A_1713 : i1 to i32
      %sign3A_1715 = arith.constant 0 : i32
      %sign3A_1716 = arith.cmpi slt, %add3A_1709, %sign3A_1715 : i32
      %sign3A_1717 = arith.extui %sign3A_1716 : i1 to i32
      %sign3A_1718 = arith.subi %sign3A_1714, %sign3A_1717 : i32
      %sign3A_1719 = arith.constant 0 : i32
      %sign3A_1720 = arith.cmpi sgt, %jit3A_1710, %sign3A_1719 : i32
      %sign3A_1721 = arith.extui %sign3A_1720 : i1 to i32
      %sign3A_1722 = arith.constant 0 : i32
      %sign3A_1723 = arith.cmpi slt, %jit3A_1710, %sign3A_1722 : i32
      %sign3A_1724 = arith.extui %sign3A_1723 : i1 to i32
      %sign3A_1725 = arith.subi %sign3A_1721, %sign3A_1724 : i32
      %ne3A_1726 = arith.cmpi ne, %sign3A_1718, %sign3A_1725 : i32
      %rem3A_1727 = arith.remsi %add3A_1709, %jit3A_1710 : i32
      %ne3A_1728 = arith.constant 0 : i32
      %ne3A_1729 = arith.cmpi ne, %rem3A_1727, %ne3A_1728 : i32
      %and3A_1730 = arith.andi %ne3A_1726, %ne3A_1729 : i1
      %sub3A_1731 = arith.constant 1 : i32
      %sub3A_1732 = arith.subi %div3A_1711, %sub3A_1731 : i32
      %select_n3A_1733 = arith.select %and3A_1730, %sub3A_1732, %div3A_1711 : i32
      %mul3A_1734 = arith.constant 16 : i32
      %mul3A_1735 = arith.muli %add3A_1555, %mul3A_1734 : i32
      %add3A_1736 = arith.constant 3 : i32
      %add3A_1737 = arith.addi %mul3A_1735, %add3A_1736 : i32
      %jit3A_1738 = arith.constant 2 : i32
      %eq3A_1739 = arith.constant 0 : i32
      %eq3A_1740 = arith.cmpi eq, %jit3A_1738, %eq3A_1739 : i32
      %jit3A_1741 = arith.constant 1 : i32
      %select_n3A_1742 = arith.select %eq3A_1740, %jit3A_1741, %jit3A_1738 : i32
      %rem3A_1743 = arith.remsi %add3A_1737, %select_n3A_1742 : i32
      %ne3A_1744 = arith.constant 0 : i32
      %ne3A_1745 = arith.cmpi ne, %rem3A_1743, %ne3A_1744 : i32
      %lt3A_1746 = arith.constant 0 : i32
      %lt3A_1747 = arith.cmpi slt, %rem3A_1743, %lt3A_1746 : i32
      %lt3A_1748 = arith.constant 0 : i32
      %lt3A_1749 = arith.cmpi slt, %select_n3A_1742, %lt3A_1748 : i32
      %ne3A_1750 = arith.xori %lt3A_1747, %lt3A_1749 : i1
      %and3A_1751 = arith.andi %ne3A_1750, %ne3A_1745 : i1
      %add3A_1752 = arith.addi %rem3A_1743, %select_n3A_1742 : i32
      %select_n3A_1753 = arith.select %and3A_1751, %add3A_1752, %rem3A_1743 : i32
      %mul3A_1754 = arith.constant 64 : i32
      %mul3A_1755 = arith.muli %select_n3A_1753, %mul3A_1754 : i32
      %mul3A_1756 = arith.constant 16 : i32
      %mul3A_1757 = arith.muli %add3A_1555, %mul3A_1756 : i32
      %add3A_1758 = arith.constant 4 : i32
      %add3A_1759 = arith.addi %mul3A_1757, %add3A_1758 : i32
      %jit3A_1760 = arith.constant 2 : i32
      %div3A_1761 = arith.divsi %add3A_1759, %jit3A_1760 : i32
      %sign3A_1762 = arith.constant 0 : i32
      %sign3A_1763 = arith.cmpi sgt, %add3A_1759, %sign3A_1762 : i32
      %sign3A_1764 = arith.extui %sign3A_1763 : i1 to i32
      %sign3A_1765 = arith.constant 0 : i32
      %sign3A_1766 = arith.cmpi slt, %add3A_1759, %sign3A_1765 : i32
      %sign3A_1767 = arith.extui %sign3A_1766 : i1 to i32
      %sign3A_1768 = arith.subi %sign3A_1764, %sign3A_1767 : i32
      %sign3A_1769 = arith.constant 0 : i32
      %sign3A_1770 = arith.cmpi sgt, %jit3A_1760, %sign3A_1769 : i32
      %sign3A_1771 = arith.extui %sign3A_1770 : i1 to i32
      %sign3A_1772 = arith.constant 0 : i32
      %sign3A_1773 = arith.cmpi slt, %jit3A_1760, %sign3A_1772 : i32
      %sign3A_1774 = arith.extui %sign3A_1773 : i1 to i32
      %sign3A_1775 = arith.subi %sign3A_1771, %sign3A_1774 : i32
      %ne3A_1776 = arith.cmpi ne, %sign3A_1768, %sign3A_1775 : i32
      %rem3A_1777 = arith.remsi %add3A_1759, %jit3A_1760 : i32
      %ne3A_1778 = arith.constant 0 : i32
      %ne3A_1779 = arith.cmpi ne, %rem3A_1777, %ne3A_1778 : i32
      %and3A_1780 = arith.andi %ne3A_1776, %ne3A_1779 : i1
      %sub3A_1781 = arith.constant 1 : i32
      %sub3A_1782 = arith.subi %div3A_1761, %sub3A_1781 : i32
      %select_n3A_1783 = arith.select %and3A_1780, %sub3A_1782, %div3A_1761 : i32
      %mul3A_1784 = arith.constant 16 : i32
      %mul3A_1785 = arith.muli %add3A_1555, %mul3A_1784 : i32
      %add3A_1786 = arith.constant 4 : i32
      %add3A_1787 = arith.addi %mul3A_1785, %add3A_1786 : i32
      %jit3A_1788 = arith.constant 2 : i32
      %eq3A_1789 = arith.constant 0 : i32
      %eq3A_1790 = arith.cmpi eq, %jit3A_1788, %eq3A_1789 : i32
      %jit3A_1791 = arith.constant 1 : i32
      %select_n3A_1792 = arith.select %eq3A_1790, %jit3A_1791, %jit3A_1788 : i32
      %rem3A_1793 = arith.remsi %add3A_1787, %select_n3A_1792 : i32
      %ne3A_1794 = arith.constant 0 : i32
      %ne3A_1795 = arith.cmpi ne, %rem3A_1793, %ne3A_1794 : i32
      %lt3A_1796 = arith.constant 0 : i32
      %lt3A_1797 = arith.cmpi slt, %rem3A_1793, %lt3A_1796 : i32
      %lt3A_1798 = arith.constant 0 : i32
      %lt3A_1799 = arith.cmpi slt, %select_n3A_1792, %lt3A_1798 : i32
      %ne3A_1800 = arith.xori %lt3A_1797, %lt3A_1799 : i1
      %and3A_1801 = arith.andi %ne3A_1800, %ne3A_1795 : i1
      %add3A_1802 = arith.addi %rem3A_1793, %select_n3A_1792 : i32
      %select_n3A_1803 = arith.select %and3A_1801, %add3A_1802, %rem3A_1793 : i32
      %mul3A_1804 = arith.constant 64 : i32
      %mul3A_1805 = arith.muli %select_n3A_1803, %mul3A_1804 : i32
      %mul3A_1806 = arith.constant 16 : i32
      %mul3A_1807 = arith.muli %add3A_1555, %mul3A_1806 : i32
      %add3A_1808 = arith.constant 5 : i32
      %add3A_1809 = arith.addi %mul3A_1807, %add3A_1808 : i32
      %jit3A_1810 = arith.constant 2 : i32
      %div3A_1811 = arith.divsi %add3A_1809, %jit3A_1810 : i32
      %sign3A_1812 = arith.constant 0 : i32
      %sign3A_1813 = arith.cmpi sgt, %add3A_1809, %sign3A_1812 : i32
      %sign3A_1814 = arith.extui %sign3A_1813 : i1 to i32
      %sign3A_1815 = arith.constant 0 : i32
      %sign3A_1816 = arith.cmpi slt, %add3A_1809, %sign3A_1815 : i32
      %sign3A_1817 = arith.extui %sign3A_1816 : i1 to i32
      %sign3A_1818 = arith.subi %sign3A_1814, %sign3A_1817 : i32
      %sign3A_1819 = arith.constant 0 : i32
      %sign3A_1820 = arith.cmpi sgt, %jit3A_1810, %sign3A_1819 : i32
      %sign3A_1821 = arith.extui %sign3A_1820 : i1 to i32
      %sign3A_1822 = arith.constant 0 : i32
      %sign3A_1823 = arith.cmpi slt, %jit3A_1810, %sign3A_1822 : i32
      %sign3A_1824 = arith.extui %sign3A_1823 : i1 to i32
      %sign3A_1825 = arith.subi %sign3A_1821, %sign3A_1824 : i32
      %ne3A_1826 = arith.cmpi ne, %sign3A_1818, %sign3A_1825 : i32
      %rem3A_1827 = arith.remsi %add3A_1809, %jit3A_1810 : i32
      %ne3A_1828 = arith.constant 0 : i32
      %ne3A_1829 = arith.cmpi ne, %rem3A_1827, %ne3A_1828 : i32
      %and3A_1830 = arith.andi %ne3A_1826, %ne3A_1829 : i1
      %sub3A_1831 = arith.constant 1 : i32
      %sub3A_1832 = arith.subi %div3A_1811, %sub3A_1831 : i32
      %select_n3A_1833 = arith.select %and3A_1830, %sub3A_1832, %div3A_1811 : i32
      %mul3A_1834 = arith.constant 16 : i32
      %mul3A_1835 = arith.muli %add3A_1555, %mul3A_1834 : i32
      %add3A_1836 = arith.constant 5 : i32
      %add3A_1837 = arith.addi %mul3A_1835, %add3A_1836 : i32
      %jit3A_1838 = arith.constant 2 : i32
      %eq3A_1839 = arith.constant 0 : i32
      %eq3A_1840 = arith.cmpi eq, %jit3A_1838, %eq3A_1839 : i32
      %jit3A_1841 = arith.constant 1 : i32
      %select_n3A_1842 = arith.select %eq3A_1840, %jit3A_1841, %jit3A_1838 : i32
      %rem3A_1843 = arith.remsi %add3A_1837, %select_n3A_1842 : i32
      %ne3A_1844 = arith.constant 0 : i32
      %ne3A_1845 = arith.cmpi ne, %rem3A_1843, %ne3A_1844 : i32
      %lt3A_1846 = arith.constant 0 : i32
      %lt3A_1847 = arith.cmpi slt, %rem3A_1843, %lt3A_1846 : i32
      %lt3A_1848 = arith.constant 0 : i32
      %lt3A_1849 = arith.cmpi slt, %select_n3A_1842, %lt3A_1848 : i32
      %ne3A_1850 = arith.xori %lt3A_1847, %lt3A_1849 : i1
      %and3A_1851 = arith.andi %ne3A_1850, %ne3A_1845 : i1
      %add3A_1852 = arith.addi %rem3A_1843, %select_n3A_1842 : i32
      %select_n3A_1853 = arith.select %and3A_1851, %add3A_1852, %rem3A_1843 : i32
      %mul3A_1854 = arith.constant 64 : i32
      %mul3A_1855 = arith.muli %select_n3A_1853, %mul3A_1854 : i32
      %mul3A_1856 = arith.constant 16 : i32
      %mul3A_1857 = arith.muli %add3A_1555, %mul3A_1856 : i32
      %add3A_1858 = arith.constant 6 : i32
      %add3A_1859 = arith.addi %mul3A_1857, %add3A_1858 : i32
      %jit3A_1860 = arith.constant 2 : i32
      %div3A_1861 = arith.divsi %add3A_1859, %jit3A_1860 : i32
      %sign3A_1862 = arith.constant 0 : i32
      %sign3A_1863 = arith.cmpi sgt, %add3A_1859, %sign3A_1862 : i32
      %sign3A_1864 = arith.extui %sign3A_1863 : i1 to i32
      %sign3A_1865 = arith.constant 0 : i32
      %sign3A_1866 = arith.cmpi slt, %add3A_1859, %sign3A_1865 : i32
      %sign3A_1867 = arith.extui %sign3A_1866 : i1 to i32
      %sign3A_1868 = arith.subi %sign3A_1864, %sign3A_1867 : i32
      %sign3A_1869 = arith.constant 0 : i32
      %sign3A_1870 = arith.cmpi sgt, %jit3A_1860, %sign3A_1869 : i32
      %sign3A_1871 = arith.extui %sign3A_1870 : i1 to i32
      %sign3A_1872 = arith.constant 0 : i32
      %sign3A_1873 = arith.cmpi slt, %jit3A_1860, %sign3A_1872 : i32
      %sign3A_1874 = arith.extui %sign3A_1873 : i1 to i32
      %sign3A_1875 = arith.subi %sign3A_1871, %sign3A_1874 : i32
      %ne3A_1876 = arith.cmpi ne, %sign3A_1868, %sign3A_1875 : i32
      %rem3A_1877 = arith.remsi %add3A_1859, %jit3A_1860 : i32
      %ne3A_1878 = arith.constant 0 : i32
      %ne3A_1879 = arith.cmpi ne, %rem3A_1877, %ne3A_1878 : i32
      %and3A_1880 = arith.andi %ne3A_1876, %ne3A_1879 : i1
      %sub3A_1881 = arith.constant 1 : i32
      %sub3A_1882 = arith.subi %div3A_1861, %sub3A_1881 : i32
      %select_n3A_1883 = arith.select %and3A_1880, %sub3A_1882, %div3A_1861 : i32
      %mul3A_1884 = arith.constant 16 : i32
      %mul3A_1885 = arith.muli %add3A_1555, %mul3A_1884 : i32
      %add3A_1886 = arith.constant 6 : i32
      %add3A_1887 = arith.addi %mul3A_1885, %add3A_1886 : i32
      %jit3A_1888 = arith.constant 2 : i32
      %eq3A_1889 = arith.constant 0 : i32
      %eq3A_1890 = arith.cmpi eq, %jit3A_1888, %eq3A_1889 : i32
      %jit3A_1891 = arith.constant 1 : i32
      %select_n3A_1892 = arith.select %eq3A_1890, %jit3A_1891, %jit3A_1888 : i32
      %rem3A_1893 = arith.remsi %add3A_1887, %select_n3A_1892 : i32
      %ne3A_1894 = arith.constant 0 : i32
      %ne3A_1895 = arith.cmpi ne, %rem3A_1893, %ne3A_1894 : i32
      %lt3A_1896 = arith.constant 0 : i32
      %lt3A_1897 = arith.cmpi slt, %rem3A_1893, %lt3A_1896 : i32
      %lt3A_1898 = arith.constant 0 : i32
      %lt3A_1899 = arith.cmpi slt, %select_n3A_1892, %lt3A_1898 : i32
      %ne3A_1900 = arith.xori %lt3A_1897, %lt3A_1899 : i1
      %and3A_1901 = arith.andi %ne3A_1900, %ne3A_1895 : i1
      %add3A_1902 = arith.addi %rem3A_1893, %select_n3A_1892 : i32
      %select_n3A_1903 = arith.select %and3A_1901, %add3A_1902, %rem3A_1893 : i32
      %mul3A_1904 = arith.constant 64 : i32
      %mul3A_1905 = arith.muli %select_n3A_1903, %mul3A_1904 : i32
      %mul3A_1906 = arith.constant 16 : i32
      %mul3A_1907 = arith.muli %add3A_1555, %mul3A_1906 : i32
      %add3A_1908 = arith.constant 7 : i32
      %add3A_1909 = arith.addi %mul3A_1907, %add3A_1908 : i32
      %jit3A_1910 = arith.constant 2 : i32
      %div3A_1911 = arith.divsi %add3A_1909, %jit3A_1910 : i32
      %sign3A_1912 = arith.constant 0 : i32
      %sign3A_1913 = arith.cmpi sgt, %add3A_1909, %sign3A_1912 : i32
      %sign3A_1914 = arith.extui %sign3A_1913 : i1 to i32
      %sign3A_1915 = arith.constant 0 : i32
      %sign3A_1916 = arith.cmpi slt, %add3A_1909, %sign3A_1915 : i32
      %sign3A_1917 = arith.extui %sign3A_1916 : i1 to i32
      %sign3A_1918 = arith.subi %sign3A_1914, %sign3A_1917 : i32
      %sign3A_1919 = arith.constant 0 : i32
      %sign3A_1920 = arith.cmpi sgt, %jit3A_1910, %sign3A_1919 : i32
      %sign3A_1921 = arith.extui %sign3A_1920 : i1 to i32
      %sign3A_1922 = arith.constant 0 : i32
      %sign3A_1923 = arith.cmpi slt, %jit3A_1910, %sign3A_1922 : i32
      %sign3A_1924 = arith.extui %sign3A_1923 : i1 to i32
      %sign3A_1925 = arith.subi %sign3A_1921, %sign3A_1924 : i32
      %ne3A_1926 = arith.cmpi ne, %sign3A_1918, %sign3A_1925 : i32
      %rem3A_1927 = arith.remsi %add3A_1909, %jit3A_1910 : i32
      %ne3A_1928 = arith.constant 0 : i32
      %ne3A_1929 = arith.cmpi ne, %rem3A_1927, %ne3A_1928 : i32
      %and3A_1930 = arith.andi %ne3A_1926, %ne3A_1929 : i1
      %sub3A_1931 = arith.constant 1 : i32
      %sub3A_1932 = arith.subi %div3A_1911, %sub3A_1931 : i32
      %select_n3A_1933 = arith.select %and3A_1930, %sub3A_1932, %div3A_1911 : i32
      %mul3A_1934 = arith.constant 16 : i32
      %mul3A_1935 = arith.muli %add3A_1555, %mul3A_1934 : i32
      %add3A_1936 = arith.constant 7 : i32
      %add3A_1937 = arith.addi %mul3A_1935, %add3A_1936 : i32
      %jit3A_1938 = arith.constant 2 : i32
      %eq3A_1939 = arith.constant 0 : i32
      %eq3A_1940 = arith.cmpi eq, %jit3A_1938, %eq3A_1939 : i32
      %jit3A_1941 = arith.constant 1 : i32
      %select_n3A_1942 = arith.select %eq3A_1940, %jit3A_1941, %jit3A_1938 : i32
      %rem3A_1943 = arith.remsi %add3A_1937, %select_n3A_1942 : i32
      %ne3A_1944 = arith.constant 0 : i32
      %ne3A_1945 = arith.cmpi ne, %rem3A_1943, %ne3A_1944 : i32
      %lt3A_1946 = arith.constant 0 : i32
      %lt3A_1947 = arith.cmpi slt, %rem3A_1943, %lt3A_1946 : i32
      %lt3A_1948 = arith.constant 0 : i32
      %lt3A_1949 = arith.cmpi slt, %select_n3A_1942, %lt3A_1948 : i32
      %ne3A_1950 = arith.xori %lt3A_1947, %lt3A_1949 : i1
      %and3A_1951 = arith.andi %ne3A_1950, %ne3A_1945 : i1
      %add3A_1952 = arith.addi %rem3A_1943, %select_n3A_1942 : i32
      %select_n3A_1953 = arith.select %and3A_1951, %add3A_1952, %rem3A_1943 : i32
      %mul3A_1954 = arith.constant 64 : i32
      %mul3A_1955 = arith.muli %select_n3A_1953, %mul3A_1954 : i32
      %mul3A_1956 = arith.constant 16 : i32
      %mul3A_1957 = arith.muli %add3A_1555, %mul3A_1956 : i32
      %add3A_1958 = arith.constant 8 : i32
      %add3A_1959 = arith.addi %mul3A_1957, %add3A_1958 : i32
      %jit3A_1960 = arith.constant 2 : i32
      %div3A_1961 = arith.divsi %add3A_1959, %jit3A_1960 : i32
      %sign3A_1962 = arith.constant 0 : i32
      %sign3A_1963 = arith.cmpi sgt, %add3A_1959, %sign3A_1962 : i32
      %sign3A_1964 = arith.extui %sign3A_1963 : i1 to i32
      %sign3A_1965 = arith.constant 0 : i32
      %sign3A_1966 = arith.cmpi slt, %add3A_1959, %sign3A_1965 : i32
      %sign3A_1967 = arith.extui %sign3A_1966 : i1 to i32
      %sign3A_1968 = arith.subi %sign3A_1964, %sign3A_1967 : i32
      %sign3A_1969 = arith.constant 0 : i32
      %sign3A_1970 = arith.cmpi sgt, %jit3A_1960, %sign3A_1969 : i32
      %sign3A_1971 = arith.extui %sign3A_1970 : i1 to i32
      %sign3A_1972 = arith.constant 0 : i32
      %sign3A_1973 = arith.cmpi slt, %jit3A_1960, %sign3A_1972 : i32
      %sign3A_1974 = arith.extui %sign3A_1973 : i1 to i32
      %sign3A_1975 = arith.subi %sign3A_1971, %sign3A_1974 : i32
      %ne3A_1976 = arith.cmpi ne, %sign3A_1968, %sign3A_1975 : i32
      %rem3A_1977 = arith.remsi %add3A_1959, %jit3A_1960 : i32
      %ne3A_1978 = arith.constant 0 : i32
      %ne3A_1979 = arith.cmpi ne, %rem3A_1977, %ne3A_1978 : i32
      %and3A_1980 = arith.andi %ne3A_1976, %ne3A_1979 : i1
      %sub3A_1981 = arith.constant 1 : i32
      %sub3A_1982 = arith.subi %div3A_1961, %sub3A_1981 : i32
      %select_n3A_1983 = arith.select %and3A_1980, %sub3A_1982, %div3A_1961 : i32
      %mul3A_1984 = arith.constant 16 : i32
      %mul3A_1985 = arith.muli %add3A_1555, %mul3A_1984 : i32
      %add3A_1986 = arith.constant 8 : i32
      %add3A_1987 = arith.addi %mul3A_1985, %add3A_1986 : i32
      %jit3A_1988 = arith.constant 2 : i32
      %eq3A_1989 = arith.constant 0 : i32
      %eq3A_1990 = arith.cmpi eq, %jit3A_1988, %eq3A_1989 : i32
      %jit3A_1991 = arith.constant 1 : i32
      %select_n3A_1992 = arith.select %eq3A_1990, %jit3A_1991, %jit3A_1988 : i32
      %rem3A_1993 = arith.remsi %add3A_1987, %select_n3A_1992 : i32
      %ne3A_1994 = arith.constant 0 : i32
      %ne3A_1995 = arith.cmpi ne, %rem3A_1993, %ne3A_1994 : i32
      %lt3A_1996 = arith.constant 0 : i32
      %lt3A_1997 = arith.cmpi slt, %rem3A_1993, %lt3A_1996 : i32
      %lt3A_1998 = arith.constant 0 : i32
      %lt3A_1999 = arith.cmpi slt, %select_n3A_1992, %lt3A_1998 : i32
      %ne3A_2000 = arith.xori %lt3A_1997, %lt3A_1999 : i1
      %and3A_2001 = arith.andi %ne3A_2000, %ne3A_1995 : i1
      %add3A_2002 = arith.addi %rem3A_1993, %select_n3A_1992 : i32
      %select_n3A_2003 = arith.select %and3A_2001, %add3A_2002, %rem3A_1993 : i32
      %mul3A_2004 = arith.constant 64 : i32
      %mul3A_2005 = arith.muli %select_n3A_2003, %mul3A_2004 : i32
      %mul3A_2006 = arith.constant 16 : i32
      %mul3A_2007 = arith.muli %add3A_1555, %mul3A_2006 : i32
      %add3A_2008 = arith.constant 9 : i32
      %add3A_2009 = arith.addi %mul3A_2007, %add3A_2008 : i32
      %jit3A_2010 = arith.constant 2 : i32
      %div3A_2011 = arith.divsi %add3A_2009, %jit3A_2010 : i32
      %sign3A_2012 = arith.constant 0 : i32
      %sign3A_2013 = arith.cmpi sgt, %add3A_2009, %sign3A_2012 : i32
      %sign3A_2014 = arith.extui %sign3A_2013 : i1 to i32
      %sign3A_2015 = arith.constant 0 : i32
      %sign3A_2016 = arith.cmpi slt, %add3A_2009, %sign3A_2015 : i32
      %sign3A_2017 = arith.extui %sign3A_2016 : i1 to i32
      %sign3A_2018 = arith.subi %sign3A_2014, %sign3A_2017 : i32
      %sign3A_2019 = arith.constant 0 : i32
      %sign3A_2020 = arith.cmpi sgt, %jit3A_2010, %sign3A_2019 : i32
      %sign3A_2021 = arith.extui %sign3A_2020 : i1 to i32
      %sign3A_2022 = arith.constant 0 : i32
      %sign3A_2023 = arith.cmpi slt, %jit3A_2010, %sign3A_2022 : i32
      %sign3A_2024 = arith.extui %sign3A_2023 : i1 to i32
      %sign3A_2025 = arith.subi %sign3A_2021, %sign3A_2024 : i32
      %ne3A_2026 = arith.cmpi ne, %sign3A_2018, %sign3A_2025 : i32
      %rem3A_2027 = arith.remsi %add3A_2009, %jit3A_2010 : i32
      %ne3A_2028 = arith.constant 0 : i32
      %ne3A_2029 = arith.cmpi ne, %rem3A_2027, %ne3A_2028 : i32
      %and3A_2030 = arith.andi %ne3A_2026, %ne3A_2029 : i1
      %sub3A_2031 = arith.constant 1 : i32
      %sub3A_2032 = arith.subi %div3A_2011, %sub3A_2031 : i32
      %select_n3A_2033 = arith.select %and3A_2030, %sub3A_2032, %div3A_2011 : i32
      %mul3A_2034 = arith.constant 16 : i32
      %mul3A_2035 = arith.muli %add3A_1555, %mul3A_2034 : i32
      %add3A_2036 = arith.constant 9 : i32
      %add3A_2037 = arith.addi %mul3A_2035, %add3A_2036 : i32
      %jit3A_2038 = arith.constant 2 : i32
      %eq3A_2039 = arith.constant 0 : i32
      %eq3A_2040 = arith.cmpi eq, %jit3A_2038, %eq3A_2039 : i32
      %jit3A_2041 = arith.constant 1 : i32
      %select_n3A_2042 = arith.select %eq3A_2040, %jit3A_2041, %jit3A_2038 : i32
      %rem3A_2043 = arith.remsi %add3A_2037, %select_n3A_2042 : i32
      %ne3A_2044 = arith.constant 0 : i32
      %ne3A_2045 = arith.cmpi ne, %rem3A_2043, %ne3A_2044 : i32
      %lt3A_2046 = arith.constant 0 : i32
      %lt3A_2047 = arith.cmpi slt, %rem3A_2043, %lt3A_2046 : i32
      %lt3A_2048 = arith.constant 0 : i32
      %lt3A_2049 = arith.cmpi slt, %select_n3A_2042, %lt3A_2048 : i32
      %ne3A_2050 = arith.xori %lt3A_2047, %lt3A_2049 : i1
      %and3A_2051 = arith.andi %ne3A_2050, %ne3A_2045 : i1
      %add3A_2052 = arith.addi %rem3A_2043, %select_n3A_2042 : i32
      %select_n3A_2053 = arith.select %and3A_2051, %add3A_2052, %rem3A_2043 : i32
      %mul3A_2054 = arith.constant 64 : i32
      %mul3A_2055 = arith.muli %select_n3A_2053, %mul3A_2054 : i32
      %mul3A_2056 = arith.constant 16 : i32
      %mul3A_2057 = arith.muli %add3A_1555, %mul3A_2056 : i32
      %add3A_2058 = arith.constant 10 : i32
      %add3A_2059 = arith.addi %mul3A_2057, %add3A_2058 : i32
      %jit3A_2060 = arith.constant 2 : i32
      %div3A_2061 = arith.divsi %add3A_2059, %jit3A_2060 : i32
      %sign3A_2062 = arith.constant 0 : i32
      %sign3A_2063 = arith.cmpi sgt, %add3A_2059, %sign3A_2062 : i32
      %sign3A_2064 = arith.extui %sign3A_2063 : i1 to i32
      %sign3A_2065 = arith.constant 0 : i32
      %sign3A_2066 = arith.cmpi slt, %add3A_2059, %sign3A_2065 : i32
      %sign3A_2067 = arith.extui %sign3A_2066 : i1 to i32
      %sign3A_2068 = arith.subi %sign3A_2064, %sign3A_2067 : i32
      %sign3A_2069 = arith.constant 0 : i32
      %sign3A_2070 = arith.cmpi sgt, %jit3A_2060, %sign3A_2069 : i32
      %sign3A_2071 = arith.extui %sign3A_2070 : i1 to i32
      %sign3A_2072 = arith.constant 0 : i32
      %sign3A_2073 = arith.cmpi slt, %jit3A_2060, %sign3A_2072 : i32
      %sign3A_2074 = arith.extui %sign3A_2073 : i1 to i32
      %sign3A_2075 = arith.subi %sign3A_2071, %sign3A_2074 : i32
      %ne3A_2076 = arith.cmpi ne, %sign3A_2068, %sign3A_2075 : i32
      %rem3A_2077 = arith.remsi %add3A_2059, %jit3A_2060 : i32
      %ne3A_2078 = arith.constant 0 : i32
      %ne3A_2079 = arith.cmpi ne, %rem3A_2077, %ne3A_2078 : i32
      %and3A_2080 = arith.andi %ne3A_2076, %ne3A_2079 : i1
      %sub3A_2081 = arith.constant 1 : i32
      %sub3A_2082 = arith.subi %div3A_2061, %sub3A_2081 : i32
      %select_n3A_2083 = arith.select %and3A_2080, %sub3A_2082, %div3A_2061 : i32
      %mul3A_2084 = arith.constant 16 : i32
      %mul3A_2085 = arith.muli %add3A_1555, %mul3A_2084 : i32
      %add3A_2086 = arith.constant 10 : i32
      %add3A_2087 = arith.addi %mul3A_2085, %add3A_2086 : i32
      %jit3A_2088 = arith.constant 2 : i32
      %eq3A_2089 = arith.constant 0 : i32
      %eq3A_2090 = arith.cmpi eq, %jit3A_2088, %eq3A_2089 : i32
      %jit3A_2091 = arith.constant 1 : i32
      %select_n3A_2092 = arith.select %eq3A_2090, %jit3A_2091, %jit3A_2088 : i32
      %rem3A_2093 = arith.remsi %add3A_2087, %select_n3A_2092 : i32
      %ne3A_2094 = arith.constant 0 : i32
      %ne3A_2095 = arith.cmpi ne, %rem3A_2093, %ne3A_2094 : i32
      %lt3A_2096 = arith.constant 0 : i32
      %lt3A_2097 = arith.cmpi slt, %rem3A_2093, %lt3A_2096 : i32
      %lt3A_2098 = arith.constant 0 : i32
      %lt3A_2099 = arith.cmpi slt, %select_n3A_2092, %lt3A_2098 : i32
      %ne3A_2100 = arith.xori %lt3A_2097, %lt3A_2099 : i1
      %and3A_2101 = arith.andi %ne3A_2100, %ne3A_2095 : i1
      %add3A_2102 = arith.addi %rem3A_2093, %select_n3A_2092 : i32
      %select_n3A_2103 = arith.select %and3A_2101, %add3A_2102, %rem3A_2093 : i32
      %mul3A_2104 = arith.constant 64 : i32
      %mul3A_2105 = arith.muli %select_n3A_2103, %mul3A_2104 : i32
      %mul3A_2106 = arith.constant 16 : i32
      %mul3A_2107 = arith.muli %add3A_1555, %mul3A_2106 : i32
      %add3A_2108 = arith.constant 11 : i32
      %add3A_2109 = arith.addi %mul3A_2107, %add3A_2108 : i32
      %jit3A_2110 = arith.constant 2 : i32
      %div3A_2111 = arith.divsi %add3A_2109, %jit3A_2110 : i32
      %sign3A_2112 = arith.constant 0 : i32
      %sign3A_2113 = arith.cmpi sgt, %add3A_2109, %sign3A_2112 : i32
      %sign3A_2114 = arith.extui %sign3A_2113 : i1 to i32
      %sign3A_2115 = arith.constant 0 : i32
      %sign3A_2116 = arith.cmpi slt, %add3A_2109, %sign3A_2115 : i32
      %sign3A_2117 = arith.extui %sign3A_2116 : i1 to i32
      %sign3A_2118 = arith.subi %sign3A_2114, %sign3A_2117 : i32
      %sign3A_2119 = arith.constant 0 : i32
      %sign3A_2120 = arith.cmpi sgt, %jit3A_2110, %sign3A_2119 : i32
      %sign3A_2121 = arith.extui %sign3A_2120 : i1 to i32
      %sign3A_2122 = arith.constant 0 : i32
      %sign3A_2123 = arith.cmpi slt, %jit3A_2110, %sign3A_2122 : i32
      %sign3A_2124 = arith.extui %sign3A_2123 : i1 to i32
      %sign3A_2125 = arith.subi %sign3A_2121, %sign3A_2124 : i32
      %ne3A_2126 = arith.cmpi ne, %sign3A_2118, %sign3A_2125 : i32
      %rem3A_2127 = arith.remsi %add3A_2109, %jit3A_2110 : i32
      %ne3A_2128 = arith.constant 0 : i32
      %ne3A_2129 = arith.cmpi ne, %rem3A_2127, %ne3A_2128 : i32
      %and3A_2130 = arith.andi %ne3A_2126, %ne3A_2129 : i1
      %sub3A_2131 = arith.constant 1 : i32
      %sub3A_2132 = arith.subi %div3A_2111, %sub3A_2131 : i32
      %select_n3A_2133 = arith.select %and3A_2130, %sub3A_2132, %div3A_2111 : i32
      %mul3A_2134 = arith.constant 16 : i32
      %mul3A_2135 = arith.muli %add3A_1555, %mul3A_2134 : i32
      %add3A_2136 = arith.constant 11 : i32
      %add3A_2137 = arith.addi %mul3A_2135, %add3A_2136 : i32
      %jit3A_2138 = arith.constant 2 : i32
      %eq3A_2139 = arith.constant 0 : i32
      %eq3A_2140 = arith.cmpi eq, %jit3A_2138, %eq3A_2139 : i32
      %jit3A_2141 = arith.constant 1 : i32
      %select_n3A_2142 = arith.select %eq3A_2140, %jit3A_2141, %jit3A_2138 : i32
      %rem3A_2143 = arith.remsi %add3A_2137, %select_n3A_2142 : i32
      %ne3A_2144 = arith.constant 0 : i32
      %ne3A_2145 = arith.cmpi ne, %rem3A_2143, %ne3A_2144 : i32
      %lt3A_2146 = arith.constant 0 : i32
      %lt3A_2147 = arith.cmpi slt, %rem3A_2143, %lt3A_2146 : i32
      %lt3A_2148 = arith.constant 0 : i32
      %lt3A_2149 = arith.cmpi slt, %select_n3A_2142, %lt3A_2148 : i32
      %ne3A_2150 = arith.xori %lt3A_2147, %lt3A_2149 : i1
      %and3A_2151 = arith.andi %ne3A_2150, %ne3A_2145 : i1
      %add3A_2152 = arith.addi %rem3A_2143, %select_n3A_2142 : i32
      %select_n3A_2153 = arith.select %and3A_2151, %add3A_2152, %rem3A_2143 : i32
      %mul3A_2154 = arith.constant 64 : i32
      %mul3A_2155 = arith.muli %select_n3A_2153, %mul3A_2154 : i32
      %mul3A_2156 = arith.constant 16 : i32
      %mul3A_2157 = arith.muli %add3A_1555, %mul3A_2156 : i32
      %add3A_2158 = arith.constant 12 : i32
      %add3A_2159 = arith.addi %mul3A_2157, %add3A_2158 : i32
      %jit3A_2160 = arith.constant 2 : i32
      %div3A_2161 = arith.divsi %add3A_2159, %jit3A_2160 : i32
      %sign3A_2162 = arith.constant 0 : i32
      %sign3A_2163 = arith.cmpi sgt, %add3A_2159, %sign3A_2162 : i32
      %sign3A_2164 = arith.extui %sign3A_2163 : i1 to i32
      %sign3A_2165 = arith.constant 0 : i32
      %sign3A_2166 = arith.cmpi slt, %add3A_2159, %sign3A_2165 : i32
      %sign3A_2167 = arith.extui %sign3A_2166 : i1 to i32
      %sign3A_2168 = arith.subi %sign3A_2164, %sign3A_2167 : i32
      %sign3A_2169 = arith.constant 0 : i32
      %sign3A_2170 = arith.cmpi sgt, %jit3A_2160, %sign3A_2169 : i32
      %sign3A_2171 = arith.extui %sign3A_2170 : i1 to i32
      %sign3A_2172 = arith.constant 0 : i32
      %sign3A_2173 = arith.cmpi slt, %jit3A_2160, %sign3A_2172 : i32
      %sign3A_2174 = arith.extui %sign3A_2173 : i1 to i32
      %sign3A_2175 = arith.subi %sign3A_2171, %sign3A_2174 : i32
      %ne3A_2176 = arith.cmpi ne, %sign3A_2168, %sign3A_2175 : i32
      %rem3A_2177 = arith.remsi %add3A_2159, %jit3A_2160 : i32
      %ne3A_2178 = arith.constant 0 : i32
      %ne3A_2179 = arith.cmpi ne, %rem3A_2177, %ne3A_2178 : i32
      %and3A_2180 = arith.andi %ne3A_2176, %ne3A_2179 : i1
      %sub3A_2181 = arith.constant 1 : i32
      %sub3A_2182 = arith.subi %div3A_2161, %sub3A_2181 : i32
      %select_n3A_2183 = arith.select %and3A_2180, %sub3A_2182, %div3A_2161 : i32
      %mul3A_2184 = arith.constant 16 : i32
      %mul3A_2185 = arith.muli %add3A_1555, %mul3A_2184 : i32
      %add3A_2186 = arith.constant 12 : i32
      %add3A_2187 = arith.addi %mul3A_2185, %add3A_2186 : i32
      %jit3A_2188 = arith.constant 2 : i32
      %eq3A_2189 = arith.constant 0 : i32
      %eq3A_2190 = arith.cmpi eq, %jit3A_2188, %eq3A_2189 : i32
      %jit3A_2191 = arith.constant 1 : i32
      %select_n3A_2192 = arith.select %eq3A_2190, %jit3A_2191, %jit3A_2188 : i32
      %rem3A_2193 = arith.remsi %add3A_2187, %select_n3A_2192 : i32
      %ne3A_2194 = arith.constant 0 : i32
      %ne3A_2195 = arith.cmpi ne, %rem3A_2193, %ne3A_2194 : i32
      %lt3A_2196 = arith.constant 0 : i32
      %lt3A_2197 = arith.cmpi slt, %rem3A_2193, %lt3A_2196 : i32
      %lt3A_2198 = arith.constant 0 : i32
      %lt3A_2199 = arith.cmpi slt, %select_n3A_2192, %lt3A_2198 : i32
      %ne3A_2200 = arith.xori %lt3A_2197, %lt3A_2199 : i1
      %and3A_2201 = arith.andi %ne3A_2200, %ne3A_2195 : i1
      %add3A_2202 = arith.addi %rem3A_2193, %select_n3A_2192 : i32
      %select_n3A_2203 = arith.select %and3A_2201, %add3A_2202, %rem3A_2193 : i32
      %mul3A_2204 = arith.constant 64 : i32
      %mul3A_2205 = arith.muli %select_n3A_2203, %mul3A_2204 : i32
      %mul3A_2206 = arith.constant 16 : i32
      %mul3A_2207 = arith.muli %add3A_1555, %mul3A_2206 : i32
      %add3A_2208 = arith.constant 13 : i32
      %add3A_2209 = arith.addi %mul3A_2207, %add3A_2208 : i32
      %jit3A_2210 = arith.constant 2 : i32
      %div3A_2211 = arith.divsi %add3A_2209, %jit3A_2210 : i32
      %sign3A_2212 = arith.constant 0 : i32
      %sign3A_2213 = arith.cmpi sgt, %add3A_2209, %sign3A_2212 : i32
      %sign3A_2214 = arith.extui %sign3A_2213 : i1 to i32
      %sign3A_2215 = arith.constant 0 : i32
      %sign3A_2216 = arith.cmpi slt, %add3A_2209, %sign3A_2215 : i32
      %sign3A_2217 = arith.extui %sign3A_2216 : i1 to i32
      %sign3A_2218 = arith.subi %sign3A_2214, %sign3A_2217 : i32
      %sign3A_2219 = arith.constant 0 : i32
      %sign3A_2220 = arith.cmpi sgt, %jit3A_2210, %sign3A_2219 : i32
      %sign3A_2221 = arith.extui %sign3A_2220 : i1 to i32
      %sign3A_2222 = arith.constant 0 : i32
      %sign3A_2223 = arith.cmpi slt, %jit3A_2210, %sign3A_2222 : i32
      %sign3A_2224 = arith.extui %sign3A_2223 : i1 to i32
      %sign3A_2225 = arith.subi %sign3A_2221, %sign3A_2224 : i32
      %ne3A_2226 = arith.cmpi ne, %sign3A_2218, %sign3A_2225 : i32
      %rem3A_2227 = arith.remsi %add3A_2209, %jit3A_2210 : i32
      %ne3A_2228 = arith.constant 0 : i32
      %ne3A_2229 = arith.cmpi ne, %rem3A_2227, %ne3A_2228 : i32
      %and3A_2230 = arith.andi %ne3A_2226, %ne3A_2229 : i1
      %sub3A_2231 = arith.constant 1 : i32
      %sub3A_2232 = arith.subi %div3A_2211, %sub3A_2231 : i32
      %select_n3A_2233 = arith.select %and3A_2230, %sub3A_2232, %div3A_2211 : i32
      %mul3A_2234 = arith.constant 16 : i32
      %mul3A_2235 = arith.muli %add3A_1555, %mul3A_2234 : i32
      %add3A_2236 = arith.constant 13 : i32
      %add3A_2237 = arith.addi %mul3A_2235, %add3A_2236 : i32
      %jit3A_2238 = arith.constant 2 : i32
      %eq3A_2239 = arith.constant 0 : i32
      %eq3A_2240 = arith.cmpi eq, %jit3A_2238, %eq3A_2239 : i32
      %jit3A_2241 = arith.constant 1 : i32
      %select_n3A_2242 = arith.select %eq3A_2240, %jit3A_2241, %jit3A_2238 : i32
      %rem3A_2243 = arith.remsi %add3A_2237, %select_n3A_2242 : i32
      %ne3A_2244 = arith.constant 0 : i32
      %ne3A_2245 = arith.cmpi ne, %rem3A_2243, %ne3A_2244 : i32
      %lt3A_2246 = arith.constant 0 : i32
      %lt3A_2247 = arith.cmpi slt, %rem3A_2243, %lt3A_2246 : i32
      %lt3A_2248 = arith.constant 0 : i32
      %lt3A_2249 = arith.cmpi slt, %select_n3A_2242, %lt3A_2248 : i32
      %ne3A_2250 = arith.xori %lt3A_2247, %lt3A_2249 : i1
      %and3A_2251 = arith.andi %ne3A_2250, %ne3A_2245 : i1
      %add3A_2252 = arith.addi %rem3A_2243, %select_n3A_2242 : i32
      %select_n3A_2253 = arith.select %and3A_2251, %add3A_2252, %rem3A_2243 : i32
      %mul3A_2254 = arith.constant 64 : i32
      %mul3A_2255 = arith.muli %select_n3A_2253, %mul3A_2254 : i32
      %mul3A_2256 = arith.constant 16 : i32
      %mul3A_2257 = arith.muli %add3A_1555, %mul3A_2256 : i32
      %add3A_2258 = arith.constant 14 : i32
      %add3A_2259 = arith.addi %mul3A_2257, %add3A_2258 : i32
      %jit3A_2260 = arith.constant 2 : i32
      %div3A_2261 = arith.divsi %add3A_2259, %jit3A_2260 : i32
      %sign3A_2262 = arith.constant 0 : i32
      %sign3A_2263 = arith.cmpi sgt, %add3A_2259, %sign3A_2262 : i32
      %sign3A_2264 = arith.extui %sign3A_2263 : i1 to i32
      %sign3A_2265 = arith.constant 0 : i32
      %sign3A_2266 = arith.cmpi slt, %add3A_2259, %sign3A_2265 : i32
      %sign3A_2267 = arith.extui %sign3A_2266 : i1 to i32
      %sign3A_2268 = arith.subi %sign3A_2264, %sign3A_2267 : i32
      %sign3A_2269 = arith.constant 0 : i32
      %sign3A_2270 = arith.cmpi sgt, %jit3A_2260, %sign3A_2269 : i32
      %sign3A_2271 = arith.extui %sign3A_2270 : i1 to i32
      %sign3A_2272 = arith.constant 0 : i32
      %sign3A_2273 = arith.cmpi slt, %jit3A_2260, %sign3A_2272 : i32
      %sign3A_2274 = arith.extui %sign3A_2273 : i1 to i32
      %sign3A_2275 = arith.subi %sign3A_2271, %sign3A_2274 : i32
      %ne3A_2276 = arith.cmpi ne, %sign3A_2268, %sign3A_2275 : i32
      %rem3A_2277 = arith.remsi %add3A_2259, %jit3A_2260 : i32
      %ne3A_2278 = arith.constant 0 : i32
      %ne3A_2279 = arith.cmpi ne, %rem3A_2277, %ne3A_2278 : i32
      %and3A_2280 = arith.andi %ne3A_2276, %ne3A_2279 : i1
      %sub3A_2281 = arith.constant 1 : i32
      %sub3A_2282 = arith.subi %div3A_2261, %sub3A_2281 : i32
      %select_n3A_2283 = arith.select %and3A_2280, %sub3A_2282, %div3A_2261 : i32
      %mul3A_2284 = arith.constant 16 : i32
      %mul3A_2285 = arith.muli %add3A_1555, %mul3A_2284 : i32
      %add3A_2286 = arith.constant 14 : i32
      %add3A_2287 = arith.addi %mul3A_2285, %add3A_2286 : i32
      %jit3A_2288 = arith.constant 2 : i32
      %eq3A_2289 = arith.constant 0 : i32
      %eq3A_2290 = arith.cmpi eq, %jit3A_2288, %eq3A_2289 : i32
      %jit3A_2291 = arith.constant 1 : i32
      %select_n3A_2292 = arith.select %eq3A_2290, %jit3A_2291, %jit3A_2288 : i32
      %rem3A_2293 = arith.remsi %add3A_2287, %select_n3A_2292 : i32
      %ne3A_2294 = arith.constant 0 : i32
      %ne3A_2295 = arith.cmpi ne, %rem3A_2293, %ne3A_2294 : i32
      %lt3A_2296 = arith.constant 0 : i32
      %lt3A_2297 = arith.cmpi slt, %rem3A_2293, %lt3A_2296 : i32
      %lt3A_2298 = arith.constant 0 : i32
      %lt3A_2299 = arith.cmpi slt, %select_n3A_2292, %lt3A_2298 : i32
      %ne3A_2300 = arith.xori %lt3A_2297, %lt3A_2299 : i1
      %and3A_2301 = arith.andi %ne3A_2300, %ne3A_2295 : i1
      %add3A_2302 = arith.addi %rem3A_2293, %select_n3A_2292 : i32
      %select_n3A_2303 = arith.select %and3A_2301, %add3A_2302, %rem3A_2293 : i32
      %mul3A_2304 = arith.constant 64 : i32
      %mul3A_2305 = arith.muli %select_n3A_2303, %mul3A_2304 : i32
      %mul3A_2306 = arith.constant 16 : i32
      %mul3A_2307 = arith.muli %add3A_1555, %mul3A_2306 : i32
      %add3A_2308 = arith.constant 15 : i32
      %add3A_2309 = arith.addi %mul3A_2307, %add3A_2308 : i32
      %jit3A_2310 = arith.constant 2 : i32
      %div3A_2311 = arith.divsi %add3A_2309, %jit3A_2310 : i32
      %sign3A_2312 = arith.constant 0 : i32
      %sign3A_2313 = arith.cmpi sgt, %add3A_2309, %sign3A_2312 : i32
      %sign3A_2314 = arith.extui %sign3A_2313 : i1 to i32
      %sign3A_2315 = arith.constant 0 : i32
      %sign3A_2316 = arith.cmpi slt, %add3A_2309, %sign3A_2315 : i32
      %sign3A_2317 = arith.extui %sign3A_2316 : i1 to i32
      %sign3A_2318 = arith.subi %sign3A_2314, %sign3A_2317 : i32
      %sign3A_2319 = arith.constant 0 : i32
      %sign3A_2320 = arith.cmpi sgt, %jit3A_2310, %sign3A_2319 : i32
      %sign3A_2321 = arith.extui %sign3A_2320 : i1 to i32
      %sign3A_2322 = arith.constant 0 : i32
      %sign3A_2323 = arith.cmpi slt, %jit3A_2310, %sign3A_2322 : i32
      %sign3A_2324 = arith.extui %sign3A_2323 : i1 to i32
      %sign3A_2325 = arith.subi %sign3A_2321, %sign3A_2324 : i32
      %ne3A_2326 = arith.cmpi ne, %sign3A_2318, %sign3A_2325 : i32
      %rem3A_2327 = arith.remsi %add3A_2309, %jit3A_2310 : i32
      %ne3A_2328 = arith.constant 0 : i32
      %ne3A_2329 = arith.cmpi ne, %rem3A_2327, %ne3A_2328 : i32
      %and3A_2330 = arith.andi %ne3A_2326, %ne3A_2329 : i1
      %sub3A_2331 = arith.constant 1 : i32
      %sub3A_2332 = arith.subi %div3A_2311, %sub3A_2331 : i32
      %select_n3A_2333 = arith.select %and3A_2330, %sub3A_2332, %div3A_2311 : i32
      %mul3A_2334 = arith.constant 16 : i32
      %mul3A_2335 = arith.muli %add3A_1555, %mul3A_2334 : i32
      %add3A_2336 = arith.constant 15 : i32
      %add3A_2337 = arith.addi %mul3A_2335, %add3A_2336 : i32
      %jit3A_2338 = arith.constant 2 : i32
      %eq3A_2339 = arith.constant 0 : i32
      %eq3A_2340 = arith.cmpi eq, %jit3A_2338, %eq3A_2339 : i32
      %jit3A_2341 = arith.constant 1 : i32
      %select_n3A_2342 = arith.select %eq3A_2340, %jit3A_2341, %jit3A_2338 : i32
      %rem3A_2343 = arith.remsi %add3A_2337, %select_n3A_2342 : i32
      %ne3A_2344 = arith.constant 0 : i32
      %ne3A_2345 = arith.cmpi ne, %rem3A_2343, %ne3A_2344 : i32
      %lt3A_2346 = arith.constant 0 : i32
      %lt3A_2347 = arith.cmpi slt, %rem3A_2343, %lt3A_2346 : i32
      %lt3A_2348 = arith.constant 0 : i32
      %lt3A_2349 = arith.cmpi slt, %select_n3A_2342, %lt3A_2348 : i32
      %ne3A_2350 = arith.xori %lt3A_2347, %lt3A_2349 : i1
      %and3A_2351 = arith.andi %ne3A_2350, %ne3A_2345 : i1
      %add3A_2352 = arith.addi %rem3A_2343, %select_n3A_2342 : i32
      %select_n3A_2353 = arith.select %and3A_2351, %add3A_2352, %rem3A_2343 : i32
      %mul3A_2354 = arith.constant 64 : i32
      %mul3A_2355 = arith.muli %select_n3A_2353, %mul3A_2354 : i32
      %dma_wait3A_2356 = arith.constant 1 : i32
      %dma_wait3A_2357 = arith.constant 0 : i32
      %dma_wait3A_2358 = arith.constant 0 : i32
      %dma_wait3A_2359 = arith.constant 0 : i32
      %dma_wait3A_2360 = arith.constant 0 : i32
      %dma_wait3A_2361 = tpu.memref_slice %arg6[%dma_wait3A_2356, %dma_wait3A_2358, %dma_wait3A_2359, %dma_wait3A_2360] : memref<2x16x56x64xf32, #tpu.memory_space<vmem>> -> memref<1x16x56x64xf32, #tpu.memory_space<vmem>>
      %dma_wait3A_2362 = tpu.memref_squeeze %dma_wait3A_2361 : memref<1x16x56x64xf32, #tpu.memory_space<vmem>> -> memref<16x56x64xf32, #tpu.memory_space<vmem>>
      %dma_wait3A_2363 = arith.constant 0 : i32
      %dma_wait3A_2364 = arith.constant 0 : i32
      %dma_wait3A_2365 = tpu.memref_slice %dma_wait3A_2362[%dma_wait3A_2357, %dma_wait3A_2363, %dma_wait3A_2364] : memref<16x56x64xf32, #tpu.memory_space<vmem>> -> memref<1x56x64xf32, #tpu.memory_space<vmem>>
      %dma_wait3A_2366 = tpu.memref_squeeze %dma_wait3A_2365 : memref<1x56x64xf32, #tpu.memory_space<vmem>> -> memref<56x64xf32, #tpu.memory_space<vmem>>
      %dma_wait3A_2367 = arith.constant 0 : i32
      %dma_wait3A_2368 = arith.constant 0 : i32
      %dma_wait3A_2369 = tpu.memref_slice %dma_wait3A_2366[%dma_wait3A_2367, %dma_wait3A_2368] : memref<56x64xf32, #tpu.memory_space<vmem>> -> memref<50x64xf32, #tpu.memory_space<vmem>>
      %dma_wait3A_2370 = arith.constant 0 : i32
      %dma_wait3A_2371 = tpu.memref_slice %arg5[%select_n3A_1583, %dma_wait3A_2370] : memref<64x128xi32, #tpu.memory_space<vmem>> -> memref<1x128xi32, #tpu.memory_space<vmem>>
      %dma_wait3A_2372 = tpu.memref_squeeze %dma_wait3A_2371 : memref<1x128xi32, #tpu.memory_space<vmem>> -> memref<128xi32, #tpu.memory_space<vmem>>
      %dma_wait3A_2373 = tpu.memref_slice %dma_wait3A_2372[%mul3A_1605] : memref<128xi32, #tpu.memory_space<vmem>> -> memref<50xi32, #tpu.memory_space<vmem>>
      %dma_wait3A_2374 = arith.constant 0 : i32
      %dma_wait3A_2375 = arith.constant 0 : i32
      %dma_wait3A_2376 = tpu.memref_slice %arg3[%dma_wait3A_2374, %dma_wait3A_2375] : memref<100000x64xf32, #tpu.memory_space<hbm>> -> memref<100000x64xf32, #tpu.memory_space<hbm>>
      tpu.wait_indirect_dma semaphore(%arg8 : memref<!tpu.dma_semaphore, #tpu.memory_space<semaphore_mem>>) src(%dma_wait3A_2376 : memref<100000x64xf32, #tpu.memory_space<hbm>>) dst(%dma_wait3A_2369 : memref<50x64xf32, #tpu.memory_space<vmem>>)
      %dma_wait3A_2377 = arith.constant 1 : i32
      %dma_wait3A_2378 = arith.constant 1 : i32
      %dma_wait3A_2379 = arith.constant 0 : i32
      %dma_wait3A_2380 = arith.constant 0 : i32
      %dma_wait3A_2381 = arith.constant 0 : i32
      %dma_wait3A_2382 = tpu.memref_slice %arg6[%dma_wait3A_2377, %dma_wait3A_2379, %dma_wait3A_2380, %dma_wait3A_2381] : memref<2x16x56x64xf32, #tpu.memory_space<vmem>> -> memref<1x16x56x64xf32, #tpu.memory_space<vmem>>
      %dma_wait3A_2383 = tpu.memref_squeeze %dma_wait3A_2382 : memref<1x16x56x64xf32, #tpu.memory_space<vmem>> -> memref<16x56x64xf32, #tpu.memory_space<vmem>>
      %dma_wait3A_2384 = arith.constant 0 : i32
      %dma_wait3A_2385 = arith.constant 0 : i32
      %dma_wait3A_2386 = tpu.memref_slice %dma_wait3A_2383[%dma_wait3A_2378, %dma_wait3A_2384, %dma_wait3A_2385] : memref<16x56x64xf32, #tpu.memory_space<vmem>> -> memref<1x56x64xf32, #tpu.memory_space<vmem>>
      %dma_wait3A_2387 = tpu.memref_squeeze %dma_wait3A_2386 : memref<1x56x64xf32, #tpu.memory_space<vmem>> -> memref<56x64xf32, #tpu.memory_space<vmem>>
      %dma_wait3A_2388 = arith.constant 0 : i32
      %dma_wait3A_2389 = arith.constant 0 : i32
      %dma_wait3A_2390 = tpu.memref_slice %dma_wait3A_2387[%dma_wait3A_2388, %dma_wait3A_2389] : memref<56x64xf32, #tpu.memory_space<vmem>> -> memref<50x64xf32, #tpu.memory_space<vmem>>
      %dma_wait3A_2391 = arith.constant 0 : i32
      %dma_wait3A_2392 = tpu.memref_slice %arg5[%select_n3A_1633, %dma_wait3A_2391] : memref<64x128xi32, #tpu.memory_space<vmem>> -> memref<1x128xi32, #tpu.memory_space<vmem>>
      %dma_wait3A_2393 = tpu.memref_squeeze %dma_wait3A_2392 : memref<1x128xi32, #tpu.memory_space<vmem>> -> memref<128xi32, #tpu.memory_space<vmem>>
      %dma_wait3A_2394 = tpu.memref_slice %dma_wait3A_2393[%mul3A_1655] : memref<128xi32, #tpu.memory_space<vmem>> -> memref<50xi32, #tpu.memory_space<vmem>>
      %dma_wait3A_2395 = arith.constant 0 : i32
      %dma_wait3A_2396 = arith.constant 0 : i32
      %dma_wait3A_2397 = tpu.memref_slice %arg3[%dma_wait3A_2395, %dma_wait3A_2396] : memref<100000x64xf32, #tpu.memory_space<hbm>> -> memref<100000x64xf32, #tpu.memory_space<hbm>>
      tpu.wait_indirect_dma semaphore(%arg8 : memref<!tpu.dma_semaphore, #tpu.memory_space<semaphore_mem>>) src(%dma_wait3A_2397 : memref<100000x64xf32, #tpu.memory_space<hbm>>) dst(%dma_wait3A_2390 : memref<50x64xf32, #tpu.memory_space<vmem>>)
      %dma_wait3A_2398 = arith.constant 1 : i32
      %dma_wait3A_2399 = arith.constant 2 : i32
      %dma_wait3A_2400 = arith.constant 0 : i32
      %dma_wait3A_2401 = arith.constant 0 : i32
      %dma_wait3A_2402 = arith.constant 0 : i32
      %dma_wait3A_2403 = tpu.memref_slice %arg6[%dma_wait3A_2398, %dma_wait3A_2400, %dma_wait3A_2401, %dma_wait3A_2402] : memref<2x16x56x64xf32, #tpu.memory_space<vmem>> -> memref<1x16x56x64xf32, #tpu.memory_space<vmem>>
      %dma_wait3A_2404 = tpu.memref_squeeze %dma_wait3A_2403 : memref<1x16x56x64xf32, #tpu.memory_space<vmem>> -> memref<16x56x64xf32, #tpu.memory_space<vmem>>
      %dma_wait3A_2405 = arith.constant 0 : i32
      %dma_wait3A_2406 = arith.constant 0 : i32
      %dma_wait3A_2407 = tpu.memref_slice %dma_wait3A_2404[%dma_wait3A_2399, %dma_wait3A_2405, %dma_wait3A_2406] : memref<16x56x64xf32, #tpu.memory_space<vmem>> -> memref<1x56x64xf32, #tpu.memory_space<vmem>>
      %dma_wait3A_2408 = tpu.memref_squeeze %dma_wait3A_2407 : memref<1x56x64xf32, #tpu.memory_space<vmem>> -> memref<56x64xf32, #tpu.memory_space<vmem>>
      %dma_wait3A_2409 = arith.constant 0 : i32
      %dma_wait3A_2410 = arith.constant 0 : i32
      %dma_wait3A_2411 = tpu.memref_slice %dma_wait3A_2408[%dma_wait3A_2409, %dma_wait3A_2410] : memref<56x64xf32, #tpu.memory_space<vmem>> -> memref<50x64xf32, #tpu.memory_space<vmem>>
      %dma_wait3A_2412 = arith.constant 0 : i32
      %dma_wait3A_2413 = tpu.memref_slice %arg5[%select_n3A_1683, %dma_wait3A_2412] : memref<64x128xi32, #tpu.memory_space<vmem>> -> memref<1x128xi32, #tpu.memory_space<vmem>>
      %dma_wait3A_2414 = tpu.memref_squeeze %dma_wait3A_2413 : memref<1x128xi32, #tpu.memory_space<vmem>> -> memref<128xi32, #tpu.memory_space<vmem>>
      %dma_wait3A_2415 = tpu.memref_slice %dma_wait3A_2414[%mul3A_1705] : memref<128xi32, #tpu.memory_space<vmem>> -> memref<50xi32, #tpu.memory_space<vmem>>
      %dma_wait3A_2416 = arith.constant 0 : i32
      %dma_wait3A_2417 = arith.constant 0 : i32
      %dma_wait3A_2418 = tpu.memref_slice %arg3[%dma_wait3A_2416, %dma_wait3A_2417] : memref<100000x64xf32, #tpu.memory_space<hbm>> -> memref<100000x64xf32, #tpu.memory_space<hbm>>
      tpu.wait_indirect_dma semaphore(%arg8 : memref<!tpu.dma_semaphore, #tpu.memory_space<semaphore_mem>>) src(%dma_wait3A_2418 : memref<100000x64xf32, #tpu.memory_space<hbm>>) dst(%dma_wait3A_2411 : memref<50x64xf32, #tpu.memory_space<vmem>>)
      %dma_wait3A_2419 = arith.constant 1 : i32
      %dma_wait3A_2420 = arith.constant 3 : i32
      %dma_wait3A_2421 = arith.constant 0 : i32
      %dma_wait3A_2422 = arith.constant 0 : i32
      %dma_wait3A_2423 = arith.constant 0 : i32
      %dma_wait3A_2424 = tpu.memref_slice %arg6[%dma_wait3A_2419, %dma_wait3A_2421, %dma_wait3A_2422, %dma_wait3A_2423] : memref<2x16x56x64xf32, #tpu.memory_space<vmem>> -> memref<1x16x56x64xf32, #tpu.memory_space<vmem>>
      %dma_wait3A_2425 = tpu.memref_squeeze %dma_wait3A_2424 : memref<1x16x56x64xf32, #tpu.memory_space<vmem>> -> memref<16x56x64xf32, #tpu.memory_space<vmem>>
      %dma_wait3A_2426 = arith.constant 0 : i32
      %dma_wait3A_2427 = arith.constant 0 : i32
      %dma_wait3A_2428 = tpu.memref_slice %dma_wait3A_2425[%dma_wait3A_2420, %dma_wait3A_2426, %dma_wait3A_2427] : memref<16x56x64xf32, #tpu.memory_space<vmem>> -> memref<1x56x64xf32, #tpu.memory_space<vmem>>
      %dma_wait3A_2429 = tpu.memref_squeeze %dma_wait3A_2428 : memref<1x56x64xf32, #tpu.memory_space<vmem>> -> memref<56x64xf32, #tpu.memory_space<vmem>>
      %dma_wait3A_2430 = arith.constant 0 : i32
      %dma_wait3A_2431 = arith.constant 0 : i32
      %dma_wait3A_2432 = tpu.memref_slice %dma_wait3A_2429[%dma_wait3A_2430, %dma_wait3A_2431] : memref<56x64xf32, #tpu.memory_space<vmem>> -> memref<50x64xf32, #tpu.memory_space<vmem>>
      %dma_wait3A_2433 = arith.constant 0 : i32
      %dma_wait3A_2434 = tpu.memref_slice %arg5[%select_n3A_1733, %dma_wait3A_2433] : memref<64x128xi32, #tpu.memory_space<vmem>> -> memref<1x128xi32, #tpu.memory_space<vmem>>
      %dma_wait3A_2435 = tpu.memref_squeeze %dma_wait3A_2434 : memref<1x128xi32, #tpu.memory_space<vmem>> -> memref<128xi32, #tpu.memory_space<vmem>>
      %dma_wait3A_2436 = tpu.memref_slice %dma_wait3A_2435[%mul3A_1755] : memref<128xi32, #tpu.memory_space<vmem>> -> memref<50xi32, #tpu.memory_space<vmem>>
      %dma_wait3A_2437 = arith.constant 0 : i32
      %dma_wait3A_2438 = arith.constant 0 : i32
      %dma_wait3A_2439 = tpu.memref_slice %arg3[%dma_wait3A_2437, %dma_wait3A_2438] : memref<100000x64xf32, #tpu.memory_space<hbm>> -> memref<100000x64xf32, #tpu.memory_space<hbm>>
      tpu.wait_indirect_dma semaphore(%arg8 : memref<!tpu.dma_semaphore, #tpu.memory_space<semaphore_mem>>) src(%dma_wait3A_2439 : memref<100000x64xf32, #tpu.memory_space<hbm>>) dst(%dma_wait3A_2432 : memref<50x64xf32, #tpu.memory_space<vmem>>)
      %dma_wait3A_2440 = arith.constant 1 : i32
      %dma_wait3A_2441 = arith.constant 4 : i32
      %dma_wait3A_2442 = arith.constant 0 : i32
      %dma_wait3A_2443 = arith.constant 0 : i32
      %dma_wait3A_2444 = arith.constant 0 : i32
      %dma_wait3A_2445 = tpu.memref_slice %arg6[%dma_wait3A_2440, %dma_wait3A_2442, %dma_wait3A_2443, %dma_wait3A_2444] : memref<2x16x56x64xf32, #tpu.memory_space<vmem>> -> memref<1x16x56x64xf32, #tpu.memory_space<vmem>>
      %dma_wait3A_2446 = tpu.memref_squeeze %dma_wait3A_2445 : memref<1x16x56x64xf32, #tpu.memory_space<vmem>> -> memref<16x56x64xf32, #tpu.memory_space<vmem>>
      %dma_wait3A_2447 = arith.constant 0 : i32
      %dma_wait3A_2448 = arith.constant 0 : i32
      %dma_wait3A_2449 = tpu.memref_slice %dma_wait3A_2446[%dma_wait3A_2441, %dma_wait3A_2447, %dma_wait3A_2448] : memref<16x56x64xf32, #tpu.memory_space<vmem>> -> memref<1x56x64xf32, #tpu.memory_space<vmem>>
      %dma_wait3A_2450 = tpu.memref_squeeze %dma_wait3A_2449 : memref<1x56x64xf32, #tpu.memory_space<vmem>> -> memref<56x64xf32, #tpu.memory_space<vmem>>
      %dma_wait3A_2451 = arith.constant 0 : i32
      %dma_wait3A_2452 = arith.constant 0 : i32
      %dma_wait3A_2453 = tpu.memref_slice %dma_wait3A_2450[%dma_wait3A_2451, %dma_wait3A_2452] : memref<56x64xf32, #tpu.memory_space<vmem>> -> memref<50x64xf32, #tpu.memory_space<vmem>>
      %dma_wait3A_2454 = arith.constant 0 : i32
      %dma_wait3A_2455 = tpu.memref_slice %arg5[%select_n3A_1783, %dma_wait3A_2454] : memref<64x128xi32, #tpu.memory_space<vmem>> -> memref<1x128xi32, #tpu.memory_space<vmem>>
      %dma_wait3A_2456 = tpu.memref_squeeze %dma_wait3A_2455 : memref<1x128xi32, #tpu.memory_space<vmem>> -> memref<128xi32, #tpu.memory_space<vmem>>
      %dma_wait3A_2457 = tpu.memref_slice %dma_wait3A_2456[%mul3A_1805] : memref<128xi32, #tpu.memory_space<vmem>> -> memref<50xi32, #tpu.memory_space<vmem>>
      %dma_wait3A_2458 = arith.constant 0 : i32
      %dma_wait3A_2459 = arith.constant 0 : i32
      %dma_wait3A_2460 = tpu.memref_slice %arg3[%dma_wait3A_2458, %dma_wait3A_2459] : memref<100000x64xf32, #tpu.memory_space<hbm>> -> memref<100000x64xf32, #tpu.memory_space<hbm>>
      tpu.wait_indirect_dma semaphore(%arg8 : memref<!tpu.dma_semaphore, #tpu.memory_space<semaphore_mem>>) src(%dma_wait3A_2460 : memref<100000x64xf32, #tpu.memory_space<hbm>>) dst(%dma_wait3A_2453 : memref<50x64xf32, #tpu.memory_space<vmem>>)
      %dma_wait3A_2461 = arith.constant 1 : i32
      %dma_wait3A_2462 = arith.constant 5 : i32
      %dma_wait3A_2463 = arith.constant 0 : i32
      %dma_wait3A_2464 = arith.constant 0 : i32
      %dma_wait3A_2465 = arith.constant 0 : i32
      %dma_wait3A_2466 = tpu.memref_slice %arg6[%dma_wait3A_2461, %dma_wait3A_2463, %dma_wait3A_2464, %dma_wait3A_2465] : memref<2x16x56x64xf32, #tpu.memory_space<vmem>> -> memref<1x16x56x64xf32, #tpu.memory_space<vmem>>
      %dma_wait3A_2467 = tpu.memref_squeeze %dma_wait3A_2466 : memref<1x16x56x64xf32, #tpu.memory_space<vmem>> -> memref<16x56x64xf32, #tpu.memory_space<vmem>>
      %dma_wait3A_2468 = arith.constant 0 : i32
      %dma_wait3A_2469 = arith.constant 0 : i32
      %dma_wait3A_2470 = tpu.memref_slice %dma_wait3A_2467[%dma_wait3A_2462, %dma_wait3A_2468, %dma_wait3A_2469] : memref<16x56x64xf32, #tpu.memory_space<vmem>> -> memref<1x56x64xf32, #tpu.memory_space<vmem>>
      %dma_wait3A_2471 = tpu.memref_squeeze %dma_wait3A_2470 : memref<1x56x64xf32, #tpu.memory_space<vmem>> -> memref<56x64xf32, #tpu.memory_space<vmem>>
      %dma_wait3A_2472 = arith.constant 0 : i32
      %dma_wait3A_2473 = arith.constant 0 : i32
      %dma_wait3A_2474 = tpu.memref_slice %dma_wait3A_2471[%dma_wait3A_2472, %dma_wait3A_2473] : memref<56x64xf32, #tpu.memory_space<vmem>> -> memref<50x64xf32, #tpu.memory_space<vmem>>
      %dma_wait3A_2475 = arith.constant 0 : i32
      %dma_wait3A_2476 = tpu.memref_slice %arg5[%select_n3A_1833, %dma_wait3A_2475] : memref<64x128xi32, #tpu.memory_space<vmem>> -> memref<1x128xi32, #tpu.memory_space<vmem>>
      %dma_wait3A_2477 = tpu.memref_squeeze %dma_wait3A_2476 : memref<1x128xi32, #tpu.memory_space<vmem>> -> memref<128xi32, #tpu.memory_space<vmem>>
      %dma_wait3A_2478 = tpu.memref_slice %dma_wait3A_2477[%mul3A_1855] : memref<128xi32, #tpu.memory_space<vmem>> -> memref<50xi32, #tpu.memory_space<vmem>>
      %dma_wait3A_2479 = arith.constant 0 : i32
      %dma_wait3A_2480 = arith.constant 0 : i32
      %dma_wait3A_2481 = tpu.memref_slice %arg3[%dma_wait3A_2479, %dma_wait3A_2480] : memref<100000x64xf32, #tpu.memory_space<hbm>> -> memref<100000x64xf32, #tpu.memory_space<hbm>>
      tpu.wait_indirect_dma semaphore(%arg8 : memref<!tpu.dma_semaphore, #tpu.memory_space<semaphore_mem>>) src(%dma_wait3A_2481 : memref<100000x64xf32, #tpu.memory_space<hbm>>) dst(%dma_wait3A_2474 : memref<50x64xf32, #tpu.memory_space<vmem>>)
      %dma_wait3A_2482 = arith.constant 1 : i32
      %dma_wait3A_2483 = arith.constant 6 : i32
      %dma_wait3A_2484 = arith.constant 0 : i32
      %dma_wait3A_2485 = arith.constant 0 : i32
      %dma_wait3A_2486 = arith.constant 0 : i32
      %dma_wait3A_2487 = tpu.memref_slice %arg6[%dma_wait3A_2482, %dma_wait3A_2484, %dma_wait3A_2485, %dma_wait3A_2486] : memref<2x16x56x64xf32, #tpu.memory_space<vmem>> -> memref<1x16x56x64xf32, #tpu.memory_space<vmem>>
      %dma_wait3A_2488 = tpu.memref_squeeze %dma_wait3A_2487 : memref<1x16x56x64xf32, #tpu.memory_space<vmem>> -> memref<16x56x64xf32, #tpu.memory_space<vmem>>
      %dma_wait3A_2489 = arith.constant 0 : i32
      %dma_wait3A_2490 = arith.constant 0 : i32
      %dma_wait3A_2491 = tpu.memref_slice %dma_wait3A_2488[%dma_wait3A_2483, %dma_wait3A_2489, %dma_wait3A_2490] : memref<16x56x64xf32, #tpu.memory_space<vmem>> -> memref<1x56x64xf32, #tpu.memory_space<vmem>>
      %dma_wait3A_2492 = tpu.memref_squeeze %dma_wait3A_2491 : memref<1x56x64xf32, #tpu.memory_space<vmem>> -> memref<56x64xf32, #tpu.memory_space<vmem>>
      %dma_wait3A_2493 = arith.constant 0 : i32
      %dma_wait3A_2494 = arith.constant 0 : i32
      %dma_wait3A_2495 = tpu.memref_slice %dma_wait3A_2492[%dma_wait3A_2493, %dma_wait3A_2494] : memref<56x64xf32, #tpu.memory_space<vmem>> -> memref<50x64xf32, #tpu.memory_space<vmem>>
      %dma_wait3A_2496 = arith.constant 0 : i32
      %dma_wait3A_2497 = tpu.memref_slice %arg5[%select_n3A_1883, %dma_wait3A_2496] : memref<64x128xi32, #tpu.memory_space<vmem>> -> memref<1x128xi32, #tpu.memory_space<vmem>>
      %dma_wait3A_2498 = tpu.memref_squeeze %dma_wait3A_2497 : memref<1x128xi32, #tpu.memory_space<vmem>> -> memref<128xi32, #tpu.memory_space<vmem>>
      %dma_wait3A_2499 = tpu.memref_slice %dma_wait3A_2498[%mul3A_1905] : memref<128xi32, #tpu.memory_space<vmem>> -> memref<50xi32, #tpu.memory_space<vmem>>
      %dma_wait3A_2500 = arith.constant 0 : i32
      %dma_wait3A_2501 = arith.constant 0 : i32
      %dma_wait3A_2502 = tpu.memref_slice %arg3[%dma_wait3A_2500, %dma_wait3A_2501] : memref<100000x64xf32, #tpu.memory_space<hbm>> -> memref<100000x64xf32, #tpu.memory_space<hbm>>
      tpu.wait_indirect_dma semaphore(%arg8 : memref<!tpu.dma_semaphore, #tpu.memory_space<semaphore_mem>>) src(%dma_wait3A_2502 : memref<100000x64xf32, #tpu.memory_space<hbm>>) dst(%dma_wait3A_2495 : memref<50x64xf32, #tpu.memory_space<vmem>>)
      %dma_wait3A_2503 = arith.constant 1 : i32
      %dma_wait3A_2504 = arith.constant 7 : i32
      %dma_wait3A_2505 = arith.constant 0 : i32
      %dma_wait3A_2506 = arith.constant 0 : i32
      %dma_wait3A_2507 = arith.constant 0 : i32
      %dma_wait3A_2508 = tpu.memref_slice %arg6[%dma_wait3A_2503, %dma_wait3A_2505, %dma_wait3A_2506, %dma_wait3A_2507] : memref<2x16x56x64xf32, #tpu.memory_space<vmem>> -> memref<1x16x56x64xf32, #tpu.memory_space<vmem>>
      %dma_wait3A_2509 = tpu.memref_squeeze %dma_wait3A_2508 : memref<1x16x56x64xf32, #tpu.memory_space<vmem>> -> memref<16x56x64xf32, #tpu.memory_space<vmem>>
      %dma_wait3A_2510 = arith.constant 0 : i32
      %dma_wait3A_2511 = arith.constant 0 : i32
      %dma_wait3A_2512 = tpu.memref_slice %dma_wait3A_2509[%dma_wait3A_2504, %dma_wait3A_2510, %dma_wait3A_2511] : memref<16x56x64xf32, #tpu.memory_space<vmem>> -> memref<1x56x64xf32, #tpu.memory_space<vmem>>
      %dma_wait3A_2513 = tpu.memref_squeeze %dma_wait3A_2512 : memref<1x56x64xf32, #tpu.memory_space<vmem>> -> memref<56x64xf32, #tpu.memory_space<vmem>>
      %dma_wait3A_2514 = arith.constant 0 : i32
      %dma_wait3A_2515 = arith.constant 0 : i32
      %dma_wait3A_2516 = tpu.memref_slice %dma_wait3A_2513[%dma_wait3A_2514, %dma_wait3A_2515] : memref<56x64xf32, #tpu.memory_space<vmem>> -> memref<50x64xf32, #tpu.memory_space<vmem>>
      %dma_wait3A_2517 = arith.constant 0 : i32
      %dma_wait3A_2518 = tpu.memref_slice %arg5[%select_n3A_1933, %dma_wait3A_2517] : memref<64x128xi32, #tpu.memory_space<vmem>> -> memref<1x128xi32, #tpu.memory_space<vmem>>
      %dma_wait3A_2519 = tpu.memref_squeeze %dma_wait3A_2518 : memref<1x128xi32, #tpu.memory_space<vmem>> -> memref<128xi32, #tpu.memory_space<vmem>>
      %dma_wait3A_2520 = tpu.memref_slice %dma_wait3A_2519[%mul3A_1955] : memref<128xi32, #tpu.memory_space<vmem>> -> memref<50xi32, #tpu.memory_space<vmem>>
      %dma_wait3A_2521 = arith.constant 0 : i32
      %dma_wait3A_2522 = arith.constant 0 : i32
      %dma_wait3A_2523 = tpu.memref_slice %arg3[%dma_wait3A_2521, %dma_wait3A_2522] : memref<100000x64xf32, #tpu.memory_space<hbm>> -> memref<100000x64xf32, #tpu.memory_space<hbm>>
      tpu.wait_indirect_dma semaphore(%arg8 : memref<!tpu.dma_semaphore, #tpu.memory_space<semaphore_mem>>) src(%dma_wait3A_2523 : memref<100000x64xf32, #tpu.memory_space<hbm>>) dst(%dma_wait3A_2516 : memref<50x64xf32, #tpu.memory_space<vmem>>)
      %dma_wait3A_2524 = arith.constant 1 : i32
      %dma_wait3A_2525 = arith.constant 8 : i32
      %dma_wait3A_2526 = arith.constant 0 : i32
      %dma_wait3A_2527 = arith.constant 0 : i32
      %dma_wait3A_2528 = arith.constant 0 : i32
      %dma_wait3A_2529 = tpu.memref_slice %arg6[%dma_wait3A_2524, %dma_wait3A_2526, %dma_wait3A_2527, %dma_wait3A_2528] : memref<2x16x56x64xf32, #tpu.memory_space<vmem>> -> memref<1x16x56x64xf32, #tpu.memory_space<vmem>>
      %dma_wait3A_2530 = tpu.memref_squeeze %dma_wait3A_2529 : memref<1x16x56x64xf32, #tpu.memory_space<vmem>> -> memref<16x56x64xf32, #tpu.memory_space<vmem>>
      %dma_wait3A_2531 = arith.constant 0 : i32
      %dma_wait3A_2532 = arith.constant 0 : i32
      %dma_wait3A_2533 = tpu.memref_slice %dma_wait3A_2530[%dma_wait3A_2525, %dma_wait3A_2531, %dma_wait3A_2532] : memref<16x56x64xf32, #tpu.memory_space<vmem>> -> memref<1x56x64xf32, #tpu.memory_space<vmem>>
      %dma_wait3A_2534 = tpu.memref_squeeze %dma_wait3A_2533 : memref<1x56x64xf32, #tpu.memory_space<vmem>> -> memref<56x64xf32, #tpu.memory_space<vmem>>
      %dma_wait3A_2535 = arith.constant 0 : i32
      %dma_wait3A_2536 = arith.constant 0 : i32
      %dma_wait3A_2537 = tpu.memref_slice %dma_wait3A_2534[%dma_wait3A_2535, %dma_wait3A_2536] : memref<56x64xf32, #tpu.memory_space<vmem>> -> memref<50x64xf32, #tpu.memory_space<vmem>>
      %dma_wait3A_2538 = arith.constant 0 : i32
      %dma_wait3A_2539 = tpu.memref_slice %arg5[%select_n3A_1983, %dma_wait3A_2538] : memref<64x128xi32, #tpu.memory_space<vmem>> -> memref<1x128xi32, #tpu.memory_space<vmem>>
      %dma_wait3A_2540 = tpu.memref_squeeze %dma_wait3A_2539 : memref<1x128xi32, #tpu.memory_space<vmem>> -> memref<128xi32, #tpu.memory_space<vmem>>
      %dma_wait3A_2541 = tpu.memref_slice %dma_wait3A_2540[%mul3A_2005] : memref<128xi32, #tpu.memory_space<vmem>> -> memref<50xi32, #tpu.memory_space<vmem>>
      %dma_wait3A_2542 = arith.constant 0 : i32
      %dma_wait3A_2543 = arith.constant 0 : i32
      %dma_wait3A_2544 = tpu.memref_slice %arg3[%dma_wait3A_2542, %dma_wait3A_2543] : memref<100000x64xf32, #tpu.memory_space<hbm>> -> memref<100000x64xf32, #tpu.memory_space<hbm>>
      tpu.wait_indirect_dma semaphore(%arg8 : memref<!tpu.dma_semaphore, #tpu.memory_space<semaphore_mem>>) src(%dma_wait3A_2544 : memref<100000x64xf32, #tpu.memory_space<hbm>>) dst(%dma_wait3A_2537 : memref<50x64xf32, #tpu.memory_space<vmem>>)
      %dma_wait3A_2545 = arith.constant 1 : i32
      %dma_wait3A_2546 = arith.constant 9 : i32
      %dma_wait3A_2547 = arith.constant 0 : i32
      %dma_wait3A_2548 = arith.constant 0 : i32
      %dma_wait3A_2549 = arith.constant 0 : i32
      %dma_wait3A_2550 = tpu.memref_slice %arg6[%dma_wait3A_2545, %dma_wait3A_2547, %dma_wait3A_2548, %dma_wait3A_2549] : memref<2x16x56x64xf32, #tpu.memory_space<vmem>> -> memref<1x16x56x64xf32, #tpu.memory_space<vmem>>
      %dma_wait3A_2551 = tpu.memref_squeeze %dma_wait3A_2550 : memref<1x16x56x64xf32, #tpu.memory_space<vmem>> -> memref<16x56x64xf32, #tpu.memory_space<vmem>>
      %dma_wait3A_2552 = arith.constant 0 : i32
      %dma_wait3A_2553 = arith.constant 0 : i32
      %dma_wait3A_2554 = tpu.memref_slice %dma_wait3A_2551[%dma_wait3A_2546, %dma_wait3A_2552, %dma_wait3A_2553] : memref<16x56x64xf32, #tpu.memory_space<vmem>> -> memref<1x56x64xf32, #tpu.memory_space<vmem>>
      %dma_wait3A_2555 = tpu.memref_squeeze %dma_wait3A_2554 : memref<1x56x64xf32, #tpu.memory_space<vmem>> -> memref<56x64xf32, #tpu.memory_space<vmem>>
      %dma_wait3A_2556 = arith.constant 0 : i32
      %dma_wait3A_2557 = arith.constant 0 : i32
      %dma_wait3A_2558 = tpu.memref_slice %dma_wait3A_2555[%dma_wait3A_2556, %dma_wait3A_2557] : memref<56x64xf32, #tpu.memory_space<vmem>> -> memref<50x64xf32, #tpu.memory_space<vmem>>
      %dma_wait3A_2559 = arith.constant 0 : i32
      %dma_wait3A_2560 = tpu.memref_slice %arg5[%select_n3A_2033, %dma_wait3A_2559] : memref<64x128xi32, #tpu.memory_space<vmem>> -> memref<1x128xi32, #tpu.memory_space<vmem>>
      %dma_wait3A_2561 = tpu.memref_squeeze %dma_wait3A_2560 : memref<1x128xi32, #tpu.memory_space<vmem>> -> memref<128xi32, #tpu.memory_space<vmem>>
      %dma_wait3A_2562 = tpu.memref_slice %dma_wait3A_2561[%mul3A_2055] : memref<128xi32, #tpu.memory_space<vmem>> -> memref<50xi32, #tpu.memory_space<vmem>>
      %dma_wait3A_2563 = arith.constant 0 : i32
      %dma_wait3A_2564 = arith.constant 0 : i32
      %dma_wait3A_2565 = tpu.memref_slice %arg3[%dma_wait3A_2563, %dma_wait3A_2564] : memref<100000x64xf32, #tpu.memory_space<hbm>> -> memref<100000x64xf32, #tpu.memory_space<hbm>>
      tpu.wait_indirect_dma semaphore(%arg8 : memref<!tpu.dma_semaphore, #tpu.memory_space<semaphore_mem>>) src(%dma_wait3A_2565 : memref<100000x64xf32, #tpu.memory_space<hbm>>) dst(%dma_wait3A_2558 : memref<50x64xf32, #tpu.memory_space<vmem>>)
      %dma_wait3A_2566 = arith.constant 1 : i32
      %dma_wait3A_2567 = arith.constant 10 : i32
      %dma_wait3A_2568 = arith.constant 0 : i32
      %dma_wait3A_2569 = arith.constant 0 : i32
      %dma_wait3A_2570 = arith.constant 0 : i32
      %dma_wait3A_2571 = tpu.memref_slice %arg6[%dma_wait3A_2566, %dma_wait3A_2568, %dma_wait3A_2569, %dma_wait3A_2570] : memref<2x16x56x64xf32, #tpu.memory_space<vmem>> -> memref<1x16x56x64xf32, #tpu.memory_space<vmem>>
      %dma_wait3A_2572 = tpu.memref_squeeze %dma_wait3A_2571 : memref<1x16x56x64xf32, #tpu.memory_space<vmem>> -> memref<16x56x64xf32, #tpu.memory_space<vmem>>
      %dma_wait3A_2573 = arith.constant 0 : i32
      %dma_wait3A_2574 = arith.constant 0 : i32
      %dma_wait3A_2575 = tpu.memref_slice %dma_wait3A_2572[%dma_wait3A_2567, %dma_wait3A_2573, %dma_wait3A_2574] : memref<16x56x64xf32, #tpu.memory_space<vmem>> -> memref<1x56x64xf32, #tpu.memory_space<vmem>>
      %dma_wait3A_2576 = tpu.memref_squeeze %dma_wait3A_2575 : memref<1x56x64xf32, #tpu.memory_space<vmem>> -> memref<56x64xf32, #tpu.memory_space<vmem>>
      %dma_wait3A_2577 = arith.constant 0 : i32
      %dma_wait3A_2578 = arith.constant 0 : i32
      %dma_wait3A_2579 = tpu.memref_slice %dma_wait3A_2576[%dma_wait3A_2577, %dma_wait3A_2578] : memref<56x64xf32, #tpu.memory_space<vmem>> -> memref<50x64xf32, #tpu.memory_space<vmem>>
      %dma_wait3A_2580 = arith.constant 0 : i32
      %dma_wait3A_2581 = tpu.memref_slice %arg5[%select_n3A_2083, %dma_wait3A_2580] : memref<64x128xi32, #tpu.memory_space<vmem>> -> memref<1x128xi32, #tpu.memory_space<vmem>>
      %dma_wait3A_2582 = tpu.memref_squeeze %dma_wait3A_2581 : memref<1x128xi32, #tpu.memory_space<vmem>> -> memref<128xi32, #tpu.memory_space<vmem>>
      %dma_wait3A_2583 = tpu.memref_slice %dma_wait3A_2582[%mul3A_2105] : memref<128xi32, #tpu.memory_space<vmem>> -> memref<50xi32, #tpu.memory_space<vmem>>
      %dma_wait3A_2584 = arith.constant 0 : i32
      %dma_wait3A_2585 = arith.constant 0 : i32
      %dma_wait3A_2586 = tpu.memref_slice %arg3[%dma_wait3A_2584, %dma_wait3A_2585] : memref<100000x64xf32, #tpu.memory_space<hbm>> -> memref<100000x64xf32, #tpu.memory_space<hbm>>
      tpu.wait_indirect_dma semaphore(%arg8 : memref<!tpu.dma_semaphore, #tpu.memory_space<semaphore_mem>>) src(%dma_wait3A_2586 : memref<100000x64xf32, #tpu.memory_space<hbm>>) dst(%dma_wait3A_2579 : memref<50x64xf32, #tpu.memory_space<vmem>>)
      %dma_wait3A_2587 = arith.constant 1 : i32
      %dma_wait3A_2588 = arith.constant 11 : i32
      %dma_wait3A_2589 = arith.constant 0 : i32
      %dma_wait3A_2590 = arith.constant 0 : i32
      %dma_wait3A_2591 = arith.constant 0 : i32
      %dma_wait3A_2592 = tpu.memref_slice %arg6[%dma_wait3A_2587, %dma_wait3A_2589, %dma_wait3A_2590, %dma_wait3A_2591] : memref<2x16x56x64xf32, #tpu.memory_space<vmem>> -> memref<1x16x56x64xf32, #tpu.memory_space<vmem>>
      %dma_wait3A_2593 = tpu.memref_squeeze %dma_wait3A_2592 : memref<1x16x56x64xf32, #tpu.memory_space<vmem>> -> memref<16x56x64xf32, #tpu.memory_space<vmem>>
      %dma_wait3A_2594 = arith.constant 0 : i32
      %dma_wait3A_2595 = arith.constant 0 : i32
      %dma_wait3A_2596 = tpu.memref_slice %dma_wait3A_2593[%dma_wait3A_2588, %dma_wait3A_2594, %dma_wait3A_2595] : memref<16x56x64xf32, #tpu.memory_space<vmem>> -> memref<1x56x64xf32, #tpu.memory_space<vmem>>
      %dma_wait3A_2597 = tpu.memref_squeeze %dma_wait3A_2596 : memref<1x56x64xf32, #tpu.memory_space<vmem>> -> memref<56x64xf32, #tpu.memory_space<vmem>>
      %dma_wait3A_2598 = arith.constant 0 : i32
      %dma_wait3A_2599 = arith.constant 0 : i32
      %dma_wait3A_2600 = tpu.memref_slice %dma_wait3A_2597[%dma_wait3A_2598, %dma_wait3A_2599] : memref<56x64xf32, #tpu.memory_space<vmem>> -> memref<50x64xf32, #tpu.memory_space<vmem>>
      %dma_wait3A_2601 = arith.constant 0 : i32
      %dma_wait3A_2602 = tpu.memref_slice %arg5[%select_n3A_2133, %dma_wait3A_2601] : memref<64x128xi32, #tpu.memory_space<vmem>> -> memref<1x128xi32, #tpu.memory_space<vmem>>
      %dma_wait3A_2603 = tpu.memref_squeeze %dma_wait3A_2602 : memref<1x128xi32, #tpu.memory_space<vmem>> -> memref<128xi32, #tpu.memory_space<vmem>>
      %dma_wait3A_2604 = tpu.memref_slice %dma_wait3A_2603[%mul3A_2155] : memref<128xi32, #tpu.memory_space<vmem>> -> memref<50xi32, #tpu.memory_space<vmem>>
      %dma_wait3A_2605 = arith.constant 0 : i32
      %dma_wait3A_2606 = arith.constant 0 : i32
      %dma_wait3A_2607 = tpu.memref_slice %arg3[%dma_wait3A_2605, %dma_wait3A_2606] : memref<100000x64xf32, #tpu.memory_space<hbm>> -> memref<100000x64xf32, #tpu.memory_space<hbm>>
      tpu.wait_indirect_dma semaphore(%arg8 : memref<!tpu.dma_semaphore, #tpu.memory_space<semaphore_mem>>) src(%dma_wait3A_2607 : memref<100000x64xf32, #tpu.memory_space<hbm>>) dst(%dma_wait3A_2600 : memref<50x64xf32, #tpu.memory_space<vmem>>)
      %dma_wait3A_2608 = arith.constant 1 : i32
      %dma_wait3A_2609 = arith.constant 12 : i32
      %dma_wait3A_2610 = arith.constant 0 : i32
      %dma_wait3A_2611 = arith.constant 0 : i32
      %dma_wait3A_2612 = arith.constant 0 : i32
      %dma_wait3A_2613 = tpu.memref_slice %arg6[%dma_wait3A_2608, %dma_wait3A_2610, %dma_wait3A_2611, %dma_wait3A_2612] : memref<2x16x56x64xf32, #tpu.memory_space<vmem>> -> memref<1x16x56x64xf32, #tpu.memory_space<vmem>>
      %dma_wait3A_2614 = tpu.memref_squeeze %dma_wait3A_2613 : memref<1x16x56x64xf32, #tpu.memory_space<vmem>> -> memref<16x56x64xf32, #tpu.memory_space<vmem>>
      %dma_wait3A_2615 = arith.constant 0 : i32
      %dma_wait3A_2616 = arith.constant 0 : i32
      %dma_wait3A_2617 = tpu.memref_slice %dma_wait3A_2614[%dma_wait3A_2609, %dma_wait3A_2615, %dma_wait3A_2616] : memref<16x56x64xf32, #tpu.memory_space<vmem>> -> memref<1x56x64xf32, #tpu.memory_space<vmem>>
      %dma_wait3A_2618 = tpu.memref_squeeze %dma_wait3A_2617 : memref<1x56x64xf32, #tpu.memory_space<vmem>> -> memref<56x64xf32, #tpu.memory_space<vmem>>
      %dma_wait3A_2619 = arith.constant 0 : i32
      %dma_wait3A_2620 = arith.constant 0 : i32
      %dma_wait3A_2621 = tpu.memref_slice %dma_wait3A_2618[%dma_wait3A_2619, %dma_wait3A_2620] : memref<56x64xf32, #tpu.memory_space<vmem>> -> memref<50x64xf32, #tpu.memory_space<vmem>>
      %dma_wait3A_2622 = arith.constant 0 : i32
      %dma_wait3A_2623 = tpu.memref_slice %arg5[%select_n3A_2183, %dma_wait3A_2622] : memref<64x128xi32, #tpu.memory_space<vmem>> -> memref<1x128xi32, #tpu.memory_space<vmem>>
      %dma_wait3A_2624 = tpu.memref_squeeze %dma_wait3A_2623 : memref<1x128xi32, #tpu.memory_space<vmem>> -> memref<128xi32, #tpu.memory_space<vmem>>
      %dma_wait3A_2625 = tpu.memref_slice %dma_wait3A_2624[%mul3A_2205] : memref<128xi32, #tpu.memory_space<vmem>> -> memref<50xi32, #tpu.memory_space<vmem>>
      %dma_wait3A_2626 = arith.constant 0 : i32
      %dma_wait3A_2627 = arith.constant 0 : i32
      %dma_wait3A_2628 = tpu.memref_slice %arg3[%dma_wait3A_2626, %dma_wait3A_2627] : memref<100000x64xf32, #tpu.memory_space<hbm>> -> memref<100000x64xf32, #tpu.memory_space<hbm>>
      tpu.wait_indirect_dma semaphore(%arg8 : memref<!tpu.dma_semaphore, #tpu.memory_space<semaphore_mem>>) src(%dma_wait3A_2628 : memref<100000x64xf32, #tpu.memory_space<hbm>>) dst(%dma_wait3A_2621 : memref<50x64xf32, #tpu.memory_space<vmem>>)
      %dma_wait3A_2629 = arith.constant 1 : i32
      %dma_wait3A_2630 = arith.constant 13 : i32
      %dma_wait3A_2631 = arith.constant 0 : i32
      %dma_wait3A_2632 = arith.constant 0 : i32
      %dma_wait3A_2633 = arith.constant 0 : i32
      %dma_wait3A_2634 = tpu.memref_slice %arg6[%dma_wait3A_2629, %dma_wait3A_2631, %dma_wait3A_2632, %dma_wait3A_2633] : memref<2x16x56x64xf32, #tpu.memory_space<vmem>> -> memref<1x16x56x64xf32, #tpu.memory_space<vmem>>
      %dma_wait3A_2635 = tpu.memref_squeeze %dma_wait3A_2634 : memref<1x16x56x64xf32, #tpu.memory_space<vmem>> -> memref<16x56x64xf32, #tpu.memory_space<vmem>>
      %dma_wait3A_2636 = arith.constant 0 : i32
      %dma_wait3A_2637 = arith.constant 0 : i32
      %dma_wait3A_2638 = tpu.memref_slice %dma_wait3A_2635[%dma_wait3A_2630, %dma_wait3A_2636, %dma_wait3A_2637] : memref<16x56x64xf32, #tpu.memory_space<vmem>> -> memref<1x56x64xf32, #tpu.memory_space<vmem>>
      %dma_wait3A_2639 = tpu.memref_squeeze %dma_wait3A_2638 : memref<1x56x64xf32, #tpu.memory_space<vmem>> -> memref<56x64xf32, #tpu.memory_space<vmem>>
      %dma_wait3A_2640 = arith.constant 0 : i32
      %dma_wait3A_2641 = arith.constant 0 : i32
      %dma_wait3A_2642 = tpu.memref_slice %dma_wait3A_2639[%dma_wait3A_2640, %dma_wait3A_2641] : memref<56x64xf32, #tpu.memory_space<vmem>> -> memref<50x64xf32, #tpu.memory_space<vmem>>
      %dma_wait3A_2643 = arith.constant 0 : i32
      %dma_wait3A_2644 = tpu.memref_slice %arg5[%select_n3A_2233, %dma_wait3A_2643] : memref<64x128xi32, #tpu.memory_space<vmem>> -> memref<1x128xi32, #tpu.memory_space<vmem>>
      %dma_wait3A_2645 = tpu.memref_squeeze %dma_wait3A_2644 : memref<1x128xi32, #tpu.memory_space<vmem>> -> memref<128xi32, #tpu.memory_space<vmem>>
      %dma_wait3A_2646 = tpu.memref_slice %dma_wait3A_2645[%mul3A_2255] : memref<128xi32, #tpu.memory_space<vmem>> -> memref<50xi32, #tpu.memory_space<vmem>>
      %dma_wait3A_2647 = arith.constant 0 : i32
      %dma_wait3A_2648 = arith.constant 0 : i32
      %dma_wait3A_2649 = tpu.memref_slice %arg3[%dma_wait3A_2647, %dma_wait3A_2648] : memref<100000x64xf32, #tpu.memory_space<hbm>> -> memref<100000x64xf32, #tpu.memory_space<hbm>>
      tpu.wait_indirect_dma semaphore(%arg8 : memref<!tpu.dma_semaphore, #tpu.memory_space<semaphore_mem>>) src(%dma_wait3A_2649 : memref<100000x64xf32, #tpu.memory_space<hbm>>) dst(%dma_wait3A_2642 : memref<50x64xf32, #tpu.memory_space<vmem>>)
      %dma_wait3A_2650 = arith.constant 1 : i32
      %dma_wait3A_2651 = arith.constant 14 : i32
      %dma_wait3A_2652 = arith.constant 0 : i32
      %dma_wait3A_2653 = arith.constant 0 : i32
      %dma_wait3A_2654 = arith.constant 0 : i32
      %dma_wait3A_2655 = tpu.memref_slice %arg6[%dma_wait3A_2650, %dma_wait3A_2652, %dma_wait3A_2653, %dma_wait3A_2654] : memref<2x16x56x64xf32, #tpu.memory_space<vmem>> -> memref<1x16x56x64xf32, #tpu.memory_space<vmem>>
      %dma_wait3A_2656 = tpu.memref_squeeze %dma_wait3A_2655 : memref<1x16x56x64xf32, #tpu.memory_space<vmem>> -> memref<16x56x64xf32, #tpu.memory_space<vmem>>
      %dma_wait3A_2657 = arith.constant 0 : i32
      %dma_wait3A_2658 = arith.constant 0 : i32
      %dma_wait3A_2659 = tpu.memref_slice %dma_wait3A_2656[%dma_wait3A_2651, %dma_wait3A_2657, %dma_wait3A_2658] : memref<16x56x64xf32, #tpu.memory_space<vmem>> -> memref<1x56x64xf32, #tpu.memory_space<vmem>>
      %dma_wait3A_2660 = tpu.memref_squeeze %dma_wait3A_2659 : memref<1x56x64xf32, #tpu.memory_space<vmem>> -> memref<56x64xf32, #tpu.memory_space<vmem>>
      %dma_wait3A_2661 = arith.constant 0 : i32
      %dma_wait3A_2662 = arith.constant 0 : i32
      %dma_wait3A_2663 = tpu.memref_slice %dma_wait3A_2660[%dma_wait3A_2661, %dma_wait3A_2662] : memref<56x64xf32, #tpu.memory_space<vmem>> -> memref<50x64xf32, #tpu.memory_space<vmem>>
      %dma_wait3A_2664 = arith.constant 0 : i32
      %dma_wait3A_2665 = tpu.memref_slice %arg5[%select_n3A_2283, %dma_wait3A_2664] : memref<64x128xi32, #tpu.memory_space<vmem>> -> memref<1x128xi32, #tpu.memory_space<vmem>>
      %dma_wait3A_2666 = tpu.memref_squeeze %dma_wait3A_2665 : memref<1x128xi32, #tpu.memory_space<vmem>> -> memref<128xi32, #tpu.memory_space<vmem>>
      %dma_wait3A_2667 = tpu.memref_slice %dma_wait3A_2666[%mul3A_2305] : memref<128xi32, #tpu.memory_space<vmem>> -> memref<50xi32, #tpu.memory_space<vmem>>
      %dma_wait3A_2668 = arith.constant 0 : i32
      %dma_wait3A_2669 = arith.constant 0 : i32
      %dma_wait3A_2670 = tpu.memref_slice %arg3[%dma_wait3A_2668, %dma_wait3A_2669] : memref<100000x64xf32, #tpu.memory_space<hbm>> -> memref<100000x64xf32, #tpu.memory_space<hbm>>
      tpu.wait_indirect_dma semaphore(%arg8 : memref<!tpu.dma_semaphore, #tpu.memory_space<semaphore_mem>>) src(%dma_wait3A_2670 : memref<100000x64xf32, #tpu.memory_space<hbm>>) dst(%dma_wait3A_2663 : memref<50x64xf32, #tpu.memory_space<vmem>>)
      %dma_wait3A_2671 = arith.constant 1 : i32
      %dma_wait3A_2672 = arith.constant 15 : i32
      %dma_wait3A_2673 = arith.constant 0 : i32
      %dma_wait3A_2674 = arith.constant 0 : i32
      %dma_wait3A_2675 = arith.constant 0 : i32
      %dma_wait3A_2676 = tpu.memref_slice %arg6[%dma_wait3A_2671, %dma_wait3A_2673, %dma_wait3A_2674, %dma_wait3A_2675] : memref<2x16x56x64xf32, #tpu.memory_space<vmem>> -> memref<1x16x56x64xf32, #tpu.memory_space<vmem>>
      %dma_wait3A_2677 = tpu.memref_squeeze %dma_wait3A_2676 : memref<1x16x56x64xf32, #tpu.memory_space<vmem>> -> memref<16x56x64xf32, #tpu.memory_space<vmem>>
      %dma_wait3A_2678 = arith.constant 0 : i32
      %dma_wait3A_2679 = arith.constant 0 : i32
      %dma_wait3A_2680 = tpu.memref_slice %dma_wait3A_2677[%dma_wait3A_2672, %dma_wait3A_2678, %dma_wait3A_2679] : memref<16x56x64xf32, #tpu.memory_space<vmem>> -> memref<1x56x64xf32, #tpu.memory_space<vmem>>
      %dma_wait3A_2681 = tpu.memref_squeeze %dma_wait3A_2680 : memref<1x56x64xf32, #tpu.memory_space<vmem>> -> memref<56x64xf32, #tpu.memory_space<vmem>>
      %dma_wait3A_2682 = arith.constant 0 : i32
      %dma_wait3A_2683 = arith.constant 0 : i32
      %dma_wait3A_2684 = tpu.memref_slice %dma_wait3A_2681[%dma_wait3A_2682, %dma_wait3A_2683] : memref<56x64xf32, #tpu.memory_space<vmem>> -> memref<50x64xf32, #tpu.memory_space<vmem>>
      %dma_wait3A_2685 = arith.constant 0 : i32
      %dma_wait3A_2686 = tpu.memref_slice %arg5[%select_n3A_2333, %dma_wait3A_2685] : memref<64x128xi32, #tpu.memory_space<vmem>> -> memref<1x128xi32, #tpu.memory_space<vmem>>
      %dma_wait3A_2687 = tpu.memref_squeeze %dma_wait3A_2686 : memref<1x128xi32, #tpu.memory_space<vmem>> -> memref<128xi32, #tpu.memory_space<vmem>>
      %dma_wait3A_2688 = tpu.memref_slice %dma_wait3A_2687[%mul3A_2355] : memref<128xi32, #tpu.memory_space<vmem>> -> memref<50xi32, #tpu.memory_space<vmem>>
      %dma_wait3A_2689 = arith.constant 0 : i32
      %dma_wait3A_2690 = arith.constant 0 : i32
      %dma_wait3A_2691 = tpu.memref_slice %arg3[%dma_wait3A_2689, %dma_wait3A_2690] : memref<100000x64xf32, #tpu.memory_space<hbm>> -> memref<100000x64xf32, #tpu.memory_space<hbm>>
      tpu.wait_indirect_dma semaphore(%arg8 : memref<!tpu.dma_semaphore, #tpu.memory_space<semaphore_mem>>) src(%dma_wait3A_2691 : memref<100000x64xf32, #tpu.memory_space<hbm>>) dst(%dma_wait3A_2684 : memref<50x64xf32, #tpu.memory_space<vmem>>)
      %mul3A_2692 = arith.constant 16 : i32
      %mul3A_2693 = arith.muli %add3A_1555, %mul3A_2692 : i32
      %add3A_2694 = arith.addi %mul3A_2, %mul3A_2693 : i32
      %dma_start3A_2695 = arith.constant 1 : i32
      %dma_start3A_2696 = arith.constant 0 : i32
      %dma_start3A_2697 = arith.constant 0 : i32
      %dma_start3A_2698 = arith.constant 0 : i32
      %dma_start3A_2699 = tpu.memref_slice %arg6[%dma_start3A_2695, %dma_start3A_2696, %dma_start3A_2697, %dma_start3A_2698] : memref<2x16x56x64xf32, #tpu.memory_space<vmem>> -> memref<1x16x56x64xf32, #tpu.memory_space<vmem>>
      %dma_start3A_2700 = tpu.memref_squeeze %dma_start3A_2699 : memref<1x16x56x64xf32, #tpu.memory_space<vmem>> -> memref<16x56x64xf32, #tpu.memory_space<vmem>>
      %dma_start3A_2701 = arith.constant 0 : i32
      %dma_start3A_2702 = arith.constant 0 : i32
      %dma_start3A_2703 = tpu.memref_slice %arg4[%add3A_2694, %dma_start3A_2701, %dma_start3A_2702] : memref<4096x56x128xf32, #tpu.memory_space<hbm>> -> memref<16x56x64xf32, #tpu.memory_space<hbm>>
      %dma_start3A_2704 = arith.constant 0 : i32
      %dma_start3A_2705 = arith.constant 0 : i32
      %dma_start3A_2706 = tpu.memref_slice %arg4[%add3A_2694, %dma_start3A_2704, %dma_start3A_2705] : memref<4096x56x128xf32, #tpu.memory_space<hbm>> -> memref<16x56x64xf32, #tpu.memory_space<hbm>>
      %dma_start3A_2707 = arith.constant 0 : i32
      %dma_start3A_2708 = arith.constant 0 : i32
      %dma_start3A_2709 = arith.constant 0 : i32
      %dma_start3A_2710 = tpu.memref_slice %arg6[%dma_start3A_2695, %dma_start3A_2707, %dma_start3A_2708, %dma_start3A_2709] : memref<2x16x56x64xf32, #tpu.memory_space<vmem>> -> memref<1x16x56x64xf32, #tpu.memory_space<vmem>>
      %dma_start3A_2711 = tpu.memref_squeeze %dma_start3A_2710 : memref<1x16x56x64xf32, #tpu.memory_space<vmem>> -> memref<16x56x64xf32, #tpu.memory_space<vmem>>
      tpu.enqueue_dma source(%dma_start3A_2711 : memref<16x56x64xf32, #tpu.memory_space<vmem>>) target(%dma_start3A_2706 : memref<16x56x64xf32, #tpu.memory_space<hbm>>) target_semaphore(%arg10 : memref<!tpu.dma_semaphore, #tpu.memory_space<semaphore_mem>>)
      %ge3A_2712 = arith.constant 1 : i32
      %ge3A_2713 = arith.cmpi sge, %add3A_1555, %ge3A_2712 : i32
      %convert_element_type3A_2714 = arith.extui %ge3A_2713 : i1 to i32
      %cond3A_2715 = arith.constant 0 : i32
      %cond3A_2716 = arith.cmpi ne, %convert_element_type3A_2714, %cond3A_2715 : i32
      scf.if %cond3A_2716 {
        %sub3A_2724 = arith.constant 1 : i32
        %sub3A_2725 = arith.subi %add3A_1555, %sub3A_2724 : i32
        %mul3A_2726 = arith.constant 16 : i32
        %mul3A_2727 = arith.muli %sub3A_2725, %mul3A_2726 : i32
        %add3A_2728 = arith.addi %mul3A_2, %mul3A_2727 : i32
        %dma_wait3A_2729 = arith.constant 0 : i32
        %dma_wait3A_2730 = arith.constant 0 : i32
        %dma_wait3A_2731 = arith.constant 0 : i32
        %dma_wait3A_2732 = arith.constant 0 : i32
        %dma_wait3A_2733 = tpu.memref_slice %arg6[%dma_wait3A_2729, %dma_wait3A_2730, %dma_wait3A_2731, %dma_wait3A_2732] : memref<2x16x56x64xf32, #tpu.memory_space<vmem>> -> memref<1x16x56x64xf32, #tpu.memory_space<vmem>>
        %dma_wait3A_2734 = tpu.memref_squeeze %dma_wait3A_2733 : memref<1x16x56x64xf32, #tpu.memory_space<vmem>> -> memref<16x56x64xf32, #tpu.memory_space<vmem>>
        %dma_wait3A_2735 = arith.constant 0 : i32
        %dma_wait3A_2736 = arith.constant 0 : i32
        %dma_wait3A_2737 = tpu.memref_slice %arg4[%add3A_2728, %dma_wait3A_2735, %dma_wait3A_2736] : memref<4096x56x128xf32, #tpu.memory_space<hbm>> -> memref<16x56x64xf32, #tpu.memory_space<hbm>>
        %dma_wait3A_2738 = arith.constant 0 : i32
        %dma_wait3A_2739 = arith.constant 0 : i32
        %dma_wait3A_2740 = tpu.memref_slice %arg4[%add3A_2728, %dma_wait3A_2738, %dma_wait3A_2739] : memref<4096x56x128xf32, #tpu.memory_space<hbm>> -> memref<16x56x64xf32, #tpu.memory_space<hbm>>
        %dma_wait3A_2741 = arith.constant 0 : i32
        %dma_wait3A_2742 = arith.constant 0 : i32
        %dma_wait3A_2743 = arith.constant 0 : i32
        %dma_wait3A_2744 = tpu.memref_slice %arg6[%dma_wait3A_2729, %dma_wait3A_2741, %dma_wait3A_2742, %dma_wait3A_2743] : memref<2x16x56x64xf32, #tpu.memory_space<vmem>> -> memref<1x16x56x64xf32, #tpu.memory_space<vmem>>
        %dma_wait3A_2745 = tpu.memref_squeeze %dma_wait3A_2744 : memref<1x16x56x64xf32, #tpu.memory_space<vmem>> -> memref<16x56x64xf32, #tpu.memory_space<vmem>>
        tpu.wait_dma2 semaphore(%arg9 : memref<!tpu.dma_semaphore, #tpu.memory_space<semaphore_mem>>) src(%dma_wait3A_2745 : memref<16x56x64xf32, #tpu.memory_space<vmem>>) dst(%dma_wait3A_2740 : memref<16x56x64xf32, #tpu.memory_space<hbm>>)
      } else {
      }
      %add3A_2717 = arith.constant 1 : i32
      %add3A_2718 = arith.addi %add3A_1555, %add3A_2717 : i32
      %lt3A_2719 = arith.constant 8 : i32
      %lt3A_2720 = arith.cmpi slt, %add3A_2718, %lt3A_2719 : i32
      %convert_element_type3A_2721 = arith.extui %lt3A_2720 : i1 to i32
      %cond3A_2722 = arith.constant 0 : i32
      %cond3A_2723 = arith.cmpi ne, %convert_element_type3A_2721, %cond3A_2722 : i32
      scf.if %cond3A_2723 {
        %add3A_2724 = arith.constant 1 : i32
        %add3A_2725 = arith.addi %add3A_1555, %add3A_2724 : i32
        %mul3A_2726 = arith.constant 16 : i32
        %mul3A_2727 = arith.muli %add3A_2725, %mul3A_2726 : i32
        %add3A_2728 = arith.constant 0 : i32
        %add3A_2729 = arith.addi %mul3A_2727, %add3A_2728 : i32
        %jit3A_2730 = arith.constant 2 : i32
        %div3A_2731 = arith.divsi %add3A_2729, %jit3A_2730 : i32
        %sign3A_2732 = arith.constant 0 : i32
        %sign3A_2733 = arith.cmpi sgt, %add3A_2729, %sign3A_2732 : i32
        %sign3A_2734 = arith.extui %sign3A_2733 : i1 to i32
        %sign3A_2735 = arith.constant 0 : i32
        %sign3A_2736 = arith.cmpi slt, %add3A_2729, %sign3A_2735 : i32
        %sign3A_2737 = arith.extui %sign3A_2736 : i1 to i32
        %sign3A_2738 = arith.subi %sign3A_2734, %sign3A_2737 : i32
        %sign3A_2739 = arith.constant 0 : i32
        %sign3A_2740 = arith.cmpi sgt, %jit3A_2730, %sign3A_2739 : i32
        %sign3A_2741 = arith.extui %sign3A_2740 : i1 to i32
        %sign3A_2742 = arith.constant 0 : i32
        %sign3A_2743 = arith.cmpi slt, %jit3A_2730, %sign3A_2742 : i32
        %sign3A_2744 = arith.extui %sign3A_2743 : i1 to i32
        %sign3A_2745 = arith.subi %sign3A_2741, %sign3A_2744 : i32
        %ne3A_2746 = arith.cmpi ne, %sign3A_2738, %sign3A_2745 : i32
        %rem3A_2747 = arith.remsi %add3A_2729, %jit3A_2730 : i32
        %ne3A_2748 = arith.constant 0 : i32
        %ne3A_2749 = arith.cmpi ne, %rem3A_2747, %ne3A_2748 : i32
        %and3A_2750 = arith.andi %ne3A_2746, %ne3A_2749 : i1
        %sub3A_2751 = arith.constant 1 : i32
        %sub3A_2752 = arith.subi %div3A_2731, %sub3A_2751 : i32
        %select_n3A_2753 = arith.select %and3A_2750, %sub3A_2752, %div3A_2731 : i32
        %mul3A_2754 = arith.constant 16 : i32
        %mul3A_2755 = arith.muli %add3A_2725, %mul3A_2754 : i32
        %add3A_2756 = arith.constant 0 : i32
        %add3A_2757 = arith.addi %mul3A_2755, %add3A_2756 : i32
        %jit3A_2758 = arith.constant 2 : i32
        %eq3A_2759 = arith.constant 0 : i32
        %eq3A_2760 = arith.cmpi eq, %jit3A_2758, %eq3A_2759 : i32
        %jit3A_2761 = arith.constant 1 : i32
        %select_n3A_2762 = arith.select %eq3A_2760, %jit3A_2761, %jit3A_2758 : i32
        %rem3A_2763 = arith.remsi %add3A_2757, %select_n3A_2762 : i32
        %ne3A_2764 = arith.constant 0 : i32
        %ne3A_2765 = arith.cmpi ne, %rem3A_2763, %ne3A_2764 : i32
        %lt3A_2766 = arith.constant 0 : i32
        %lt3A_2767 = arith.cmpi slt, %rem3A_2763, %lt3A_2766 : i32
        %lt3A_2768 = arith.constant 0 : i32
        %lt3A_2769 = arith.cmpi slt, %select_n3A_2762, %lt3A_2768 : i32
        %ne3A_2770 = arith.xori %lt3A_2767, %lt3A_2769 : i1
        %and3A_2771 = arith.andi %ne3A_2770, %ne3A_2765 : i1
        %add3A_2772 = arith.addi %rem3A_2763, %select_n3A_2762 : i32
        %select_n3A_2773 = arith.select %and3A_2771, %add3A_2772, %rem3A_2763 : i32
        %mul3A_2774 = arith.constant 64 : i32
        %mul3A_2775 = arith.muli %select_n3A_2773, %mul3A_2774 : i32
        %mul3A_2776 = arith.constant 16 : i32
        %mul3A_2777 = arith.muli %add3A_2725, %mul3A_2776 : i32
        %add3A_2778 = arith.constant 1 : i32
        %add3A_2779 = arith.addi %mul3A_2777, %add3A_2778 : i32
        %jit3A_2780 = arith.constant 2 : i32
        %div3A_2781 = arith.divsi %add3A_2779, %jit3A_2780 : i32
        %sign3A_2782 = arith.constant 0 : i32
        %sign3A_2783 = arith.cmpi sgt, %add3A_2779, %sign3A_2782 : i32
        %sign3A_2784 = arith.extui %sign3A_2783 : i1 to i32
        %sign3A_2785 = arith.constant 0 : i32
        %sign3A_2786 = arith.cmpi slt, %add3A_2779, %sign3A_2785 : i32
        %sign3A_2787 = arith.extui %sign3A_2786 : i1 to i32
        %sign3A_2788 = arith.subi %sign3A_2784, %sign3A_2787 : i32
        %sign3A_2789 = arith.constant 0 : i32
        %sign3A_2790 = arith.cmpi sgt, %jit3A_2780, %sign3A_2789 : i32
        %sign3A_2791 = arith.extui %sign3A_2790 : i1 to i32
        %sign3A_2792 = arith.constant 0 : i32
        %sign3A_2793 = arith.cmpi slt, %jit3A_2780, %sign3A_2792 : i32
        %sign3A_2794 = arith.extui %sign3A_2793 : i1 to i32
        %sign3A_2795 = arith.subi %sign3A_2791, %sign3A_2794 : i32
        %ne3A_2796 = arith.cmpi ne, %sign3A_2788, %sign3A_2795 : i32
        %rem3A_2797 = arith.remsi %add3A_2779, %jit3A_2780 : i32
        %ne3A_2798 = arith.constant 0 : i32
        %ne3A_2799 = arith.cmpi ne, %rem3A_2797, %ne3A_2798 : i32
        %and3A_2800 = arith.andi %ne3A_2796, %ne3A_2799 : i1
        %sub3A_2801 = arith.constant 1 : i32
        %sub3A_2802 = arith.subi %div3A_2781, %sub3A_2801 : i32
        %select_n3A_2803 = arith.select %and3A_2800, %sub3A_2802, %div3A_2781 : i32
        %mul3A_2804 = arith.constant 16 : i32
        %mul3A_2805 = arith.muli %add3A_2725, %mul3A_2804 : i32
        %add3A_2806 = arith.constant 1 : i32
        %add3A_2807 = arith.addi %mul3A_2805, %add3A_2806 : i32
        %jit3A_2808 = arith.constant 2 : i32
        %eq3A_2809 = arith.constant 0 : i32
        %eq3A_2810 = arith.cmpi eq, %jit3A_2808, %eq3A_2809 : i32
        %jit3A_2811 = arith.constant 1 : i32
        %select_n3A_2812 = arith.select %eq3A_2810, %jit3A_2811, %jit3A_2808 : i32
        %rem3A_2813 = arith.remsi %add3A_2807, %select_n3A_2812 : i32
        %ne3A_2814 = arith.constant 0 : i32
        %ne3A_2815 = arith.cmpi ne, %rem3A_2813, %ne3A_2814 : i32
        %lt3A_2816 = arith.constant 0 : i32
        %lt3A_2817 = arith.cmpi slt, %rem3A_2813, %lt3A_2816 : i32
        %lt3A_2818 = arith.constant 0 : i32
        %lt3A_2819 = arith.cmpi slt, %select_n3A_2812, %lt3A_2818 : i32
        %ne3A_2820 = arith.xori %lt3A_2817, %lt3A_2819 : i1
        %and3A_2821 = arith.andi %ne3A_2820, %ne3A_2815 : i1
        %add3A_2822 = arith.addi %rem3A_2813, %select_n3A_2812 : i32
        %select_n3A_2823 = arith.select %and3A_2821, %add3A_2822, %rem3A_2813 : i32
        %mul3A_2824 = arith.constant 64 : i32
        %mul3A_2825 = arith.muli %select_n3A_2823, %mul3A_2824 : i32
        %mul3A_2826 = arith.constant 16 : i32
        %mul3A_2827 = arith.muli %add3A_2725, %mul3A_2826 : i32
        %add3A_2828 = arith.constant 2 : i32
        %add3A_2829 = arith.addi %mul3A_2827, %add3A_2828 : i32
        %jit3A_2830 = arith.constant 2 : i32
        %div3A_2831 = arith.divsi %add3A_2829, %jit3A_2830 : i32
        %sign3A_2832 = arith.constant 0 : i32
        %sign3A_2833 = arith.cmpi sgt, %add3A_2829, %sign3A_2832 : i32
        %sign3A_2834 = arith.extui %sign3A_2833 : i1 to i32
        %sign3A_2835 = arith.constant 0 : i32
        %sign3A_2836 = arith.cmpi slt, %add3A_2829, %sign3A_2835 : i32
        %sign3A_2837 = arith.extui %sign3A_2836 : i1 to i32
        %sign3A_2838 = arith.subi %sign3A_2834, %sign3A_2837 : i32
        %sign3A_2839 = arith.constant 0 : i32
        %sign3A_2840 = arith.cmpi sgt, %jit3A_2830, %sign3A_2839 : i32
        %sign3A_2841 = arith.extui %sign3A_2840 : i1 to i32
        %sign3A_2842 = arith.constant 0 : i32
        %sign3A_2843 = arith.cmpi slt, %jit3A_2830, %sign3A_2842 : i32
        %sign3A_2844 = arith.extui %sign3A_2843 : i1 to i32
        %sign3A_2845 = arith.subi %sign3A_2841, %sign3A_2844 : i32
        %ne3A_2846 = arith.cmpi ne, %sign3A_2838, %sign3A_2845 : i32
        %rem3A_2847 = arith.remsi %add3A_2829, %jit3A_2830 : i32
        %ne3A_2848 = arith.constant 0 : i32
        %ne3A_2849 = arith.cmpi ne, %rem3A_2847, %ne3A_2848 : i32
        %and3A_2850 = arith.andi %ne3A_2846, %ne3A_2849 : i1
        %sub3A_2851 = arith.constant 1 : i32
        %sub3A_2852 = arith.subi %div3A_2831, %sub3A_2851 : i32
        %select_n3A_2853 = arith.select %and3A_2850, %sub3A_2852, %div3A_2831 : i32
        %mul3A_2854 = arith.constant 16 : i32
        %mul3A_2855 = arith.muli %add3A_2725, %mul3A_2854 : i32
        %add3A_2856 = arith.constant 2 : i32
        %add3A_2857 = arith.addi %mul3A_2855, %add3A_2856 : i32
        %jit3A_2858 = arith.constant 2 : i32
        %eq3A_2859 = arith.constant 0 : i32
        %eq3A_2860 = arith.cmpi eq, %jit3A_2858, %eq3A_2859 : i32
        %jit3A_2861 = arith.constant 1 : i32
        %select_n3A_2862 = arith.select %eq3A_2860, %jit3A_2861, %jit3A_2858 : i32
        %rem3A_2863 = arith.remsi %add3A_2857, %select_n3A_2862 : i32
        %ne3A_2864 = arith.constant 0 : i32
        %ne3A_2865 = arith.cmpi ne, %rem3A_2863, %ne3A_2864 : i32
        %lt3A_2866 = arith.constant 0 : i32
        %lt3A_2867 = arith.cmpi slt, %rem3A_2863, %lt3A_2866 : i32
        %lt3A_2868 = arith.constant 0 : i32
        %lt3A_2869 = arith.cmpi slt, %select_n3A_2862, %lt3A_2868 : i32
        %ne3A_2870 = arith.xori %lt3A_2867, %lt3A_2869 : i1
        %and3A_2871 = arith.andi %ne3A_2870, %ne3A_2865 : i1
        %add3A_2872 = arith.addi %rem3A_2863, %select_n3A_2862 : i32
        %select_n3A_2873 = arith.select %and3A_2871, %add3A_2872, %rem3A_2863 : i32
        %mul3A_2874 = arith.constant 64 : i32
        %mul3A_2875 = arith.muli %select_n3A_2873, %mul3A_2874 : i32
        %mul3A_2876 = arith.constant 16 : i32
        %mul3A_2877 = arith.muli %add3A_2725, %mul3A_2876 : i32
        %add3A_2878 = arith.constant 3 : i32
        %add3A_2879 = arith.addi %mul3A_2877, %add3A_2878 : i32
        %jit3A_2880 = arith.constant 2 : i32
        %div3A_2881 = arith.divsi %add3A_2879, %jit3A_2880 : i32
        %sign3A_2882 = arith.constant 0 : i32
        %sign3A_2883 = arith.cmpi sgt, %add3A_2879, %sign3A_2882 : i32
        %sign3A_2884 = arith.extui %sign3A_2883 : i1 to i32
        %sign3A_2885 = arith.constant 0 : i32
        %sign3A_2886 = arith.cmpi slt, %add3A_2879, %sign3A_2885 : i32
        %sign3A_2887 = arith.extui %sign3A_2886 : i1 to i32
        %sign3A_2888 = arith.subi %sign3A_2884, %sign3A_2887 : i32
        %sign3A_2889 = arith.constant 0 : i32
        %sign3A_2890 = arith.cmpi sgt, %jit3A_2880, %sign3A_2889 : i32
        %sign3A_2891 = arith.extui %sign3A_2890 : i1 to i32
        %sign3A_2892 = arith.constant 0 : i32
        %sign3A_2893 = arith.cmpi slt, %jit3A_2880, %sign3A_2892 : i32
        %sign3A_2894 = arith.extui %sign3A_2893 : i1 to i32
        %sign3A_2895 = arith.subi %sign3A_2891, %sign3A_2894 : i32
        %ne3A_2896 = arith.cmpi ne, %sign3A_2888, %sign3A_2895 : i32
        %rem3A_2897 = arith.remsi %add3A_2879, %jit3A_2880 : i32
        %ne3A_2898 = arith.constant 0 : i32
        %ne3A_2899 = arith.cmpi ne, %rem3A_2897, %ne3A_2898 : i32
        %and3A_2900 = arith.andi %ne3A_2896, %ne3A_2899 : i1
        %sub3A_2901 = arith.constant 1 : i32
        %sub3A_2902 = arith.subi %div3A_2881, %sub3A_2901 : i32
        %select_n3A_2903 = arith.select %and3A_2900, %sub3A_2902, %div3A_2881 : i32
        %mul3A_2904 = arith.constant 16 : i32
        %mul3A_2905 = arith.muli %add3A_2725, %mul3A_2904 : i32
        %add3A_2906 = arith.constant 3 : i32
        %add3A_2907 = arith.addi %mul3A_2905, %add3A_2906 : i32
        %jit3A_2908 = arith.constant 2 : i32
        %eq3A_2909 = arith.constant 0 : i32
        %eq3A_2910 = arith.cmpi eq, %jit3A_2908, %eq3A_2909 : i32
        %jit3A_2911 = arith.constant 1 : i32
        %select_n3A_2912 = arith.select %eq3A_2910, %jit3A_2911, %jit3A_2908 : i32
        %rem3A_2913 = arith.remsi %add3A_2907, %select_n3A_2912 : i32
        %ne3A_2914 = arith.constant 0 : i32
        %ne3A_2915 = arith.cmpi ne, %rem3A_2913, %ne3A_2914 : i32
        %lt3A_2916 = arith.constant 0 : i32
        %lt3A_2917 = arith.cmpi slt, %rem3A_2913, %lt3A_2916 : i32
        %lt3A_2918 = arith.constant 0 : i32
        %lt3A_2919 = arith.cmpi slt, %select_n3A_2912, %lt3A_2918 : i32
        %ne3A_2920 = arith.xori %lt3A_2917, %lt3A_2919 : i1
        %and3A_2921 = arith.andi %ne3A_2920, %ne3A_2915 : i1
        %add3A_2922 = arith.addi %rem3A_2913, %select_n3A_2912 : i32
        %select_n3A_2923 = arith.select %and3A_2921, %add3A_2922, %rem3A_2913 : i32
        %mul3A_2924 = arith.constant 64 : i32
        %mul3A_2925 = arith.muli %select_n3A_2923, %mul3A_2924 : i32
        %mul3A_2926 = arith.constant 16 : i32
        %mul3A_2927 = arith.muli %add3A_2725, %mul3A_2926 : i32
        %add3A_2928 = arith.constant 4 : i32
        %add3A_2929 = arith.addi %mul3A_2927, %add3A_2928 : i32
        %jit3A_2930 = arith.constant 2 : i32
        %div3A_2931 = arith.divsi %add3A_2929, %jit3A_2930 : i32
        %sign3A_2932 = arith.constant 0 : i32
        %sign3A_2933 = arith.cmpi sgt, %add3A_2929, %sign3A_2932 : i32
        %sign3A_2934 = arith.extui %sign3A_2933 : i1 to i32
        %sign3A_2935 = arith.constant 0 : i32
        %sign3A_2936 = arith.cmpi slt, %add3A_2929, %sign3A_2935 : i32
        %sign3A_2937 = arith.extui %sign3A_2936 : i1 to i32
        %sign3A_2938 = arith.subi %sign3A_2934, %sign3A_2937 : i32
        %sign3A_2939 = arith.constant 0 : i32
        %sign3A_2940 = arith.cmpi sgt, %jit3A_2930, %sign3A_2939 : i32
        %sign3A_2941 = arith.extui %sign3A_2940 : i1 to i32
        %sign3A_2942 = arith.constant 0 : i32
        %sign3A_2943 = arith.cmpi slt, %jit3A_2930, %sign3A_2942 : i32
        %sign3A_2944 = arith.extui %sign3A_2943 : i1 to i32
        %sign3A_2945 = arith.subi %sign3A_2941, %sign3A_2944 : i32
        %ne3A_2946 = arith.cmpi ne, %sign3A_2938, %sign3A_2945 : i32
        %rem3A_2947 = arith.remsi %add3A_2929, %jit3A_2930 : i32
        %ne3A_2948 = arith.constant 0 : i32
        %ne3A_2949 = arith.cmpi ne, %rem3A_2947, %ne3A_2948 : i32
        %and3A_2950 = arith.andi %ne3A_2946, %ne3A_2949 : i1
        %sub3A_2951 = arith.constant 1 : i32
        %sub3A_2952 = arith.subi %div3A_2931, %sub3A_2951 : i32
        %select_n3A_2953 = arith.select %and3A_2950, %sub3A_2952, %div3A_2931 : i32
        %mul3A_2954 = arith.constant 16 : i32
        %mul3A_2955 = arith.muli %add3A_2725, %mul3A_2954 : i32
        %add3A_2956 = arith.constant 4 : i32
        %add3A_2957 = arith.addi %mul3A_2955, %add3A_2956 : i32
        %jit3A_2958 = arith.constant 2 : i32
        %eq3A_2959 = arith.constant 0 : i32
        %eq3A_2960 = arith.cmpi eq, %jit3A_2958, %eq3A_2959 : i32
        %jit3A_2961 = arith.constant 1 : i32
        %select_n3A_2962 = arith.select %eq3A_2960, %jit3A_2961, %jit3A_2958 : i32
        %rem3A_2963 = arith.remsi %add3A_2957, %select_n3A_2962 : i32
        %ne3A_2964 = arith.constant 0 : i32
        %ne3A_2965 = arith.cmpi ne, %rem3A_2963, %ne3A_2964 : i32
        %lt3A_2966 = arith.constant 0 : i32
        %lt3A_2967 = arith.cmpi slt, %rem3A_2963, %lt3A_2966 : i32
        %lt3A_2968 = arith.constant 0 : i32
        %lt3A_2969 = arith.cmpi slt, %select_n3A_2962, %lt3A_2968 : i32
        %ne3A_2970 = arith.xori %lt3A_2967, %lt3A_2969 : i1
        %and3A_2971 = arith.andi %ne3A_2970, %ne3A_2965 : i1
        %add3A_2972 = arith.addi %rem3A_2963, %select_n3A_2962 : i32
        %select_n3A_2973 = arith.select %and3A_2971, %add3A_2972, %rem3A_2963 : i32
        %mul3A_2974 = arith.constant 64 : i32
        %mul3A_2975 = arith.muli %select_n3A_2973, %mul3A_2974 : i32
        %mul3A_2976 = arith.constant 16 : i32
        %mul3A_2977 = arith.muli %add3A_2725, %mul3A_2976 : i32
        %add3A_2978 = arith.constant 5 : i32
        %add3A_2979 = arith.addi %mul3A_2977, %add3A_2978 : i32
        %jit3A_2980 = arith.constant 2 : i32
        %div3A_2981 = arith.divsi %add3A_2979, %jit3A_2980 : i32
        %sign3A_2982 = arith.constant 0 : i32
        %sign3A_2983 = arith.cmpi sgt, %add3A_2979, %sign3A_2982 : i32
        %sign3A_2984 = arith.extui %sign3A_2983 : i1 to i32
        %sign3A_2985 = arith.constant 0 : i32
        %sign3A_2986 = arith.cmpi slt, %add3A_2979, %sign3A_2985 : i32
        %sign3A_2987 = arith.extui %sign3A_2986 : i1 to i32
        %sign3A_2988 = arith.subi %sign3A_2984, %sign3A_2987 : i32
        %sign3A_2989 = arith.constant 0 : i32
        %sign3A_2990 = arith.cmpi sgt, %jit3A_2980, %sign3A_2989 : i32
        %sign3A_2991 = arith.extui %sign3A_2990 : i1 to i32
        %sign3A_2992 = arith.constant 0 : i32
        %sign3A_2993 = arith.cmpi slt, %jit3A_2980, %sign3A_2992 : i32
        %sign3A_2994 = arith.extui %sign3A_2993 : i1 to i32
        %sign3A_2995 = arith.subi %sign3A_2991, %sign3A_2994 : i32
        %ne3A_2996 = arith.cmpi ne, %sign3A_2988, %sign3A_2995 : i32
        %rem3A_2997 = arith.remsi %add3A_2979, %jit3A_2980 : i32
        %ne3A_2998 = arith.constant 0 : i32
        %ne3A_2999 = arith.cmpi ne, %rem3A_2997, %ne3A_2998 : i32
        %and3A_3000 = arith.andi %ne3A_2996, %ne3A_2999 : i1
        %sub3A_3001 = arith.constant 1 : i32
        %sub3A_3002 = arith.subi %div3A_2981, %sub3A_3001 : i32
        %select_n3A_3003 = arith.select %and3A_3000, %sub3A_3002, %div3A_2981 : i32
        %mul3A_3004 = arith.constant 16 : i32
        %mul3A_3005 = arith.muli %add3A_2725, %mul3A_3004 : i32
        %add3A_3006 = arith.constant 5 : i32
        %add3A_3007 = arith.addi %mul3A_3005, %add3A_3006 : i32
        %jit3A_3008 = arith.constant 2 : i32
        %eq3A_3009 = arith.constant 0 : i32
        %eq3A_3010 = arith.cmpi eq, %jit3A_3008, %eq3A_3009 : i32
        %jit3A_3011 = arith.constant 1 : i32
        %select_n3A_3012 = arith.select %eq3A_3010, %jit3A_3011, %jit3A_3008 : i32
        %rem3A_3013 = arith.remsi %add3A_3007, %select_n3A_3012 : i32
        %ne3A_3014 = arith.constant 0 : i32
        %ne3A_3015 = arith.cmpi ne, %rem3A_3013, %ne3A_3014 : i32
        %lt3A_3016 = arith.constant 0 : i32
        %lt3A_3017 = arith.cmpi slt, %rem3A_3013, %lt3A_3016 : i32
        %lt3A_3018 = arith.constant 0 : i32
        %lt3A_3019 = arith.cmpi slt, %select_n3A_3012, %lt3A_3018 : i32
        %ne3A_3020 = arith.xori %lt3A_3017, %lt3A_3019 : i1
        %and3A_3021 = arith.andi %ne3A_3020, %ne3A_3015 : i1
        %add3A_3022 = arith.addi %rem3A_3013, %select_n3A_3012 : i32
        %select_n3A_3023 = arith.select %and3A_3021, %add3A_3022, %rem3A_3013 : i32
        %mul3A_3024 = arith.constant 64 : i32
        %mul3A_3025 = arith.muli %select_n3A_3023, %mul3A_3024 : i32
        %mul3A_3026 = arith.constant 16 : i32
        %mul3A_3027 = arith.muli %add3A_2725, %mul3A_3026 : i32
        %add3A_3028 = arith.constant 6 : i32
        %add3A_3029 = arith.addi %mul3A_3027, %add3A_3028 : i32
        %jit3A_3030 = arith.constant 2 : i32
        %div3A_3031 = arith.divsi %add3A_3029, %jit3A_3030 : i32
        %sign3A_3032 = arith.constant 0 : i32
        %sign3A_3033 = arith.cmpi sgt, %add3A_3029, %sign3A_3032 : i32
        %sign3A_3034 = arith.extui %sign3A_3033 : i1 to i32
        %sign3A_3035 = arith.constant 0 : i32
        %sign3A_3036 = arith.cmpi slt, %add3A_3029, %sign3A_3035 : i32
        %sign3A_3037 = arith.extui %sign3A_3036 : i1 to i32
        %sign3A_3038 = arith.subi %sign3A_3034, %sign3A_3037 : i32
        %sign3A_3039 = arith.constant 0 : i32
        %sign3A_3040 = arith.cmpi sgt, %jit3A_3030, %sign3A_3039 : i32
        %sign3A_3041 = arith.extui %sign3A_3040 : i1 to i32
        %sign3A_3042 = arith.constant 0 : i32
        %sign3A_3043 = arith.cmpi slt, %jit3A_3030, %sign3A_3042 : i32
        %sign3A_3044 = arith.extui %sign3A_3043 : i1 to i32
        %sign3A_3045 = arith.subi %sign3A_3041, %sign3A_3044 : i32
        %ne3A_3046 = arith.cmpi ne, %sign3A_3038, %sign3A_3045 : i32
        %rem3A_3047 = arith.remsi %add3A_3029, %jit3A_3030 : i32
        %ne3A_3048 = arith.constant 0 : i32
        %ne3A_3049 = arith.cmpi ne, %rem3A_3047, %ne3A_3048 : i32
        %and3A_3050 = arith.andi %ne3A_3046, %ne3A_3049 : i1
        %sub3A_3051 = arith.constant 1 : i32
        %sub3A_3052 = arith.subi %div3A_3031, %sub3A_3051 : i32
        %select_n3A_3053 = arith.select %and3A_3050, %sub3A_3052, %div3A_3031 : i32
        %mul3A_3054 = arith.constant 16 : i32
        %mul3A_3055 = arith.muli %add3A_2725, %mul3A_3054 : i32
        %add3A_3056 = arith.constant 6 : i32
        %add3A_3057 = arith.addi %mul3A_3055, %add3A_3056 : i32
        %jit3A_3058 = arith.constant 2 : i32
        %eq3A_3059 = arith.constant 0 : i32
        %eq3A_3060 = arith.cmpi eq, %jit3A_3058, %eq3A_3059 : i32
        %jit3A_3061 = arith.constant 1 : i32
        %select_n3A_3062 = arith.select %eq3A_3060, %jit3A_3061, %jit3A_3058 : i32
        %rem3A_3063 = arith.remsi %add3A_3057, %select_n3A_3062 : i32
        %ne3A_3064 = arith.constant 0 : i32
        %ne3A_3065 = arith.cmpi ne, %rem3A_3063, %ne3A_3064 : i32
        %lt3A_3066 = arith.constant 0 : i32
        %lt3A_3067 = arith.cmpi slt, %rem3A_3063, %lt3A_3066 : i32
        %lt3A_3068 = arith.constant 0 : i32
        %lt3A_3069 = arith.cmpi slt, %select_n3A_3062, %lt3A_3068 : i32
        %ne3A_3070 = arith.xori %lt3A_3067, %lt3A_3069 : i1
        %and3A_3071 = arith.andi %ne3A_3070, %ne3A_3065 : i1
        %add3A_3072 = arith.addi %rem3A_3063, %select_n3A_3062 : i32
        %select_n3A_3073 = arith.select %and3A_3071, %add3A_3072, %rem3A_3063 : i32
        %mul3A_3074 = arith.constant 64 : i32
        %mul3A_3075 = arith.muli %select_n3A_3073, %mul3A_3074 : i32
        %mul3A_3076 = arith.constant 16 : i32
        %mul3A_3077 = arith.muli %add3A_2725, %mul3A_3076 : i32
        %add3A_3078 = arith.constant 7 : i32
        %add3A_3079 = arith.addi %mul3A_3077, %add3A_3078 : i32
        %jit3A_3080 = arith.constant 2 : i32
        %div3A_3081 = arith.divsi %add3A_3079, %jit3A_3080 : i32
        %sign3A_3082 = arith.constant 0 : i32
        %sign3A_3083 = arith.cmpi sgt, %add3A_3079, %sign3A_3082 : i32
        %sign3A_3084 = arith.extui %sign3A_3083 : i1 to i32
        %sign3A_3085 = arith.constant 0 : i32
        %sign3A_3086 = arith.cmpi slt, %add3A_3079, %sign3A_3085 : i32
        %sign3A_3087 = arith.extui %sign3A_3086 : i1 to i32
        %sign3A_3088 = arith.subi %sign3A_3084, %sign3A_3087 : i32
        %sign3A_3089 = arith.constant 0 : i32
        %sign3A_3090 = arith.cmpi sgt, %jit3A_3080, %sign3A_3089 : i32
        %sign3A_3091 = arith.extui %sign3A_3090 : i1 to i32
        %sign3A_3092 = arith.constant 0 : i32
        %sign3A_3093 = arith.cmpi slt, %jit3A_3080, %sign3A_3092 : i32
        %sign3A_3094 = arith.extui %sign3A_3093 : i1 to i32
        %sign3A_3095 = arith.subi %sign3A_3091, %sign3A_3094 : i32
        %ne3A_3096 = arith.cmpi ne, %sign3A_3088, %sign3A_3095 : i32
        %rem3A_3097 = arith.remsi %add3A_3079, %jit3A_3080 : i32
        %ne3A_3098 = arith.constant 0 : i32
        %ne3A_3099 = arith.cmpi ne, %rem3A_3097, %ne3A_3098 : i32
        %and3A_3100 = arith.andi %ne3A_3096, %ne3A_3099 : i1
        %sub3A_3101 = arith.constant 1 : i32
        %sub3A_3102 = arith.subi %div3A_3081, %sub3A_3101 : i32
        %select_n3A_3103 = arith.select %and3A_3100, %sub3A_3102, %div3A_3081 : i32
        %mul3A_3104 = arith.constant 16 : i32
        %mul3A_3105 = arith.muli %add3A_2725, %mul3A_3104 : i32
        %add3A_3106 = arith.constant 7 : i32
        %add3A_3107 = arith.addi %mul3A_3105, %add3A_3106 : i32
        %jit3A_3108 = arith.constant 2 : i32
        %eq3A_3109 = arith.constant 0 : i32
        %eq3A_3110 = arith.cmpi eq, %jit3A_3108, %eq3A_3109 : i32
        %jit3A_3111 = arith.constant 1 : i32
        %select_n3A_3112 = arith.select %eq3A_3110, %jit3A_3111, %jit3A_3108 : i32
        %rem3A_3113 = arith.remsi %add3A_3107, %select_n3A_3112 : i32
        %ne3A_3114 = arith.constant 0 : i32
        %ne3A_3115 = arith.cmpi ne, %rem3A_3113, %ne3A_3114 : i32
        %lt3A_3116 = arith.constant 0 : i32
        %lt3A_3117 = arith.cmpi slt, %rem3A_3113, %lt3A_3116 : i32
        %lt3A_3118 = arith.constant 0 : i32
        %lt3A_3119 = arith.cmpi slt, %select_n3A_3112, %lt3A_3118 : i32
        %ne3A_3120 = arith.xori %lt3A_3117, %lt3A_3119 : i1
        %and3A_3121 = arith.andi %ne3A_3120, %ne3A_3115 : i1
        %add3A_3122 = arith.addi %rem3A_3113, %select_n3A_3112 : i32
        %select_n3A_3123 = arith.select %and3A_3121, %add3A_3122, %rem3A_3113 : i32
        %mul3A_3124 = arith.constant 64 : i32
        %mul3A_3125 = arith.muli %select_n3A_3123, %mul3A_3124 : i32
        %mul3A_3126 = arith.constant 16 : i32
        %mul3A_3127 = arith.muli %add3A_2725, %mul3A_3126 : i32
        %add3A_3128 = arith.constant 8 : i32
        %add3A_3129 = arith.addi %mul3A_3127, %add3A_3128 : i32
        %jit3A_3130 = arith.constant 2 : i32
        %div3A_3131 = arith.divsi %add3A_3129, %jit3A_3130 : i32
        %sign3A_3132 = arith.constant 0 : i32
        %sign3A_3133 = arith.cmpi sgt, %add3A_3129, %sign3A_3132 : i32
        %sign3A_3134 = arith.extui %sign3A_3133 : i1 to i32
        %sign3A_3135 = arith.constant 0 : i32
        %sign3A_3136 = arith.cmpi slt, %add3A_3129, %sign3A_3135 : i32
        %sign3A_3137 = arith.extui %sign3A_3136 : i1 to i32
        %sign3A_3138 = arith.subi %sign3A_3134, %sign3A_3137 : i32
        %sign3A_3139 = arith.constant 0 : i32
        %sign3A_3140 = arith.cmpi sgt, %jit3A_3130, %sign3A_3139 : i32
        %sign3A_3141 = arith.extui %sign3A_3140 : i1 to i32
        %sign3A_3142 = arith.constant 0 : i32
        %sign3A_3143 = arith.cmpi slt, %jit3A_3130, %sign3A_3142 : i32
        %sign3A_3144 = arith.extui %sign3A_3143 : i1 to i32
        %sign3A_3145 = arith.subi %sign3A_3141, %sign3A_3144 : i32
        %ne3A_3146 = arith.cmpi ne, %sign3A_3138, %sign3A_3145 : i32
        %rem3A_3147 = arith.remsi %add3A_3129, %jit3A_3130 : i32
        %ne3A_3148 = arith.constant 0 : i32
        %ne3A_3149 = arith.cmpi ne, %rem3A_3147, %ne3A_3148 : i32
        %and3A_3150 = arith.andi %ne3A_3146, %ne3A_3149 : i1
        %sub3A_3151 = arith.constant 1 : i32
        %sub3A_3152 = arith.subi %div3A_3131, %sub3A_3151 : i32
        %select_n3A_3153 = arith.select %and3A_3150, %sub3A_3152, %div3A_3131 : i32
        %mul3A_3154 = arith.constant 16 : i32
        %mul3A_3155 = arith.muli %add3A_2725, %mul3A_3154 : i32
        %add3A_3156 = arith.constant 8 : i32
        %add3A_3157 = arith.addi %mul3A_3155, %add3A_3156 : i32
        %jit3A_3158 = arith.constant 2 : i32
        %eq3A_3159 = arith.constant 0 : i32
        %eq3A_3160 = arith.cmpi eq, %jit3A_3158, %eq3A_3159 : i32
        %jit3A_3161 = arith.constant 1 : i32
        %select_n3A_3162 = arith.select %eq3A_3160, %jit3A_3161, %jit3A_3158 : i32
        %rem3A_3163 = arith.remsi %add3A_3157, %select_n3A_3162 : i32
        %ne3A_3164 = arith.constant 0 : i32
        %ne3A_3165 = arith.cmpi ne, %rem3A_3163, %ne3A_3164 : i32
        %lt3A_3166 = arith.constant 0 : i32
        %lt3A_3167 = arith.cmpi slt, %rem3A_3163, %lt3A_3166 : i32
        %lt3A_3168 = arith.constant 0 : i32
        %lt3A_3169 = arith.cmpi slt, %select_n3A_3162, %lt3A_3168 : i32
        %ne3A_3170 = arith.xori %lt3A_3167, %lt3A_3169 : i1
        %and3A_3171 = arith.andi %ne3A_3170, %ne3A_3165 : i1
        %add3A_3172 = arith.addi %rem3A_3163, %select_n3A_3162 : i32
        %select_n3A_3173 = arith.select %and3A_3171, %add3A_3172, %rem3A_3163 : i32
        %mul3A_3174 = arith.constant 64 : i32
        %mul3A_3175 = arith.muli %select_n3A_3173, %mul3A_3174 : i32
        %mul3A_3176 = arith.constant 16 : i32
        %mul3A_3177 = arith.muli %add3A_2725, %mul3A_3176 : i32
        %add3A_3178 = arith.constant 9 : i32
        %add3A_3179 = arith.addi %mul3A_3177, %add3A_3178 : i32
        %jit3A_3180 = arith.constant 2 : i32
        %div3A_3181 = arith.divsi %add3A_3179, %jit3A_3180 : i32
        %sign3A_3182 = arith.constant 0 : i32
        %sign3A_3183 = arith.cmpi sgt, %add3A_3179, %sign3A_3182 : i32
        %sign3A_3184 = arith.extui %sign3A_3183 : i1 to i32
        %sign3A_3185 = arith.constant 0 : i32
        %sign3A_3186 = arith.cmpi slt, %add3A_3179, %sign3A_3185 : i32
        %sign3A_3187 = arith.extui %sign3A_3186 : i1 to i32
        %sign3A_3188 = arith.subi %sign3A_3184, %sign3A_3187 : i32
        %sign3A_3189 = arith.constant 0 : i32
        %sign3A_3190 = arith.cmpi sgt, %jit3A_3180, %sign3A_3189 : i32
        %sign3A_3191 = arith.extui %sign3A_3190 : i1 to i32
        %sign3A_3192 = arith.constant 0 : i32
        %sign3A_3193 = arith.cmpi slt, %jit3A_3180, %sign3A_3192 : i32
        %sign3A_3194 = arith.extui %sign3A_3193 : i1 to i32
        %sign3A_3195 = arith.subi %sign3A_3191, %sign3A_3194 : i32
        %ne3A_3196 = arith.cmpi ne, %sign3A_3188, %sign3A_3195 : i32
        %rem3A_3197 = arith.remsi %add3A_3179, %jit3A_3180 : i32
        %ne3A_3198 = arith.constant 0 : i32
        %ne3A_3199 = arith.cmpi ne, %rem3A_3197, %ne3A_3198 : i32
        %and3A_3200 = arith.andi %ne3A_3196, %ne3A_3199 : i1
        %sub3A_3201 = arith.constant 1 : i32
        %sub3A_3202 = arith.subi %div3A_3181, %sub3A_3201 : i32
        %select_n3A_3203 = arith.select %and3A_3200, %sub3A_3202, %div3A_3181 : i32
        %mul3A_3204 = arith.constant 16 : i32
        %mul3A_3205 = arith.muli %add3A_2725, %mul3A_3204 : i32
        %add3A_3206 = arith.constant 9 : i32
        %add3A_3207 = arith.addi %mul3A_3205, %add3A_3206 : i32
        %jit3A_3208 = arith.constant 2 : i32
        %eq3A_3209 = arith.constant 0 : i32
        %eq3A_3210 = arith.cmpi eq, %jit3A_3208, %eq3A_3209 : i32
        %jit3A_3211 = arith.constant 1 : i32
        %select_n3A_3212 = arith.select %eq3A_3210, %jit3A_3211, %jit3A_3208 : i32
        %rem3A_3213 = arith.remsi %add3A_3207, %select_n3A_3212 : i32
        %ne3A_3214 = arith.constant 0 : i32
        %ne3A_3215 = arith.cmpi ne, %rem3A_3213, %ne3A_3214 : i32
        %lt3A_3216 = arith.constant 0 : i32
        %lt3A_3217 = arith.cmpi slt, %rem3A_3213, %lt3A_3216 : i32
        %lt3A_3218 = arith.constant 0 : i32
        %lt3A_3219 = arith.cmpi slt, %select_n3A_3212, %lt3A_3218 : i32
        %ne3A_3220 = arith.xori %lt3A_3217, %lt3A_3219 : i1
        %and3A_3221 = arith.andi %ne3A_3220, %ne3A_3215 : i1
        %add3A_3222 = arith.addi %rem3A_3213, %select_n3A_3212 : i32
        %select_n3A_3223 = arith.select %and3A_3221, %add3A_3222, %rem3A_3213 : i32
        %mul3A_3224 = arith.constant 64 : i32
        %mul3A_3225 = arith.muli %select_n3A_3223, %mul3A_3224 : i32
        %mul3A_3226 = arith.constant 16 : i32
        %mul3A_3227 = arith.muli %add3A_2725, %mul3A_3226 : i32
        %add3A_3228 = arith.constant 10 : i32
        %add3A_3229 = arith.addi %mul3A_3227, %add3A_3228 : i32
        %jit3A_3230 = arith.constant 2 : i32
        %div3A_3231 = arith.divsi %add3A_3229, %jit3A_3230 : i32
        %sign3A_3232 = arith.constant 0 : i32
        %sign3A_3233 = arith.cmpi sgt, %add3A_3229, %sign3A_3232 : i32
        %sign3A_3234 = arith.extui %sign3A_3233 : i1 to i32
        %sign3A_3235 = arith.constant 0 : i32
        %sign3A_3236 = arith.cmpi slt, %add3A_3229, %sign3A_3235 : i32
        %sign3A_3237 = arith.extui %sign3A_3236 : i1 to i32
        %sign3A_3238 = arith.subi %sign3A_3234, %sign3A_3237 : i32
        %sign3A_3239 = arith.constant 0 : i32
        %sign3A_3240 = arith.cmpi sgt, %jit3A_3230, %sign3A_3239 : i32
        %sign3A_3241 = arith.extui %sign3A_3240 : i1 to i32
        %sign3A_3242 = arith.constant 0 : i32
        %sign3A_3243 = arith.cmpi slt, %jit3A_3230, %sign3A_3242 : i32
        %sign3A_3244 = arith.extui %sign3A_3243 : i1 to i32
        %sign3A_3245 = arith.subi %sign3A_3241, %sign3A_3244 : i32
        %ne3A_3246 = arith.cmpi ne, %sign3A_3238, %sign3A_3245 : i32
        %rem3A_3247 = arith.remsi %add3A_3229, %jit3A_3230 : i32
        %ne3A_3248 = arith.constant 0 : i32
        %ne3A_3249 = arith.cmpi ne, %rem3A_3247, %ne3A_3248 : i32
        %and3A_3250 = arith.andi %ne3A_3246, %ne3A_3249 : i1
        %sub3A_3251 = arith.constant 1 : i32
        %sub3A_3252 = arith.subi %div3A_3231, %sub3A_3251 : i32
        %select_n3A_3253 = arith.select %and3A_3250, %sub3A_3252, %div3A_3231 : i32
        %mul3A_3254 = arith.constant 16 : i32
        %mul3A_3255 = arith.muli %add3A_2725, %mul3A_3254 : i32
        %add3A_3256 = arith.constant 10 : i32
        %add3A_3257 = arith.addi %mul3A_3255, %add3A_3256 : i32
        %jit3A_3258 = arith.constant 2 : i32
        %eq3A_3259 = arith.constant 0 : i32
        %eq3A_3260 = arith.cmpi eq, %jit3A_3258, %eq3A_3259 : i32
        %jit3A_3261 = arith.constant 1 : i32
        %select_n3A_3262 = arith.select %eq3A_3260, %jit3A_3261, %jit3A_3258 : i32
        %rem3A_3263 = arith.remsi %add3A_3257, %select_n3A_3262 : i32
        %ne3A_3264 = arith.constant 0 : i32
        %ne3A_3265 = arith.cmpi ne, %rem3A_3263, %ne3A_3264 : i32
        %lt3A_3266 = arith.constant 0 : i32
        %lt3A_3267 = arith.cmpi slt, %rem3A_3263, %lt3A_3266 : i32
        %lt3A_3268 = arith.constant 0 : i32
        %lt3A_3269 = arith.cmpi slt, %select_n3A_3262, %lt3A_3268 : i32
        %ne3A_3270 = arith.xori %lt3A_3267, %lt3A_3269 : i1
        %and3A_3271 = arith.andi %ne3A_3270, %ne3A_3265 : i1
        %add3A_3272 = arith.addi %rem3A_3263, %select_n3A_3262 : i32
        %select_n3A_3273 = arith.select %and3A_3271, %add3A_3272, %rem3A_3263 : i32
        %mul3A_3274 = arith.constant 64 : i32
        %mul3A_3275 = arith.muli %select_n3A_3273, %mul3A_3274 : i32
        %mul3A_3276 = arith.constant 16 : i32
        %mul3A_3277 = arith.muli %add3A_2725, %mul3A_3276 : i32
        %add3A_3278 = arith.constant 11 : i32
        %add3A_3279 = arith.addi %mul3A_3277, %add3A_3278 : i32
        %jit3A_3280 = arith.constant 2 : i32
        %div3A_3281 = arith.divsi %add3A_3279, %jit3A_3280 : i32
        %sign3A_3282 = arith.constant 0 : i32
        %sign3A_3283 = arith.cmpi sgt, %add3A_3279, %sign3A_3282 : i32
        %sign3A_3284 = arith.extui %sign3A_3283 : i1 to i32
        %sign3A_3285 = arith.constant 0 : i32
        %sign3A_3286 = arith.cmpi slt, %add3A_3279, %sign3A_3285 : i32
        %sign3A_3287 = arith.extui %sign3A_3286 : i1 to i32
        %sign3A_3288 = arith.subi %sign3A_3284, %sign3A_3287 : i32
        %sign3A_3289 = arith.constant 0 : i32
        %sign3A_3290 = arith.cmpi sgt, %jit3A_3280, %sign3A_3289 : i32
        %sign3A_3291 = arith.extui %sign3A_3290 : i1 to i32
        %sign3A_3292 = arith.constant 0 : i32
        %sign3A_3293 = arith.cmpi slt, %jit3A_3280, %sign3A_3292 : i32
        %sign3A_3294 = arith.extui %sign3A_3293 : i1 to i32
        %sign3A_3295 = arith.subi %sign3A_3291, %sign3A_3294 : i32
        %ne3A_3296 = arith.cmpi ne, %sign3A_3288, %sign3A_3295 : i32
        %rem3A_3297 = arith.remsi %add3A_3279, %jit3A_3280 : i32
        %ne3A_3298 = arith.constant 0 : i32
        %ne3A_3299 = arith.cmpi ne, %rem3A_3297, %ne3A_3298 : i32
        %and3A_3300 = arith.andi %ne3A_3296, %ne3A_3299 : i1
        %sub3A_3301 = arith.constant 1 : i32
        %sub3A_3302 = arith.subi %div3A_3281, %sub3A_3301 : i32
        %select_n3A_3303 = arith.select %and3A_3300, %sub3A_3302, %div3A_3281 : i32
        %mul3A_3304 = arith.constant 16 : i32
        %mul3A_3305 = arith.muli %add3A_2725, %mul3A_3304 : i32
        %add3A_3306 = arith.constant 11 : i32
        %add3A_3307 = arith.addi %mul3A_3305, %add3A_3306 : i32
        %jit3A_3308 = arith.constant 2 : i32
        %eq3A_3309 = arith.constant 0 : i32
        %eq3A_3310 = arith.cmpi eq, %jit3A_3308, %eq3A_3309 : i32
        %jit3A_3311 = arith.constant 1 : i32
        %select_n3A_3312 = arith.select %eq3A_3310, %jit3A_3311, %jit3A_3308 : i32
        %rem3A_3313 = arith.remsi %add3A_3307, %select_n3A_3312 : i32
        %ne3A_3314 = arith.constant 0 : i32
        %ne3A_3315 = arith.cmpi ne, %rem3A_3313, %ne3A_3314 : i32
        %lt3A_3316 = arith.constant 0 : i32
        %lt3A_3317 = arith.cmpi slt, %rem3A_3313, %lt3A_3316 : i32
        %lt3A_3318 = arith.constant 0 : i32
        %lt3A_3319 = arith.cmpi slt, %select_n3A_3312, %lt3A_3318 : i32
        %ne3A_3320 = arith.xori %lt3A_3317, %lt3A_3319 : i1
        %and3A_3321 = arith.andi %ne3A_3320, %ne3A_3315 : i1
        %add3A_3322 = arith.addi %rem3A_3313, %select_n3A_3312 : i32
        %select_n3A_3323 = arith.select %and3A_3321, %add3A_3322, %rem3A_3313 : i32
        %mul3A_3324 = arith.constant 64 : i32
        %mul3A_3325 = arith.muli %select_n3A_3323, %mul3A_3324 : i32
        %mul3A_3326 = arith.constant 16 : i32
        %mul3A_3327 = arith.muli %add3A_2725, %mul3A_3326 : i32
        %add3A_3328 = arith.constant 12 : i32
        %add3A_3329 = arith.addi %mul3A_3327, %add3A_3328 : i32
        %jit3A_3330 = arith.constant 2 : i32
        %div3A_3331 = arith.divsi %add3A_3329, %jit3A_3330 : i32
        %sign3A_3332 = arith.constant 0 : i32
        %sign3A_3333 = arith.cmpi sgt, %add3A_3329, %sign3A_3332 : i32
        %sign3A_3334 = arith.extui %sign3A_3333 : i1 to i32
        %sign3A_3335 = arith.constant 0 : i32
        %sign3A_3336 = arith.cmpi slt, %add3A_3329, %sign3A_3335 : i32
        %sign3A_3337 = arith.extui %sign3A_3336 : i1 to i32
        %sign3A_3338 = arith.subi %sign3A_3334, %sign3A_3337 : i32
        %sign3A_3339 = arith.constant 0 : i32
        %sign3A_3340 = arith.cmpi sgt, %jit3A_3330, %sign3A_3339 : i32
        %sign3A_3341 = arith.extui %sign3A_3340 : i1 to i32
        %sign3A_3342 = arith.constant 0 : i32
        %sign3A_3343 = arith.cmpi slt, %jit3A_3330, %sign3A_3342 : i32
        %sign3A_3344 = arith.extui %sign3A_3343 : i1 to i32
        %sign3A_3345 = arith.subi %sign3A_3341, %sign3A_3344 : i32
        %ne3A_3346 = arith.cmpi ne, %sign3A_3338, %sign3A_3345 : i32
        %rem3A_3347 = arith.remsi %add3A_3329, %jit3A_3330 : i32
        %ne3A_3348 = arith.constant 0 : i32
        %ne3A_3349 = arith.cmpi ne, %rem3A_3347, %ne3A_3348 : i32
        %and3A_3350 = arith.andi %ne3A_3346, %ne3A_3349 : i1
        %sub3A_3351 = arith.constant 1 : i32
        %sub3A_3352 = arith.subi %div3A_3331, %sub3A_3351 : i32
        %select_n3A_3353 = arith.select %and3A_3350, %sub3A_3352, %div3A_3331 : i32
        %mul3A_3354 = arith.constant 16 : i32
        %mul3A_3355 = arith.muli %add3A_2725, %mul3A_3354 : i32
        %add3A_3356 = arith.constant 12 : i32
        %add3A_3357 = arith.addi %mul3A_3355, %add3A_3356 : i32
        %jit3A_3358 = arith.constant 2 : i32
        %eq3A_3359 = arith.constant 0 : i32
        %eq3A_3360 = arith.cmpi eq, %jit3A_3358, %eq3A_3359 : i32
        %jit3A_3361 = arith.constant 1 : i32
        %select_n3A_3362 = arith.select %eq3A_3360, %jit3A_3361, %jit3A_3358 : i32
        %rem3A_3363 = arith.remsi %add3A_3357, %select_n3A_3362 : i32
        %ne3A_3364 = arith.constant 0 : i32
        %ne3A_3365 = arith.cmpi ne, %rem3A_3363, %ne3A_3364 : i32
        %lt3A_3366 = arith.constant 0 : i32
        %lt3A_3367 = arith.cmpi slt, %rem3A_3363, %lt3A_3366 : i32
        %lt3A_3368 = arith.constant 0 : i32
        %lt3A_3369 = arith.cmpi slt, %select_n3A_3362, %lt3A_3368 : i32
        %ne3A_3370 = arith.xori %lt3A_3367, %lt3A_3369 : i1
        %and3A_3371 = arith.andi %ne3A_3370, %ne3A_3365 : i1
        %add3A_3372 = arith.addi %rem3A_3363, %select_n3A_3362 : i32
        %select_n3A_3373 = arith.select %and3A_3371, %add3A_3372, %rem3A_3363 : i32
        %mul3A_3374 = arith.constant 64 : i32
        %mul3A_3375 = arith.muli %select_n3A_3373, %mul3A_3374 : i32
        %mul3A_3376 = arith.constant 16 : i32
        %mul3A_3377 = arith.muli %add3A_2725, %mul3A_3376 : i32
        %add3A_3378 = arith.constant 13 : i32
        %add3A_3379 = arith.addi %mul3A_3377, %add3A_3378 : i32
        %jit3A_3380 = arith.constant 2 : i32
        %div3A_3381 = arith.divsi %add3A_3379, %jit3A_3380 : i32
        %sign3A_3382 = arith.constant 0 : i32
        %sign3A_3383 = arith.cmpi sgt, %add3A_3379, %sign3A_3382 : i32
        %sign3A_3384 = arith.extui %sign3A_3383 : i1 to i32
        %sign3A_3385 = arith.constant 0 : i32
        %sign3A_3386 = arith.cmpi slt, %add3A_3379, %sign3A_3385 : i32
        %sign3A_3387 = arith.extui %sign3A_3386 : i1 to i32
        %sign3A_3388 = arith.subi %sign3A_3384, %sign3A_3387 : i32
        %sign3A_3389 = arith.constant 0 : i32
        %sign3A_3390 = arith.cmpi sgt, %jit3A_3380, %sign3A_3389 : i32
        %sign3A_3391 = arith.extui %sign3A_3390 : i1 to i32
        %sign3A_3392 = arith.constant 0 : i32
        %sign3A_3393 = arith.cmpi slt, %jit3A_3380, %sign3A_3392 : i32
        %sign3A_3394 = arith.extui %sign3A_3393 : i1 to i32
        %sign3A_3395 = arith.subi %sign3A_3391, %sign3A_3394 : i32
        %ne3A_3396 = arith.cmpi ne, %sign3A_3388, %sign3A_3395 : i32
        %rem3A_3397 = arith.remsi %add3A_3379, %jit3A_3380 : i32
        %ne3A_3398 = arith.constant 0 : i32
        %ne3A_3399 = arith.cmpi ne, %rem3A_3397, %ne3A_3398 : i32
        %and3A_3400 = arith.andi %ne3A_3396, %ne3A_3399 : i1
        %sub3A_3401 = arith.constant 1 : i32
        %sub3A_3402 = arith.subi %div3A_3381, %sub3A_3401 : i32
        %select_n3A_3403 = arith.select %and3A_3400, %sub3A_3402, %div3A_3381 : i32
        %mul3A_3404 = arith.constant 16 : i32
        %mul3A_3405 = arith.muli %add3A_2725, %mul3A_3404 : i32
        %add3A_3406 = arith.constant 13 : i32
        %add3A_3407 = arith.addi %mul3A_3405, %add3A_3406 : i32
        %jit3A_3408 = arith.constant 2 : i32
        %eq3A_3409 = arith.constant 0 : i32
        %eq3A_3410 = arith.cmpi eq, %jit3A_3408, %eq3A_3409 : i32
        %jit3A_3411 = arith.constant 1 : i32
        %select_n3A_3412 = arith.select %eq3A_3410, %jit3A_3411, %jit3A_3408 : i32
        %rem3A_3413 = arith.remsi %add3A_3407, %select_n3A_3412 : i32
        %ne3A_3414 = arith.constant 0 : i32
        %ne3A_3415 = arith.cmpi ne, %rem3A_3413, %ne3A_3414 : i32
        %lt3A_3416 = arith.constant 0 : i32
        %lt3A_3417 = arith.cmpi slt, %rem3A_3413, %lt3A_3416 : i32
        %lt3A_3418 = arith.constant 0 : i32
        %lt3A_3419 = arith.cmpi slt, %select_n3A_3412, %lt3A_3418 : i32
        %ne3A_3420 = arith.xori %lt3A_3417, %lt3A_3419 : i1
        %and3A_3421 = arith.andi %ne3A_3420, %ne3A_3415 : i1
        %add3A_3422 = arith.addi %rem3A_3413, %select_n3A_3412 : i32
        %select_n3A_3423 = arith.select %and3A_3421, %add3A_3422, %rem3A_3413 : i32
        %mul3A_3424 = arith.constant 64 : i32
        %mul3A_3425 = arith.muli %select_n3A_3423, %mul3A_3424 : i32
        %mul3A_3426 = arith.constant 16 : i32
        %mul3A_3427 = arith.muli %add3A_2725, %mul3A_3426 : i32
        %add3A_3428 = arith.constant 14 : i32
        %add3A_3429 = arith.addi %mul3A_3427, %add3A_3428 : i32
        %jit3A_3430 = arith.constant 2 : i32
        %div3A_3431 = arith.divsi %add3A_3429, %jit3A_3430 : i32
        %sign3A_3432 = arith.constant 0 : i32
        %sign3A_3433 = arith.cmpi sgt, %add3A_3429, %sign3A_3432 : i32
        %sign3A_3434 = arith.extui %sign3A_3433 : i1 to i32
        %sign3A_3435 = arith.constant 0 : i32
        %sign3A_3436 = arith.cmpi slt, %add3A_3429, %sign3A_3435 : i32
        %sign3A_3437 = arith.extui %sign3A_3436 : i1 to i32
        %sign3A_3438 = arith.subi %sign3A_3434, %sign3A_3437 : i32
        %sign3A_3439 = arith.constant 0 : i32
        %sign3A_3440 = arith.cmpi sgt, %jit3A_3430, %sign3A_3439 : i32
        %sign3A_3441 = arith.extui %sign3A_3440 : i1 to i32
        %sign3A_3442 = arith.constant 0 : i32
        %sign3A_3443 = arith.cmpi slt, %jit3A_3430, %sign3A_3442 : i32
        %sign3A_3444 = arith.extui %sign3A_3443 : i1 to i32
        %sign3A_3445 = arith.subi %sign3A_3441, %sign3A_3444 : i32
        %ne3A_3446 = arith.cmpi ne, %sign3A_3438, %sign3A_3445 : i32
        %rem3A_3447 = arith.remsi %add3A_3429, %jit3A_3430 : i32
        %ne3A_3448 = arith.constant 0 : i32
        %ne3A_3449 = arith.cmpi ne, %rem3A_3447, %ne3A_3448 : i32
        %and3A_3450 = arith.andi %ne3A_3446, %ne3A_3449 : i1
        %sub3A_3451 = arith.constant 1 : i32
        %sub3A_3452 = arith.subi %div3A_3431, %sub3A_3451 : i32
        %select_n3A_3453 = arith.select %and3A_3450, %sub3A_3452, %div3A_3431 : i32
        %mul3A_3454 = arith.constant 16 : i32
        %mul3A_3455 = arith.muli %add3A_2725, %mul3A_3454 : i32
        %add3A_3456 = arith.constant 14 : i32
        %add3A_3457 = arith.addi %mul3A_3455, %add3A_3456 : i32
        %jit3A_3458 = arith.constant 2 : i32
        %eq3A_3459 = arith.constant 0 : i32
        %eq3A_3460 = arith.cmpi eq, %jit3A_3458, %eq3A_3459 : i32
        %jit3A_3461 = arith.constant 1 : i32
        %select_n3A_3462 = arith.select %eq3A_3460, %jit3A_3461, %jit3A_3458 : i32
        %rem3A_3463 = arith.remsi %add3A_3457, %select_n3A_3462 : i32
        %ne3A_3464 = arith.constant 0 : i32
        %ne3A_3465 = arith.cmpi ne, %rem3A_3463, %ne3A_3464 : i32
        %lt3A_3466 = arith.constant 0 : i32
        %lt3A_3467 = arith.cmpi slt, %rem3A_3463, %lt3A_3466 : i32
        %lt3A_3468 = arith.constant 0 : i32
        %lt3A_3469 = arith.cmpi slt, %select_n3A_3462, %lt3A_3468 : i32
        %ne3A_3470 = arith.xori %lt3A_3467, %lt3A_3469 : i1
        %and3A_3471 = arith.andi %ne3A_3470, %ne3A_3465 : i1
        %add3A_3472 = arith.addi %rem3A_3463, %select_n3A_3462 : i32
        %select_n3A_3473 = arith.select %and3A_3471, %add3A_3472, %rem3A_3463 : i32
        %mul3A_3474 = arith.constant 64 : i32
        %mul3A_3475 = arith.muli %select_n3A_3473, %mul3A_3474 : i32
        %mul3A_3476 = arith.constant 16 : i32
        %mul3A_3477 = arith.muli %add3A_2725, %mul3A_3476 : i32
        %add3A_3478 = arith.constant 15 : i32
        %add3A_3479 = arith.addi %mul3A_3477, %add3A_3478 : i32
        %jit3A_3480 = arith.constant 2 : i32
        %div3A_3481 = arith.divsi %add3A_3479, %jit3A_3480 : i32
        %sign3A_3482 = arith.constant 0 : i32
        %sign3A_3483 = arith.cmpi sgt, %add3A_3479, %sign3A_3482 : i32
        %sign3A_3484 = arith.extui %sign3A_3483 : i1 to i32
        %sign3A_3485 = arith.constant 0 : i32
        %sign3A_3486 = arith.cmpi slt, %add3A_3479, %sign3A_3485 : i32
        %sign3A_3487 = arith.extui %sign3A_3486 : i1 to i32
        %sign3A_3488 = arith.subi %sign3A_3484, %sign3A_3487 : i32
        %sign3A_3489 = arith.constant 0 : i32
        %sign3A_3490 = arith.cmpi sgt, %jit3A_3480, %sign3A_3489 : i32
        %sign3A_3491 = arith.extui %sign3A_3490 : i1 to i32
        %sign3A_3492 = arith.constant 0 : i32
        %sign3A_3493 = arith.cmpi slt, %jit3A_3480, %sign3A_3492 : i32
        %sign3A_3494 = arith.extui %sign3A_3493 : i1 to i32
        %sign3A_3495 = arith.subi %sign3A_3491, %sign3A_3494 : i32
        %ne3A_3496 = arith.cmpi ne, %sign3A_3488, %sign3A_3495 : i32
        %rem3A_3497 = arith.remsi %add3A_3479, %jit3A_3480 : i32
        %ne3A_3498 = arith.constant 0 : i32
        %ne3A_3499 = arith.cmpi ne, %rem3A_3497, %ne3A_3498 : i32
        %and3A_3500 = arith.andi %ne3A_3496, %ne3A_3499 : i1
        %sub3A_3501 = arith.constant 1 : i32
        %sub3A_3502 = arith.subi %div3A_3481, %sub3A_3501 : i32
        %select_n3A_3503 = arith.select %and3A_3500, %sub3A_3502, %div3A_3481 : i32
        %mul3A_3504 = arith.constant 16 : i32
        %mul3A_3505 = arith.muli %add3A_2725, %mul3A_3504 : i32
        %add3A_3506 = arith.constant 15 : i32
        %add3A_3507 = arith.addi %mul3A_3505, %add3A_3506 : i32
        %jit3A_3508 = arith.constant 2 : i32
        %eq3A_3509 = arith.constant 0 : i32
        %eq3A_3510 = arith.cmpi eq, %jit3A_3508, %eq3A_3509 : i32
        %jit3A_3511 = arith.constant 1 : i32
        %select_n3A_3512 = arith.select %eq3A_3510, %jit3A_3511, %jit3A_3508 : i32
        %rem3A_3513 = arith.remsi %add3A_3507, %select_n3A_3512 : i32
        %ne3A_3514 = arith.constant 0 : i32
        %ne3A_3515 = arith.cmpi ne, %rem3A_3513, %ne3A_3514 : i32
        %lt3A_3516 = arith.constant 0 : i32
        %lt3A_3517 = arith.cmpi slt, %rem3A_3513, %lt3A_3516 : i32
        %lt3A_3518 = arith.constant 0 : i32
        %lt3A_3519 = arith.cmpi slt, %select_n3A_3512, %lt3A_3518 : i32
        %ne3A_3520 = arith.xori %lt3A_3517, %lt3A_3519 : i1
        %and3A_3521 = arith.andi %ne3A_3520, %ne3A_3515 : i1
        %add3A_3522 = arith.addi %rem3A_3513, %select_n3A_3512 : i32
        %select_n3A_3523 = arith.select %and3A_3521, %add3A_3522, %rem3A_3513 : i32
        %mul3A_3524 = arith.constant 64 : i32
        %mul3A_3525 = arith.muli %select_n3A_3523, %mul3A_3524 : i32
        %dma_start3A_3526 = arith.constant 0 : i32
        %dma_start3A_3527 = arith.constant 0 : i32
        %dma_start3A_3528 = arith.constant 0 : i32
        %dma_start3A_3529 = arith.constant 0 : i32
        %dma_start3A_3530 = arith.constant 0 : i32
        %dma_start3A_3531 = tpu.memref_slice %arg6[%dma_start3A_3526, %dma_start3A_3528, %dma_start3A_3529, %dma_start3A_3530] : memref<2x16x56x64xf32, #tpu.memory_space<vmem>> -> memref<1x16x56x64xf32, #tpu.memory_space<vmem>>
        %dma_start3A_3532 = tpu.memref_squeeze %dma_start3A_3531 : memref<1x16x56x64xf32, #tpu.memory_space<vmem>> -> memref<16x56x64xf32, #tpu.memory_space<vmem>>
        %dma_start3A_3533 = arith.constant 0 : i32
        %dma_start3A_3534 = arith.constant 0 : i32
        %dma_start3A_3535 = tpu.memref_slice %dma_start3A_3532[%dma_start3A_3527, %dma_start3A_3533, %dma_start3A_3534] : memref<16x56x64xf32, #tpu.memory_space<vmem>> -> memref<1x56x64xf32, #tpu.memory_space<vmem>>
        %dma_start3A_3536 = tpu.memref_squeeze %dma_start3A_3535 : memref<1x56x64xf32, #tpu.memory_space<vmem>> -> memref<56x64xf32, #tpu.memory_space<vmem>>
        %dma_start3A_3537 = arith.constant 0 : i32
        %dma_start3A_3538 = arith.constant 0 : i32
        %dma_start3A_3539 = tpu.memref_slice %dma_start3A_3536[%dma_start3A_3537, %dma_start3A_3538] : memref<56x64xf32, #tpu.memory_space<vmem>> -> memref<50x64xf32, #tpu.memory_space<vmem>>
        %dma_start3A_3540 = arith.constant 0 : i32
        %dma_start3A_3541 = tpu.memref_slice %arg5[%select_n3A_2753, %dma_start3A_3540] : memref<64x128xi32, #tpu.memory_space<vmem>> -> memref<1x128xi32, #tpu.memory_space<vmem>>
        %dma_start3A_3542 = tpu.memref_squeeze %dma_start3A_3541 : memref<1x128xi32, #tpu.memory_space<vmem>> -> memref<128xi32, #tpu.memory_space<vmem>>
        %dma_start3A_3543 = tpu.memref_slice %dma_start3A_3542[%mul3A_2775] : memref<128xi32, #tpu.memory_space<vmem>> -> memref<50xi32, #tpu.memory_space<vmem>>
        %dma_start3A_3544 = arith.constant 0 : i32
        %dma_start3A_3545 = arith.constant 0 : i32
        %dma_start3A_3546 = tpu.memref_slice %arg3[%dma_start3A_3544, %dma_start3A_3545] : memref<100000x64xf32, #tpu.memory_space<hbm>> -> memref<100000x64xf32, #tpu.memory_space<hbm>>
        tpu.enqueue_indirect_dma source(%dma_start3A_3546 : memref<100000x64xf32, #tpu.memory_space<hbm>>) target(%dma_start3A_3539 : memref<50x64xf32, #tpu.memory_space<vmem>>) offsets(%dma_start3A_3543 : memref<50xi32, #tpu.memory_space<vmem>>) semaphore(%arg7 : memref<!tpu.dma_semaphore, #tpu.memory_space<semaphore_mem>>)
        %dma_start3A_3547 = arith.constant 0 : i32
        %dma_start3A_3548 = arith.constant 1 : i32
        %dma_start3A_3549 = arith.constant 0 : i32
        %dma_start3A_3550 = arith.constant 0 : i32
        %dma_start3A_3551 = arith.constant 0 : i32
        %dma_start3A_3552 = tpu.memref_slice %arg6[%dma_start3A_3547, %dma_start3A_3549, %dma_start3A_3550, %dma_start3A_3551] : memref<2x16x56x64xf32, #tpu.memory_space<vmem>> -> memref<1x16x56x64xf32, #tpu.memory_space<vmem>>
        %dma_start3A_3553 = tpu.memref_squeeze %dma_start3A_3552 : memref<1x16x56x64xf32, #tpu.memory_space<vmem>> -> memref<16x56x64xf32, #tpu.memory_space<vmem>>
        %dma_start3A_3554 = arith.constant 0 : i32
        %dma_start3A_3555 = arith.constant 0 : i32
        %dma_start3A_3556 = tpu.memref_slice %dma_start3A_3553[%dma_start3A_3548, %dma_start3A_3554, %dma_start3A_3555] : memref<16x56x64xf32, #tpu.memory_space<vmem>> -> memref<1x56x64xf32, #tpu.memory_space<vmem>>
        %dma_start3A_3557 = tpu.memref_squeeze %dma_start3A_3556 : memref<1x56x64xf32, #tpu.memory_space<vmem>> -> memref<56x64xf32, #tpu.memory_space<vmem>>
        %dma_start3A_3558 = arith.constant 0 : i32
        %dma_start3A_3559 = arith.constant 0 : i32
        %dma_start3A_3560 = tpu.memref_slice %dma_start3A_3557[%dma_start3A_3558, %dma_start3A_3559] : memref<56x64xf32, #tpu.memory_space<vmem>> -> memref<50x64xf32, #tpu.memory_space<vmem>>
        %dma_start3A_3561 = arith.constant 0 : i32
        %dma_start3A_3562 = tpu.memref_slice %arg5[%select_n3A_2803, %dma_start3A_3561] : memref<64x128xi32, #tpu.memory_space<vmem>> -> memref<1x128xi32, #tpu.memory_space<vmem>>
        %dma_start3A_3563 = tpu.memref_squeeze %dma_start3A_3562 : memref<1x128xi32, #tpu.memory_space<vmem>> -> memref<128xi32, #tpu.memory_space<vmem>>
        %dma_start3A_3564 = tpu.memref_slice %dma_start3A_3563[%mul3A_2825] : memref<128xi32, #tpu.memory_space<vmem>> -> memref<50xi32, #tpu.memory_space<vmem>>
        %dma_start3A_3565 = arith.constant 0 : i32
        %dma_start3A_3566 = arith.constant 0 : i32
        %dma_start3A_3567 = tpu.memref_slice %arg3[%dma_start3A_3565, %dma_start3A_3566] : memref<100000x64xf32, #tpu.memory_space<hbm>> -> memref<100000x64xf32, #tpu.memory_space<hbm>>
        tpu.enqueue_indirect_dma source(%dma_start3A_3567 : memref<100000x64xf32, #tpu.memory_space<hbm>>) target(%dma_start3A_3560 : memref<50x64xf32, #tpu.memory_space<vmem>>) offsets(%dma_start3A_3564 : memref<50xi32, #tpu.memory_space<vmem>>) semaphore(%arg7 : memref<!tpu.dma_semaphore, #tpu.memory_space<semaphore_mem>>)
        %dma_start3A_3568 = arith.constant 0 : i32
        %dma_start3A_3569 = arith.constant 2 : i32
        %dma_start3A_3570 = arith.constant 0 : i32
        %dma_start3A_3571 = arith.constant 0 : i32
        %dma_start3A_3572 = arith.constant 0 : i32
        %dma_start3A_3573 = tpu.memref_slice %arg6[%dma_start3A_3568, %dma_start3A_3570, %dma_start3A_3571, %dma_start3A_3572] : memref<2x16x56x64xf32, #tpu.memory_space<vmem>> -> memref<1x16x56x64xf32, #tpu.memory_space<vmem>>
        %dma_start3A_3574 = tpu.memref_squeeze %dma_start3A_3573 : memref<1x16x56x64xf32, #tpu.memory_space<vmem>> -> memref<16x56x64xf32, #tpu.memory_space<vmem>>
        %dma_start3A_3575 = arith.constant 0 : i32
        %dma_start3A_3576 = arith.constant 0 : i32
        %dma_start3A_3577 = tpu.memref_slice %dma_start3A_3574[%dma_start3A_3569, %dma_start3A_3575, %dma_start3A_3576] : memref<16x56x64xf32, #tpu.memory_space<vmem>> -> memref<1x56x64xf32, #tpu.memory_space<vmem>>
        %dma_start3A_3578 = tpu.memref_squeeze %dma_start3A_3577 : memref<1x56x64xf32, #tpu.memory_space<vmem>> -> memref<56x64xf32, #tpu.memory_space<vmem>>
        %dma_start3A_3579 = arith.constant 0 : i32
        %dma_start3A_3580 = arith.constant 0 : i32
        %dma_start3A_3581 = tpu.memref_slice %dma_start3A_3578[%dma_start3A_3579, %dma_start3A_3580] : memref<56x64xf32, #tpu.memory_space<vmem>> -> memref<50x64xf32, #tpu.memory_space<vmem>>
        %dma_start3A_3582 = arith.constant 0 : i32
        %dma_start3A_3583 = tpu.memref_slice %arg5[%select_n3A_2853, %dma_start3A_3582] : memref<64x128xi32, #tpu.memory_space<vmem>> -> memref<1x128xi32, #tpu.memory_space<vmem>>
        %dma_start3A_3584 = tpu.memref_squeeze %dma_start3A_3583 : memref<1x128xi32, #tpu.memory_space<vmem>> -> memref<128xi32, #tpu.memory_space<vmem>>
        %dma_start3A_3585 = tpu.memref_slice %dma_start3A_3584[%mul3A_2875] : memref<128xi32, #tpu.memory_space<vmem>> -> memref<50xi32, #tpu.memory_space<vmem>>
        %dma_start3A_3586 = arith.constant 0 : i32
        %dma_start3A_3587 = arith.constant 0 : i32
        %dma_start3A_3588 = tpu.memref_slice %arg3[%dma_start3A_3586, %dma_start3A_3587] : memref<100000x64xf32, #tpu.memory_space<hbm>> -> memref<100000x64xf32, #tpu.memory_space<hbm>>
        tpu.enqueue_indirect_dma source(%dma_start3A_3588 : memref<100000x64xf32, #tpu.memory_space<hbm>>) target(%dma_start3A_3581 : memref<50x64xf32, #tpu.memory_space<vmem>>) offsets(%dma_start3A_3585 : memref<50xi32, #tpu.memory_space<vmem>>) semaphore(%arg7 : memref<!tpu.dma_semaphore, #tpu.memory_space<semaphore_mem>>)
        %dma_start3A_3589 = arith.constant 0 : i32
        %dma_start3A_3590 = arith.constant 3 : i32
        %dma_start3A_3591 = arith.constant 0 : i32
        %dma_start3A_3592 = arith.constant 0 : i32
        %dma_start3A_3593 = arith.constant 0 : i32
        %dma_start3A_3594 = tpu.memref_slice %arg6[%dma_start3A_3589, %dma_start3A_3591, %dma_start3A_3592, %dma_start3A_3593] : memref<2x16x56x64xf32, #tpu.memory_space<vmem>> -> memref<1x16x56x64xf32, #tpu.memory_space<vmem>>
        %dma_start3A_3595 = tpu.memref_squeeze %dma_start3A_3594 : memref<1x16x56x64xf32, #tpu.memory_space<vmem>> -> memref<16x56x64xf32, #tpu.memory_space<vmem>>
        %dma_start3A_3596 = arith.constant 0 : i32
        %dma_start3A_3597 = arith.constant 0 : i32
        %dma_start3A_3598 = tpu.memref_slice %dma_start3A_3595[%dma_start3A_3590, %dma_start3A_3596, %dma_start3A_3597] : memref<16x56x64xf32, #tpu.memory_space<vmem>> -> memref<1x56x64xf32, #tpu.memory_space<vmem>>
        %dma_start3A_3599 = tpu.memref_squeeze %dma_start3A_3598 : memref<1x56x64xf32, #tpu.memory_space<vmem>> -> memref<56x64xf32, #tpu.memory_space<vmem>>
        %dma_start3A_3600 = arith.constant 0 : i32
        %dma_start3A_3601 = arith.constant 0 : i32
        %dma_start3A_3602 = tpu.memref_slice %dma_start3A_3599[%dma_start3A_3600, %dma_start3A_3601] : memref<56x64xf32, #tpu.memory_space<vmem>> -> memref<50x64xf32, #tpu.memory_space<vmem>>
        %dma_start3A_3603 = arith.constant 0 : i32
        %dma_start3A_3604 = tpu.memref_slice %arg5[%select_n3A_2903, %dma_start3A_3603] : memref<64x128xi32, #tpu.memory_space<vmem>> -> memref<1x128xi32, #tpu.memory_space<vmem>>
        %dma_start3A_3605 = tpu.memref_squeeze %dma_start3A_3604 : memref<1x128xi32, #tpu.memory_space<vmem>> -> memref<128xi32, #tpu.memory_space<vmem>>
        %dma_start3A_3606 = tpu.memref_slice %dma_start3A_3605[%mul3A_2925] : memref<128xi32, #tpu.memory_space<vmem>> -> memref<50xi32, #tpu.memory_space<vmem>>
        %dma_start3A_3607 = arith.constant 0 : i32
        %dma_start3A_3608 = arith.constant 0 : i32
        %dma_start3A_3609 = tpu.memref_slice %arg3[%dma_start3A_3607, %dma_start3A_3608] : memref<100000x64xf32, #tpu.memory_space<hbm>> -> memref<100000x64xf32, #tpu.memory_space<hbm>>
        tpu.enqueue_indirect_dma source(%dma_start3A_3609 : memref<100000x64xf32, #tpu.memory_space<hbm>>) target(%dma_start3A_3602 : memref<50x64xf32, #tpu.memory_space<vmem>>) offsets(%dma_start3A_3606 : memref<50xi32, #tpu.memory_space<vmem>>) semaphore(%arg7 : memref<!tpu.dma_semaphore, #tpu.memory_space<semaphore_mem>>)
        %dma_start3A_3610 = arith.constant 0 : i32
        %dma_start3A_3611 = arith.constant 4 : i32
        %dma_start3A_3612 = arith.constant 0 : i32
        %dma_start3A_3613 = arith.constant 0 : i32
        %dma_start3A_3614 = arith.constant 0 : i32
        %dma_start3A_3615 = tpu.memref_slice %arg6[%dma_start3A_3610, %dma_start3A_3612, %dma_start3A_3613, %dma_start3A_3614] : memref<2x16x56x64xf32, #tpu.memory_space<vmem>> -> memref<1x16x56x64xf32, #tpu.memory_space<vmem>>
        %dma_start3A_3616 = tpu.memref_squeeze %dma_start3A_3615 : memref<1x16x56x64xf32, #tpu.memory_space<vmem>> -> memref<16x56x64xf32, #tpu.memory_space<vmem>>
        %dma_start3A_3617 = arith.constant 0 : i32
        %dma_start3A_3618 = arith.constant 0 : i32
        %dma_start3A_3619 = tpu.memref_slice %dma_start3A_3616[%dma_start3A_3611, %dma_start3A_3617, %dma_start3A_3618] : memref<16x56x64xf32, #tpu.memory_space<vmem>> -> memref<1x56x64xf32, #tpu.memory_space<vmem>>
        %dma_start3A_3620 = tpu.memref_squeeze %dma_start3A_3619 : memref<1x56x64xf32, #tpu.memory_space<vmem>> -> memref<56x64xf32, #tpu.memory_space<vmem>>
        %dma_start3A_3621 = arith.constant 0 : i32
        %dma_start3A_3622 = arith.constant 0 : i32
        %dma_start3A_3623 = tpu.memref_slice %dma_start3A_3620[%dma_start3A_3621, %dma_start3A_3622] : memref<56x64xf32, #tpu.memory_space<vmem>> -> memref<50x64xf32, #tpu.memory_space<vmem>>
        %dma_start3A_3624 = arith.constant 0 : i32
        %dma_start3A_3625 = tpu.memref_slice %arg5[%select_n3A_2953, %dma_start3A_3624] : memref<64x128xi32, #tpu.memory_space<vmem>> -> memref<1x128xi32, #tpu.memory_space<vmem>>
        %dma_start3A_3626 = tpu.memref_squeeze %dma_start3A_3625 : memref<1x128xi32, #tpu.memory_space<vmem>> -> memref<128xi32, #tpu.memory_space<vmem>>
        %dma_start3A_3627 = tpu.memref_slice %dma_start3A_3626[%mul3A_2975] : memref<128xi32, #tpu.memory_space<vmem>> -> memref<50xi32, #tpu.memory_space<vmem>>
        %dma_start3A_3628 = arith.constant 0 : i32
        %dma_start3A_3629 = arith.constant 0 : i32
        %dma_start3A_3630 = tpu.memref_slice %arg3[%dma_start3A_3628, %dma_start3A_3629] : memref<100000x64xf32, #tpu.memory_space<hbm>> -> memref<100000x64xf32, #tpu.memory_space<hbm>>
        tpu.enqueue_indirect_dma source(%dma_start3A_3630 : memref<100000x64xf32, #tpu.memory_space<hbm>>) target(%dma_start3A_3623 : memref<50x64xf32, #tpu.memory_space<vmem>>) offsets(%dma_start3A_3627 : memref<50xi32, #tpu.memory_space<vmem>>) semaphore(%arg7 : memref<!tpu.dma_semaphore, #tpu.memory_space<semaphore_mem>>)
        %dma_start3A_3631 = arith.constant 0 : i32
        %dma_start3A_3632 = arith.constant 5 : i32
        %dma_start3A_3633 = arith.constant 0 : i32
        %dma_start3A_3634 = arith.constant 0 : i32
        %dma_start3A_3635 = arith.constant 0 : i32
        %dma_start3A_3636 = tpu.memref_slice %arg6[%dma_start3A_3631, %dma_start3A_3633, %dma_start3A_3634, %dma_start3A_3635] : memref<2x16x56x64xf32, #tpu.memory_space<vmem>> -> memref<1x16x56x64xf32, #tpu.memory_space<vmem>>
        %dma_start3A_3637 = tpu.memref_squeeze %dma_start3A_3636 : memref<1x16x56x64xf32, #tpu.memory_space<vmem>> -> memref<16x56x64xf32, #tpu.memory_space<vmem>>
        %dma_start3A_3638 = arith.constant 0 : i32
        %dma_start3A_3639 = arith.constant 0 : i32
        %dma_start3A_3640 = tpu.memref_slice %dma_start3A_3637[%dma_start3A_3632, %dma_start3A_3638, %dma_start3A_3639] : memref<16x56x64xf32, #tpu.memory_space<vmem>> -> memref<1x56x64xf32, #tpu.memory_space<vmem>>
        %dma_start3A_3641 = tpu.memref_squeeze %dma_start3A_3640 : memref<1x56x64xf32, #tpu.memory_space<vmem>> -> memref<56x64xf32, #tpu.memory_space<vmem>>
        %dma_start3A_3642 = arith.constant 0 : i32
        %dma_start3A_3643 = arith.constant 0 : i32
        %dma_start3A_3644 = tpu.memref_slice %dma_start3A_3641[%dma_start3A_3642, %dma_start3A_3643] : memref<56x64xf32, #tpu.memory_space<vmem>> -> memref<50x64xf32, #tpu.memory_space<vmem>>
        %dma_start3A_3645 = arith.constant 0 : i32
        %dma_start3A_3646 = tpu.memref_slice %arg5[%select_n3A_3003, %dma_start3A_3645] : memref<64x128xi32, #tpu.memory_space<vmem>> -> memref<1x128xi32, #tpu.memory_space<vmem>>
        %dma_start3A_3647 = tpu.memref_squeeze %dma_start3A_3646 : memref<1x128xi32, #tpu.memory_space<vmem>> -> memref<128xi32, #tpu.memory_space<vmem>>
        %dma_start3A_3648 = tpu.memref_slice %dma_start3A_3647[%mul3A_3025] : memref<128xi32, #tpu.memory_space<vmem>> -> memref<50xi32, #tpu.memory_space<vmem>>
        %dma_start3A_3649 = arith.constant 0 : i32
        %dma_start3A_3650 = arith.constant 0 : i32
        %dma_start3A_3651 = tpu.memref_slice %arg3[%dma_start3A_3649, %dma_start3A_3650] : memref<100000x64xf32, #tpu.memory_space<hbm>> -> memref<100000x64xf32, #tpu.memory_space<hbm>>
        tpu.enqueue_indirect_dma source(%dma_start3A_3651 : memref<100000x64xf32, #tpu.memory_space<hbm>>) target(%dma_start3A_3644 : memref<50x64xf32, #tpu.memory_space<vmem>>) offsets(%dma_start3A_3648 : memref<50xi32, #tpu.memory_space<vmem>>) semaphore(%arg7 : memref<!tpu.dma_semaphore, #tpu.memory_space<semaphore_mem>>)
        %dma_start3A_3652 = arith.constant 0 : i32
        %dma_start3A_3653 = arith.constant 6 : i32
        %dma_start3A_3654 = arith.constant 0 : i32
        %dma_start3A_3655 = arith.constant 0 : i32
        %dma_start3A_3656 = arith.constant 0 : i32
        %dma_start3A_3657 = tpu.memref_slice %arg6[%dma_start3A_3652, %dma_start3A_3654, %dma_start3A_3655, %dma_start3A_3656] : memref<2x16x56x64xf32, #tpu.memory_space<vmem>> -> memref<1x16x56x64xf32, #tpu.memory_space<vmem>>
        %dma_start3A_3658 = tpu.memref_squeeze %dma_start3A_3657 : memref<1x16x56x64xf32, #tpu.memory_space<vmem>> -> memref<16x56x64xf32, #tpu.memory_space<vmem>>
        %dma_start3A_3659 = arith.constant 0 : i32
        %dma_start3A_3660 = arith.constant 0 : i32
        %dma_start3A_3661 = tpu.memref_slice %dma_start3A_3658[%dma_start3A_3653, %dma_start3A_3659, %dma_start3A_3660] : memref<16x56x64xf32, #tpu.memory_space<vmem>> -> memref<1x56x64xf32, #tpu.memory_space<vmem>>
        %dma_start3A_3662 = tpu.memref_squeeze %dma_start3A_3661 : memref<1x56x64xf32, #tpu.memory_space<vmem>> -> memref<56x64xf32, #tpu.memory_space<vmem>>
        %dma_start3A_3663 = arith.constant 0 : i32
        %dma_start3A_3664 = arith.constant 0 : i32
        %dma_start3A_3665 = tpu.memref_slice %dma_start3A_3662[%dma_start3A_3663, %dma_start3A_3664] : memref<56x64xf32, #tpu.memory_space<vmem>> -> memref<50x64xf32, #tpu.memory_space<vmem>>
        %dma_start3A_3666 = arith.constant 0 : i32
        %dma_start3A_3667 = tpu.memref_slice %arg5[%select_n3A_3053, %dma_start3A_3666] : memref<64x128xi32, #tpu.memory_space<vmem>> -> memref<1x128xi32, #tpu.memory_space<vmem>>
        %dma_start3A_3668 = tpu.memref_squeeze %dma_start3A_3667 : memref<1x128xi32, #tpu.memory_space<vmem>> -> memref<128xi32, #tpu.memory_space<vmem>>
        %dma_start3A_3669 = tpu.memref_slice %dma_start3A_3668[%mul3A_3075] : memref<128xi32, #tpu.memory_space<vmem>> -> memref<50xi32, #tpu.memory_space<vmem>>
        %dma_start3A_3670 = arith.constant 0 : i32
        %dma_start3A_3671 = arith.constant 0 : i32
        %dma_start3A_3672 = tpu.memref_slice %arg3[%dma_start3A_3670, %dma_start3A_3671] : memref<100000x64xf32, #tpu.memory_space<hbm>> -> memref<100000x64xf32, #tpu.memory_space<hbm>>
        tpu.enqueue_indirect_dma source(%dma_start3A_3672 : memref<100000x64xf32, #tpu.memory_space<hbm>>) target(%dma_start3A_3665 : memref<50x64xf32, #tpu.memory_space<vmem>>) offsets(%dma_start3A_3669 : memref<50xi32, #tpu.memory_space<vmem>>) semaphore(%arg7 : memref<!tpu.dma_semaphore, #tpu.memory_space<semaphore_mem>>)
        %dma_start3A_3673 = arith.constant 0 : i32
        %dma_start3A_3674 = arith.constant 7 : i32
        %dma_start3A_3675 = arith.constant 0 : i32
        %dma_start3A_3676 = arith.constant 0 : i32
        %dma_start3A_3677 = arith.constant 0 : i32
        %dma_start3A_3678 = tpu.memref_slice %arg6[%dma_start3A_3673, %dma_start3A_3675, %dma_start3A_3676, %dma_start3A_3677] : memref<2x16x56x64xf32, #tpu.memory_space<vmem>> -> memref<1x16x56x64xf32, #tpu.memory_space<vmem>>
        %dma_start3A_3679 = tpu.memref_squeeze %dma_start3A_3678 : memref<1x16x56x64xf32, #tpu.memory_space<vmem>> -> memref<16x56x64xf32, #tpu.memory_space<vmem>>
        %dma_start3A_3680 = arith.constant 0 : i32
        %dma_start3A_3681 = arith.constant 0 : i32
        %dma_start3A_3682 = tpu.memref_slice %dma_start3A_3679[%dma_start3A_3674, %dma_start3A_3680, %dma_start3A_3681] : memref<16x56x64xf32, #tpu.memory_space<vmem>> -> memref<1x56x64xf32, #tpu.memory_space<vmem>>
        %dma_start3A_3683 = tpu.memref_squeeze %dma_start3A_3682 : memref<1x56x64xf32, #tpu.memory_space<vmem>> -> memref<56x64xf32, #tpu.memory_space<vmem>>
        %dma_start3A_3684 = arith.constant 0 : i32
        %dma_start3A_3685 = arith.constant 0 : i32
        %dma_start3A_3686 = tpu.memref_slice %dma_start3A_3683[%dma_start3A_3684, %dma_start3A_3685] : memref<56x64xf32, #tpu.memory_space<vmem>> -> memref<50x64xf32, #tpu.memory_space<vmem>>
        %dma_start3A_3687 = arith.constant 0 : i32
        %dma_start3A_3688 = tpu.memref_slice %arg5[%select_n3A_3103, %dma_start3A_3687] : memref<64x128xi32, #tpu.memory_space<vmem>> -> memref<1x128xi32, #tpu.memory_space<vmem>>
        %dma_start3A_3689 = tpu.memref_squeeze %dma_start3A_3688 : memref<1x128xi32, #tpu.memory_space<vmem>> -> memref<128xi32, #tpu.memory_space<vmem>>
        %dma_start3A_3690 = tpu.memref_slice %dma_start3A_3689[%mul3A_3125] : memref<128xi32, #tpu.memory_space<vmem>> -> memref<50xi32, #tpu.memory_space<vmem>>
        %dma_start3A_3691 = arith.constant 0 : i32
        %dma_start3A_3692 = arith.constant 0 : i32
        %dma_start3A_3693 = tpu.memref_slice %arg3[%dma_start3A_3691, %dma_start3A_3692] : memref<100000x64xf32, #tpu.memory_space<hbm>> -> memref<100000x64xf32, #tpu.memory_space<hbm>>
        tpu.enqueue_indirect_dma source(%dma_start3A_3693 : memref<100000x64xf32, #tpu.memory_space<hbm>>) target(%dma_start3A_3686 : memref<50x64xf32, #tpu.memory_space<vmem>>) offsets(%dma_start3A_3690 : memref<50xi32, #tpu.memory_space<vmem>>) semaphore(%arg7 : memref<!tpu.dma_semaphore, #tpu.memory_space<semaphore_mem>>)
        %dma_start3A_3694 = arith.constant 0 : i32
        %dma_start3A_3695 = arith.constant 8 : i32
        %dma_start3A_3696 = arith.constant 0 : i32
        %dma_start3A_3697 = arith.constant 0 : i32
        %dma_start3A_3698 = arith.constant 0 : i32
        %dma_start3A_3699 = tpu.memref_slice %arg6[%dma_start3A_3694, %dma_start3A_3696, %dma_start3A_3697, %dma_start3A_3698] : memref<2x16x56x64xf32, #tpu.memory_space<vmem>> -> memref<1x16x56x64xf32, #tpu.memory_space<vmem>>
        %dma_start3A_3700 = tpu.memref_squeeze %dma_start3A_3699 : memref<1x16x56x64xf32, #tpu.memory_space<vmem>> -> memref<16x56x64xf32, #tpu.memory_space<vmem>>
        %dma_start3A_3701 = arith.constant 0 : i32
        %dma_start3A_3702 = arith.constant 0 : i32
        %dma_start3A_3703 = tpu.memref_slice %dma_start3A_3700[%dma_start3A_3695, %dma_start3A_3701, %dma_start3A_3702] : memref<16x56x64xf32, #tpu.memory_space<vmem>> -> memref<1x56x64xf32, #tpu.memory_space<vmem>>
        %dma_start3A_3704 = tpu.memref_squeeze %dma_start3A_3703 : memref<1x56x64xf32, #tpu.memory_space<vmem>> -> memref<56x64xf32, #tpu.memory_space<vmem>>
        %dma_start3A_3705 = arith.constant 0 : i32
        %dma_start3A_3706 = arith.constant 0 : i32
        %dma_start3A_3707 = tpu.memref_slice %dma_start3A_3704[%dma_start3A_3705, %dma_start3A_3706] : memref<56x64xf32, #tpu.memory_space<vmem>> -> memref<50x64xf32, #tpu.memory_space<vmem>>
        %dma_start3A_3708 = arith.constant 0 : i32
        %dma_start3A_3709 = tpu.memref_slice %arg5[%select_n3A_3153, %dma_start3A_3708] : memref<64x128xi32, #tpu.memory_space<vmem>> -> memref<1x128xi32, #tpu.memory_space<vmem>>
        %dma_start3A_3710 = tpu.memref_squeeze %dma_start3A_3709 : memref<1x128xi32, #tpu.memory_space<vmem>> -> memref<128xi32, #tpu.memory_space<vmem>>
        %dma_start3A_3711 = tpu.memref_slice %dma_start3A_3710[%mul3A_3175] : memref<128xi32, #tpu.memory_space<vmem>> -> memref<50xi32, #tpu.memory_space<vmem>>
        %dma_start3A_3712 = arith.constant 0 : i32
        %dma_start3A_3713 = arith.constant 0 : i32
        %dma_start3A_3714 = tpu.memref_slice %arg3[%dma_start3A_3712, %dma_start3A_3713] : memref<100000x64xf32, #tpu.memory_space<hbm>> -> memref<100000x64xf32, #tpu.memory_space<hbm>>
        tpu.enqueue_indirect_dma source(%dma_start3A_3714 : memref<100000x64xf32, #tpu.memory_space<hbm>>) target(%dma_start3A_3707 : memref<50x64xf32, #tpu.memory_space<vmem>>) offsets(%dma_start3A_3711 : memref<50xi32, #tpu.memory_space<vmem>>) semaphore(%arg7 : memref<!tpu.dma_semaphore, #tpu.memory_space<semaphore_mem>>)
        %dma_start3A_3715 = arith.constant 0 : i32
        %dma_start3A_3716 = arith.constant 9 : i32
        %dma_start3A_3717 = arith.constant 0 : i32
        %dma_start3A_3718 = arith.constant 0 : i32
        %dma_start3A_3719 = arith.constant 0 : i32
        %dma_start3A_3720 = tpu.memref_slice %arg6[%dma_start3A_3715, %dma_start3A_3717, %dma_start3A_3718, %dma_start3A_3719] : memref<2x16x56x64xf32, #tpu.memory_space<vmem>> -> memref<1x16x56x64xf32, #tpu.memory_space<vmem>>
        %dma_start3A_3721 = tpu.memref_squeeze %dma_start3A_3720 : memref<1x16x56x64xf32, #tpu.memory_space<vmem>> -> memref<16x56x64xf32, #tpu.memory_space<vmem>>
        %dma_start3A_3722 = arith.constant 0 : i32
        %dma_start3A_3723 = arith.constant 0 : i32
        %dma_start3A_3724 = tpu.memref_slice %dma_start3A_3721[%dma_start3A_3716, %dma_start3A_3722, %dma_start3A_3723] : memref<16x56x64xf32, #tpu.memory_space<vmem>> -> memref<1x56x64xf32, #tpu.memory_space<vmem>>
        %dma_start3A_3725 = tpu.memref_squeeze %dma_start3A_3724 : memref<1x56x64xf32, #tpu.memory_space<vmem>> -> memref<56x64xf32, #tpu.memory_space<vmem>>
        %dma_start3A_3726 = arith.constant 0 : i32
        %dma_start3A_3727 = arith.constant 0 : i32
        %dma_start3A_3728 = tpu.memref_slice %dma_start3A_3725[%dma_start3A_3726, %dma_start3A_3727] : memref<56x64xf32, #tpu.memory_space<vmem>> -> memref<50x64xf32, #tpu.memory_space<vmem>>
        %dma_start3A_3729 = arith.constant 0 : i32
        %dma_start3A_3730 = tpu.memref_slice %arg5[%select_n3A_3203, %dma_start3A_3729] : memref<64x128xi32, #tpu.memory_space<vmem>> -> memref<1x128xi32, #tpu.memory_space<vmem>>
        %dma_start3A_3731 = tpu.memref_squeeze %dma_start3A_3730 : memref<1x128xi32, #tpu.memory_space<vmem>> -> memref<128xi32, #tpu.memory_space<vmem>>
        %dma_start3A_3732 = tpu.memref_slice %dma_start3A_3731[%mul3A_3225] : memref<128xi32, #tpu.memory_space<vmem>> -> memref<50xi32, #tpu.memory_space<vmem>>
        %dma_start3A_3733 = arith.constant 0 : i32
        %dma_start3A_3734 = arith.constant 0 : i32
        %dma_start3A_3735 = tpu.memref_slice %arg3[%dma_start3A_3733, %dma_start3A_3734] : memref<100000x64xf32, #tpu.memory_space<hbm>> -> memref<100000x64xf32, #tpu.memory_space<hbm>>
        tpu.enqueue_indirect_dma source(%dma_start3A_3735 : memref<100000x64xf32, #tpu.memory_space<hbm>>) target(%dma_start3A_3728 : memref<50x64xf32, #tpu.memory_space<vmem>>) offsets(%dma_start3A_3732 : memref<50xi32, #tpu.memory_space<vmem>>) semaphore(%arg7 : memref<!tpu.dma_semaphore, #tpu.memory_space<semaphore_mem>>)
        %dma_start3A_3736 = arith.constant 0 : i32
        %dma_start3A_3737 = arith.constant 10 : i32
        %dma_start3A_3738 = arith.constant 0 : i32
        %dma_start3A_3739 = arith.constant 0 : i32
        %dma_start3A_3740 = arith.constant 0 : i32
        %dma_start3A_3741 = tpu.memref_slice %arg6[%dma_start3A_3736, %dma_start3A_3738, %dma_start3A_3739, %dma_start3A_3740] : memref<2x16x56x64xf32, #tpu.memory_space<vmem>> -> memref<1x16x56x64xf32, #tpu.memory_space<vmem>>
        %dma_start3A_3742 = tpu.memref_squeeze %dma_start3A_3741 : memref<1x16x56x64xf32, #tpu.memory_space<vmem>> -> memref<16x56x64xf32, #tpu.memory_space<vmem>>
        %dma_start3A_3743 = arith.constant 0 : i32
        %dma_start3A_3744 = arith.constant 0 : i32
        %dma_start3A_3745 = tpu.memref_slice %dma_start3A_3742[%dma_start3A_3737, %dma_start3A_3743, %dma_start3A_3744] : memref<16x56x64xf32, #tpu.memory_space<vmem>> -> memref<1x56x64xf32, #tpu.memory_space<vmem>>
        %dma_start3A_3746 = tpu.memref_squeeze %dma_start3A_3745 : memref<1x56x64xf32, #tpu.memory_space<vmem>> -> memref<56x64xf32, #tpu.memory_space<vmem>>
        %dma_start3A_3747 = arith.constant 0 : i32
        %dma_start3A_3748 = arith.constant 0 : i32
        %dma_start3A_3749 = tpu.memref_slice %dma_start3A_3746[%dma_start3A_3747, %dma_start3A_3748] : memref<56x64xf32, #tpu.memory_space<vmem>> -> memref<50x64xf32, #tpu.memory_space<vmem>>
        %dma_start3A_3750 = arith.constant 0 : i32
        %dma_start3A_3751 = tpu.memref_slice %arg5[%select_n3A_3253, %dma_start3A_3750] : memref<64x128xi32, #tpu.memory_space<vmem>> -> memref<1x128xi32, #tpu.memory_space<vmem>>
        %dma_start3A_3752 = tpu.memref_squeeze %dma_start3A_3751 : memref<1x128xi32, #tpu.memory_space<vmem>> -> memref<128xi32, #tpu.memory_space<vmem>>
        %dma_start3A_3753 = tpu.memref_slice %dma_start3A_3752[%mul3A_3275] : memref<128xi32, #tpu.memory_space<vmem>> -> memref<50xi32, #tpu.memory_space<vmem>>
        %dma_start3A_3754 = arith.constant 0 : i32
        %dma_start3A_3755 = arith.constant 0 : i32
        %dma_start3A_3756 = tpu.memref_slice %arg3[%dma_start3A_3754, %dma_start3A_3755] : memref<100000x64xf32, #tpu.memory_space<hbm>> -> memref<100000x64xf32, #tpu.memory_space<hbm>>
        tpu.enqueue_indirect_dma source(%dma_start3A_3756 : memref<100000x64xf32, #tpu.memory_space<hbm>>) target(%dma_start3A_3749 : memref<50x64xf32, #tpu.memory_space<vmem>>) offsets(%dma_start3A_3753 : memref<50xi32, #tpu.memory_space<vmem>>) semaphore(%arg7 : memref<!tpu.dma_semaphore, #tpu.memory_space<semaphore_mem>>)
        %dma_start3A_3757 = arith.constant 0 : i32
        %dma_start3A_3758 = arith.constant 11 : i32
        %dma_start3A_3759 = arith.constant 0 : i32
        %dma_start3A_3760 = arith.constant 0 : i32
        %dma_start3A_3761 = arith.constant 0 : i32
        %dma_start3A_3762 = tpu.memref_slice %arg6[%dma_start3A_3757, %dma_start3A_3759, %dma_start3A_3760, %dma_start3A_3761] : memref<2x16x56x64xf32, #tpu.memory_space<vmem>> -> memref<1x16x56x64xf32, #tpu.memory_space<vmem>>
        %dma_start3A_3763 = tpu.memref_squeeze %dma_start3A_3762 : memref<1x16x56x64xf32, #tpu.memory_space<vmem>> -> memref<16x56x64xf32, #tpu.memory_space<vmem>>
        %dma_start3A_3764 = arith.constant 0 : i32
        %dma_start3A_3765 = arith.constant 0 : i32
        %dma_start3A_3766 = tpu.memref_slice %dma_start3A_3763[%dma_start3A_3758, %dma_start3A_3764, %dma_start3A_3765] : memref<16x56x64xf32, #tpu.memory_space<vmem>> -> memref<1x56x64xf32, #tpu.memory_space<vmem>>
        %dma_start3A_3767 = tpu.memref_squeeze %dma_start3A_3766 : memref<1x56x64xf32, #tpu.memory_space<vmem>> -> memref<56x64xf32, #tpu.memory_space<vmem>>
        %dma_start3A_3768 = arith.constant 0 : i32
        %dma_start3A_3769 = arith.constant 0 : i32
        %dma_start3A_3770 = tpu.memref_slice %dma_start3A_3767[%dma_start3A_3768, %dma_start3A_3769] : memref<56x64xf32, #tpu.memory_space<vmem>> -> memref<50x64xf32, #tpu.memory_space<vmem>>
        %dma_start3A_3771 = arith.constant 0 : i32
        %dma_start3A_3772 = tpu.memref_slice %arg5[%select_n3A_3303, %dma_start3A_3771] : memref<64x128xi32, #tpu.memory_space<vmem>> -> memref<1x128xi32, #tpu.memory_space<vmem>>
        %dma_start3A_3773 = tpu.memref_squeeze %dma_start3A_3772 : memref<1x128xi32, #tpu.memory_space<vmem>> -> memref<128xi32, #tpu.memory_space<vmem>>
        %dma_start3A_3774 = tpu.memref_slice %dma_start3A_3773[%mul3A_3325] : memref<128xi32, #tpu.memory_space<vmem>> -> memref<50xi32, #tpu.memory_space<vmem>>
        %dma_start3A_3775 = arith.constant 0 : i32
        %dma_start3A_3776 = arith.constant 0 : i32
        %dma_start3A_3777 = tpu.memref_slice %arg3[%dma_start3A_3775, %dma_start3A_3776] : memref<100000x64xf32, #tpu.memory_space<hbm>> -> memref<100000x64xf32, #tpu.memory_space<hbm>>
        tpu.enqueue_indirect_dma source(%dma_start3A_3777 : memref<100000x64xf32, #tpu.memory_space<hbm>>) target(%dma_start3A_3770 : memref<50x64xf32, #tpu.memory_space<vmem>>) offsets(%dma_start3A_3774 : memref<50xi32, #tpu.memory_space<vmem>>) semaphore(%arg7 : memref<!tpu.dma_semaphore, #tpu.memory_space<semaphore_mem>>)
        %dma_start3A_3778 = arith.constant 0 : i32
        %dma_start3A_3779 = arith.constant 12 : i32
        %dma_start3A_3780 = arith.constant 0 : i32
        %dma_start3A_3781 = arith.constant 0 : i32
        %dma_start3A_3782 = arith.constant 0 : i32
        %dma_start3A_3783 = tpu.memref_slice %arg6[%dma_start3A_3778, %dma_start3A_3780, %dma_start3A_3781, %dma_start3A_3782] : memref<2x16x56x64xf32, #tpu.memory_space<vmem>> -> memref<1x16x56x64xf32, #tpu.memory_space<vmem>>
        %dma_start3A_3784 = tpu.memref_squeeze %dma_start3A_3783 : memref<1x16x56x64xf32, #tpu.memory_space<vmem>> -> memref<16x56x64xf32, #tpu.memory_space<vmem>>
        %dma_start3A_3785 = arith.constant 0 : i32
        %dma_start3A_3786 = arith.constant 0 : i32
        %dma_start3A_3787 = tpu.memref_slice %dma_start3A_3784[%dma_start3A_3779, %dma_start3A_3785, %dma_start3A_3786] : memref<16x56x64xf32, #tpu.memory_space<vmem>> -> memref<1x56x64xf32, #tpu.memory_space<vmem>>
        %dma_start3A_3788 = tpu.memref_squeeze %dma_start3A_3787 : memref<1x56x64xf32, #tpu.memory_space<vmem>> -> memref<56x64xf32, #tpu.memory_space<vmem>>
        %dma_start3A_3789 = arith.constant 0 : i32
        %dma_start3A_3790 = arith.constant 0 : i32
        %dma_start3A_3791 = tpu.memref_slice %dma_start3A_3788[%dma_start3A_3789, %dma_start3A_3790] : memref<56x64xf32, #tpu.memory_space<vmem>> -> memref<50x64xf32, #tpu.memory_space<vmem>>
        %dma_start3A_3792 = arith.constant 0 : i32
        %dma_start3A_3793 = tpu.memref_slice %arg5[%select_n3A_3353, %dma_start3A_3792] : memref<64x128xi32, #tpu.memory_space<vmem>> -> memref<1x128xi32, #tpu.memory_space<vmem>>
        %dma_start3A_3794 = tpu.memref_squeeze %dma_start3A_3793 : memref<1x128xi32, #tpu.memory_space<vmem>> -> memref<128xi32, #tpu.memory_space<vmem>>
        %dma_start3A_3795 = tpu.memref_slice %dma_start3A_3794[%mul3A_3375] : memref<128xi32, #tpu.memory_space<vmem>> -> memref<50xi32, #tpu.memory_space<vmem>>
        %dma_start3A_3796 = arith.constant 0 : i32
        %dma_start3A_3797 = arith.constant 0 : i32
        %dma_start3A_3798 = tpu.memref_slice %arg3[%dma_start3A_3796, %dma_start3A_3797] : memref<100000x64xf32, #tpu.memory_space<hbm>> -> memref<100000x64xf32, #tpu.memory_space<hbm>>
        tpu.enqueue_indirect_dma source(%dma_start3A_3798 : memref<100000x64xf32, #tpu.memory_space<hbm>>) target(%dma_start3A_3791 : memref<50x64xf32, #tpu.memory_space<vmem>>) offsets(%dma_start3A_3795 : memref<50xi32, #tpu.memory_space<vmem>>) semaphore(%arg7 : memref<!tpu.dma_semaphore, #tpu.memory_space<semaphore_mem>>)
        %dma_start3A_3799 = arith.constant 0 : i32
        %dma_start3A_3800 = arith.constant 13 : i32
        %dma_start3A_3801 = arith.constant 0 : i32
        %dma_start3A_3802 = arith.constant 0 : i32
        %dma_start3A_3803 = arith.constant 0 : i32
        %dma_start3A_3804 = tpu.memref_slice %arg6[%dma_start3A_3799, %dma_start3A_3801, %dma_start3A_3802, %dma_start3A_3803] : memref<2x16x56x64xf32, #tpu.memory_space<vmem>> -> memref<1x16x56x64xf32, #tpu.memory_space<vmem>>
        %dma_start3A_3805 = tpu.memref_squeeze %dma_start3A_3804 : memref<1x16x56x64xf32, #tpu.memory_space<vmem>> -> memref<16x56x64xf32, #tpu.memory_space<vmem>>
        %dma_start3A_3806 = arith.constant 0 : i32
        %dma_start3A_3807 = arith.constant 0 : i32
        %dma_start3A_3808 = tpu.memref_slice %dma_start3A_3805[%dma_start3A_3800, %dma_start3A_3806, %dma_start3A_3807] : memref<16x56x64xf32, #tpu.memory_space<vmem>> -> memref<1x56x64xf32, #tpu.memory_space<vmem>>
        %dma_start3A_3809 = tpu.memref_squeeze %dma_start3A_3808 : memref<1x56x64xf32, #tpu.memory_space<vmem>> -> memref<56x64xf32, #tpu.memory_space<vmem>>
        %dma_start3A_3810 = arith.constant 0 : i32
        %dma_start3A_3811 = arith.constant 0 : i32
        %dma_start3A_3812 = tpu.memref_slice %dma_start3A_3809[%dma_start3A_3810, %dma_start3A_3811] : memref<56x64xf32, #tpu.memory_space<vmem>> -> memref<50x64xf32, #tpu.memory_space<vmem>>
        %dma_start3A_3813 = arith.constant 0 : i32
        %dma_start3A_3814 = tpu.memref_slice %arg5[%select_n3A_3403, %dma_start3A_3813] : memref<64x128xi32, #tpu.memory_space<vmem>> -> memref<1x128xi32, #tpu.memory_space<vmem>>
        %dma_start3A_3815 = tpu.memref_squeeze %dma_start3A_3814 : memref<1x128xi32, #tpu.memory_space<vmem>> -> memref<128xi32, #tpu.memory_space<vmem>>
        %dma_start3A_3816 = tpu.memref_slice %dma_start3A_3815[%mul3A_3425] : memref<128xi32, #tpu.memory_space<vmem>> -> memref<50xi32, #tpu.memory_space<vmem>>
        %dma_start3A_3817 = arith.constant 0 : i32
        %dma_start3A_3818 = arith.constant 0 : i32
        %dma_start3A_3819 = tpu.memref_slice %arg3[%dma_start3A_3817, %dma_start3A_3818] : memref<100000x64xf32, #tpu.memory_space<hbm>> -> memref<100000x64xf32, #tpu.memory_space<hbm>>
        tpu.enqueue_indirect_dma source(%dma_start3A_3819 : memref<100000x64xf32, #tpu.memory_space<hbm>>) target(%dma_start3A_3812 : memref<50x64xf32, #tpu.memory_space<vmem>>) offsets(%dma_start3A_3816 : memref<50xi32, #tpu.memory_space<vmem>>) semaphore(%arg7 : memref<!tpu.dma_semaphore, #tpu.memory_space<semaphore_mem>>)
        %dma_start3A_3820 = arith.constant 0 : i32
        %dma_start3A_3821 = arith.constant 14 : i32
        %dma_start3A_3822 = arith.constant 0 : i32
        %dma_start3A_3823 = arith.constant 0 : i32
        %dma_start3A_3824 = arith.constant 0 : i32
        %dma_start3A_3825 = tpu.memref_slice %arg6[%dma_start3A_3820, %dma_start3A_3822, %dma_start3A_3823, %dma_start3A_3824] : memref<2x16x56x64xf32, #tpu.memory_space<vmem>> -> memref<1x16x56x64xf32, #tpu.memory_space<vmem>>
        %dma_start3A_3826 = tpu.memref_squeeze %dma_start3A_3825 : memref<1x16x56x64xf32, #tpu.memory_space<vmem>> -> memref<16x56x64xf32, #tpu.memory_space<vmem>>
        %dma_start3A_3827 = arith.constant 0 : i32
        %dma_start3A_3828 = arith.constant 0 : i32
        %dma_start3A_3829 = tpu.memref_slice %dma_start3A_3826[%dma_start3A_3821, %dma_start3A_3827, %dma_start3A_3828] : memref<16x56x64xf32, #tpu.memory_space<vmem>> -> memref<1x56x64xf32, #tpu.memory_space<vmem>>
        %dma_start3A_3830 = tpu.memref_squeeze %dma_start3A_3829 : memref<1x56x64xf32, #tpu.memory_space<vmem>> -> memref<56x64xf32, #tpu.memory_space<vmem>>
        %dma_start3A_3831 = arith.constant 0 : i32
        %dma_start3A_3832 = arith.constant 0 : i32
        %dma_start3A_3833 = tpu.memref_slice %dma_start3A_3830[%dma_start3A_3831, %dma_start3A_3832] : memref<56x64xf32, #tpu.memory_space<vmem>> -> memref<50x64xf32, #tpu.memory_space<vmem>>
        %dma_start3A_3834 = arith.constant 0 : i32
        %dma_start3A_3835 = tpu.memref_slice %arg5[%select_n3A_3453, %dma_start3A_3834] : memref<64x128xi32, #tpu.memory_space<vmem>> -> memref<1x128xi32, #tpu.memory_space<vmem>>
        %dma_start3A_3836 = tpu.memref_squeeze %dma_start3A_3835 : memref<1x128xi32, #tpu.memory_space<vmem>> -> memref<128xi32, #tpu.memory_space<vmem>>
        %dma_start3A_3837 = tpu.memref_slice %dma_start3A_3836[%mul3A_3475] : memref<128xi32, #tpu.memory_space<vmem>> -> memref<50xi32, #tpu.memory_space<vmem>>
        %dma_start3A_3838 = arith.constant 0 : i32
        %dma_start3A_3839 = arith.constant 0 : i32
        %dma_start3A_3840 = tpu.memref_slice %arg3[%dma_start3A_3838, %dma_start3A_3839] : memref<100000x64xf32, #tpu.memory_space<hbm>> -> memref<100000x64xf32, #tpu.memory_space<hbm>>
        tpu.enqueue_indirect_dma source(%dma_start3A_3840 : memref<100000x64xf32, #tpu.memory_space<hbm>>) target(%dma_start3A_3833 : memref<50x64xf32, #tpu.memory_space<vmem>>) offsets(%dma_start3A_3837 : memref<50xi32, #tpu.memory_space<vmem>>) semaphore(%arg7 : memref<!tpu.dma_semaphore, #tpu.memory_space<semaphore_mem>>)
        %dma_start3A_3841 = arith.constant 0 : i32
        %dma_start3A_3842 = arith.constant 15 : i32
        %dma_start3A_3843 = arith.constant 0 : i32
        %dma_start3A_3844 = arith.constant 0 : i32
        %dma_start3A_3845 = arith.constant 0 : i32
        %dma_start3A_3846 = tpu.memref_slice %arg6[%dma_start3A_3841, %dma_start3A_3843, %dma_start3A_3844, %dma_start3A_3845] : memref<2x16x56x64xf32, #tpu.memory_space<vmem>> -> memref<1x16x56x64xf32, #tpu.memory_space<vmem>>
        %dma_start3A_3847 = tpu.memref_squeeze %dma_start3A_3846 : memref<1x16x56x64xf32, #tpu.memory_space<vmem>> -> memref<16x56x64xf32, #tpu.memory_space<vmem>>
        %dma_start3A_3848 = arith.constant 0 : i32
        %dma_start3A_3849 = arith.constant 0 : i32
        %dma_start3A_3850 = tpu.memref_slice %dma_start3A_3847[%dma_start3A_3842, %dma_start3A_3848, %dma_start3A_3849] : memref<16x56x64xf32, #tpu.memory_space<vmem>> -> memref<1x56x64xf32, #tpu.memory_space<vmem>>
        %dma_start3A_3851 = tpu.memref_squeeze %dma_start3A_3850 : memref<1x56x64xf32, #tpu.memory_space<vmem>> -> memref<56x64xf32, #tpu.memory_space<vmem>>
        %dma_start3A_3852 = arith.constant 0 : i32
        %dma_start3A_3853 = arith.constant 0 : i32
        %dma_start3A_3854 = tpu.memref_slice %dma_start3A_3851[%dma_start3A_3852, %dma_start3A_3853] : memref<56x64xf32, #tpu.memory_space<vmem>> -> memref<50x64xf32, #tpu.memory_space<vmem>>
        %dma_start3A_3855 = arith.constant 0 : i32
        %dma_start3A_3856 = tpu.memref_slice %arg5[%select_n3A_3503, %dma_start3A_3855] : memref<64x128xi32, #tpu.memory_space<vmem>> -> memref<1x128xi32, #tpu.memory_space<vmem>>
        %dma_start3A_3857 = tpu.memref_squeeze %dma_start3A_3856 : memref<1x128xi32, #tpu.memory_space<vmem>> -> memref<128xi32, #tpu.memory_space<vmem>>
        %dma_start3A_3858 = tpu.memref_slice %dma_start3A_3857[%mul3A_3525] : memref<128xi32, #tpu.memory_space<vmem>> -> memref<50xi32, #tpu.memory_space<vmem>>
        %dma_start3A_3859 = arith.constant 0 : i32
        %dma_start3A_3860 = arith.constant 0 : i32
        %dma_start3A_3861 = tpu.memref_slice %arg3[%dma_start3A_3859, %dma_start3A_3860] : memref<100000x64xf32, #tpu.memory_space<hbm>> -> memref<100000x64xf32, #tpu.memory_space<hbm>>
        tpu.enqueue_indirect_dma source(%dma_start3A_3861 : memref<100000x64xf32, #tpu.memory_space<hbm>>) target(%dma_start3A_3854 : memref<50x64xf32, #tpu.memory_space<vmem>>) offsets(%dma_start3A_3858 : memref<50xi32, #tpu.memory_space<vmem>>) semaphore(%arg7 : memref<!tpu.dma_semaphore, #tpu.memory_space<semaphore_mem>>)
      } else {
      }
    }
    %scan3A_373 = arith.constant 4 : i32
    %add3A_374 = arith.constant 112 : i32
    %add3A_375 = arith.addi %mul3A_2, %add3A_374 : i32
    %dma_wait3A = arith.constant 1 : i32
    %dma_wait3A_376 = arith.constant 0 : i32
    %dma_wait3A_377 = arith.constant 0 : i32
    %dma_wait3A_378 = arith.constant 0 : i32
    %dma_wait3A_379 = tpu.memref_slice %arg6[%dma_wait3A, %dma_wait3A_376, %dma_wait3A_377, %dma_wait3A_378] : memref<2x16x56x64xf32, #tpu.memory_space<vmem>> -> memref<1x16x56x64xf32, #tpu.memory_space<vmem>>
    %dma_wait3A_380 = tpu.memref_squeeze %dma_wait3A_379 : memref<1x16x56x64xf32, #tpu.memory_space<vmem>> -> memref<16x56x64xf32, #tpu.memory_space<vmem>>
    %dma_wait3A_381 = arith.constant 0 : i32
    %dma_wait3A_382 = arith.constant 0 : i32
    %dma_wait3A_383 = tpu.memref_slice %arg4[%add3A_375, %dma_wait3A_381, %dma_wait3A_382] : memref<4096x56x128xf32, #tpu.memory_space<hbm>> -> memref<16x56x64xf32, #tpu.memory_space<hbm>>
    %dma_wait3A_384 = arith.constant 0 : i32
    %dma_wait3A_385 = arith.constant 0 : i32
    %dma_wait3A_386 = tpu.memref_slice %arg4[%add3A_375, %dma_wait3A_384, %dma_wait3A_385] : memref<4096x56x128xf32, #tpu.memory_space<hbm>> -> memref<16x56x64xf32, #tpu.memory_space<hbm>>
    %dma_wait3A_387 = arith.constant 0 : i32
    %dma_wait3A_388 = arith.constant 0 : i32
    %dma_wait3A_389 = arith.constant 0 : i32
    %dma_wait3A_390 = tpu.memref_slice %arg6[%dma_wait3A, %dma_wait3A_387, %dma_wait3A_388, %dma_wait3A_389] : memref<2x16x56x64xf32, #tpu.memory_space<vmem>> -> memref<1x16x56x64xf32, #tpu.memory_space<vmem>>
    %dma_wait3A_391 = tpu.memref_squeeze %dma_wait3A_390 : memref<1x16x56x64xf32, #tpu.memory_space<vmem>> -> memref<16x56x64xf32, #tpu.memory_space<vmem>>
    tpu.wait_dma2 semaphore(%arg10 : memref<!tpu.dma_semaphore, #tpu.memory_space<semaphore_mem>>) src(%dma_wait3A_391 : memref<16x56x64xf32, #tpu.memory_space<vmem>>) dst(%dma_wait3A_386 : memref<16x56x64xf32, #tpu.memory_space<hbm>>)
    return
  }
}

</mosaic_0001>

<sc_bundles>
// kernel: kernel.3.cloned.1.call-start
scs
__scs_entry_jumppad:
0x0: {  	(pc) =	sbr.rel $0x88, $3  }
0x1: {  	(tag) =	ssettag $0x0;
	lr =	simm.s32 $0x1  }
0x2: {  	[smem:$0x3F9F] =	sst lr;
	_ =	strace $0xD0000000  }
0x3: {  	_ = 	snop  }
0x4: {  	_ = 	snop  }
0x5: {  	_ = 	snop  }
0x6: {  	_ = 	snop  }
0x7: {  	_ = 	snop  }
__scs_overlays_trampoline_lowered:
0x8: {  	[smem:$0x3FAE] =	sst s0  }
0x9: {  	[smem:$0x3FAF] =	sst s1  }
0xa: {  	[smem:$0x3FB0] =	sst s2  }
0xb: {  	[smem:$0x3FB1] =	sst s3  }
0xc: {  	[smem:$0x3FB2] =	sst s4  }
0xd: {  	[smem:$0x3FB3] =	sst s5  }
0xe: {  	[smem:$0x3FB4] =	sst s6  }
0xf: {  	[smem:$0x3FB5] =	sst s7  }
0x10: {  	[smem:$0x3FB6] =	sst s8  }
0x11: {  	[smem:$0x3FB7] =	sst s9;
	s0 =	simm.s32 @!p0 $0x0  }
0x12: {  	s1 =	sld [smem:$0x3F9D];
	s0 =	simm.s32 @p0 $0x1  }
0x13: {  	[smem:$0x3FB8] =	sst s0;
	s0 =	simm.s32 @!p1 $0x0  }
0x14: {  	s2 =	sld [smem:$0x3F9C];
	s0 =	simm.s32 @p1 $0x1  }
0x15: {  	[smem:$0x3FB9] =	sst s0;
	s0 =	simm.s32 @!p2 $0x0  }
0x16: {  	s3 =	sld [smem:$0x3FDB];
	s0 =	simm.s32 @p2 $0x1  }
0x17: {  	s4 =	simm.s32 $0x1BF5;
	[smem:$0x3FBB] =	sst s0  }
0x18: {  	s0 =	sld [smem:$0x3F9E];
	_ =	swait.ge [sflag:s4], $0x0  }
0x19: {  	s7 =	sld [smem:$0x3F9F]  }
0x1a: {  	s8 =	sadd.s32 $0xFFFFE003, lr  }
0x1b: {  	s9 =	sadd.s32 $0xFFFFFEF7, lr;
	s5 =	simm.s32 $0xFFFFFFFF;
	p2 =	slt.u32 s8, $0xFFFFF086  }
0x1c: {  	p1 =	slt.u32 s9, $0xF7A;
	s5 =	simm.s32 @!p2 $0x0  }
0x1d: {  	s5 =	simm.s32 @p1 $0x1;
	p0 =	seq.s32 s7, s2  }
0x1e: {  	s7 =	smul.u32 @!p0 $0xF7A, s2;
	p2 =	seq.s32 @!p0 s5, $0x0  }
0x1f: {  	s9 =	smul.u32 $0xF7A, s1;
	s8 =	simm.s32 @!p0 $0x1BF5;
	p2 =	por !p2, p0  }
0x20: {  	[sflag:s8] =	ssyncset.s32 @!p0 $0xFFFFF086;
	s6 =	sadd.s32 @!p0 s3, s7;
	s7 =	simm.s32 @!p0 $0x108  }
0x21: {  	s3 =	sadd.s32 s3, s9;
	s6 =	sadd.s32 @!p0 $0x88, s6;
	s7 =	simm.s32 @p2 $0x1082  }
0x22: {  	[simem:s7], [sflag:s8] =	dma.local @!p0 [hbm:s6], $0xF7A  }
0x23: {  	s9 =	sor.u32 $0xD0000000, s2;
	s6 =	simm.s32 $0x108;
	_ =	swait.ge @!p0 [sflag:s8], $0x0  }
0x24: {  	s3 =	sadd.s32 $0x88, s3;
	s6 =	simm.s32 @!p1 $0x1082;
	[sflag:s4] =	ssyncset.s32 $0xFFFFF086  }
0x25: {  	[simem:s6], [sflag:s4] =	dma.local [hbm:s3], $0xF7A  }
0x26: {  	[smem:$0x3F9F] =	sst s1;
	(tag) =	ssettag s2;
	_ =	strace s9  }
0x27: {  	s1 =	sld [smem:$0x3FAF]  }
0x28: {  	s2 =	sld [smem:$0x3FB0]  }
0x29: {  	s4 =	sld [smem:$0x3FB2]  }
0x2a: {  	p0 =	seq.s32 s5, $0x0;
	s5 =	sld [smem:$0x3FB3]  }
0x2b: {  	s6 =	sld [smem:$0x3FB4]  }
0x2c: {  	s7 =	sld [smem:$0x3FB5]  }
0x2d: {  	s3 =	simm.s32 $0x108;
	s8 =	sld [smem:$0x3FB6]  }
0x2e: {  	s3 =	simm.s32 @!p0 $0x1082;
	s9 =	sld [smem:$0x3FB7]  }
0x2f: {  	lr =	sadd.s32 s0, s3;
	s0 =	sld [smem:$0x3FAE]  }
0x30: {  	s3 =	sld [smem:$0x3FB1]  }
0x31: {  	[smem:$0x3FBA] =	sst s10  }
0x32: {  	s10 =	sld [smem:$0x3FB8];
	_ =	sdelay $0x3  }
0x33: {  	p0 =	seq.s32 s10, $0x1;
	s10 =	sld [smem:$0x3FBA];
	_ =	sdelay $0x3  }
0x34: {  	[smem:$0x3FBA] =	sst s10  }
0x35: {  	s10 =	sld [smem:$0x3FB9];
	_ =	sdelay $0x3  }
0x36: {  	p1 =	seq.s32 s10, $0x1;
	s10 =	sld [smem:$0x3FBA];
	_ =	sdelay $0x3  }
0x37: {  	[smem:$0x3FBA] =	sst s10  }
0x38: {  	s10 =	sld [smem:$0x3FBB]  }
0x39: {  	_ = 	snop;
	(pc) =	sbr.ind lr, $3  }
0x3a: {  	_ = 	snop  }
0x3b: {  	_ = 	snop  }
0x3c: {  	p2 =	seq.s32 s10, $0x1;
	s10 =	sld [smem:$0x3FBA]  }
0x3d: {  	_ =	shalt  }
0x3e: {  	_ =	shalt  }
0x3f: {  	_ =	shalt  }
0x40: {  	_ =	shalt  }
0x41: {  	_ =	shalt  }
0x42: {  	_ =	shalt  }
0x43: {  	_ =	shalt  }
0x44: {  	_ =	shalt  }
0x45: {  	_ =	shalt  }
0x46: {  	_ =	shalt  }
0x47: {  	_ =	shalt  }
0x48: {  	_ =	shalt  }
0x49: {  	_ =	shalt  }
0x4a: {  	_ =	shalt  }
0x4b: {  	_ =	shalt  }
0x4c: {  	_ =	shalt  }
0x4d: {  	_ =	shalt  }
0x4e: {  	_ =	shalt  }
0x4f: {  	_ =	shalt  }
0x50: {  	_ =	shalt  }
0x51: {  	_ =	shalt  }
0x52: {  	_ =	shalt  }
0x53: {  	_ =	shalt  }
0x54: {  	_ =	shalt  }
0x55: {  	_ =	shalt  }
0x56: {  	_ =	shalt  }
0x57: {  	_ =	shalt  }
0x58: {  	_ =	shalt  }
0x59: {  	_ =	shalt  }
0x5a: {  	_ =	shalt  }
0x5b: {  	_ =	shalt  }
0x5c: {  	_ =	shalt  }
0x5d: {  	_ =	shalt  }
0x5e: {  	_ =	shalt  }
0x5f: {  	_ =	shalt  }
0x60: {  	_ =	shalt  }
0x61: {  	_ =	shalt  }
0x62: {  	_ =	shalt  }
0x63: {  	_ =	shalt  }
0x64: {  	_ =	shalt  }
0x65: {  	_ =	shalt  }
0x66: {  	_ =	shalt  }
0x67: {  	_ =	shalt  }
0x68: {  	_ =	shalt  }
0x69: {  	_ =	shalt  }
0x6a: {  	_ =	shalt  }
0x6b: {  	_ =	shalt  }
0x6c: {  	_ =	shalt  }
0x6d: {  	_ =	shalt  }
0x6e: {  	_ =	shalt  }
0x6f: {  	_ =	shalt  }
0x70: {  	_ =	shalt  }
0x71: {  	_ =	shalt  }
0x72: {  	_ =	shalt  }
0x73: {  	_ =	shalt  }
0x74: {  	_ =	shalt  }
0x75: {  	_ =	shalt  }
0x76: {  	_ =	shalt  }
0x77: {  	_ =	shalt  }
0x78: {  	_ =	shalt  }
0x79: {  	_ =	shalt  }
0x7a: {  	_ =	shalt  }
0x7b: {  	_ =	shalt  }
0x7c: {  	_ =	shalt  }
0x7d: {  	_ =	shalt  }
0x7e: {  	_ =	shalt  }
0x7f: {  	_ =	shalt  }
0x80: {  	_ =	shalt  }
0x81: {  	_ =	shalt  }
0x82: {  	_ =	shalt  }
0x83: {  	_ =	shalt  }
0x84: {  	_ =	shalt  }
0x85: {  	_ =	shalt  }
0x86: {  	_ =	shalt  }
0x87: {  	_ =	shalt  }
.Lfunc_end0:
.L_simem_size_0:
called_computation.1_lowered:
.L_overlay_start_0:
0x88: {  	s2 =	sld [smem:$0x3FD9]  }
0x89: {  	s3 =	sld [smem:$0x3FFE];
	_ =	sdelay $0x1  }
0x8a: {  	s1 =	srdreg.scid  }
0x8b: {  	s0 =	sand.u32 $0x1, s1  }
0x8c: {  	s16 =	sshll.u32 s0, $0xA;
	s2 =	sadd.s32 s3, s2  }
0x8d: {  	s2 =	sadd.s32 s2, s16  }
0x8e: {  	[smem:$0x3FC6] =	sst s2  }
0x8f: {  	_ = 	snop  }
0x90: {  	(tm) =	ssettm $0x1  }
0x91: {  	s17 =	sld [smem:$0x3FFB];
	_ =	sdelay $0x3  }
0x92: {  	_ =	strace s17  }
0x93: {  	s2 =	sld [smem:$0x3FFC];
	_ =	sdelay $0x3  }
0x94: {  	_ =	strace s2  }
0x95: {  	s2 =	sld [smem:$0x3FFD];
	_ =	sdelay $0x3  }
0x96: {  	_ =	strace s2  }
0x97: {  	_ =	strace $0x8FFFFFFF  }
0x98: {  	s18 =	sld [smem:$0x3FDB];
	_ =	sdelay $0x1  }
0x99: {  	s19 =	simm.s32 $_scs_section_size  }
0x9a: {  	s4 =	simm.s32 $_size__tile_overlayer_lowered;
	s5 =	simm.s32 $_tile_overlayer_lowered  }
0x9b: {  	s22 =	simm.s32 $0x1BFF;
	s21 =	sshll.u32 s5, $0x1;
	s2 =	sadd.s32 s19, s18  }
0x9c: {  	s6 =	simm.s32 $0x0;
	s20 =	sshll.u32 s4, $0x1;
	s4 =	sadd.s32 s21, s2  }
0x9d: {  	[timem:s6], [sflag:s22] =	dma.local [hbm:s4], s20  }
0x9e: {  	_ =	swait.ge [sflag:s22], s20  }
0x9f: {  	s3 =	ssub.s32 $0x0, s20;
	[sflag:s22] =	ssyncset.done $0x0  }
0xa0: {  	[sflag:s22] =	ssyncadd.s32 s3;
	_ =	sdelay $0x1  }
0xa1: {  	s23 =	simm.s32 $0x1B8B  }
0xa2: {  	_ =	swait.ge [sflag:s23], $0x1  }
0xa3: {  	[sflag:s23] =	ssyncset.done $0x0  }
0xa4: {  	s25 =	simm.s32 $0x1B8E;
	s24 =	sld [smem:$0x3FFE];
	[sflag:s23] =	ssyncadd.s32 $0xFFFFFFFF  }
0xa5: {  	s26 =	simm.s32 $execute0_lowered;
	[smem:$0x3FD2] =	sst s25  }
0xa6: {  	s4 =	sshll.u32 s26, $0x1;
	_ =	strace $0x80000046;
	[dreg:$0x1] =	wrdreg $0xFFFFFFFF  }
0xa7: {  	s28 =	simm.s32 $_size_execute0_lowered;
	s2 =	sadd.s32 s2, s4;
	[dreg:$0x0] =	wrdreg $0x0  }
0xa8: {  	s4 =	sshll.u32 s28, $0x1;
	[dreg:$0x2] =	wrdreg s2  }
0xa9: {  	[dreg:$0x3] =	wrdreg s4  }
0xaa: {  	[dreg:$0x4] =	wrdreg $0xC0  }
0xab: {  	_ =	task [dreg:s6], $0x5FFFF  }
0xac: {  	[dreg:$0x1] =	wrdreg $0xFFFFFFFF  }
0xad: {  	[dreg:$0x0] =	wrdreg $0x60  }
0xae: {  	[dreg:$0x2] =	wrdreg s24  }
0xaf: {  	[dreg:$0x3] =	wrdreg $0x9  }
0xb0: {  	_ =	task.clear_ibuf [dreg:s6], $0x4FFFF;
	_ =	strace $0x90000046  }
0xb1: {  	s29 =	simm.s32 $0x9;
	_ =	strace $0x80000048  }
0xb2: {  	_ =	swait.ge [sflag:s29], $0x1  }
0xb3: {  	[sflag:s29] =	ssyncadd.s32 $0xFFFFFFFF  }
0xb4: {  	_ =	strace $0x90000048  }
0xb5: {  	_ =	sfence  }
0xb6: {  	s30 =	sld [smem:$0x0];
	_ =	sdelay $0x2  }
0xb7: {  	s31 =	sshll.u32 s1, $0xD;
	s1 =	sshrl.u32 s1, $0x2  }
0xb8: {  	s3 =	sand.u32 $0x4000, s31;
	s1 =	sadd.s32 s1, s30  }
0xb9: {  	s0 =	sor.u32 s3, s0;
	s1 =	sshll.u32 s1, $0x11  }
0xba: {  	s0 =	sor.u32 s1, s0  }
0xbb: {  	s0 =	sadd.s32 $0x8F2B, s0  }
0xbc: {  	[sflag:s0] =	ssyncadd.remote.s32 $0x1  }
0xbd: {  	_ =	sfence.sel $0xFFFF  }
0xbe: {  	[dreg:$0x0] =	wrdreg $0xFFFFFFFF;
	(pc) =	sbr.abs _section_cstart, $3  }
0xbf: {  	[dreg:$0x1] =	wrdreg $0xFFFFFFFF  }
0xc0: {  	_ =	task.clear_ibuf [dreg:s6], $0x2FFFF;
	_ =	strace $0x9FFFFFFF  }
0xc1: {  	(tm) =	ssettm $0x7FFFFFFF  }
tec
execute0_lowered:
.L_overlay_start_1:
0x0: {  	(tag) =	ssettag $0x1  }
0x1: {  	s0 =	rddreg [dreg:$0x0]  }
0x2: {  	s1 =	simm.s32 $0x0;
	s26 =	srdreg.scid;
	s4 =	stileid.u32  }
0x3: {  	s8 =	simm.s32 $0x32;
	s9 =	simm.s32 $0x2000;
	s10 =	simm.s32 $0x40  }
0x4: {  	s12 =	simm.s32 $0x80;
	s22 =	simm.s32 $0xE400;
	s29 =	simm.s32 $0x1  }
0x5: {  	s31 =	simm.s32 $0x10000;
	s16 =	simm.s32 $0x11C00;
	s20 =	simm.s32 $0x12A00  }
0x6: {  	s24 =	simm.s32 $0x13800;
	s7 =	simm.s32 $0x17E00;
	s11 =	simm.s32 $0x18C00  }
0x7: {  	s13 =	simm.s32 $0x19A00;
	s15 =	simm.s32 $0x1A800;
	s17 =	simm.s32 $0x1B600  }
0x8: {  	s19 =	simm.s32 $0x1C400;
	s21 =	simm.s32 $0x1D200;
	s23 =	simm.s32 $0x2  }
0x9: {  	s25 =	simm.s32 $0x3;
	s18 =	simm.s32 $0x0;
	[smem:$0x7FF] =	sst s1  }
0xa: {  	s1 =	sand.u32 $0x1, s26;
	s2 =	sshll.u32 s4, $0xB;
	s4 =	smul.u32 $0x38000, s4  }
0xb: {  	s26 =	simm.s32 $0xF200;
	_ =	strace $0x80000047;
	s3 =	sshll.u32 s1, $0xA  }
0xc: {  	s5 =	ssub.s32 $0x2, s1;
	s1 =	smul.u32 $0x1C000, s1;
	s2 =	sor.u32 s3, s2  }
0xd: {  	s4 =	sadd.s32 s4, s0;
	s6 =	sshrl.u32 s5, $0x1;
	s3 =	sadd.s32 $0x8800, s0  }
.Ltmp0:
0xe: {  	s2 =	sadd.s32 s2, s0;
	s28 =	ssub.s32 s5, s6;
	(pc) =	sbr.rel .LBB2_1-.Ltmp0, $4  }
0xf: {  	s1 =	sadd.s32 s1, s4;
	s4 =	simm.s32 $0x15400;
	s2 =	sadd.s32 $0x800, s2  }
0x10: {  	s5 =	simm.s32 $0x16200;
	s0 =	smax.u32 s28, $0x1;
	[dreg:$0x2] =	wrdreg s2  }
0x11: {  	s6 =	simm.s32 $0x17000;
	s30 =	sadd.s32 $0xCBE00, s1;
	[dreg:$0x3] =	wrdreg s0  }
0x12: {  	s1 =	simm.s32 $0x10E00;
	[dreg:$0x4] =	wrdreg s30;
	s2 =	simm.s32 $0x14600  }
.LBB2_4:
0x13: {  	s14 =	simm.s32 $0x4  }
0x14: {  	_ =	swait.ge [sflag:s14], $0xE000  }
0x15: {  	s18 =	rddreg [dreg:$0x5]  }
0x16: {  	s0 =	rddreg [dreg:$0x3];
	s18 =	sadd.s32 $0x1, s18  }
0x17: {  	p0 =	sne.s32 s18, s0  }
.Ltmp1:
0x18: {  	_ = 	snop;
	(pc) =	sbr.rel @!p0 .LBB2_5-.Ltmp1, $3  }
0x19: {  	_ =	sdelay $0x1  }
0x1a: {  	[sflag:s14] =	ssyncset.done $0x0  }
0x1b: {  	[sflag:s14] =	ssyncadd.s32 $0xFFFF2000  }
.LBB2_1:
0x1c: {  	[dreg:$0x5] =	wrdreg s18  }
0x1d: {  	s0 =	simm.s32 $0x0;
	s14 =	rddreg [dreg:$0x2];
	s18 =	simm.s32 $0x5  }
0x1e: {  	[tilespmem:s0], [sflag:$0x5] =	stream.linear.gather [hbm4b:s14+s0], $0x2000, $0x38;
	[tilespmem:$0x1E000] =	vst v63  }
0x1f: {  	_ =	swait.ge [sflag:s18], $0x2000  }
0x20: {  	[sflag:s18] =	ssyncset.done $0x0  }
0x21: {  	[sflag:s18] =	ssyncadd.s32 $0xFFFFE000  }
0x22: {  	[tilespmem:s9], [sflag:$0x1] =	stream.indirect.gather [hbm4b:s3+s8], $0x40, s0, s8, $0xb8;
	[tilespmem:$0x1E000] =	vst v63  }
0x23: {  	s14 =	simm.s32 $0x2E00  }
0x24: {  	[tilespmem:s14], [sflag:$0x1] =	stream.indirect.gather [hbm4b:s3+s8], $0x40, s10, s8, $0xb8;
	[tilespmem:$0x1E000] =	vst v63  }
0x25: {  	s18 =	simm.s32 $0x3C00  }
0x26: {  	[tilespmem:s18], [sflag:$0x1] =	stream.indirect.gather [hbm4b:s3+s8], $0x40, s12, s8, $0xb8;
	[tilespmem:$0x1E000] =	vst v63  }
0x27: {  	s14 =	simm.s32 $0xC0;
	s18 =	simm.s32 $0x4A00  }
0x28: {  	[tilespmem:s18], [sflag:$0x1] =	stream.indirect.gather [hbm4b:s3+s8], $0x40, s14, s8, $0xb8;
	[tilespmem:$0x1E000] =	vst v63  }
0x29: {  	s14 =	simm.s32 $0x100;
	s18 =	simm.s32 $0x5800  }
0x2a: {  	[tilespmem:s18], [sflag:$0x1] =	stream.indirect.gather [hbm4b:s3+s8], $0x40, s14, s8, $0xb8;
	[tilespmem:$0x1E000] =	vst v63  }
0x2b: {  	s14 =	simm.s32 $0x140;
	s18 =	simm.s32 $0x6600  }
0x2c: {  	[tilespmem:s18], [sflag:$0x1] =	stream.indirect.gather [hbm4b:s3+s8], $0x40, s14, s8, $0xb8;
	[tilespmem:$0x1E000] =	vst v63  }
0x2d: {  	s14 =	simm.s32 $0x180;
	s18 =	simm.s32 $0x7400  }
0x2e: {  	[tilespmem:s18], [sflag:$0x1] =	stream.indirect.gather [hbm4b:s3+s8], $0x40, s14, s8, $0xb8;
	[tilespmem:$0x1E000] =	vst v63  }
0x2f: {  	s14 =	simm.s32 $0x1C0;
	s18 =	simm.s32 $0x8200  }
0x30: {  	[tilespmem:s18], [sflag:$0x1] =	stream.indirect.gather [hbm4b:s3+s8], $0x40, s14, s8, $0xb8;
	[tilespmem:$0x1E000] =	vst v63  }
0x31: {  	s14 =	simm.s32 $0x200;
	s18 =	simm.s32 $0x9000  }
0x32: {  	[tilespmem:s18], [sflag:$0x1] =	stream.indirect.gather [hbm4b:s3+s8], $0x40, s14, s8, $0xb8;
	[tilespmem:$0x1E000] =	vst v63  }
0x33: {  	s14 =	simm.s32 $0x240;
	s18 =	simm.s32 $0x9E00  }
0x34: {  	[tilespmem:s18], [sflag:$0x1] =	stream.indirect.gather [hbm4b:s3+s8], $0x40, s14, s8, $0xb8;
	[tilespmem:$0x1E000] =	vst v63  }
0x35: {  	s14 =	simm.s32 $0x280;
	s18 =	simm.s32 $0xAC00  }
0x36: {  	[tilespmem:s18], [sflag:$0x1] =	stream.indirect.gather [hbm4b:s3+s8], $0x40, s14, s8, $0xb8;
	[tilespmem:$0x1E000] =	vst v63  }
0x37: {  	s14 =	simm.s32 $0x2C0;
	s18 =	simm.s32 $0xBA00  }
0x38: {  	[tilespmem:s18], [sflag:$0x1] =	stream.indirect.gather [hbm4b:s3+s8], $0x40, s14, s8, $0xb8;
	[tilespmem:$0x1E000] =	vst v63  }
0x39: {  	s14 =	simm.s32 $0x300;
	s18 =	simm.s32 $0xC800  }
0x3a: {  	[tilespmem:s18], [sflag:$0x1] =	stream.indirect.gather [hbm4b:s3+s8], $0x40, s14, s8, $0xb8;
	[tilespmem:$0x1E000] =	vst v63  }
0x3b: {  	s14 =	simm.s32 $0x340;
	s18 =	simm.s32 $0xD600  }
0x3c: {  	[tilespmem:s18], [sflag:$0x1] =	stream.indirect.gather [hbm4b:s3+s8], $0x40, s14, s8, $0xb8;
	[tilespmem:$0x1E000] =	vst v63  }
0x3d: {  	s14 =	simm.s32 $0x380  }
0x3e: {  	[tilespmem:s22], [sflag:$0x1] =	stream.indirect.gather [hbm4b:s3+s8], $0x40, s14, s8, $0xb8;
	[tilespmem:$0x1E000] =	vst v63  }
0x3f: {  	s30 =	simm.s32 $0x0;
	s28 =	rddreg [dreg:$0x4];
	s18 =	simm.s32 $0x3C0  }
0x40: {  	[tilespmem:s26], [sflag:$0x1] =	stream.indirect.gather [hbm4b:s3+s8], $0x40, s18, s8, $0xb8;
	[tilespmem:$0x1E000] =	vst v63  }
.LBB2_2:
0x41: {  	_ =	swait.ge [sflag:s29], $0xC80  }
0x42: {  	[sflag:s29] =	ssyncset.done $0x0  }
0x43: {  	[sflag:s29] =	ssyncadd.s32 $0xFFFFF380  }
0x44: {  	_ =	swait.ge [sflag:s29], $0xC80  }
0x45: {  	[sflag:s29] =	ssyncset.done $0x0  }
0x46: {  	[sflag:s29] =	ssyncadd.s32 $0xFFFFF380  }
0x47: {  	_ =	swait.ge [sflag:s29], $0xC80  }
0x48: {  	[sflag:s29] =	ssyncset.done $0x0  }
0x49: {  	[sflag:s29] =	ssyncadd.s32 $0xFFFFF380  }
0x4a: {  	_ =	swait.ge [sflag:s29], $0xC80  }
0x4b: {  	[sflag:s29] =	ssyncset.done $0x0  }
0x4c: {  	[sflag:s29] =	ssyncadd.s32 $0xFFFFF380  }
0x4d: {  	_ =	swait.ge [sflag:s29], $0xC80  }
0x4e: {  	[sflag:s29] =	ssyncset.done $0x0  }
0x4f: {  	[sflag:s29] =	ssyncadd.s32 $0xFFFFF380  }
0x50: {  	_ =	swait.ge [sflag:s29], $0xC80  }
0x51: {  	[sflag:s29] =	ssyncset.done $0x0  }
0x52: {  	[sflag:s29] =	ssyncadd.s32 $0xFFFFF380  }
0x53: {  	_ =	swait.ge [sflag:s29], $0xC80  }
0x54: {  	[sflag:s29] =	ssyncset.done $0x0  }
0x55: {  	[sflag:s29] =	ssyncadd.s32 $0xFFFFF380  }
0x56: {  	_ =	swait.ge [sflag:s29], $0xC80  }
0x57: {  	[sflag:s29] =	ssyncset.done $0x0  }
0x58: {  	[sflag:s29] =	ssyncadd.s32 $0xFFFFF380  }
0x59: {  	_ =	swait.ge [sflag:s29], $0xC80  }
0x5a: {  	[sflag:s29] =	ssyncset.done $0x0  }
0x5b: {  	[sflag:s29] =	ssyncadd.s32 $0xFFFFF380  }
0x5c: {  	_ =	swait.ge [sflag:s29], $0xC80  }
0x5d: {  	[sflag:s29] =	ssyncset.done $0x0  }
0x5e: {  	[sflag:s29] =	ssyncadd.s32 $0xFFFFF380  }
0x5f: {  	_ =	swait.ge [sflag:s29], $0xC80  }
0x60: {  	[sflag:s29] =	ssyncset.done $0x0  }
0x61: {  	[sflag:s29] =	ssyncadd.s32 $0xFFFFF380  }
0x62: {  	_ =	swait.ge [sflag:s29], $0xC80  }
0x63: {  	[sflag:s29] =	ssyncset.done $0x0  }
0x64: {  	[sflag:s29] =	ssyncadd.s32 $0xFFFFF380  }
0x65: {  	_ =	swait.ge [sflag:s29], $0xC80  }
0x66: {  	[sflag:s29] =	ssyncset.done $0x0  }
0x67: {  	[sflag:s29] =	ssyncadd.s32 $0xFFFFF380  }
0x68: {  	_ =	swait.ge [sflag:s29], $0xC80  }
0x69: {  	[sflag:s29] =	ssyncset.done $0x0  }
0x6a: {  	[sflag:s29] =	ssyncadd.s32 $0xFFFFF380  }
0x6b: {  	_ =	swait.ge [sflag:s29], $0xC80  }
0x6c: {  	[sflag:s29] =	ssyncset.done $0x0  }
0x6d: {  	[sflag:s29] =	ssyncadd.s32 $0xFFFFF380  }
0x6e: {  	_ =	swait.ge [sflag:s29], $0xC80  }
0x6f: {  	p0 =	seq.s32 s30, $0x0;
	[sflag:s29] =	ssyncset.done $0x0  }
0x70: {  	s14 =	simm.s32 @!p0 $0x4;
	[sflag:s29] =	ssyncadd.s32 $0xFFFFF380  }
0x71: {  	[hbm4b:s28+s10] =	stream.strided.scatter [tilespmem:s9], [sflag:$0x3], $0xE000, s12, s10, $0x38;
	[tilespmem:$0x1E000] =	vst v63  }
0x72: {  	_ =	swait.ge @!p0 [sflag:s14], $0xE000  }
0x73: {  	s0 =	sshra.s32 s30, $0x2;
	[sflag:s14] =	ssyncset.done @!p0 $0x0  }
0x74: {  	s18 =	sadd.s32 $0x400, s0;
	[sflag:s14] =	ssyncadd.s32 @!p0 $0xFFFF2000  }
0x75: {  	[tilespmem:s31], [sflag:$0x2] =	stream.indirect.gather [hbm4b:s3+s8], $0x40, s18, s8, $0xb8;
	[tilespmem:$0x1E000] =	vst v63  }
0x76: {  	s18 =	sadd.s32 $0x440, s0  }
0x77: {  	[tilespmem:s1], [sflag:$0x2] =	stream.indirect.gather [hbm4b:s3+s8], $0x40, s18, s8, $0xb8;
	[tilespmem:$0x1E000] =	vst v63  }
0x78: {  	s18 =	sadd.s32 $0x480, s0  }
0x79: {  	[tilespmem:s16], [sflag:$0x2] =	stream.indirect.gather [hbm4b:s3+s8], $0x40, s18, s8, $0xb8;
	[tilespmem:$0x1E000] =	vst v63  }
0x7a: {  	s18 =	sadd.s32 $0x4C0, s0  }
0x7b: {  	[tilespmem:s20], [sflag:$0x2] =	stream.indirect.gather [hbm4b:s3+s8], $0x40, s18, s8, $0xb8;
	[tilespmem:$0x1E000] =	vst v63  }
0x7c: {  	s18 =	sadd.s32 $0x500, s0  }
0x7d: {  	[tilespmem:s24], [sflag:$0x2] =	stream.indirect.gather [hbm4b:s3+s8], $0x40, s18, s8, $0xb8;
	[tilespmem:$0x1E000] =	vst v63  }
0x7e: {  	s18 =	sadd.s32 $0x540, s0  }
0x7f: {  	[tilespmem:s2], [sflag:$0x2] =	stream.indirect.gather [hbm4b:s3+s8], $0x40, s18, s8, $0xb8;
	[tilespmem:$0x1E000] =	vst v63  }
0x80: {  	s18 =	sadd.s32 $0x580, s0  }
0x81: {  	[tilespmem:s4], [sflag:$0x2] =	stream.indirect.gather [hbm4b:s3+s8], $0x40, s18, s8, $0xb8;
	[tilespmem:$0x1E000] =	vst v63  }
0x82: {  	s18 =	sadd.s32 $0x5C0, s0  }
0x83: {  	[tilespmem:s5], [sflag:$0x2] =	stream.indirect.gather [hbm4b:s3+s8], $0x40, s18, s8, $0xb8;
	[tilespmem:$0x1E000] =	vst v63  }
0x84: {  	s18 =	sadd.s32 $0x600, s0  }
0x85: {  	[tilespmem:s6], [sflag:$0x2] =	stream.indirect.gather [hbm4b:s3+s8], $0x40, s18, s8, $0xb8;
	[tilespmem:$0x1E000] =	vst v63  }
0x86: {  	s18 =	sadd.s32 $0x640, s0  }
0x87: {  	[tilespmem:s7], [sflag:$0x2] =	stream.indirect.gather [hbm4b:s3+s8], $0x40, s18, s8, $0xb8;
	[tilespmem:$0x1E000] =	vst v63  }
0x88: {  	s18 =	sadd.s32 $0x680, s0  }
0x89: {  	[tilespmem:s11], [sflag:$0x2] =	stream.indirect.gather [hbm4b:s3+s8], $0x40, s18, s8, $0xb8;
	[tilespmem:$0x1E000] =	vst v63  }
0x8a: {  	s18 =	sadd.s32 $0x6C0, s0  }
0x8b: {  	[tilespmem:s13], [sflag:$0x2] =	stream.indirect.gather [hbm4b:s3+s8], $0x40, s18, s8, $0xb8;
	[tilespmem:$0x1E000] =	vst v63  }
0x8c: {  	s18 =	sadd.s32 $0x700, s0  }
0x8d: {  	[tilespmem:s15], [sflag:$0x2] =	stream.indirect.gather [hbm4b:s3+s8], $0x40, s18, s8, $0xb8;
	[tilespmem:$0x1E000] =	vst v63  }
0x8e: {  	s18 =	sadd.s32 $0x740, s0  }
0x8f: {  	[tilespmem:s17], [sflag:$0x2] =	stream.indirect.gather [hbm4b:s3+s8], $0x40, s18, s8, $0xb8;
	[tilespmem:$0x1E000] =	vst v63  }
0x90: {  	s18 =	sadd.s32 $0x780, s0  }
0x91: {  	[tilespmem:s19], [sflag:$0x2] =	stream.indirect.gather [hbm4b:s3+s8], $0x40, s18, s8, $0xb8;
	[tilespmem:$0x1E000] =	vst v63  }
0x92: {  	s18 =	sadd.s32 $0x7C0, s0  }
0x93: {  	[tilespmem:s21], [sflag:$0x2] =	stream.indirect.gather [hbm4b:s3+s8], $0x40, s18, s8, $0xb8;
	[tilespmem:$0x1E000] =	vst v63  }
0x94: {  	_ =	swait.ge [sflag:s23], $0xC80  }
0x95: {  	[sflag:s23] =	ssyncset.done $0x0  }
0x96: {  	[sflag:s23] =	ssyncadd.s32 $0xFFFFF380  }
0x97: {  	_ =	swait.ge [sflag:s23], $0xC80  }
0x98: {  	[sflag:s23] =	ssyncset.done $0x0  }
0x99: {  	[sflag:s23] =	ssyncadd.s32 $0xFFFFF380  }
0x9a: {  	_ =	swait.ge [sflag:s23], $0xC80  }
0x9b: {  	[sflag:s23] =	ssyncset.done $0x0  }
0x9c: {  	[sflag:s23] =	ssyncadd.s32 $0xFFFFF380  }
0x9d: {  	_ =	swait.ge [sflag:s23], $0xC80  }
0x9e: {  	[sflag:s23] =	ssyncset.done $0x0  }
0x9f: {  	[sflag:s23] =	ssyncadd.s32 $0xFFFFF380  }
0xa0: {  	_ =	swait.ge [sflag:s23], $0xC80  }
0xa1: {  	[sflag:s23] =	ssyncset.done $0x0  }
0xa2: {  	[sflag:s23] =	ssyncadd.s32 $0xFFFFF380  }
0xa3: {  	_ =	swait.ge [sflag:s23], $0xC80  }
0xa4: {  	[sflag:s23] =	ssyncset.done $0x0  }
0xa5: {  	[sflag:s23] =	ssyncadd.s32 $0xFFFFF380  }
0xa6: {  	_ =	swait.ge [sflag:s23], $0xC80  }
0xa7: {  	[sflag:s23] =	ssyncset.done $0x0  }
0xa8: {  	[sflag:s23] =	ssyncadd.s32 $0xFFFFF380  }
0xa9: {  	_ =	swait.ge [sflag:s23], $0xC80  }
0xaa: {  	[sflag:s23] =	ssyncset.done $0x0  }
0xab: {  	[sflag:s23] =	ssyncadd.s32 $0xFFFFF380  }
0xac: {  	_ =	swait.ge [sflag:s23], $0xC80  }
0xad: {  	[sflag:s23] =	ssyncset.done $0x0  }
0xae: {  	[sflag:s23] =	ssyncadd.s32 $0xFFFFF380  }
0xaf: {  	_ =	swait.ge [sflag:s23], $0xC80  }
0xb0: {  	[sflag:s23] =	ssyncset.done $0x0  }
0xb1: {  	[sflag:s23] =	ssyncadd.s32 $0xFFFFF380  }
0xb2: {  	_ =	swait.ge [sflag:s23], $0xC80  }
0xb3: {  	[sflag:s23] =	ssyncset.done $0x0  }
0xb4: {  	[sflag:s23] =	ssyncadd.s32 $0xFFFFF380  }
0xb5: {  	_ =	swait.ge [sflag:s23], $0xC80  }
0xb6: {  	[sflag:s23] =	ssyncset.done $0x0  }
0xb7: {  	[sflag:s23] =	ssyncadd.s32 $0xFFFFF380  }
0xb8: {  	_ =	swait.ge [sflag:s23], $0xC80  }
0xb9: {  	[sflag:s23] =	ssyncset.done $0x0  }
0xba: {  	[sflag:s23] =	ssyncadd.s32 $0xFFFFF380  }
0xbb: {  	_ =	swait.ge [sflag:s23], $0xC80  }
0xbc: {  	[sflag:s23] =	ssyncset.done $0x0  }
0xbd: {  	[sflag:s23] =	ssyncadd.s32 $0xFFFFF380  }
0xbe: {  	_ =	swait.ge [sflag:s23], $0xC80  }
0xbf: {  	[sflag:s23] =	ssyncset.done $0x0  }
0xc0: {  	[sflag:s23] =	ssyncadd.s32 $0xFFFFF380  }
0xc1: {  	_ =	swait.ge [sflag:s23], $0xC80  }
0xc2: {  	p0 =	seq.s32 s30, $0x6000;
	[sflag:s23] =	ssyncset.done $0x0  }
.Ltmp2:
0xc3: {  	s18 =	sadd.s32 $0x3800, s28;
	[sflag:s23] =	ssyncadd.s32 $0xFFFFF380;
	(pc) =	sbr.rel @p0 .LBB2_4-.Ltmp2, $4  }
0xc4: {  	[hbm4b:s18+s10] =	stream.strided.scatter [tilespmem:s31], [sflag:$0x4], $0xE000, s12, s10, $0x38;
	[tilespmem:$0x1E000] =	vst v63  }
0xc5: {  	_ =	swait.ge [sflag:s25], $0xE000  }
0xc6: {  	[sflag:s25] =	ssyncset.done $0x0  }
0xc7: {  	[sflag:s25] =	ssyncadd.s32 $0xFFFF2000  }
0xc8: {  	s14 =	sadd.s32 $0x800, s0  }
0xc9: {  	[tilespmem:s9], [sflag:$0x1] =	stream.indirect.gather [hbm4b:s3+s8], $0x40, s14, s8, $0xb8;
	[tilespmem:$0x1E000] =	vst v63  }
0xca: {  	s18 =	simm.s32 $0x2E00;
	s14 =	sadd.s32 $0x840, s0  }
0xcb: {  	[tilespmem:s18], [sflag:$0x1] =	stream.indirect.gather [hbm4b:s3+s8], $0x40, s14, s8, $0xb8;
	[tilespmem:$0x1E000] =	vst v63  }
0xcc: {  	s14 =	sadd.s32 $0x880, s0;
	s18 =	simm.s32 $0x3C00  }
0xcd: {  	[tilespmem:s18], [sflag:$0x1] =	stream.indirect.gather [hbm4b:s3+s8], $0x40, s14, s8, $0xb8;
	[tilespmem:$0x1E000] =	vst v63  }
0xce: {  	s14 =	sadd.s32 $0x8C0, s0;
	s18 =	simm.s32 $0x4A00  }
0xcf: {  	[tilespmem:s18], [sflag:$0x1] =	stream.indirect.gather [hbm4b:s3+s8], $0x40, s14, s8, $0xb8;
	[tilespmem:$0x1E000] =	vst v63  }
0xd0: {  	s14 =	sadd.s32 $0x900, s0;
	s18 =	simm.s32 $0x5800  }
0xd1: {  	[tilespmem:s18], [sflag:$0x1] =	stream.indirect.gather [hbm4b:s3+s8], $0x40, s14, s8, $0xb8;
	[tilespmem:$0x1E000] =	vst v63  }
0xd2: {  	s14 =	sadd.s32 $0x940, s0;
	s18 =	simm.s32 $0x6600  }
0xd3: {  	[tilespmem:s18], [sflag:$0x1] =	stream.indirect.gather [hbm4b:s3+s8], $0x40, s14, s8, $0xb8;
	[tilespmem:$0x1E000] =	vst v63  }
0xd4: {  	s14 =	sadd.s32 $0x980, s0;
	s18 =	simm.s32 $0x7400  }
0xd5: {  	[tilespmem:s18], [sflag:$0x1] =	stream.indirect.gather [hbm4b:s3+s8], $0x40, s14, s8, $0xb8;
	[tilespmem:$0x1E000] =	vst v63  }
0xd6: {  	s14 =	sadd.s32 $0x9C0, s0;
	s18 =	simm.s32 $0x8200  }
0xd7: {  	[tilespmem:s18], [sflag:$0x1] =	stream.indirect.gather [hbm4b:s3+s8], $0x40, s14, s8, $0xb8;
	[tilespmem:$0x1E000] =	vst v63  }
0xd8: {  	s14 =	sadd.s32 $0xA00, s0;
	s18 =	simm.s32 $0x9000  }
0xd9: {  	[tilespmem:s18], [sflag:$0x1] =	stream.indirect.gather [hbm4b:s3+s8], $0x40, s14, s8, $0xb8;
	[tilespmem:$0x1E000] =	vst v63  }
0xda: {  	s14 =	sadd.s32 $0xA40, s0;
	s18 =	simm.s32 $0x9E00  }
0xdb: {  	[tilespmem:s18], [sflag:$0x1] =	stream.indirect.gather [hbm4b:s3+s8], $0x40, s14, s8, $0xb8;
	[tilespmem:$0x1E000] =	vst v63  }
0xdc: {  	s14 =	sadd.s32 $0xA80, s0;
	s18 =	simm.s32 $0xAC00  }
0xdd: {  	[tilespmem:s18], [sflag:$0x1] =	stream.indirect.gather [hbm4b:s3+s8], $0x40, s14, s8, $0xb8;
	[tilespmem:$0x1E000] =	vst v63  }
0xde: {  	s14 =	sadd.s32 $0xAC0, s0;
	s18 =	simm.s32 $0xBA00  }
0xdf: {  	[tilespmem:s18], [sflag:$0x1] =	stream.indirect.gather [hbm4b:s3+s8], $0x40, s14, s8, $0xb8;
	[tilespmem:$0x1E000] =	vst v63  }
0xe0: {  	s14 =	sadd.s32 $0xB00, s0;
	s18 =	simm.s32 $0xC800  }
0xe1: {  	[tilespmem:s18], [sflag:$0x1] =	stream.indirect.gather [hbm4b:s3+s8], $0x40, s14, s8, $0xb8;
	[tilespmem:$0x1E000] =	vst v63  }
0xe2: {  	s14 =	sadd.s32 $0xB40, s0;
	s18 =	simm.s32 $0xD600  }
0xe3: {  	[tilespmem:s18], [sflag:$0x1] =	stream.indirect.gather [hbm4b:s3+s8], $0x40, s14, s8, $0xb8;
	[tilespmem:$0x1E000] =	vst v63  }
.Ltmp3:
0xe4: {  	_ = 	snop;
	(pc) =	sbr.rel .LBB2_2-.Ltmp3, $4  }
0xe5: {  	s18 =	sadd.s32 $0xB80, s0  }
0xe6: {  	[tilespmem:s22], [sflag:$0x1] =	stream.indirect.gather [hbm4b:s3+s8], $0x40, s18, s8, $0xb8;
	[tilespmem:$0x1E000] =	vst v63  }
0xe7: {  	s30 =	sadd.s32 $0x2000, s30;
	s28 =	sadd.s32 $0x7000, s28;
	s18 =	sadd.s32 $0xBC0, s0  }
0xe8: {  	[tilespmem:s26], [sflag:$0x1] =	stream.indirect.gather [hbm4b:s3+s8], $0x40, s18, s8, $0xb8;
	[tilespmem:$0x1E000] =	vst v63  }
.LBB2_5:
0xe9: {  	_ =	sfence.sel $0x180000  }
0xea: {  	[bflag:$0x0] =	sbarrier.arrive $0xFFFF  }
0xeb: {  	_ =	strace $0x90000047  }
0xec: {  	s0 =	stileid.u32;
	[bflag:$0x2] =	sbarrier.arrive $0xFFFF  }
0xed: {  	p0 =	sne.s32 s0, $0x0;
	s0 =	rddreg [dreg:$0x1]  }
0xee: {  	s0 =	sadd.s32 @!p0 $0x100000, s0  }
0xef: {  	[sflag:s0] =	ssyncadd.tile.s32 @!p0 $0x1;
	_ =	shalt  }
.Lfunc_end2:
_tile_overlayer_lowered:
.L_overlay_start_2:
0xf0: {  	(tag) =	ssettag $0x2  }
0xf1: {  	s0 =	rddreg [dreg:$0x0];
	s2 =	stileid.u32  }
0xf2: {  	s1 =	rddreg [dreg:$0x1];
	p0 =	sne.s32 s2, $0x0  }
0xf3: {  	s3 =	rddreg [dreg:$0x2];
	[bflag:$0x3] =	sbarrier.arrive $0xFFFF;
	s2 =	simm.s32 @!p0 $0x1C05  }
0xf4: {  	[timem:s3], [sflag:s2] =	dma.local @!p0 [hbm:s0], s1  }
0xf5: {  	s0 =	simm.s32 @!p0 $0x5  }
0xf6: {  	_ =	swait.ge @!p0 [sflag:s0], s1  }
0xf7: {  	s1 =	ssub.s32 @!p0 $0x0, s1;
	[sflag:s0] =	ssyncset.done @!p0 $0x0  }
0xf8: {  	[sflag:s0] =	ssyncadd.s32 @!p0 s1  }
0xf9: {  	[bflag:$0x3] =	sbarrier.arrive $0xFFFF  }
0xfa: {  	_ =	shalt  }

// kernel: sparse-core-data-format-call.cloned.1.call-start
scs
called_computation_lowered:
.L_overlay_start_0:
0x0: {  	s2 =	sld [smem:$0x3FD9]  }
0x1: {  	s3 =	sld [smem:$0x3FFE];
	_ =	sdelay $0x1  }
0x2: {  	s1 =	srdreg.scid  }
0x3: {  	s0 =	sand.u32 $0x1, s1  }
0x4: {  	s18 =	sshll.u32 s0, $0xA;
	s2 =	sadd.s32 s3, s2  }
0x5: {  	s2 =	sadd.s32 s2, s18  }
0x6: {  	[smem:$0x3FC6] =	sst s2  }
0x7: {  	_ = 	snop  }
0x8: {  	s2 =	sld [smem:$0x3FD0];
	(tm) =	ssettm $0x1  }
0x9: {  	s19 =	sld [smem:$0x3FFB];
	_ =	sdelay $0x3  }
0xa: {  	_ =	strace s19  }
0xb: {  	s3 =	sld [smem:$0x3FFC];
	_ =	sdelay $0x3  }
0xc: {  	_ =	strace s3  }
0xd: {  	s3 =	sld [smem:$0x3FFD];
	_ =	sdelay $0x3  }
0xe: {  	_ =	strace s3  }
0xf: {  	_ =	strace $0x8FFFFFFF  }
0x10: {  	s20 =	sld [smem:$0x3FDB];
	_ =	sdelay $0x1  }
0x11: {  	s4 =	simm.s32 $_scs_section_size  }
0x12: {  	s5 =	simm.s32 $_size__tile_overlayer_lowered;
	s6 =	simm.s32 $_tile_overlayer_lowered  }
0x13: {  	s23 =	simm.s32 $0x1BFF;
	s22 =	sshll.u32 s6, $0x1;
	s3 =	sadd.s32 s4, s20  }
0x14: {  	s7 =	simm.s32 $0x0;
	s21 =	sshll.u32 s5, $0x1;
	s5 =	sadd.s32 s22, s3  }
0x15: {  	[timem:s7], [sflag:s23] =	dma.local [hbm:s5], s21  }
0x16: {  	_ =	swait.ge [sflag:s23], s21  }
0x17: {  	s4 =	ssub.s32 $0x0, s21;
	[sflag:s23] =	ssyncset.done $0x0  }
0x18: {  	[sflag:s23] =	ssyncadd.s32 s4;
	_ =	sdelay $0x1  }
0x19: {  	s24 =	simm.s32 $0x1B8B  }
0x1a: {  	_ =	swait.ge [sflag:s24], $0x1  }
0x1b: {  	[sflag:s24] =	ssyncset.done $0x0  }
0x1c: {  	s26 =	simm.s32 $0x1B8E;
	s25 =	sld [smem:$0x3FFE];
	[sflag:s24] =	ssyncadd.s32 $0xFFFFFFFF  }
0x1d: {  	s27 =	simm.s32 $execute0_lowered;
	[smem:$0x3FD2] =	sst s26  }
0x1e: {  	s5 =	sshll.u32 s27, $0x1;
	_ =	strace $0x80000049;
	[dreg:$0x1] =	wrdreg $0xFFFFFFFF  }
0x1f: {  	s28 =	simm.s32 $_size_execute0_lowered;
	s3 =	sadd.s32 s3, s5;
	[dreg:$0x0] =	wrdreg $0x0  }
0x20: {  	s5 =	sshll.u32 s28, $0x1;
	[dreg:$0x2] =	wrdreg s3  }
0x21: {  	[dreg:$0x3] =	wrdreg s5  }
0x22: {  	[dreg:$0x4] =	wrdreg $0xC0  }
0x23: {  	_ =	task [dreg:s7], $0x5FFFF  }
0x24: {  	[dreg:$0x1] =	wrdreg $0xFFFFFFFF  }
0x25: {  	[dreg:$0x0] =	wrdreg $0x60  }
0x26: {  	[dreg:$0x2] =	wrdreg s25  }
0x27: {  	[dreg:$0x3] =	wrdreg s2  }
0x28: {  	[dreg:$0x4] =	wrdreg $0x9  }
0x29: {  	_ =	task.clear_ibuf [dreg:s7], $0x5FFFF;
	_ =	strace $0x90000049  }
0x2a: {  	s29 =	simm.s32 $0x9;
	_ =	strace $0x8000004B  }
0x2b: {  	_ =	swait.ge [sflag:s29], $0x1  }
0x2c: {  	[sflag:s29] =	ssyncadd.s32 $0xFFFFFFFF  }
0x2d: {  	_ =	strace $0x9000004B  }
0x2e: {  	_ =	sfence  }
0x2f: {  	s30 =	sld [smem:$0x0];
	_ =	sdelay $0x2  }
0x30: {  	s31 =	sshll.u32 s1, $0xD;
	s1 =	sshrl.u32 s1, $0x2  }
0x31: {  	s3 =	sand.u32 $0x4000, s31;
	s1 =	sadd.s32 s1, s30  }
0x32: {  	s0 =	sor.u32 s3, s0;
	s1 =	sshll.u32 s1, $0x11  }
0x33: {  	s0 =	sor.u32 s1, s0  }
0x34: {  	s0 =	sadd.s32 $0x8F2B, s0  }
0x35: {  	[sflag:s0] =	ssyncadd.remote.s32 $0x1  }
0x36: {  	_ =	sfence.sel $0xFFFF  }
0x37: {  	[dreg:$0x0] =	wrdreg $0xFFFFFFFF;
	(pc) =	sbr.abs _section_cstart, $3  }
0x38: {  	[dreg:$0x1] =	wrdreg $0xFFFFFFFF  }
0x39: {  	_ =	task.clear_ibuf [dreg:s7], $0x2FFFF;
	_ =	strace $0x9FFFFFFF  }
0x3a: {  	(tm) =	ssettm $0x7FFFFFFF  }
0x3b: {  	_ =	shalt  }
tec
execute0_lowered:
.L_overlay_start_1:
0x0: {  	(tag) =	ssettag $0x1  }
0x1: {  	s0 =	srdreg.scid  }
0x2: {  	s1 =	sshll.u32 s0, $0x4  }
0x3: {  	s0 =	stileid.u32;
	s1 =	sand.u32 $0x10, s1  }
0x4: {  	s1 =	sor.u32 s0, s1  }
0x5: {  	s6 =	rddreg [dreg:$0x0];
	s4 =	simm.s32 $0x1;
	s2 =	sshll.u32 s1, $0x7  }
0x6: {  	s7 =	simm.s32 $0x2;
	s12 =	simm.s32 $0x0;
	s1 =	ssub.s32 $0x1000, s2  }
0x7: {  	s8 =	simm.s32 $0x8000;
	s13 =	simm.s32 $0x0;
	s3 =	sand.u32 $0xF80, s1  }
0x8: {  	s9 =	simm.s32 $0x0;
	s5 =	sshrl.u32 s1, $0xC;
	p0 =	sne.s32 s3, $0x0  }
.Ltmp0:
0x9: {  	s1 =	rddreg [dreg:$0x2];
	s4 =	simm.s32 @!p0 $0x0;
	(pc) =	sbr.rel .LBB1_1-.Ltmp0, $4  }
0xa: {  	s11 =	simm.s32 $0x0;
	s3 =	rddreg [dreg:$0x1];
	s5 =	sadd.s32 s4, s5  }
0xb: {  	_ =	strace $0x8000004A;
	s4 =	simm.s32 $0x1;
	s5 =	smul.u32 $0x32, s5  }
0xc: {  	s6 =	sadd.s32 $0xCBE00, s6;
	s10 =	smov.u32 s2;
	[sflag:s4] =	ssyncpa.u1 $0x0  }
0xd: {  	p0 =	por $0x0, $0x0;
	[sflag:s7] =	ssyncpa.u1 $0x0;
	s7 =	sor.u32 $0x1, s5  }
.LBB1_4:
0xe: {  	s16 =	sshll.u32 s13, $0x3;
	s17 =	sand.u32 $0x78, s13  }
0xf: {  	s30 =	sand.u32 $0x7E00, s13;
	s12 =	sshll.u32 s12, $0xF;
	s16 =	sand.u32 $0xC00, s16  }
0x10: {  	[tilespmem:s15+$0x810 ss:$0x81] =	vst.msk $0xffff, v2;
	s31 =	sand.u32 $0x7, s13;
	s16 =	sor.u32 s17, s16;
	s17 =	sadd.s32 s3, s30  }
0x11: {  	[tilespmem:s15+$0x1020 ss:$0x81] =	vst.msk $0xffff, v0;
	s13 =	sshll.u32 s31, $0x12;
	s12 =	sadd.s32 s12, s17;
	s16 =	sshrl.u32 s16, $0x3  }
0x12: {  	[tilespmem:s15+$0x0 ss:$0x81] =	vst.msk $0xffff, v1;
	s13 =	sor.u32 $0x400, s13;
	s12 =	sadd.s32 s16, s12  }
0x13: {  	[hbm4b:s12+s13] =	stream.strided.scatter [tilespmem:s14], [sflag:$0x2], $0x2000, s8, s13, $0x20;
	[tilespmem:$0x8080] =	vst v63  }
.LBB1_5:
0x14: {  	s14 =	sadd.s32 $0x1, s9  }
0x15: {  	s12 =	sadd.s32 $0x1000, s10;
	s16 =	smov.u32 s10;
	p2 =	sgt.s32 s14, $0x31  }
0x16: {  	s16 =	smov.u32 @p2 s12  }
0x17: {  	s14 =	simm.s32 @p2 $0x0;
	p2 =	sgt.s32 s16, $0xFFF  }
0x18: {  	s16 =	smov.u32 @p2 s2;
	p2 =	sne.s32 s11, s7  }
.Ltmp1:
0x19: {  	p1 =	slt.u32 s11, $0x2;
	(pc) =	sbr.rel @!p2 .LBB1_6-.Ltmp1, $4  }
0x1a: {  	s15 =	simm.s32 @!p1 $0x2  }
0x1b: {  	s13 =	smov.u32 s10;
	p0 =	por !p0, !p0;
	_ =	swait.ge @!p1 [sflag:s15], $0x2000  }
0x1c: {  	s12 =	smov.u32 s9;
	[sflag:s15] =	ssyncset.done @!p1 $0x0;
	s9 =	smov.u32 s14  }
0x1d: {  	s11 =	sadd.s32 $0x1, s11;
	[sflag:s15] =	ssyncadd.s32 @!p1 $0xFFFFE000;
	s10 =	smov.u32 s16  }
.LBB1_1:
0x1e: {  	p1 =	sge.u32 s11, s5  }
0x1f: {  	s14 =	sand.u32 @!p1 $0x1FFFFFF, s9  }
0x20: {  	s15 =	smulhi.u32 @!p1 $0x4924925, s14;
	_ =	sdelay $0x1  }
0x21: {  	s15 =	smul.u32 @!p1 $0x38, s15  }
0x22: {  	s16 =	sxor.u32 @!p1 $0xFFFFFFFF, s11;
	s17 =	smul.u32 @!p1 $0x380, s10  }
0x23: {  	s31 =	sadd.s32 $0xFFFFFFFF, s11;
	s16 =	sshll.u32 @!p1 s16, $0xD;
	s14 =	ssub.s32 @!p1 s14, s15  }
0x24: {  	s15 =	sand.u32 @!p1 $0x2000, s16;
	s16 =	sadd.s32 @!p1 s6, s17;
	s14 =	sshll.u32 @!p1 s14, $0x4  }
0x25: {  	s17 =	simm.s32 @!p1 $0x1C00;
	s14 =	sadd.s32 @!p1 s14, s16;
	s16 =	simm.s32 @!p1 $0x40  }
0x26: {  	[tilespmem:s15], [sflag:$0x1] =	stream.strided.gather @!p1 [hbm4b:s14+s16], $0x2000, s17, s16, $0x38;
	[tilespmem:$0x8080] =	vst v63  }
0x27: {  	p1 =	sge.u32 s31, s5  }
.Ltmp2:
0x28: {  	_ = 	snop;
	(pc) =	sbr.rel @p1 .LBB1_5-.Ltmp2, $1  }
0x29: {  	_ =	sdelay $0x3  }
0x2a: {  	s14 =	simm.s32 $0x1  }
0x2b: {  	_ =	swait.ge [sflag:s4], $0x2000;
	s14 =	simm.s32 @!p0 $0x0  }
0x2c: {  	[sflag:s4] =	ssyncset.done $0x0;
	s15 =	sshll.u32 s14, $0xD  }
0x2d: {  	[sflag:s4] =	ssyncadd.s32 $0xFFFFE000;
	s18 =	sor.u32 $0x20, s15  }
0x2e: {  	s14 =	smul.u32 $0x8100, s14;
	v3 =	vld [tilespmem:s18+$0x10]  }
0x2f: {  	s30 =	sand.u32 $0x1, s11;
	v2 =	vld [tilespmem:s18+$0xFFFFFFF0]  }
0x30: {  	s15 =	smul.u32 $0x8100, s30;
	s14 =	sshrl.u32 s14, $0x2;
	v0 =	vld [tilespmem:s18+$0x0]  }
0x31: {  	v1 =	vld [tilespmem:s18+$0xFFFFFFE0];
	s16 =	sor.u32 $0x4000, s14  }
0x32: {  	s31 =	sshrl.u32 s15, $0x2;
	s15 =	sadd.s32 $0x0, s16  }
0x33: {  	s17 =	simm.s32 $0x4;
	s18 =	sadd.s32 $0x40, s18;
	s14 =	sor.u32 $0x4000, s31;
	[tilespmem:s15+$0x1830 ss:$0x81] =	vst.msk $0xffff, v3  }
.LBB1_3:
0x34: {  	v3 =	vld [tilespmem:s18+$0x10];
	p1 =	sne.s32 s17, $0x1FC;
	[tilespmem:s15+$0x810 ss:$0x81] =	vst.msk $0xffff, v2;
	s19 =	smov.u32 s17;
	s17 =	sadd.s32 $0x4, s17  }
.Ltmp3:
0x35: {  	v2 =	vld [tilespmem:s18+$0xFFFFFFF0];
	[tilespmem:s15+$0x1020 ss:$0x81] =	vst.msk $0xffff, v0;
	(pc) =	sbr.rel @p1 .LBB1_3-.Ltmp3, $4  }
0x36: {  	v0 =	vld [tilespmem:s18+$0x0];
	[tilespmem:s15+$0x0 ss:$0x81] =	vst.msk $0xffff, v1  }
0x37: {  	s15 =	sshra.s32 s19, $0x2;
	v1 =	vld [tilespmem:s18+$0xFFFFFFE0]  }
0x38: {  	s15 =	sadd.s32 s15, s16  }
0x39: {  	s18 =	sadd.s32 $0x40, s18;
	[tilespmem:s15+$0x1830 ss:$0x81] =	vst.msk $0xffff, v3  }
.Ltmp4:
0x3a: {  	_ = 	snop;
	(pc) =	sbr.rel .LBB1_4-.Ltmp4, $1  }
0x3b: {  	_ =	sdelay $0x3  }
.LBB1_6:
0x3c: {  	_ =	sfence.sel $0x180000  }
0x3d: {  	s2 =	simm.s32 $0x1;
	[bflag:$0x0] =	sbarrier.arrive $0xFFFF  }
0x3e: {  	s31 =	simm.s32 $0x2;
	[sflag:s2] =	ssyncpa.u1 $0x1  }
0x3f: {  	[sflag:s31] =	ssyncpa.u1 $0x1  }
0x40: {  	p0 =	sne.s32 s0, $0x0;
	_ =	strace $0x9000004A  }
0x41: {  	s0 =	sadd.s32 @!p0 $0x100000, s1;
	[bflag:$0x2] =	sbarrier.arrive $0xFFFF  }
0x42: {  	[sflag:s0] =	ssyncadd.tile.s32 @!p0 $0x1;
	_ =	shalt  }
.Lfunc_end1:
_tile_overlayer_lowered:
.L_overlay_start_2:
0x43: {  	(tag) =	ssettag $0x2  }
0x44: {  	s0 =	rddreg [dreg:$0x0];
	s2 =	stileid.u32  }
0x45: {  	s1 =	rddreg [dreg:$0x1];
	p0 =	sne.s32 s2, $0x0  }
0x46: {  	s3 =	rddreg [dreg:$0x2];
	[bflag:$0x3] =	sbarrier.arrive $0xFFFF;
	s2 =	simm.s32 @!p0 $0x1C01  }
0x47: {  	[timem:s3], [sflag:s2] =	dma.local @!p0 [hbm:s0], s1  }
0x48: {  	s0 =	simm.s32 @!p0 $0x1  }
0x49: {  	_ =	swait.ge @!p0 [sflag:s0], s1  }
0x4a: {  	s1 =	ssub.s32 @!p0 $0x0, s1;
	[sflag:s0] =	ssyncset.done @!p0 $0x0  }
0x4b: {  	[sflag:s0] =	ssyncadd.s32 @!p0 s1  }
0x4c: {  	[bflag:$0x3] =	sbarrier.arrive $0xFFFF  }
0x4d: {  	_ =	shalt  }

</sc_bundles>
